<compile_context>
chip_gen: v7x
topology: tpu7x:2x2x1
jax: 0.10.2.dev20260603
libtpu: 0.0.44.dev20260713+nightly
codegen_flags: <defaults>
</compile_context>

<pallas_src>
import functools

import jax
import jax.numpy as jnp
from jax import lax
from jax.experimental import pallas as pl
from jax.experimental.pallas import tpu as pltpu
from jax.experimental.pallas import tpu_sc as plsc

GRID_N = 128
NVOX = GRID_N * GRID_N * GRID_N
NS = 64
EPS = 1e-8
NLORS = 300000

NC = 2
NSUB = 16
NW = NC * NSUB
HALF = NVOX // NC

NPAD = 307200
PT = NPAD // NW
GROUPS_A = PT // 16
PC = NPAD // NSUB
SCH = 320
GROUPS_B = SCH // 16
NCH_B = PC // SCH
GSAMP = 16 * NS
FLCH = SCH * NS
TILE_VOX = HALF // NSUB
NSAMP = NPAD * NS


def _seg_body(lt_ref, seg_ref):
  dx = lt_ref[3, :] - lt_ref[0, :]
  dy = lt_ref[4, :] - lt_ref[1, :]
  dz = lt_ref[5, :] - lt_ref[2, :]
  seg_ref[0, :] = jnp.sqrt(dx * dx + dy * dy + dz * dz) / jnp.float32(NS)


def _seg_tc(lorsT):
  return pl.pallas_call(
      _seg_body,
      out_shape=jax.ShapeDtypeStruct((1, NPAD), jnp.float32),
  )(lorsT)


def _combine_body(img_ref, eff_ref, bp_ref, out_ref):
  out_ref[...] = img_ref[...] / (eff_ref[...] + EPS) * bp_ref[...]


def _combine_tc(img2d, eff2d, bp2d):
  nrow = img2d.shape[0]
  blk = nrow // 8
  spec = pl.BlockSpec((blk, 128), lambda i: (i, 0))
  return pl.pallas_call(
      _combine_body,
      grid=(8,),
      in_specs=[spec, spec, spec],
      out_specs=spec,
      out_shape=jax.ShapeDtypeStruct((nrow, 128), jnp.float32),
  )(img2d, eff2d, bp2d)


def _sample_flat(lt_vs, tb_v, g, k):
  sl = pl.ds(g * 16, 16)
  p0x = lt_vs[0][sl] * 128.0
  p0y = lt_vs[1][sl] * 128.0
  p0z = lt_vs[2][sl] * 128.0
  dx = (lt_vs[3][sl] - lt_vs[0][sl]) * 128.0
  dy = (lt_vs[4][sl] - lt_vs[1][sl]) * 128.0
  dz = (lt_vs[5][sl] - lt_vs[2][sl]) * 128.0
  tv = tb_v[pl.ds(k * 16, 16)]
  fx = p0x + tv * dx
  fy = p0y + tv * dy
  fz = p0z + tv * dz
  mn = jnp.minimum(fx, jnp.minimum(fy, fz))
  mx = jnp.maximum(fx, jnp.maximum(fy, fz))
  inb = (mn >= 0.0) & (mx < 128.0)
  ix = fx.astype(jnp.int32)
  iy = fy.astype(jnp.int32)
  iz = fz.astype(jnp.int32)
  flat = (ix * GRID_N + iy) * GRID_N + iz
  return flat, inb


_MESH = plsc.VectorSubcoreMesh(core_axis_name="c", subcore_axis_name="s")

_LOR_VMEM_A = [pltpu.VMEM((PT,), jnp.float32)] * 6


@functools.partial(
    pl.kernel,
    out_type=(jax.ShapeDtypeStruct((NPAD,), jnp.float32),
              jax.ShapeDtypeStruct((NSAMP,), jnp.int32)),
    mesh=_MESH,
    scratch_types=[
        *_LOR_VMEM_A,
        pltpu.VMEM((PT,), jnp.float32),
        pltpu.VMEM((PT,), jnp.float32),
        pltpu.VMEM((NS * 16,), jnp.float32),
        pltpu.VMEM((GSAMP,), jnp.int32),
        pltpu.VMEM((GSAMP,), jnp.int32),
        pltpu.VMEM((GSAMP,), jnp.int32),
        pltpu.VMEM((GSAMP,), jnp.int32),
        pltpu.VMEM((GSAMP,), jnp.float32),
        pltpu.VMEM((GSAMP,), jnp.float32),
        pltpu.VMEM((GSAMP,), jnp.float32),
        pltpu.VMEM((GSAMP,), jnp.float32),
        pltpu.SemaphoreType.DMA,
        pltpu.SemaphoreType.DMA,
        pltpu.SemaphoreType.DMA,
        pltpu.SemaphoreType.DMA,
    ],
)
def _project_sc(l0, l1, l2, l3, l4, l5, seg_hbm, tb_hbm, img_hbm,
                w_hbm, fl_hbm,
                v0, v1, v2, v3, v4, v5, seg_v, w_v, tb_v,
                idx0, idx1, fl0, fl1, msk0, msk1, val0, val1,
                sem0, sem1, semf0, semf1):
  c = lax.axis_index("c")
  s = lax.axis_index("s")
  wid = c * NSUB + s
  base = wid * PT
  fbase = base * NS
  lt_vs = (v0, v1, v2, v3, v4, v5)
  for lr, vr in zip((l0, l1, l2, l3, l4, l5), lt_vs):
    pltpu.sync_copy(lr.at[pl.ds(base, PT)], vr)
  pltpu.sync_copy(seg_hbm.at[pl.ds(base, PT)], seg_v)
  pltpu.sync_copy(tb_hbm, tb_v)

  idx_b = (idx0, idx1)
  fl_b = (fl0, fl1)
  msk_b = (msk0, msk1)
  val_b = (val0, val1)
  sem_b = (sem0, sem1)
  semf_b = (semf0, semf1)

  def compute_idx(g, b):
    @pl.loop(0, NS, unroll=4)
    def idx_body(k):
      flat, inb = _sample_flat(lt_vs, tb_v, g, k)
      gidx = jnp.clip(flat, 0, NVOX - 1)
      ks = pl.ds(k * 16, 16)
      idx_b[b][ks] = gidx
      fl_b[b][ks] = jnp.where(inb, flat, -1)
      msk_b[b][ks] = jnp.where(inb, 1.0, 0.0).astype(jnp.float32)

  def fire(g, b):
    pltpu.async_copy(img_hbm.at[idx_b[b]], val_b[b], sem_b[b])
    pltpu.async_copy(fl_b[b], fl_hbm.at[pl.ds(fbase + g * GSAMP, GSAMP)],
                     semf_b[b])

  def finish(g, b):
    pltpu.make_async_copy(img_hbm.at[idx_b[b]], val_b[b], sem_b[b]).wait()
    pltpu.make_async_copy(
        fl_b[b], fl_hbm.at[pl.ds(fbase + g * GSAMP, GSAMP)], semf_b[b]).wait()

    def acc_body(k, acc):
      ks = pl.ds(k * 16, 16)
      return acc + val_b[b][ks] * msk_b[b][ks]

    acc = lax.fori_loop(0, NS, acc_body, jnp.zeros((16,), jnp.float32),
                        unroll=4)
    sl = pl.ds(g * 16, 16)
    seg16 = seg_v[sl]
    proj = acc * seg16
    w_v[sl] = seg16 / (proj + EPS)

  compute_idx(0, 0)
  fire(0, 0)

  @pl.loop(0, GROUPS_A, step=2)
  def group_body(g):
    compute_idx(g + 1, 1)
    fire(g + 1, 1)
    finish(g, 0)

    @pl.when(g + 2 < GROUPS_A)
    def _():
      compute_idx(g + 2, 0)
      fire(g + 2, 0)

    finish(g + 1, 1)

  pltpu.sync_copy(w_v, w_hbm.at[pl.ds(base, PT)])


@functools.partial(
    pl.kernel,
    out_type=jax.ShapeDtypeStruct((NVOX,), jnp.float32),
    mesh=_MESH,
    scratch_types=[
        pltpu.VMEM_SHARED((HALF,), jnp.float32),
        pltpu.VMEM((FLCH,), jnp.int32),
        pltpu.VMEM((FLCH,), jnp.int32),
        pltpu.VMEM((SCH,), jnp.float32),
        pltpu.VMEM((SCH,), jnp.float32),
        pltpu.VMEM((GSAMP,), jnp.int32),
        pltpu.VMEM((GSAMP,), jnp.int32),
        pltpu.VMEM((GSAMP,), jnp.float32),
        pltpu.VMEM((GSAMP,), jnp.float32),
        pltpu.VMEM((8192,), jnp.float32),
        pltpu.SemaphoreType.DMA,
        pltpu.SemaphoreType.DMA,
        pltpu.SemaphoreType.DMA,
        pltpu.SemaphoreType.DMA,
    ],
)
def _backproject_sc(w_hbm, fl_hbm, bp_hbm,
                    acc_sh, flc0, flc1, wc0, wc1,
                    idx0, idx1, val0, val1, z_v,
                    sem0, sem1, semc0, semc1):
  c = lax.axis_index("c")
  s = lax.axis_index("s")
  vbase = c * HALF
  flc_b = (flc0, flc1)
  wc_b = (wc0, wc1)
  idx_b = (idx0, idx1)
  val_b = (val0, val1)
  sem_b = (sem0, sem1)
  semc_b = (semc0, semc1)

  def zfill(i, carry):
    z_v[pl.ds(i * 16, 16)] = jnp.zeros((16,), jnp.float32)
    return carry

  lax.fori_loop(0, 8192 // 16, zfill, 0)
  for j in range(TILE_VOX // 8192):
    pltpu.sync_copy(z_v, acc_sh.at[pl.ds(s * TILE_VOX + j * 8192, 8192)])
  plsc.subcore_barrier()

  def fetch_chunk(ch, b):
    lbase = s * PC + ch * SCH
    pltpu.async_copy(fl_hbm.at[pl.ds(lbase * NS, FLCH)], flc_b[b], semc_b[b])
    pltpu.async_copy(w_hbm.at[pl.ds(lbase, SCH)], wc_b[b], semc_b[b])

  def wait_chunk(ch, b):
    lbase = s * PC + ch * SCH
    pltpu.make_async_copy(
        fl_hbm.at[pl.ds(lbase * NS, FLCH)], flc_b[b], semc_b[b]).wait()
    pltpu.make_async_copy(
        w_hbm.at[pl.ds(lbase, SCH)], wc_b[b], semc_b[b]).wait()

  def compute_idx(cb, g, b):
    w16 = wc_b[cb][pl.ds(g * 16, 16)]

    @pl.loop(0, NS, unroll=8)
    def idx_body(k):
      fl16 = flc_b[cb][pl.ds(g * GSAMP + k * 16, 16)]
      local = fl16 - vbase
      ok = local.astype(jnp.uint32) < jnp.uint32(HALF)
      ks = pl.ds(k * 16, 16)
      idx_b[b][ks] = jnp.where(ok, local, -1)
      val_b[b][ks] = w16

  def fire(b):
    pltpu.async_copy(
        val_b[b], acc_sh.at[plsc.Indices(idx_b[b], ignored_value=-1)],
        sem_b[b], add=True)

  def wait(b):
    pltpu.make_async_copy(
        val_b[b], acc_sh.at[plsc.Indices(idx_b[b], ignored_value=-1)],
        sem_b[b]).wait()

  def process(cb):
    def do(g, b):
      compute_idx(cb, g, b)
      fire(b)

    do(0, 0)

    @pl.loop(0, GROUPS_B, step=2)
    def group_body(g):
      do(g + 1, 1)
      wait(0)

      @pl.when(g + 2 < GROUPS_B)
      def _():
        do(g + 2, 0)

      wait(1)

  fetch_chunk(0, 0)
  fetch_chunk(1, 1)

  @pl.loop(0, NCH_B, step=2)
  def chunk_body(ch):
    wait_chunk(ch, 0)
    process(0)

    @pl.when(ch + 2 < NCH_B)
    def _():
      fetch_chunk(ch + 2, 0)

    wait_chunk(ch + 1, 1)
    process(1)

    @pl.when(ch + 3 < NCH_B)
    def _():
      fetch_chunk(ch + 3, 1)

  plsc.subcore_barrier()
  pltpu.sync_copy(acc_sh.at[pl.ds(s * TILE_VOX, TILE_VOX)],
                  bp_hbm.at[pl.ds(vbase + s * TILE_VOX, TILE_VOX)])


def kernel(image, efficiency_map, xlors, ylors, zlors):
  lors = jnp.concatenate([xlors, ylors, zlors], axis=0)
  npad = NPAD - NLORS
  h = jnp.arange(npad, dtype=jnp.float32) / jnp.float32(npad)
  h2 = (jnp.arange(npad, dtype=jnp.float32) + 1.0) / jnp.float32(npad)
  padlors = jnp.stack([h, h, -2.0 - h, h2, h2, -2.0 - h2], axis=1)
  lorsT = jnp.concatenate([lors, padlors], axis=0).T
  lcomp = [lorsT[r] for r in range(6)]
  t = jnp.linspace(0.0, 1.0, NS, dtype=jnp.float32)
  tb = jnp.broadcast_to(t[:, None], (NS, 16)).reshape(NS * 16)

  seg = _seg_tc(lorsT).reshape(NPAD)
  w, fl = _project_sc(*lcomp, seg, tb, image.reshape(NVOX))
  bp = _backproject_sc(w, fl)
  out = _combine_tc(image.reshape(NVOX // 128, 128),
                    efficiency_map.reshape(NVOX // 128, 128),
                    bp.reshape(NVOX // 128, 128))
  return out.reshape(GRID_N, GRID_N, GRID_N)

# --- scband reference (transcript-rebuilt; emitter-appended) ---
"""Pipeline reference for scband-recon-step-63952063037983 (READ-ONLY COPY).

The authoritative reference and input builder live on the scoring server;
editing this copy changes nothing except your own understanding.
"""

import jax, jax.numpy as jnp
import numpy as np

GRID = (128, 128, 128)
CENTER = (0.5, 0.5, 0.5)
SIZE = (1.0, 1.0, 1.0)
NS = 64
EPS = 1e-08


def _sample(lors):
    p0 = lors[:, 0:3]
    p1 = lors[:, 3:6]
    t = jnp.linspace(0.0, 1.0, NS, dtype=jnp.float32)
    pts = p0[:, None, :] + t[None, :, None] * (p1 - p0)[:, None, :]
    seg = jnp.sqrt(jnp.sum((p1 - p0) ** 2, axis=-1)) / NS
    return pts, seg


def _voxel_idx(pts):
    grid_f = jnp.array(GRID, jnp.float32)
    center = jnp.array(CENTER, jnp.float32)
    size = jnp.array(SIZE, jnp.float32)
    low = center - size / 2.0
    vox = size / grid_f
    f = (pts - low) / vox
    idx = jnp.floor(f).astype(jnp.int32)
    gi = jnp.array(GRID, jnp.int32)
    inb = jnp.all((idx >= 0) & (idx < gi), axis=-1)
    idxc = jnp.clip(idx, 0, gi - 1)
    return idxc, inb


def _project(image, lors):
    pts, seg = _sample(lors)
    idxc, inb = _voxel_idx(pts)
    vals = image[idxc[..., 0], idxc[..., 1], idxc[..., 2]]
    vals = jnp.where(inb, vals, 0.0)
    return jnp.sum(vals, axis=1) * seg


def _backproject(lors, proj):
    pts, seg = _sample(lors)
    idxc, inb = _voxel_idx(pts)
    w = (seg / (proj + EPS))[:, None] * jnp.ones((1, NS), jnp.float32)
    w = jnp.where(inb, w, 0.0)
    flat = (idxc[..., 0] * GRID[1] + idxc[..., 1]) * GRID[2] + idxc[..., 2]
    bp = jnp.zeros(GRID[0] * GRID[1] * GRID[2], jnp.float32).at[flat.ravel()].add(w.ravel())
    return bp.reshape(GRID)


def setup_inputs(seed: int = 0):
    key = jax.random.key(seed)
    ks = jax.random.split(key, 5)
    image = jax.random.uniform(ks[0], (128, 128, 128), dtype=jnp.float32)
    efficiency_map = jax.random.uniform(ks[1], (128, 128, 128), dtype=jnp.float32)
    xlors = jax.random.uniform(ks[2], (100000, 6), dtype=jnp.float32)
    ylors = jax.random.uniform(ks[3], (100000, 6), dtype=jnp.float32)
    zlors = jax.random.uniform(ks[4], (100000, 6), dtype=jnp.float32)
    return {"image": image, "efficiency_map": efficiency_map, "xlors": xlors, "ylors": ylors, "zlors": zlors}


def reference(image, efficiency_map, xlors, ylors, zlors):
    # MLEM step: forward-project current image along each LOR set,
    # back-project the reciprocal projections, then multiplicative update.
    px = _project(image, xlors)
    py = _project(image, ylors)
    pz = _project(image, zlors)
    new_img = _backproject(xlors, px) + _backproject(ylors, py) + _backproject(zlors, pz)
    result = image / (efficiency_map + EPS) * new_img
    return result

if __name__ == "__main__":
    import jax
    _d = setup_inputs()
    print(jax.jit(kernel)(*tuple(_d.values())))

</pallas_src>

<mosaic_0001>
#map = affine_map<(d0, d1) -> (0)>
module attributes {stable_mosaic.version = 14 : i64} {
  func.func @_project_sc(%arg0: i32, %arg1: i32, %arg2: memref<307200xf32, #tpu.memory_space<hbm>>, %arg3: memref<307200xf32, #tpu.memory_space<hbm>>, %arg4: memref<307200xf32, #tpu.memory_space<hbm>>, %arg5: memref<307200xf32, #tpu.memory_space<hbm>>, %arg6: memref<307200xf32, #tpu.memory_space<hbm>>, %arg7: memref<307200xf32, #tpu.memory_space<hbm>>, %arg8: memref<307200xf32, #tpu.memory_space<hbm>>, %arg9: memref<1024xf32, #tpu.memory_space<hbm>>, %arg10: memref<2097152xf32, #tpu.memory_space<hbm>>, %arg11: memref<307200xf32, #tpu.memory_space<hbm>>, %arg12: memref<19660800xi32, #tpu.memory_space<hbm>>, %arg13: memref<9600xf32, #tpu.memory_space<vmem>>, %arg14: memref<9600xf32, #tpu.memory_space<vmem>>, %arg15: memref<9600xf32, #tpu.memory_space<vmem>>, %arg16: memref<9600xf32, #tpu.memory_space<vmem>>, %arg17: memref<9600xf32, #tpu.memory_space<vmem>>, %arg18: memref<9600xf32, #tpu.memory_space<vmem>>, %arg19: memref<9600xf32, #tpu.memory_space<vmem>>, %arg20: memref<9600xf32, #tpu.memory_space<vmem>>, %arg21: memref<1024xf32, #tpu.memory_space<vmem>>, %arg22: memref<1024xi32, #tpu.memory_space<vmem>>, %arg23: memref<1024xi32, #tpu.memory_space<vmem>>, %arg24: memref<1024xi32, #tpu.memory_space<vmem>>, %arg25: memref<1024xi32, #tpu.memory_space<vmem>>, %arg26: memref<1024xf32, #tpu.memory_space<vmem>>, %arg27: memref<1024xf32, #tpu.memory_space<vmem>>, %arg28: memref<1024xf32, #tpu.memory_space<vmem>>, %arg29: memref<1024xf32, #tpu.memory_space<vmem>>, %arg30: memref<!tpu.dma_semaphore, #tpu.memory_space<semaphore_mem>>, %arg31: memref<!tpu.dma_semaphore, #tpu.memory_space<semaphore_mem>>, %arg32: memref<!tpu.dma_semaphore, #tpu.memory_space<semaphore_mem>>, %arg33: memref<!tpu.dma_semaphore, #tpu.memory_space<semaphore_mem>>) attributes {dimension_semantics = [#tpu.dimension_semantics<core_parallel>, #tpu.dimension_semantics<subcore_parallel>], iteration_bounds = array<i64: 2, 16>, scalar_prefetch = 0 : i64, scratch_operands = 21 : i64, tpu.core_type = #tpu.core_type<sc_vector_subcore>, window_params = [{transform_indices = #map}, {transform_indices = #map}, {transform_indices = #map}, {transform_indices = #map}, {transform_indices = #map}, {transform_indices = #map}, {transform_indices = #map}, {transform_indices = #map}, {transform_indices = #map}, {transform_indices = #map}, {transform_indices = #map}]} {
    %mul3A = arith.constant 16 : i32
    %mul3A_0 = arith.muli %arg0, %mul3A : i32
    %add3A = arith.addi %mul3A_0, %arg1 : i32
    %mul3A_1 = arith.constant 9600 : i32
    %mul3A_2 = arith.muli %add3A, %mul3A_1 : i32
    %mul3A_3 = arith.constant 64 : i32
    %mul3A_4 = arith.muli %mul3A_2, %mul3A_3 : i32
    "tpu.region"() ({
      %run_scoped3A = tpu.sem_alloc : memref<!tpu.dma_semaphore, #tpu.memory_space<semaphore_mem>>
      %dma_start3A_19 = tpu.memref_slice %arg2[%mul3A_2] : memref<307200xf32, #tpu.memory_space<hbm>> -> memref<9600xf32, #tpu.memory_space<hbm>>
      %dma_start3A_20 = tpu.memref_slice %arg2[%mul3A_2] : memref<307200xf32, #tpu.memory_space<hbm>> -> memref<9600xf32, #tpu.memory_space<hbm>>
      tpu.enqueue_dma source(%dma_start3A_20 : memref<9600xf32, #tpu.memory_space<hbm>>) target(%arg13 : memref<9600xf32, #tpu.memory_space<vmem>>) target_semaphore(%run_scoped3A : memref<!tpu.dma_semaphore, #tpu.memory_space<semaphore_mem>>)
      %dma_wait3A = tpu.memref_slice %arg2[%mul3A_2] : memref<307200xf32, #tpu.memory_space<hbm>> -> memref<9600xf32, #tpu.memory_space<hbm>>
      %dma_wait3A_21 = tpu.memref_slice %arg2[%mul3A_2] : memref<307200xf32, #tpu.memory_space<hbm>> -> memref<9600xf32, #tpu.memory_space<hbm>>
      tpu.wait_dma2 semaphore(%run_scoped3A : memref<!tpu.dma_semaphore, #tpu.memory_space<semaphore_mem>>) src(%dma_wait3A_21 : memref<9600xf32, #tpu.memory_space<hbm>>) dst(%arg13 : memref<9600xf32, #tpu.memory_space<vmem>>)
      tpu.yield
    }) : () -> ()
    "tpu.region"() ({
      %run_scoped3A = tpu.sem_alloc : memref<!tpu.dma_semaphore, #tpu.memory_space<semaphore_mem>>
      %dma_start3A_19 = tpu.memref_slice %arg3[%mul3A_2] : memref<307200xf32, #tpu.memory_space<hbm>> -> memref<9600xf32, #tpu.memory_space<hbm>>
      %dma_start3A_20 = tpu.memref_slice %arg3[%mul3A_2] : memref<307200xf32, #tpu.memory_space<hbm>> -> memref<9600xf32, #tpu.memory_space<hbm>>
      tpu.enqueue_dma source(%dma_start3A_20 : memref<9600xf32, #tpu.memory_space<hbm>>) target(%arg14 : memref<9600xf32, #tpu.memory_space<vmem>>) target_semaphore(%run_scoped3A : memref<!tpu.dma_semaphore, #tpu.memory_space<semaphore_mem>>)
      %dma_wait3A = tpu.memref_slice %arg3[%mul3A_2] : memref<307200xf32, #tpu.memory_space<hbm>> -> memref<9600xf32, #tpu.memory_space<hbm>>
      %dma_wait3A_21 = tpu.memref_slice %arg3[%mul3A_2] : memref<307200xf32, #tpu.memory_space<hbm>> -> memref<9600xf32, #tpu.memory_space<hbm>>
      tpu.wait_dma2 semaphore(%run_scoped3A : memref<!tpu.dma_semaphore, #tpu.memory_space<semaphore_mem>>) src(%dma_wait3A_21 : memref<9600xf32, #tpu.memory_space<hbm>>) dst(%arg14 : memref<9600xf32, #tpu.memory_space<vmem>>)
      tpu.yield
    }) : () -> ()
    "tpu.region"() ({
      %run_scoped3A = tpu.sem_alloc : memref<!tpu.dma_semaphore, #tpu.memory_space<semaphore_mem>>
      %dma_start3A_19 = tpu.memref_slice %arg4[%mul3A_2] : memref<307200xf32, #tpu.memory_space<hbm>> -> memref<9600xf32, #tpu.memory_space<hbm>>
      %dma_start3A_20 = tpu.memref_slice %arg4[%mul3A_2] : memref<307200xf32, #tpu.memory_space<hbm>> -> memref<9600xf32, #tpu.memory_space<hbm>>
      tpu.enqueue_dma source(%dma_start3A_20 : memref<9600xf32, #tpu.memory_space<hbm>>) target(%arg15 : memref<9600xf32, #tpu.memory_space<vmem>>) target_semaphore(%run_scoped3A : memref<!tpu.dma_semaphore, #tpu.memory_space<semaphore_mem>>)
      %dma_wait3A = tpu.memref_slice %arg4[%mul3A_2] : memref<307200xf32, #tpu.memory_space<hbm>> -> memref<9600xf32, #tpu.memory_space<hbm>>
      %dma_wait3A_21 = tpu.memref_slice %arg4[%mul3A_2] : memref<307200xf32, #tpu.memory_space<hbm>> -> memref<9600xf32, #tpu.memory_space<hbm>>
      tpu.wait_dma2 semaphore(%run_scoped3A : memref<!tpu.dma_semaphore, #tpu.memory_space<semaphore_mem>>) src(%dma_wait3A_21 : memref<9600xf32, #tpu.memory_space<hbm>>) dst(%arg15 : memref<9600xf32, #tpu.memory_space<vmem>>)
      tpu.yield
    }) : () -> ()
    "tpu.region"() ({
      %run_scoped3A = tpu.sem_alloc : memref<!tpu.dma_semaphore, #tpu.memory_space<semaphore_mem>>
      %dma_start3A_19 = tpu.memref_slice %arg5[%mul3A_2] : memref<307200xf32, #tpu.memory_space<hbm>> -> memref<9600xf32, #tpu.memory_space<hbm>>
      %dma_start3A_20 = tpu.memref_slice %arg5[%mul3A_2] : memref<307200xf32, #tpu.memory_space<hbm>> -> memref<9600xf32, #tpu.memory_space<hbm>>
      tpu.enqueue_dma source(%dma_start3A_20 : memref<9600xf32, #tpu.memory_space<hbm>>) target(%arg16 : memref<9600xf32, #tpu.memory_space<vmem>>) target_semaphore(%run_scoped3A : memref<!tpu.dma_semaphore, #tpu.memory_space<semaphore_mem>>)
      %dma_wait3A = tpu.memref_slice %arg5[%mul3A_2] : memref<307200xf32, #tpu.memory_space<hbm>> -> memref<9600xf32, #tpu.memory_space<hbm>>
      %dma_wait3A_21 = tpu.memref_slice %arg5[%mul3A_2] : memref<307200xf32, #tpu.memory_space<hbm>> -> memref<9600xf32, #tpu.memory_space<hbm>>
      tpu.wait_dma2 semaphore(%run_scoped3A : memref<!tpu.dma_semaphore, #tpu.memory_space<semaphore_mem>>) src(%dma_wait3A_21 : memref<9600xf32, #tpu.memory_space<hbm>>) dst(%arg16 : memref<9600xf32, #tpu.memory_space<vmem>>)
      tpu.yield
    }) : () -> ()
    "tpu.region"() ({
      %run_scoped3A = tpu.sem_alloc : memref<!tpu.dma_semaphore, #tpu.memory_space<semaphore_mem>>
      %dma_start3A_19 = tpu.memref_slice %arg6[%mul3A_2] : memref<307200xf32, #tpu.memory_space<hbm>> -> memref<9600xf32, #tpu.memory_space<hbm>>
      %dma_start3A_20 = tpu.memref_slice %arg6[%mul3A_2] : memref<307200xf32, #tpu.memory_space<hbm>> -> memref<9600xf32, #tpu.memory_space<hbm>>
      tpu.enqueue_dma source(%dma_start3A_20 : memref<9600xf32, #tpu.memory_space<hbm>>) target(%arg17 : memref<9600xf32, #tpu.memory_space<vmem>>) target_semaphore(%run_scoped3A : memref<!tpu.dma_semaphore, #tpu.memory_space<semaphore_mem>>)
      %dma_wait3A = tpu.memref_slice %arg6[%mul3A_2] : memref<307200xf32, #tpu.memory_space<hbm>> -> memref<9600xf32, #tpu.memory_space<hbm>>
      %dma_wait3A_21 = tpu.memref_slice %arg6[%mul3A_2] : memref<307200xf32, #tpu.memory_space<hbm>> -> memref<9600xf32, #tpu.memory_space<hbm>>
      tpu.wait_dma2 semaphore(%run_scoped3A : memref<!tpu.dma_semaphore, #tpu.memory_space<semaphore_mem>>) src(%dma_wait3A_21 : memref<9600xf32, #tpu.memory_space<hbm>>) dst(%arg17 : memref<9600xf32, #tpu.memory_space<vmem>>)
      tpu.yield
    }) : () -> ()
    "tpu.region"() ({
      %run_scoped3A = tpu.sem_alloc : memref<!tpu.dma_semaphore, #tpu.memory_space<semaphore_mem>>
      %dma_start3A_19 = tpu.memref_slice %arg7[%mul3A_2] : memref<307200xf32, #tpu.memory_space<hbm>> -> memref<9600xf32, #tpu.memory_space<hbm>>
      %dma_start3A_20 = tpu.memref_slice %arg7[%mul3A_2] : memref<307200xf32, #tpu.memory_space<hbm>> -> memref<9600xf32, #tpu.memory_space<hbm>>
      tpu.enqueue_dma source(%dma_start3A_20 : memref<9600xf32, #tpu.memory_space<hbm>>) target(%arg18 : memref<9600xf32, #tpu.memory_space<vmem>>) target_semaphore(%run_scoped3A : memref<!tpu.dma_semaphore, #tpu.memory_space<semaphore_mem>>)
      %dma_wait3A = tpu.memref_slice %arg7[%mul3A_2] : memref<307200xf32, #tpu.memory_space<hbm>> -> memref<9600xf32, #tpu.memory_space<hbm>>
      %dma_wait3A_21 = tpu.memref_slice %arg7[%mul3A_2] : memref<307200xf32, #tpu.memory_space<hbm>> -> memref<9600xf32, #tpu.memory_space<hbm>>
      tpu.wait_dma2 semaphore(%run_scoped3A : memref<!tpu.dma_semaphore, #tpu.memory_space<semaphore_mem>>) src(%dma_wait3A_21 : memref<9600xf32, #tpu.memory_space<hbm>>) dst(%arg18 : memref<9600xf32, #tpu.memory_space<vmem>>)
      tpu.yield
    }) : () -> ()
    "tpu.region"() ({
      %run_scoped3A = tpu.sem_alloc : memref<!tpu.dma_semaphore, #tpu.memory_space<semaphore_mem>>
      %dma_start3A_19 = tpu.memref_slice %arg8[%mul3A_2] : memref<307200xf32, #tpu.memory_space<hbm>> -> memref<9600xf32, #tpu.memory_space<hbm>>
      %dma_start3A_20 = tpu.memref_slice %arg8[%mul3A_2] : memref<307200xf32, #tpu.memory_space<hbm>> -> memref<9600xf32, #tpu.memory_space<hbm>>
      tpu.enqueue_dma source(%dma_start3A_20 : memref<9600xf32, #tpu.memory_space<hbm>>) target(%arg19 : memref<9600xf32, #tpu.memory_space<vmem>>) target_semaphore(%run_scoped3A : memref<!tpu.dma_semaphore, #tpu.memory_space<semaphore_mem>>)
      %dma_wait3A = tpu.memref_slice %arg8[%mul3A_2] : memref<307200xf32, #tpu.memory_space<hbm>> -> memref<9600xf32, #tpu.memory_space<hbm>>
      %dma_wait3A_21 = tpu.memref_slice %arg8[%mul3A_2] : memref<307200xf32, #tpu.memory_space<hbm>> -> memref<9600xf32, #tpu.memory_space<hbm>>
      tpu.wait_dma2 semaphore(%run_scoped3A : memref<!tpu.dma_semaphore, #tpu.memory_space<semaphore_mem>>) src(%dma_wait3A_21 : memref<9600xf32, #tpu.memory_space<hbm>>) dst(%arg19 : memref<9600xf32, #tpu.memory_space<vmem>>)
      tpu.yield
    }) : () -> ()
    "tpu.region"() ({
      %run_scoped3A = tpu.sem_alloc : memref<!tpu.dma_semaphore, #tpu.memory_space<semaphore_mem>>
      tpu.enqueue_dma source(%arg9 : memref<1024xf32, #tpu.memory_space<hbm>>) target(%arg21 : memref<1024xf32, #tpu.memory_space<vmem>>) target_semaphore(%run_scoped3A : memref<!tpu.dma_semaphore, #tpu.memory_space<semaphore_mem>>)
      tpu.wait_dma2 semaphore(%run_scoped3A : memref<!tpu.dma_semaphore, #tpu.memory_space<semaphore_mem>>) src(%arg9 : memref<1024xf32, #tpu.memory_space<hbm>>) dst(%arg21 : memref<1024xf32, #tpu.memory_space<vmem>>)
      tpu.yield
    }) : () -> ()
    %scan3A = arith.constant 0 : i32
    %scan3A_5 = arith.constant 64 : i32
    %scan3A_6 = arith.addi %scan3A, %scan3A_5 : i32
    %scan3A_7 = arith.constant 4 : i32
    scf.for %scan3A_19 = %scan3A to %scan3A_6 step %scan3A_7  : i32 {
      %mul3A_20 = arith.constant 1 : i32
      %mul3A_21 = arith.muli %scan3A_19, %mul3A_20 : i32
      %add3A_22 = arith.constant 0 : i32
      %add3A_23 = arith.addi %add3A_22, %mul3A_21 : i32
      %get3A = arith.constant 0 : index
      %get3A_24 = tpu.vector_load %arg13[%get3A] {strides = array<i32>} : memref<9600xf32, #tpu.memory_space<vmem>>, vector<16xf32>,
      %get3A_25 = vector.shape_cast %get3A_24 : vector<16xf32> to vector<16xf32>
      %mul3A_26 = arith.constant 1.280000e+02 : f32
      %mul3A_27 = vector.broadcast %mul3A_26 : f32 to vector<16xf32>
      %mul3A_28 = arith.mulf %get3A_25, %mul3A_27 : vector<16xf32>
      %get3A_29 = arith.constant 0 : index
      %get3A_30 = tpu.vector_load %arg14[%get3A_29] {strides = array<i32>} : memref<9600xf32, #tpu.memory_space<vmem>>, vector<16xf32>,
      %get3A_31 = vector.shape_cast %get3A_30 : vector<16xf32> to vector<16xf32>
      %mul3A_32 = arith.constant 1.280000e+02 : f32
      %mul3A_33 = vector.broadcast %mul3A_32 : f32 to vector<16xf32>
      %mul3A_34 = arith.mulf %get3A_31, %mul3A_33 : vector<16xf32>
      %get3A_35 = arith.constant 0 : index
      %get3A_36 = tpu.vector_load %arg15[%get3A_35] {strides = array<i32>} : memref<9600xf32, #tpu.memory_space<vmem>>, vector<16xf32>,
      %get3A_37 = vector.shape_cast %get3A_36 : vector<16xf32> to vector<16xf32>
      %mul3A_38 = arith.constant 1.280000e+02 : f32
      %mul3A_39 = vector.broadcast %mul3A_38 : f32 to vector<16xf32>
      %mul3A_40 = arith.mulf %get3A_37, %mul3A_39 : vector<16xf32>
      %get3A_41 = arith.constant 0 : index
      %get3A_42 = tpu.vector_load %arg16[%get3A_41] {strides = array<i32>} : memref<9600xf32, #tpu.memory_space<vmem>>, vector<16xf32>,
      %get3A_43 = vector.shape_cast %get3A_42 : vector<16xf32> to vector<16xf32>
      %get3A_44 = arith.constant 0 : index
      %get3A_45 = tpu.vector_load %arg13[%get3A_44] {strides = array<i32>} : memref<9600xf32, #tpu.memory_space<vmem>>, vector<16xf32>,
      %get3A_46 = vector.shape_cast %get3A_45 : vector<16xf32> to vector<16xf32>
      %sub3A = arith.subf %get3A_43, %get3A_46 : vector<16xf32>
      %mul3A_47 = arith.constant 1.280000e+02 : f32
      %mul3A_48 = vector.broadcast %mul3A_47 : f32 to vector<16xf32>
      %mul3A_49 = arith.mulf %sub3A, %mul3A_48 : vector<16xf32>
      %get3A_50 = arith.constant 0 : index
      %get3A_51 = tpu.vector_load %arg17[%get3A_50] {strides = array<i32>} : memref<9600xf32, #tpu.memory_space<vmem>>, vector<16xf32>,
      %get3A_52 = vector.shape_cast %get3A_51 : vector<16xf32> to vector<16xf32>
      %get3A_53 = arith.constant 0 : index
      %get3A_54 = tpu.vector_load %arg14[%get3A_53] {strides = array<i32>} : memref<9600xf32, #tpu.memory_space<vmem>>, vector<16xf32>,
      %get3A_55 = vector.shape_cast %get3A_54 : vector<16xf32> to vector<16xf32>
      %sub3A_56 = arith.subf %get3A_52, %get3A_55 : vector<16xf32>
      %mul3A_57 = arith.constant 1.280000e+02 : f32
      %mul3A_58 = vector.broadcast %mul3A_57 : f32 to vector<16xf32>
      %mul3A_59 = arith.mulf %sub3A_56, %mul3A_58 : vector<16xf32>
      %get3A_60 = arith.constant 0 : index
      %get3A_61 = tpu.vector_load %arg18[%get3A_60] {strides = array<i32>} : memref<9600xf32, #tpu.memory_space<vmem>>, vector<16xf32>,
      %get3A_62 = vector.shape_cast %get3A_61 : vector<16xf32> to vector<16xf32>
      %get3A_63 = arith.constant 0 : index
      %get3A_64 = tpu.vector_load %arg15[%get3A_63] {strides = array<i32>} : memref<9600xf32, #tpu.memory_space<vmem>>, vector<16xf32>,
      %get3A_65 = vector.shape_cast %get3A_64 : vector<16xf32> to vector<16xf32>
      %sub3A_66 = arith.subf %get3A_62, %get3A_65 : vector<16xf32>
      %mul3A_67 = arith.constant 1.280000e+02 : f32
      %mul3A_68 = vector.broadcast %mul3A_67 : f32 to vector<16xf32>
      %mul3A_69 = arith.mulf %sub3A_66, %mul3A_68 : vector<16xf32>
      %mul3A_70 = arith.constant 16 : i32
      %mul3A_71 = arith.muli %add3A_23, %mul3A_70 : i32
      %get3A_72 = arith.index_cast %mul3A_71 : i32 to index
      %get3A_73 = tpu.vector_load %arg21[%get3A_72] {strides = array<i32>} : memref<1024xf32, #tpu.memory_space<vmem>>, vector<16xf32>,
      %get3A_74 = vector.shape_cast %get3A_73 : vector<16xf32> to vector<16xf32>
      %mul3A_75 = arith.mulf %get3A_74, %mul3A_49 : vector<16xf32>
      %add3A_76 = arith.addf %mul3A_28, %mul3A_75 : vector<16xf32>
      %mul3A_77 = arith.mulf %get3A_74, %mul3A_59 : vector<16xf32>
      %add3A_78 = arith.addf %mul3A_34, %mul3A_77 : vector<16xf32>
      %mul3A_79 = arith.mulf %get3A_74, %mul3A_69 : vector<16xf32>
      %add3A_80 = arith.addf %mul3A_40, %mul3A_79 : vector<16xf32>
      %min3A = arith.minimumf %add3A_78, %add3A_80 : vector<16xf32>
      %min3A_81 = arith.minimumf %add3A_76, %min3A : vector<16xf32>
      %max3A = arith.maximumf %add3A_78, %add3A_80 : vector<16xf32>
      %max3A_82 = arith.maximumf %add3A_76, %max3A : vector<16xf32>
      %ge3A = arith.constant 0.000000e+00 : f32
      %ge3A_83 = vector.broadcast %ge3A : f32 to vector<16xf32>
      %ge3A_84 = arith.cmpf oge, %min3A_81, %ge3A_83 : vector<16xf32>
      %lt3A = arith.constant 1.280000e+02 : f32
      %lt3A_85 = vector.broadcast %lt3A : f32 to vector<16xf32>
      %lt3A_86 = arith.cmpf olt, %max3A_82, %lt3A_85 : vector<16xf32>
      %and3A = arith.andi %ge3A_84, %lt3A_86 : vector<16xi1>
      %convert_element_type3A = arith.fptosi %add3A_76 : vector<16xf32> to vector<16xi32>
      %convert_element_type3A_87 = arith.fptosi %add3A_78 : vector<16xf32> to vector<16xi32>
      %convert_element_type3A_88 = arith.fptosi %add3A_80 : vector<16xf32> to vector<16xi32>
      %mul3A_89 = arith.constant 128 : i32
      %mul3A_90 = vector.broadcast %mul3A_89 : i32 to vector<16xi32>
      %mul3A_91 = arith.muli %convert_element_type3A, %mul3A_90 : vector<16xi32>
      %add3A_92 = arith.addi %mul3A_91, %convert_element_type3A_87 : vector<16xi32>
      %mul3A_93 = arith.constant 128 : i32
      %mul3A_94 = vector.broadcast %mul3A_93 : i32 to vector<16xi32>
      %mul3A_95 = arith.muli %add3A_92, %mul3A_94 : vector<16xi32>
      %add3A_96 = arith.addi %mul3A_95, %convert_element_type3A_88 : vector<16xi32>
      %jit3A = arith.constant 0 : i32
      %jit3A_97 = arith.constant 2097151 : i32
      %max3A_98 = vector.broadcast %jit3A : i32 to vector<16xi32>
      %max3A_99 = arith.maxsi %max3A_98, %add3A_96 : vector<16xi32>
      %min3A_100 = vector.broadcast %jit3A_97 : i32 to vector<16xi32>
      %min3A_101 = arith.minsi %min3A_100, %max3A_99 : vector<16xi32>
      %mul3A_102 = arith.constant 16 : i32
      %mul3A_103 = arith.muli %add3A_23, %mul3A_102 : i32
      %swap3A = arith.index_cast %mul3A_103 : i32 to index
      %swap3A_104 = tpu.vector_load %arg22[%swap3A] {strides = array<i32>} : memref<1024xi32, #tpu.memory_space<vmem>>, vector<16xi32>,
      %swap3A_105 = vector.shape_cast %swap3A_104 : vector<16xi32> to vector<16xi32>
      %swap3A_106 = vector.shape_cast %min3A_101 : vector<16xi32> to vector<16xi32>
      tpu.vector_store %arg22[%swap3A], %swap3A_106 {strides = array<i32>} : memref<1024xi32, #tpu.memory_space<vmem>>, vector<16xi32>,
      %jit3A_107 = arith.constant -1 : i32
      %broadcast_in_dim3A = vector.broadcast %jit3A_107 : i32 to vector<16xi32>
      %select_n3A = arith.select %and3A, %add3A_96, %broadcast_in_dim3A : vector<16xi1>, vector<16xi32>
      %swap3A_108 = arith.index_cast %mul3A_103 : i32 to index
      %swap3A_109 = tpu.vector_load %arg24[%swap3A_108] {strides = array<i32>} : memref<1024xi32, #tpu.memory_space<vmem>>, vector<16xi32>,
      %swap3A_110 = vector.shape_cast %swap3A_109 : vector<16xi32> to vector<16xi32>
      %swap3A_111 = vector.shape_cast %select_n3A : vector<16xi32> to vector<16xi32>
      tpu.vector_store %arg24[%swap3A_108], %swap3A_111 {strides = array<i32>} : memref<1024xi32, #tpu.memory_space<vmem>>, vector<16xi32>,
      %jit3A_112 = arith.constant 1.000000e+00 : f32
      %jit3A_113 = arith.constant 0.000000e+00 : f32
      %broadcast_in_dim3A_114 = vector.broadcast %jit3A_112 : f32 to vector<16xf32>
      %broadcast_in_dim3A_115 = vector.broadcast %jit3A_113 : f32 to vector<16xf32>
      %select_n3A_116 = arith.select %and3A, %broadcast_in_dim3A_114, %broadcast_in_dim3A_115 : vector<16xi1>, vector<16xf32>
      %swap3A_117 = arith.index_cast %mul3A_103 : i32 to index
      %swap3A_118 = tpu.vector_load %arg26[%swap3A_117] {strides = array<i32>} : memref<1024xf32, #tpu.memory_space<vmem>>, vector<16xf32>,
      %swap3A_119 = vector.shape_cast %swap3A_118 : vector<16xf32> to vector<16xf32>
      %swap3A_120 = vector.shape_cast %select_n3A_116 : vector<16xf32> to vector<16xf32>
      tpu.vector_store %arg26[%swap3A_117], %swap3A_120 {strides = array<i32>} : memref<1024xf32, #tpu.memory_space<vmem>>, vector<16xf32>,
      %scan3A_121 = arith.constant 1 : i32
      %scan3A_122 = arith.addi %scan3A_19, %scan3A_121 : i32
      %mul3A_123 = arith.constant 1 : i32
      %mul3A_124 = arith.muli %scan3A_122, %mul3A_123 : i32
      %add3A_125 = arith.constant 0 : i32
      %add3A_126 = arith.addi %add3A_125, %mul3A_124 : i32
      %get3A_127 = arith.constant 0 : index
      %get3A_128 = tpu.vector_load %arg13[%get3A_127] {strides = array<i32>} : memref<9600xf32, #tpu.memory_space<vmem>>, vector<16xf32>,
      %get3A_129 = vector.shape_cast %get3A_128 : vector<16xf32> to vector<16xf32>
      %mul3A_130 = arith.constant 1.280000e+02 : f32
      %mul3A_131 = vector.broadcast %mul3A_130 : f32 to vector<16xf32>
      %mul3A_132 = arith.mulf %get3A_129, %mul3A_131 : vector<16xf32>
      %get3A_133 = arith.constant 0 : index
      %get3A_134 = tpu.vector_load %arg14[%get3A_133] {strides = array<i32>} : memref<9600xf32, #tpu.memory_space<vmem>>, vector<16xf32>,
      %get3A_135 = vector.shape_cast %get3A_134 : vector<16xf32> to vector<16xf32>
      %mul3A_136 = arith.constant 1.280000e+02 : f32
      %mul3A_137 = vector.broadcast %mul3A_136 : f32 to vector<16xf32>
      %mul3A_138 = arith.mulf %get3A_135, %mul3A_137 : vector<16xf32>
      %get3A_139 = arith.constant 0 : index
      %get3A_140 = tpu.vector_load %arg15[%get3A_139] {strides = array<i32>} : memref<9600xf32, #tpu.memory_space<vmem>>, vector<16xf32>,
      %get3A_141 = vector.shape_cast %get3A_140 : vector<16xf32> to vector<16xf32>
      %mul3A_142 = arith.constant 1.280000e+02 : f32
      %mul3A_143 = vector.broadcast %mul3A_142 : f32 to vector<16xf32>
      %mul3A_144 = arith.mulf %get3A_141, %mul3A_143 : vector<16xf32>
      %get3A_145 = arith.constant 0 : index
      %get3A_146 = tpu.vector_load %arg16[%get3A_145] {strides = array<i32>} : memref<9600xf32, #tpu.memory_space<vmem>>, vector<16xf32>,
      %get3A_147 = vector.shape_cast %get3A_146 : vector<16xf32> to vector<16xf32>
      %get3A_148 = arith.constant 0 : index
      %get3A_149 = tpu.vector_load %arg13[%get3A_148] {strides = array<i32>} : memref<9600xf32, #tpu.memory_space<vmem>>, vector<16xf32>,
      %get3A_150 = vector.shape_cast %get3A_149 : vector<16xf32> to vector<16xf32>
      %sub3A_151 = arith.subf %get3A_147, %get3A_150 : vector<16xf32>
      %mul3A_152 = arith.constant 1.280000e+02 : f32
      %mul3A_153 = vector.broadcast %mul3A_152 : f32 to vector<16xf32>
      %mul3A_154 = arith.mulf %sub3A_151, %mul3A_153 : vector<16xf32>
      %get3A_155 = arith.constant 0 : index
      %get3A_156 = tpu.vector_load %arg17[%get3A_155] {strides = array<i32>} : memref<9600xf32, #tpu.memory_space<vmem>>, vector<16xf32>,
      %get3A_157 = vector.shape_cast %get3A_156 : vector<16xf32> to vector<16xf32>
      %get3A_158 = arith.constant 0 : index
      %get3A_159 = tpu.vector_load %arg14[%get3A_158] {strides = array<i32>} : memref<9600xf32, #tpu.memory_space<vmem>>, vector<16xf32>,
      %get3A_160 = vector.shape_cast %get3A_159 : vector<16xf32> to vector<16xf32>
      %sub3A_161 = arith.subf %get3A_157, %get3A_160 : vector<16xf32>
      %mul3A_162 = arith.constant 1.280000e+02 : f32
      %mul3A_163 = vector.broadcast %mul3A_162 : f32 to vector<16xf32>
      %mul3A_164 = arith.mulf %sub3A_161, %mul3A_163 : vector<16xf32>
      %get3A_165 = arith.constant 0 : index
      %get3A_166 = tpu.vector_load %arg18[%get3A_165] {strides = array<i32>} : memref<9600xf32, #tpu.memory_space<vmem>>, vector<16xf32>,
      %get3A_167 = vector.shape_cast %get3A_166 : vector<16xf32> to vector<16xf32>
      %get3A_168 = arith.constant 0 : index
      %get3A_169 = tpu.vector_load %arg15[%get3A_168] {strides = array<i32>} : memref<9600xf32, #tpu.memory_space<vmem>>, vector<16xf32>,
      %get3A_170 = vector.shape_cast %get3A_169 : vector<16xf32> to vector<16xf32>
      %sub3A_171 = arith.subf %get3A_167, %get3A_170 : vector<16xf32>
      %mul3A_172 = arith.constant 1.280000e+02 : f32
      %mul3A_173 = vector.broadcast %mul3A_172 : f32 to vector<16xf32>
      %mul3A_174 = arith.mulf %sub3A_171, %mul3A_173 : vector<16xf32>
      %mul3A_175 = arith.constant 16 : i32
      %mul3A_176 = arith.muli %add3A_126, %mul3A_175 : i32
      %get3A_177 = arith.index_cast %mul3A_176 : i32 to index
      %get3A_178 = tpu.vector_load %arg21[%get3A_177] {strides = array<i32>} : memref<1024xf32, #tpu.memory_space<vmem>>, vector<16xf32>,
      %get3A_179 = vector.shape_cast %get3A_178 : vector<16xf32> to vector<16xf32>
      %mul3A_180 = arith.mulf %get3A_179, %mul3A_154 : vector<16xf32>
      %add3A_181 = arith.addf %mul3A_132, %mul3A_180 : vector<16xf32>
      %mul3A_182 = arith.mulf %get3A_179, %mul3A_164 : vector<16xf32>
      %add3A_183 = arith.addf %mul3A_138, %mul3A_182 : vector<16xf32>
      %mul3A_184 = arith.mulf %get3A_179, %mul3A_174 : vector<16xf32>
      %add3A_185 = arith.addf %mul3A_144, %mul3A_184 : vector<16xf32>
      %min3A_186 = arith.minimumf %add3A_183, %add3A_185 : vector<16xf32>
      %min3A_187 = arith.minimumf %add3A_181, %min3A_186 : vector<16xf32>
      %max3A_188 = arith.maximumf %add3A_183, %add3A_185 : vector<16xf32>
      %max3A_189 = arith.maximumf %add3A_181, %max3A_188 : vector<16xf32>
      %ge3A_190 = arith.constant 0.000000e+00 : f32
      %ge3A_191 = vector.broadcast %ge3A_190 : f32 to vector<16xf32>
      %ge3A_192 = arith.cmpf oge, %min3A_187, %ge3A_191 : vector<16xf32>
      %lt3A_193 = arith.constant 1.280000e+02 : f32
      %lt3A_194 = vector.broadcast %lt3A_193 : f32 to vector<16xf32>
      %lt3A_195 = arith.cmpf olt, %max3A_189, %lt3A_194 : vector<16xf32>
      %and3A_196 = arith.andi %ge3A_192, %lt3A_195 : vector<16xi1>
      %convert_element_type3A_197 = arith.fptosi %add3A_181 : vector<16xf32> to vector<16xi32>
      %convert_element_type3A_198 = arith.fptosi %add3A_183 : vector<16xf32> to vector<16xi32>
      %convert_element_type3A_199 = arith.fptosi %add3A_185 : vector<16xf32> to vector<16xi32>
      %mul3A_200 = arith.constant 128 : i32
      %mul3A_201 = vector.broadcast %mul3A_200 : i32 to vector<16xi32>
      %mul3A_202 = arith.muli %convert_element_type3A_197, %mul3A_201 : vector<16xi32>
      %add3A_203 = arith.addi %mul3A_202, %convert_element_type3A_198 : vector<16xi32>
      %mul3A_204 = arith.constant 128 : i32
      %mul3A_205 = vector.broadcast %mul3A_204 : i32 to vector<16xi32>
      %mul3A_206 = arith.muli %add3A_203, %mul3A_205 : vector<16xi32>
      %add3A_207 = arith.addi %mul3A_206, %convert_element_type3A_199 : vector<16xi32>
      %jit3A_208 = arith.constant 0 : i32
      %jit3A_209 = arith.constant 2097151 : i32
      %max3A_210 = vector.broadcast %jit3A_208 : i32 to vector<16xi32>
      %max3A_211 = arith.maxsi %max3A_210, %add3A_207 : vector<16xi32>
      %min3A_212 = vector.broadcast %jit3A_209 : i32 to vector<16xi32>
      %min3A_213 = arith.minsi %min3A_212, %max3A_211 : vector<16xi32>
      %mul3A_214 = arith.constant 16 : i32
      %mul3A_215 = arith.muli %add3A_126, %mul3A_214 : i32
      %swap3A_216 = arith.index_cast %mul3A_215 : i32 to index
      %swap3A_217 = tpu.vector_load %arg22[%swap3A_216] {strides = array<i32>} : memref<1024xi32, #tpu.memory_space<vmem>>, vector<16xi32>,
      %swap3A_218 = vector.shape_cast %swap3A_217 : vector<16xi32> to vector<16xi32>
      %swap3A_219 = vector.shape_cast %min3A_213 : vector<16xi32> to vector<16xi32>
      tpu.vector_store %arg22[%swap3A_216], %swap3A_219 {strides = array<i32>} : memref<1024xi32, #tpu.memory_space<vmem>>, vector<16xi32>,
      %jit3A_220 = arith.constant -1 : i32
      %broadcast_in_dim3A_221 = vector.broadcast %jit3A_220 : i32 to vector<16xi32>
      %select_n3A_222 = arith.select %and3A_196, %add3A_207, %broadcast_in_dim3A_221 : vector<16xi1>, vector<16xi32>
      %swap3A_223 = arith.index_cast %mul3A_215 : i32 to index
      %swap3A_224 = tpu.vector_load %arg24[%swap3A_223] {strides = array<i32>} : memref<1024xi32, #tpu.memory_space<vmem>>, vector<16xi32>,
      %swap3A_225 = vector.shape_cast %swap3A_224 : vector<16xi32> to vector<16xi32>
      %swap3A_226 = vector.shape_cast %select_n3A_222 : vector<16xi32> to vector<16xi32>
      tpu.vector_store %arg24[%swap3A_223], %swap3A_226 {strides = array<i32>} : memref<1024xi32, #tpu.memory_space<vmem>>, vector<16xi32>,
      %jit3A_227 = arith.constant 1.000000e+00 : f32
      %jit3A_228 = arith.constant 0.000000e+00 : f32
      %broadcast_in_dim3A_229 = vector.broadcast %jit3A_227 : f32 to vector<16xf32>
      %broadcast_in_dim3A_230 = vector.broadcast %jit3A_228 : f32 to vector<16xf32>
      %select_n3A_231 = arith.select %and3A_196, %broadcast_in_dim3A_229, %broadcast_in_dim3A_230 : vector<16xi1>, vector<16xf32>
      %swap3A_232 = arith.index_cast %mul3A_215 : i32 to index
      %swap3A_233 = tpu.vector_load %arg26[%swap3A_232] {strides = array<i32>} : memref<1024xf32, #tpu.memory_space<vmem>>, vector<16xf32>,
      %swap3A_234 = vector.shape_cast %swap3A_233 : vector<16xf32> to vector<16xf32>
      %swap3A_235 = vector.shape_cast %select_n3A_231 : vector<16xf32> to vector<16xf32>
      tpu.vector_store %arg26[%swap3A_232], %swap3A_235 {strides = array<i32>} : memref<1024xf32, #tpu.memory_space<vmem>>, vector<16xf32>,
      %scan3A_236 = arith.constant 2 : i32
      %scan3A_237 = arith.addi %scan3A_19, %scan3A_236 : i32
      %mul3A_238 = arith.constant 1 : i32
      %mul3A_239 = arith.muli %scan3A_237, %mul3A_238 : i32
      %add3A_240 = arith.constant 0 : i32
      %add3A_241 = arith.addi %add3A_240, %mul3A_239 : i32
      %get3A_242 = arith.constant 0 : index
      %get3A_243 = tpu.vector_load %arg13[%get3A_242] {strides = array<i32>} : memref<9600xf32, #tpu.memory_space<vmem>>, vector<16xf32>,
      %get3A_244 = vector.shape_cast %get3A_243 : vector<16xf32> to vector<16xf32>
      %mul3A_245 = arith.constant 1.280000e+02 : f32
      %mul3A_246 = vector.broadcast %mul3A_245 : f32 to vector<16xf32>
      %mul3A_247 = arith.mulf %get3A_244, %mul3A_246 : vector<16xf32>
      %get3A_248 = arith.constant 0 : index
      %get3A_249 = tpu.vector_load %arg14[%get3A_248] {strides = array<i32>} : memref<9600xf32, #tpu.memory_space<vmem>>, vector<16xf32>,
      %get3A_250 = vector.shape_cast %get3A_249 : vector<16xf32> to vector<16xf32>
      %mul3A_251 = arith.constant 1.280000e+02 : f32
      %mul3A_252 = vector.broadcast %mul3A_251 : f32 to vector<16xf32>
      %mul3A_253 = arith.mulf %get3A_250, %mul3A_252 : vector<16xf32>
      %get3A_254 = arith.constant 0 : index
      %get3A_255 = tpu.vector_load %arg15[%get3A_254] {strides = array<i32>} : memref<9600xf32, #tpu.memory_space<vmem>>, vector<16xf32>,
      %get3A_256 = vector.shape_cast %get3A_255 : vector<16xf32> to vector<16xf32>
      %mul3A_257 = arith.constant 1.280000e+02 : f32
      %mul3A_258 = vector.broadcast %mul3A_257 : f32 to vector<16xf32>
      %mul3A_259 = arith.mulf %get3A_256, %mul3A_258 : vector<16xf32>
      %get3A_260 = arith.constant 0 : index
      %get3A_261 = tpu.vector_load %arg16[%get3A_260] {strides = array<i32>} : memref<9600xf32, #tpu.memory_space<vmem>>, vector<16xf32>,
      %get3A_262 = vector.shape_cast %get3A_261 : vector<16xf32> to vector<16xf32>
      %get3A_263 = arith.constant 0 : index
      %get3A_264 = tpu.vector_load %arg13[%get3A_263] {strides = array<i32>} : memref<9600xf32, #tpu.memory_space<vmem>>, vector<16xf32>,
      %get3A_265 = vector.shape_cast %get3A_264 : vector<16xf32> to vector<16xf32>
      %sub3A_266 = arith.subf %get3A_262, %get3A_265 : vector<16xf32>
      %mul3A_267 = arith.constant 1.280000e+02 : f32
      %mul3A_268 = vector.broadcast %mul3A_267 : f32 to vector<16xf32>
      %mul3A_269 = arith.mulf %sub3A_266, %mul3A_268 : vector<16xf32>
      %get3A_270 = arith.constant 0 : index
      %get3A_271 = tpu.vector_load %arg17[%get3A_270] {strides = array<i32>} : memref<9600xf32, #tpu.memory_space<vmem>>, vector<16xf32>,
      %get3A_272 = vector.shape_cast %get3A_271 : vector<16xf32> to vector<16xf32>
      %get3A_273 = arith.constant 0 : index
      %get3A_274 = tpu.vector_load %arg14[%get3A_273] {strides = array<i32>} : memref<9600xf32, #tpu.memory_space<vmem>>, vector<16xf32>,
      %get3A_275 = vector.shape_cast %get3A_274 : vector<16xf32> to vector<16xf32>
      %sub3A_276 = arith.subf %get3A_272, %get3A_275 : vector<16xf32>
      %mul3A_277 = arith.constant 1.280000e+02 : f32
      %mul3A_278 = vector.broadcast %mul3A_277 : f32 to vector<16xf32>
      %mul3A_279 = arith.mulf %sub3A_276, %mul3A_278 : vector<16xf32>
      %get3A_280 = arith.constant 0 : index
      %get3A_281 = tpu.vector_load %arg18[%get3A_280] {strides = array<i32>} : memref<9600xf32, #tpu.memory_space<vmem>>, vector<16xf32>,
      %get3A_282 = vector.shape_cast %get3A_281 : vector<16xf32> to vector<16xf32>
      %get3A_283 = arith.constant 0 : index
      %get3A_284 = tpu.vector_load %arg15[%get3A_283] {strides = array<i32>} : memref<9600xf32, #tpu.memory_space<vmem>>, vector<16xf32>,
      %get3A_285 = vector.shape_cast %get3A_284 : vector<16xf32> to vector<16xf32>
      %sub3A_286 = arith.subf %get3A_282, %get3A_285 : vector<16xf32>
      %mul3A_287 = arith.constant 1.280000e+02 : f32
      %mul3A_288 = vector.broadcast %mul3A_287 : f32 to vector<16xf32>
      %mul3A_289 = arith.mulf %sub3A_286, %mul3A_288 : vector<16xf32>
      %mul3A_290 = arith.constant 16 : i32
      %mul3A_291 = arith.muli %add3A_241, %mul3A_290 : i32
      %get3A_292 = arith.index_cast %mul3A_291 : i32 to index
      %get3A_293 = tpu.vector_load %arg21[%get3A_292] {strides = array<i32>} : memref<1024xf32, #tpu.memory_space<vmem>>, vector<16xf32>,
      %get3A_294 = vector.shape_cast %get3A_293 : vector<16xf32> to vector<16xf32>
      %mul3A_295 = arith.mulf %get3A_294, %mul3A_269 : vector<16xf32>
      %add3A_296 = arith.addf %mul3A_247, %mul3A_295 : vector<16xf32>
      %mul3A_297 = arith.mulf %get3A_294, %mul3A_279 : vector<16xf32>
      %add3A_298 = arith.addf %mul3A_253, %mul3A_297 : vector<16xf32>
      %mul3A_299 = arith.mulf %get3A_294, %mul3A_289 : vector<16xf32>
      %add3A_300 = arith.addf %mul3A_259, %mul3A_299 : vector<16xf32>
      %min3A_301 = arith.minimumf %add3A_298, %add3A_300 : vector<16xf32>
      %min3A_302 = arith.minimumf %add3A_296, %min3A_301 : vector<16xf32>
      %max3A_303 = arith.maximumf %add3A_298, %add3A_300 : vector<16xf32>
      %max3A_304 = arith.maximumf %add3A_296, %max3A_303 : vector<16xf32>
      %ge3A_305 = arith.constant 0.000000e+00 : f32
      %ge3A_306 = vector.broadcast %ge3A_305 : f32 to vector<16xf32>
      %ge3A_307 = arith.cmpf oge, %min3A_302, %ge3A_306 : vector<16xf32>
      %lt3A_308 = arith.constant 1.280000e+02 : f32
      %lt3A_309 = vector.broadcast %lt3A_308 : f32 to vector<16xf32>
      %lt3A_310 = arith.cmpf olt, %max3A_304, %lt3A_309 : vector<16xf32>
      %and3A_311 = arith.andi %ge3A_307, %lt3A_310 : vector<16xi1>
      %convert_element_type3A_312 = arith.fptosi %add3A_296 : vector<16xf32> to vector<16xi32>
      %convert_element_type3A_313 = arith.fptosi %add3A_298 : vector<16xf32> to vector<16xi32>
      %convert_element_type3A_314 = arith.fptosi %add3A_300 : vector<16xf32> to vector<16xi32>
      %mul3A_315 = arith.constant 128 : i32
      %mul3A_316 = vector.broadcast %mul3A_315 : i32 to vector<16xi32>
      %mul3A_317 = arith.muli %convert_element_type3A_312, %mul3A_316 : vector<16xi32>
      %add3A_318 = arith.addi %mul3A_317, %convert_element_type3A_313 : vector<16xi32>
      %mul3A_319 = arith.constant 128 : i32
      %mul3A_320 = vector.broadcast %mul3A_319 : i32 to vector<16xi32>
      %mul3A_321 = arith.muli %add3A_318, %mul3A_320 : vector<16xi32>
      %add3A_322 = arith.addi %mul3A_321, %convert_element_type3A_314 : vector<16xi32>
      %jit3A_323 = arith.constant 0 : i32
      %jit3A_324 = arith.constant 2097151 : i32
      %max3A_325 = vector.broadcast %jit3A_323 : i32 to vector<16xi32>
      %max3A_326 = arith.maxsi %max3A_325, %add3A_322 : vector<16xi32>
      %min3A_327 = vector.broadcast %jit3A_324 : i32 to vector<16xi32>
      %min3A_328 = arith.minsi %min3A_327, %max3A_326 : vector<16xi32>
      %mul3A_329 = arith.constant 16 : i32
      %mul3A_330 = arith.muli %add3A_241, %mul3A_329 : i32
      %swap3A_331 = arith.index_cast %mul3A_330 : i32 to index
      %swap3A_332 = tpu.vector_load %arg22[%swap3A_331] {strides = array<i32>} : memref<1024xi32, #tpu.memory_space<vmem>>, vector<16xi32>,
      %swap3A_333 = vector.shape_cast %swap3A_332 : vector<16xi32> to vector<16xi32>
      %swap3A_334 = vector.shape_cast %min3A_328 : vector<16xi32> to vector<16xi32>
      tpu.vector_store %arg22[%swap3A_331], %swap3A_334 {strides = array<i32>} : memref<1024xi32, #tpu.memory_space<vmem>>, vector<16xi32>,
      %jit3A_335 = arith.constant -1 : i32
      %broadcast_in_dim3A_336 = vector.broadcast %jit3A_335 : i32 to vector<16xi32>
      %select_n3A_337 = arith.select %and3A_311, %add3A_322, %broadcast_in_dim3A_336 : vector<16xi1>, vector<16xi32>
      %swap3A_338 = arith.index_cast %mul3A_330 : i32 to index
      %swap3A_339 = tpu.vector_load %arg24[%swap3A_338] {strides = array<i32>} : memref<1024xi32, #tpu.memory_space<vmem>>, vector<16xi32>,
      %swap3A_340 = vector.shape_cast %swap3A_339 : vector<16xi32> to vector<16xi32>
      %swap3A_341 = vector.shape_cast %select_n3A_337 : vector<16xi32> to vector<16xi32>
      tpu.vector_store %arg24[%swap3A_338], %swap3A_341 {strides = array<i32>} : memref<1024xi32, #tpu.memory_space<vmem>>, vector<16xi32>,
      %jit3A_342 = arith.constant 1.000000e+00 : f32
      %jit3A_343 = arith.constant 0.000000e+00 : f32
      %broadcast_in_dim3A_344 = vector.broadcast %jit3A_342 : f32 to vector<16xf32>
      %broadcast_in_dim3A_345 = vector.broadcast %jit3A_343 : f32 to vector<16xf32>
      %select_n3A_346 = arith.select %and3A_311, %broadcast_in_dim3A_344, %broadcast_in_dim3A_345 : vector<16xi1>, vector<16xf32>
      %swap3A_347 = arith.index_cast %mul3A_330 : i32 to index
      %swap3A_348 = tpu.vector_load %arg26[%swap3A_347] {strides = array<i32>} : memref<1024xf32, #tpu.memory_space<vmem>>, vector<16xf32>,
      %swap3A_349 = vector.shape_cast %swap3A_348 : vector<16xf32> to vector<16xf32>
      %swap3A_350 = vector.shape_cast %select_n3A_346 : vector<16xf32> to vector<16xf32>
      tpu.vector_store %arg26[%swap3A_347], %swap3A_350 {strides = array<i32>} : memref<1024xf32, #tpu.memory_space<vmem>>, vector<16xf32>,
      %scan3A_351 = arith.constant 3 : i32
      %scan3A_352 = arith.addi %scan3A_19, %scan3A_351 : i32
      %mul3A_353 = arith.constant 1 : i32
      %mul3A_354 = arith.muli %scan3A_352, %mul3A_353 : i32
      %add3A_355 = arith.constant 0 : i32
      %add3A_356 = arith.addi %add3A_355, %mul3A_354 : i32
      %get3A_357 = arith.constant 0 : index
      %get3A_358 = tpu.vector_load %arg13[%get3A_357] {strides = array<i32>} : memref<9600xf32, #tpu.memory_space<vmem>>, vector<16xf32>,
      %get3A_359 = vector.shape_cast %get3A_358 : vector<16xf32> to vector<16xf32>
      %mul3A_360 = arith.constant 1.280000e+02 : f32
      %mul3A_361 = vector.broadcast %mul3A_360 : f32 to vector<16xf32>
      %mul3A_362 = arith.mulf %get3A_359, %mul3A_361 : vector<16xf32>
      %get3A_363 = arith.constant 0 : index
      %get3A_364 = tpu.vector_load %arg14[%get3A_363] {strides = array<i32>} : memref<9600xf32, #tpu.memory_space<vmem>>, vector<16xf32>,
      %get3A_365 = vector.shape_cast %get3A_364 : vector<16xf32> to vector<16xf32>
      %mul3A_366 = arith.constant 1.280000e+02 : f32
      %mul3A_367 = vector.broadcast %mul3A_366 : f32 to vector<16xf32>
      %mul3A_368 = arith.mulf %get3A_365, %mul3A_367 : vector<16xf32>
      %get3A_369 = arith.constant 0 : index
      %get3A_370 = tpu.vector_load %arg15[%get3A_369] {strides = array<i32>} : memref<9600xf32, #tpu.memory_space<vmem>>, vector<16xf32>,
      %get3A_371 = vector.shape_cast %get3A_370 : vector<16xf32> to vector<16xf32>
      %mul3A_372 = arith.constant 1.280000e+02 : f32
      %mul3A_373 = vector.broadcast %mul3A_372 : f32 to vector<16xf32>
      %mul3A_374 = arith.mulf %get3A_371, %mul3A_373 : vector<16xf32>
      %get3A_375 = arith.constant 0 : index
      %get3A_376 = tpu.vector_load %arg16[%get3A_375] {strides = array<i32>} : memref<9600xf32, #tpu.memory_space<vmem>>, vector<16xf32>,
      %get3A_377 = vector.shape_cast %get3A_376 : vector<16xf32> to vector<16xf32>
      %get3A_378 = arith.constant 0 : index
      %get3A_379 = tpu.vector_load %arg13[%get3A_378] {strides = array<i32>} : memref<9600xf32, #tpu.memory_space<vmem>>, vector<16xf32>,
      %get3A_380 = vector.shape_cast %get3A_379 : vector<16xf32> to vector<16xf32>
      %sub3A_381 = arith.subf %get3A_377, %get3A_380 : vector<16xf32>
      %mul3A_382 = arith.constant 1.280000e+02 : f32
      %mul3A_383 = vector.broadcast %mul3A_382 : f32 to vector<16xf32>
      %mul3A_384 = arith.mulf %sub3A_381, %mul3A_383 : vector<16xf32>
      %get3A_385 = arith.constant 0 : index
      %get3A_386 = tpu.vector_load %arg17[%get3A_385] {strides = array<i32>} : memref<9600xf32, #tpu.memory_space<vmem>>, vector<16xf32>,
      %get3A_387 = vector.shape_cast %get3A_386 : vector<16xf32> to vector<16xf32>
      %get3A_388 = arith.constant 0 : index
      %get3A_389 = tpu.vector_load %arg14[%get3A_388] {strides = array<i32>} : memref<9600xf32, #tpu.memory_space<vmem>>, vector<16xf32>,
      %get3A_390 = vector.shape_cast %get3A_389 : vector<16xf32> to vector<16xf32>
      %sub3A_391 = arith.subf %get3A_387, %get3A_390 : vector<16xf32>
      %mul3A_392 = arith.constant 1.280000e+02 : f32
      %mul3A_393 = vector.broadcast %mul3A_392 : f32 to vector<16xf32>
      %mul3A_394 = arith.mulf %sub3A_391, %mul3A_393 : vector<16xf32>
      %get3A_395 = arith.constant 0 : index
      %get3A_396 = tpu.vector_load %arg18[%get3A_395] {strides = array<i32>} : memref<9600xf32, #tpu.memory_space<vmem>>, vector<16xf32>,
      %get3A_397 = vector.shape_cast %get3A_396 : vector<16xf32> to vector<16xf32>
      %get3A_398 = arith.constant 0 : index
      %get3A_399 = tpu.vector_load %arg15[%get3A_398] {strides = array<i32>} : memref<9600xf32, #tpu.memory_space<vmem>>, vector<16xf32>,
      %get3A_400 = vector.shape_cast %get3A_399 : vector<16xf32> to vector<16xf32>
      %sub3A_401 = arith.subf %get3A_397, %get3A_400 : vector<16xf32>
      %mul3A_402 = arith.constant 1.280000e+02 : f32
      %mul3A_403 = vector.broadcast %mul3A_402 : f32 to vector<16xf32>
      %mul3A_404 = arith.mulf %sub3A_401, %mul3A_403 : vector<16xf32>
      %mul3A_405 = arith.constant 16 : i32
      %mul3A_406 = arith.muli %add3A_356, %mul3A_405 : i32
      %get3A_407 = arith.index_cast %mul3A_406 : i32 to index
      %get3A_408 = tpu.vector_load %arg21[%get3A_407] {strides = array<i32>} : memref<1024xf32, #tpu.memory_space<vmem>>, vector<16xf32>,
      %get3A_409 = vector.shape_cast %get3A_408 : vector<16xf32> to vector<16xf32>
      %mul3A_410 = arith.mulf %get3A_409, %mul3A_384 : vector<16xf32>
      %add3A_411 = arith.addf %mul3A_362, %mul3A_410 : vector<16xf32>
      %mul3A_412 = arith.mulf %get3A_409, %mul3A_394 : vector<16xf32>
      %add3A_413 = arith.addf %mul3A_368, %mul3A_412 : vector<16xf32>
      %mul3A_414 = arith.mulf %get3A_409, %mul3A_404 : vector<16xf32>
      %add3A_415 = arith.addf %mul3A_374, %mul3A_414 : vector<16xf32>
      %min3A_416 = arith.minimumf %add3A_413, %add3A_415 : vector<16xf32>
      %min3A_417 = arith.minimumf %add3A_411, %min3A_416 : vector<16xf32>
      %max3A_418 = arith.maximumf %add3A_413, %add3A_415 : vector<16xf32>
      %max3A_419 = arith.maximumf %add3A_411, %max3A_418 : vector<16xf32>
      %ge3A_420 = arith.constant 0.000000e+00 : f32
      %ge3A_421 = vector.broadcast %ge3A_420 : f32 to vector<16xf32>
      %ge3A_422 = arith.cmpf oge, %min3A_417, %ge3A_421 : vector<16xf32>
      %lt3A_423 = arith.constant 1.280000e+02 : f32
      %lt3A_424 = vector.broadcast %lt3A_423 : f32 to vector<16xf32>
      %lt3A_425 = arith.cmpf olt, %max3A_419, %lt3A_424 : vector<16xf32>
      %and3A_426 = arith.andi %ge3A_422, %lt3A_425 : vector<16xi1>
      %convert_element_type3A_427 = arith.fptosi %add3A_411 : vector<16xf32> to vector<16xi32>
      %convert_element_type3A_428 = arith.fptosi %add3A_413 : vector<16xf32> to vector<16xi32>
      %convert_element_type3A_429 = arith.fptosi %add3A_415 : vector<16xf32> to vector<16xi32>
      %mul3A_430 = arith.constant 128 : i32
      %mul3A_431 = vector.broadcast %mul3A_430 : i32 to vector<16xi32>
      %mul3A_432 = arith.muli %convert_element_type3A_427, %mul3A_431 : vector<16xi32>
      %add3A_433 = arith.addi %mul3A_432, %convert_element_type3A_428 : vector<16xi32>
      %mul3A_434 = arith.constant 128 : i32
      %mul3A_435 = vector.broadcast %mul3A_434 : i32 to vector<16xi32>
      %mul3A_436 = arith.muli %add3A_433, %mul3A_435 : vector<16xi32>
      %add3A_437 = arith.addi %mul3A_436, %convert_element_type3A_429 : vector<16xi32>
      %jit3A_438 = arith.constant 0 : i32
      %jit3A_439 = arith.constant 2097151 : i32
      %max3A_440 = vector.broadcast %jit3A_438 : i32 to vector<16xi32>
      %max3A_441 = arith.maxsi %max3A_440, %add3A_437 : vector<16xi32>
      %min3A_442 = vector.broadcast %jit3A_439 : i32 to vector<16xi32>
      %min3A_443 = arith.minsi %min3A_442, %max3A_441 : vector<16xi32>
      %mul3A_444 = arith.constant 16 : i32
      %mul3A_445 = arith.muli %add3A_356, %mul3A_444 : i32
      %swap3A_446 = arith.index_cast %mul3A_445 : i32 to index
      %swap3A_447 = tpu.vector_load %arg22[%swap3A_446] {strides = array<i32>} : memref<1024xi32, #tpu.memory_space<vmem>>, vector<16xi32>,
      %swap3A_448 = vector.shape_cast %swap3A_447 : vector<16xi32> to vector<16xi32>
      %swap3A_449 = vector.shape_cast %min3A_443 : vector<16xi32> to vector<16xi32>
      tpu.vector_store %arg22[%swap3A_446], %swap3A_449 {strides = array<i32>} : memref<1024xi32, #tpu.memory_space<vmem>>, vector<16xi32>,
      %jit3A_450 = arith.constant -1 : i32
      %broadcast_in_dim3A_451 = vector.broadcast %jit3A_450 : i32 to vector<16xi32>
      %select_n3A_452 = arith.select %and3A_426, %add3A_437, %broadcast_in_dim3A_451 : vector<16xi1>, vector<16xi32>
      %swap3A_453 = arith.index_cast %mul3A_445 : i32 to index
      %swap3A_454 = tpu.vector_load %arg24[%swap3A_453] {strides = array<i32>} : memref<1024xi32, #tpu.memory_space<vmem>>, vector<16xi32>,
      %swap3A_455 = vector.shape_cast %swap3A_454 : vector<16xi32> to vector<16xi32>
      %swap3A_456 = vector.shape_cast %select_n3A_452 : vector<16xi32> to vector<16xi32>
      tpu.vector_store %arg24[%swap3A_453], %swap3A_456 {strides = array<i32>} : memref<1024xi32, #tpu.memory_space<vmem>>, vector<16xi32>,
      %jit3A_457 = arith.constant 1.000000e+00 : f32
      %jit3A_458 = arith.constant 0.000000e+00 : f32
      %broadcast_in_dim3A_459 = vector.broadcast %jit3A_457 : f32 to vector<16xf32>
      %broadcast_in_dim3A_460 = vector.broadcast %jit3A_458 : f32 to vector<16xf32>
      %select_n3A_461 = arith.select %and3A_426, %broadcast_in_dim3A_459, %broadcast_in_dim3A_460 : vector<16xi1>, vector<16xf32>
      %swap3A_462 = arith.index_cast %mul3A_445 : i32 to index
      %swap3A_463 = tpu.vector_load %arg26[%swap3A_462] {strides = array<i32>} : memref<1024xf32, #tpu.memory_space<vmem>>, vector<16xf32>,
      %swap3A_464 = vector.shape_cast %swap3A_463 : vector<16xf32> to vector<16xf32>
      %swap3A_465 = vector.shape_cast %select_n3A_461 : vector<16xf32> to vector<16xf32>
      tpu.vector_store %arg26[%swap3A_462], %swap3A_465 {strides = array<i32>} : memref<1024xf32, #tpu.memory_space<vmem>>, vector<16xf32>,
    }
    %scan3A_8 = arith.constant 64 : i32
    %dma_start3A = arith.constant 0 : i32
    %dma_start3A_9 = tpu.memref_slice %arg10[%dma_start3A] : memref<2097152xf32, #tpu.memory_space<hbm>> -> memref<2097152xf32, #tpu.memory_space<hbm>>
    tpu.enqueue_indirect_dma source(%dma_start3A_9 : memref<2097152xf32, #tpu.memory_space<hbm>>) target(%arg28 : memref<1024xf32, #tpu.memory_space<vmem>>) offsets(%arg22 : memref<1024xi32, #tpu.memory_space<vmem>>) semaphore(%arg30 : memref<!tpu.dma_semaphore, #tpu.memory_space<semaphore_mem>>)
    %add3A_10 = arith.constant 0 : i32
    %add3A_11 = arith.addi %mul3A_4, %add3A_10 : i32
    %dma_start3A_12 = tpu.memref_slice %arg12[%add3A_11] : memref<19660800xi32, #tpu.memory_space<hbm>> -> memref<1024xi32, #tpu.memory_space<hbm>>
    %dma_start3A_13 = tpu.memref_slice %arg12[%add3A_11] : memref<19660800xi32, #tpu.memory_space<hbm>> -> memref<1024xi32, #tpu.memory_space<hbm>>
    tpu.enqueue_dma source(%arg24 : memref<1024xi32, #tpu.memory_space<vmem>>) target(%dma_start3A_13 : memref<1024xi32, #tpu.memory_space<hbm>>) target_semaphore(%arg32 : memref<!tpu.dma_semaphore, #tpu.memory_space<semaphore_mem>>)
    %scan3A_14 = arith.constant 0 : i32
    %scan3A_15 = arith.constant 300 : i32
    %scan3A_16 = arith.addi %scan3A_14, %scan3A_15 : i32
    %scan3A_17 = arith.constant 1 : i32
    scf.for %scan3A_19 = %scan3A_14 to %scan3A_16 step %scan3A_17  : i32 {
      %mul3A_20 = arith.constant 2 : i32
      %mul3A_21 = arith.muli %scan3A_19, %mul3A_20 : i32
      %add3A_22 = arith.constant 0 : i32
      %add3A_23 = arith.addi %add3A_22, %mul3A_21 : i32
      %add3A_24 = arith.constant 1 : i32
      %add3A_25 = arith.addi %add3A_23, %add3A_24 : i32
      %scan3A_26 = arith.constant 0 : i32
      %scan3A_27 = arith.constant 64 : i32
      %scan3A_28 = arith.addi %scan3A_26, %scan3A_27 : i32
      %scan3A_29 = arith.constant 4 : i32
      scf.for %scan3A_99 = %scan3A_26 to %scan3A_28 step %scan3A_29  : i32 {
        %mul3A_100 = arith.constant 1 : i32
        %mul3A_101 = arith.muli %scan3A_99, %mul3A_100 : i32
        %add3A_102 = arith.constant 0 : i32
        %add3A_103 = arith.addi %add3A_102, %mul3A_101 : i32
        %mul3A_104 = arith.constant 16 : i32
        %mul3A_105 = arith.muli %add3A_25, %mul3A_104 : i32
        %get3A_106 = arith.index_cast %mul3A_105 : i32 to index
        %get3A_107 = tpu.vector_load %arg13[%get3A_106] {strides = array<i32>} : memref<9600xf32, #tpu.memory_space<vmem>>, vector<16xf32>,
        %get3A_108 = vector.shape_cast %get3A_107 : vector<16xf32> to vector<16xf32>
        %mul3A_109 = arith.constant 1.280000e+02 : f32
        %mul3A_110 = vector.broadcast %mul3A_109 : f32 to vector<16xf32>
        %mul3A_111 = arith.mulf %get3A_108, %mul3A_110 : vector<16xf32>
        %get3A_112 = arith.index_cast %mul3A_105 : i32 to index
        %get3A_113 = tpu.vector_load %arg14[%get3A_112] {strides = array<i32>} : memref<9600xf32, #tpu.memory_space<vmem>>, vector<16xf32>,
        %get3A_114 = vector.shape_cast %get3A_113 : vector<16xf32> to vector<16xf32>
        %mul3A_115 = arith.constant 1.280000e+02 : f32
        %mul3A_116 = vector.broadcast %mul3A_115 : f32 to vector<16xf32>
        %mul3A_117 = arith.mulf %get3A_114, %mul3A_116 : vector<16xf32>
        %get3A_118 = arith.index_cast %mul3A_105 : i32 to index
        %get3A_119 = tpu.vector_load %arg15[%get3A_118] {strides = array<i32>} : memref<9600xf32, #tpu.memory_space<vmem>>, vector<16xf32>,
        %get3A_120 = vector.shape_cast %get3A_119 : vector<16xf32> to vector<16xf32>
        %mul3A_121 = arith.constant 1.280000e+02 : f32
        %mul3A_122 = vector.broadcast %mul3A_121 : f32 to vector<16xf32>
        %mul3A_123 = arith.mulf %get3A_120, %mul3A_122 : vector<16xf32>
        %get3A_124 = arith.index_cast %mul3A_105 : i32 to index
        %get3A_125 = tpu.vector_load %arg16[%get3A_124] {strides = array<i32>} : memref<9600xf32, #tpu.memory_space<vmem>>, vector<16xf32>,
        %get3A_126 = vector.shape_cast %get3A_125 : vector<16xf32> to vector<16xf32>
        %get3A_127 = arith.index_cast %mul3A_105 : i32 to index
        %get3A_128 = tpu.vector_load %arg13[%get3A_127] {strides = array<i32>} : memref<9600xf32, #tpu.memory_space<vmem>>, vector<16xf32>,
        %get3A_129 = vector.shape_cast %get3A_128 : vector<16xf32> to vector<16xf32>
        %sub3A = arith.subf %get3A_126, %get3A_129 : vector<16xf32>
        %mul3A_130 = arith.constant 1.280000e+02 : f32
        %mul3A_131 = vector.broadcast %mul3A_130 : f32 to vector<16xf32>
        %mul3A_132 = arith.mulf %sub3A, %mul3A_131 : vector<16xf32>
        %get3A_133 = arith.index_cast %mul3A_105 : i32 to index
        %get3A_134 = tpu.vector_load %arg17[%get3A_133] {strides = array<i32>} : memref<9600xf32, #tpu.memory_space<vmem>>, vector<16xf32>,
        %get3A_135 = vector.shape_cast %get3A_134 : vector<16xf32> to vector<16xf32>
        %get3A_136 = arith.index_cast %mul3A_105 : i32 to index
        %get3A_137 = tpu.vector_load %arg14[%get3A_136] {strides = array<i32>} : memref<9600xf32, #tpu.memory_space<vmem>>, vector<16xf32>,
        %get3A_138 = vector.shape_cast %get3A_137 : vector<16xf32> to vector<16xf32>
        %sub3A_139 = arith.subf %get3A_135, %get3A_138 : vector<16xf32>
        %mul3A_140 = arith.constant 1.280000e+02 : f32
        %mul3A_141 = vector.broadcast %mul3A_140 : f32 to vector<16xf32>
        %mul3A_142 = arith.mulf %sub3A_139, %mul3A_141 : vector<16xf32>
        %get3A_143 = arith.index_cast %mul3A_105 : i32 to index
        %get3A_144 = tpu.vector_load %arg18[%get3A_143] {strides = array<i32>} : memref<9600xf32, #tpu.memory_space<vmem>>, vector<16xf32>,
        %get3A_145 = vector.shape_cast %get3A_144 : vector<16xf32> to vector<16xf32>
        %get3A_146 = arith.index_cast %mul3A_105 : i32 to index
        %get3A_147 = tpu.vector_load %arg15[%get3A_146] {strides = array<i32>} : memref<9600xf32, #tpu.memory_space<vmem>>, vector<16xf32>,
        %get3A_148 = vector.shape_cast %get3A_147 : vector<16xf32> to vector<16xf32>
        %sub3A_149 = arith.subf %get3A_145, %get3A_148 : vector<16xf32>
        %mul3A_150 = arith.constant 1.280000e+02 : f32
        %mul3A_151 = vector.broadcast %mul3A_150 : f32 to vector<16xf32>
        %mul3A_152 = arith.mulf %sub3A_149, %mul3A_151 : vector<16xf32>
        %mul3A_153 = arith.constant 16 : i32
        %mul3A_154 = arith.muli %add3A_103, %mul3A_153 : i32
        %get3A_155 = arith.index_cast %mul3A_154 : i32 to index
        %get3A_156 = tpu.vector_load %arg21[%get3A_155] {strides = array<i32>} : memref<1024xf32, #tpu.memory_space<vmem>>, vector<16xf32>,
        %get3A_157 = vector.shape_cast %get3A_156 : vector<16xf32> to vector<16xf32>
        %mul3A_158 = arith.mulf %get3A_157, %mul3A_132 : vector<16xf32>
        %add3A_159 = arith.addf %mul3A_111, %mul3A_158 : vector<16xf32>
        %mul3A_160 = arith.mulf %get3A_157, %mul3A_142 : vector<16xf32>
        %add3A_161 = arith.addf %mul3A_117, %mul3A_160 : vector<16xf32>
        %mul3A_162 = arith.mulf %get3A_157, %mul3A_152 : vector<16xf32>
        %add3A_163 = arith.addf %mul3A_123, %mul3A_162 : vector<16xf32>
        %min3A = arith.minimumf %add3A_161, %add3A_163 : vector<16xf32>
        %min3A_164 = arith.minimumf %add3A_159, %min3A : vector<16xf32>
        %max3A = arith.maximumf %add3A_161, %add3A_163 : vector<16xf32>
        %max3A_165 = arith.maximumf %add3A_159, %max3A : vector<16xf32>
        %ge3A = arith.constant 0.000000e+00 : f32
        %ge3A_166 = vector.broadcast %ge3A : f32 to vector<16xf32>
        %ge3A_167 = arith.cmpf oge, %min3A_164, %ge3A_166 : vector<16xf32>
        %lt3A_168 = arith.constant 1.280000e+02 : f32
        %lt3A_169 = vector.broadcast %lt3A_168 : f32 to vector<16xf32>
        %lt3A_170 = arith.cmpf olt, %max3A_165, %lt3A_169 : vector<16xf32>
        %and3A = arith.andi %ge3A_167, %lt3A_170 : vector<16xi1>
        %convert_element_type3A_171 = arith.fptosi %add3A_159 : vector<16xf32> to vector<16xi32>
        %convert_element_type3A_172 = arith.fptosi %add3A_161 : vector<16xf32> to vector<16xi32>
        %convert_element_type3A_173 = arith.fptosi %add3A_163 : vector<16xf32> to vector<16xi32>
        %mul3A_174 = arith.constant 128 : i32
        %mul3A_175 = vector.broadcast %mul3A_174 : i32 to vector<16xi32>
        %mul3A_176 = arith.muli %convert_element_type3A_171, %mul3A_175 : vector<16xi32>
        %add3A_177 = arith.addi %mul3A_176, %convert_element_type3A_172 : vector<16xi32>
        %mul3A_178 = arith.constant 128 : i32
        %mul3A_179 = vector.broadcast %mul3A_178 : i32 to vector<16xi32>
        %mul3A_180 = arith.muli %add3A_177, %mul3A_179 : vector<16xi32>
        %add3A_181 = arith.addi %mul3A_180, %convert_element_type3A_173 : vector<16xi32>
        %jit3A = arith.constant 0 : i32
        %jit3A_182 = arith.constant 2097151 : i32
        %max3A_183 = vector.broadcast %jit3A : i32 to vector<16xi32>
        %max3A_184 = arith.maxsi %max3A_183, %add3A_181 : vector<16xi32>
        %min3A_185 = vector.broadcast %jit3A_182 : i32 to vector<16xi32>
        %min3A_186 = arith.minsi %min3A_185, %max3A_184 : vector<16xi32>
        %mul3A_187 = arith.constant 16 : i32
        %mul3A_188 = arith.muli %add3A_103, %mul3A_187 : i32
        %swap3A_189 = arith.index_cast %mul3A_188 : i32 to index
        %swap3A_190 = tpu.vector_load %arg23[%swap3A_189] {strides = array<i32>} : memref<1024xi32, #tpu.memory_space<vmem>>, vector<16xi32>,
        %swap3A_191 = vector.shape_cast %swap3A_190 : vector<16xi32> to vector<16xi32>
        %swap3A_192 = vector.shape_cast %min3A_186 : vector<16xi32> to vector<16xi32>
        tpu.vector_store %arg23[%swap3A_189], %swap3A_192 {strides = array<i32>} : memref<1024xi32, #tpu.memory_space<vmem>>, vector<16xi32>,
        %jit3A_193 = arith.constant -1 : i32
        %broadcast_in_dim3A_194 = vector.broadcast %jit3A_193 : i32 to vector<16xi32>
        %select_n3A = arith.select %and3A, %add3A_181, %broadcast_in_dim3A_194 : vector<16xi1>, vector<16xi32>
        %swap3A_195 = arith.index_cast %mul3A_188 : i32 to index
        %swap3A_196 = tpu.vector_load %arg25[%swap3A_195] {strides = array<i32>} : memref<1024xi32, #tpu.memory_space<vmem>>, vector<16xi32>,
        %swap3A_197 = vector.shape_cast %swap3A_196 : vector<16xi32> to vector<16xi32>
        %swap3A_198 = vector.shape_cast %select_n3A : vector<16xi32> to vector<16xi32>
        tpu.vector_store %arg25[%swap3A_195], %swap3A_198 {strides = array<i32>} : memref<1024xi32, #tpu.memory_space<vmem>>, vector<16xi32>,
        %jit3A_199 = arith.constant 1.000000e+00 : f32
        %jit3A_200 = arith.constant 0.000000e+00 : f32
        %broadcast_in_dim3A_201 = vector.broadcast %jit3A_199 : f32 to vector<16xf32>
        %broadcast_in_dim3A_202 = vector.broadcast %jit3A_200 : f32 to vector<16xf32>
        %select_n3A_203 = arith.select %and3A, %broadcast_in_dim3A_201, %broadcast_in_dim3A_202 : vector<16xi1>, vector<16xf32>
        %swap3A_204 = arith.index_cast %mul3A_188 : i32 to index
        %swap3A_205 = tpu.vector_load %arg27[%swap3A_204] {strides = array<i32>} : memref<1024xf32, #tpu.memory_space<vmem>>, vector<16xf32>,
        %swap3A_206 = vector.shape_cast %swap3A_205 : vector<16xf32> to vector<16xf32>
        %swap3A_207 = vector.shape_cast %select_n3A_203 : vector<16xf32> to vector<16xf32>
        tpu.vector_store %arg27[%swap3A_204], %swap3A_207 {strides = array<i32>} : memref<1024xf32, #tpu.memory_space<vmem>>, vector<16xf32>,
        %scan3A_208 = arith.constant 1 : i32
        %scan3A_209 = arith.addi %scan3A_99, %scan3A_208 : i32
        %mul3A_210 = arith.constant 1 : i32
        %mul3A_211 = arith.muli %scan3A_209, %mul3A_210 : i32
        %add3A_212 = arith.constant 0 : i32
        %add3A_213 = arith.addi %add3A_212, %mul3A_211 : i32
        %mul3A_214 = arith.constant 16 : i32
        %mul3A_215 = arith.muli %add3A_25, %mul3A_214 : i32
        %get3A_216 = arith.index_cast %mul3A_215 : i32 to index
        %get3A_217 = tpu.vector_load %arg13[%get3A_216] {strides = array<i32>} : memref<9600xf32, #tpu.memory_space<vmem>>, vector<16xf32>,
        %get3A_218 = vector.shape_cast %get3A_217 : vector<16xf32> to vector<16xf32>
        %mul3A_219 = arith.constant 1.280000e+02 : f32
        %mul3A_220 = vector.broadcast %mul3A_219 : f32 to vector<16xf32>
        %mul3A_221 = arith.mulf %get3A_218, %mul3A_220 : vector<16xf32>
        %get3A_222 = arith.index_cast %mul3A_215 : i32 to index
        %get3A_223 = tpu.vector_load %arg14[%get3A_222] {strides = array<i32>} : memref<9600xf32, #tpu.memory_space<vmem>>, vector<16xf32>,
        %get3A_224 = vector.shape_cast %get3A_223 : vector<16xf32> to vector<16xf32>
        %mul3A_225 = arith.constant 1.280000e+02 : f32
        %mul3A_226 = vector.broadcast %mul3A_225 : f32 to vector<16xf32>
        %mul3A_227 = arith.mulf %get3A_224, %mul3A_226 : vector<16xf32>
        %get3A_228 = arith.index_cast %mul3A_215 : i32 to index
        %get3A_229 = tpu.vector_load %arg15[%get3A_228] {strides = array<i32>} : memref<9600xf32, #tpu.memory_space<vmem>>, vector<16xf32>,
        %get3A_230 = vector.shape_cast %get3A_229 : vector<16xf32> to vector<16xf32>
        %mul3A_231 = arith.constant 1.280000e+02 : f32
        %mul3A_232 = vector.broadcast %mul3A_231 : f32 to vector<16xf32>
        %mul3A_233 = arith.mulf %get3A_230, %mul3A_232 : vector<16xf32>
        %get3A_234 = arith.index_cast %mul3A_215 : i32 to index
        %get3A_235 = tpu.vector_load %arg16[%get3A_234] {strides = array<i32>} : memref<9600xf32, #tpu.memory_space<vmem>>, vector<16xf32>,
        %get3A_236 = vector.shape_cast %get3A_235 : vector<16xf32> to vector<16xf32>
        %get3A_237 = arith.index_cast %mul3A_215 : i32 to index
        %get3A_238 = tpu.vector_load %arg13[%get3A_237] {strides = array<i32>} : memref<9600xf32, #tpu.memory_space<vmem>>, vector<16xf32>,
        %get3A_239 = vector.shape_cast %get3A_238 : vector<16xf32> to vector<16xf32>
        %sub3A_240 = arith.subf %get3A_236, %get3A_239 : vector<16xf32>
        %mul3A_241 = arith.constant 1.280000e+02 : f32
        %mul3A_242 = vector.broadcast %mul3A_241 : f32 to vector<16xf32>
        %mul3A_243 = arith.mulf %sub3A_240, %mul3A_242 : vector<16xf32>
        %get3A_244 = arith.index_cast %mul3A_215 : i32 to index
        %get3A_245 = tpu.vector_load %arg17[%get3A_244] {strides = array<i32>} : memref<9600xf32, #tpu.memory_space<vmem>>, vector<16xf32>,
        %get3A_246 = vector.shape_cast %get3A_245 : vector<16xf32> to vector<16xf32>
        %get3A_247 = arith.index_cast %mul3A_215 : i32 to index
        %get3A_248 = tpu.vector_load %arg14[%get3A_247] {strides = array<i32>} : memref<9600xf32, #tpu.memory_space<vmem>>, vector<16xf32>,
        %get3A_249 = vector.shape_cast %get3A_248 : vector<16xf32> to vector<16xf32>
        %sub3A_250 = arith.subf %get3A_246, %get3A_249 : vector<16xf32>
        %mul3A_251 = arith.constant 1.280000e+02 : f32
        %mul3A_252 = vector.broadcast %mul3A_251 : f32 to vector<16xf32>
        %mul3A_253 = arith.mulf %sub3A_250, %mul3A_252 : vector<16xf32>
        %get3A_254 = arith.index_cast %mul3A_215 : i32 to index
        %get3A_255 = tpu.vector_load %arg18[%get3A_254] {strides = array<i32>} : memref<9600xf32, #tpu.memory_space<vmem>>, vector<16xf32>,
        %get3A_256 = vector.shape_cast %get3A_255 : vector<16xf32> to vector<16xf32>
        %get3A_257 = arith.index_cast %mul3A_215 : i32 to index
        %get3A_258 = tpu.vector_load %arg15[%get3A_257] {strides = array<i32>} : memref<9600xf32, #tpu.memory_space<vmem>>, vector<16xf32>,
        %get3A_259 = vector.shape_cast %get3A_258 : vector<16xf32> to vector<16xf32>
        %sub3A_260 = arith.subf %get3A_256, %get3A_259 : vector<16xf32>
        %mul3A_261 = arith.constant 1.280000e+02 : f32
        %mul3A_262 = vector.broadcast %mul3A_261 : f32 to vector<16xf32>
        %mul3A_263 = arith.mulf %sub3A_260, %mul3A_262 : vector<16xf32>
        %mul3A_264 = arith.constant 16 : i32
        %mul3A_265 = arith.muli %add3A_213, %mul3A_264 : i32
        %get3A_266 = arith.index_cast %mul3A_265 : i32 to index
        %get3A_267 = tpu.vector_load %arg21[%get3A_266] {strides = array<i32>} : memref<1024xf32, #tpu.memory_space<vmem>>, vector<16xf32>,
        %get3A_268 = vector.shape_cast %get3A_267 : vector<16xf32> to vector<16xf32>
        %mul3A_269 = arith.mulf %get3A_268, %mul3A_243 : vector<16xf32>
        %add3A_270 = arith.addf %mul3A_221, %mul3A_269 : vector<16xf32>
        %mul3A_271 = arith.mulf %get3A_268, %mul3A_253 : vector<16xf32>
        %add3A_272 = arith.addf %mul3A_227, %mul3A_271 : vector<16xf32>
        %mul3A_273 = arith.mulf %get3A_268, %mul3A_263 : vector<16xf32>
        %add3A_274 = arith.addf %mul3A_233, %mul3A_273 : vector<16xf32>
        %min3A_275 = arith.minimumf %add3A_272, %add3A_274 : vector<16xf32>
        %min3A_276 = arith.minimumf %add3A_270, %min3A_275 : vector<16xf32>
        %max3A_277 = arith.maximumf %add3A_272, %add3A_274 : vector<16xf32>
        %max3A_278 = arith.maximumf %add3A_270, %max3A_277 : vector<16xf32>
        %ge3A_279 = arith.constant 0.000000e+00 : f32
        %ge3A_280 = vector.broadcast %ge3A_279 : f32 to vector<16xf32>
        %ge3A_281 = arith.cmpf oge, %min3A_276, %ge3A_280 : vector<16xf32>
        %lt3A_282 = arith.constant 1.280000e+02 : f32
        %lt3A_283 = vector.broadcast %lt3A_282 : f32 to vector<16xf32>
        %lt3A_284 = arith.cmpf olt, %max3A_278, %lt3A_283 : vector<16xf32>
        %and3A_285 = arith.andi %ge3A_281, %lt3A_284 : vector<16xi1>
        %convert_element_type3A_286 = arith.fptosi %add3A_270 : vector<16xf32> to vector<16xi32>
        %convert_element_type3A_287 = arith.fptosi %add3A_272 : vector<16xf32> to vector<16xi32>
        %convert_element_type3A_288 = arith.fptosi %add3A_274 : vector<16xf32> to vector<16xi32>
        %mul3A_289 = arith.constant 128 : i32
        %mul3A_290 = vector.broadcast %mul3A_289 : i32 to vector<16xi32>
        %mul3A_291 = arith.muli %convert_element_type3A_286, %mul3A_290 : vector<16xi32>
        %add3A_292 = arith.addi %mul3A_291, %convert_element_type3A_287 : vector<16xi32>
        %mul3A_293 = arith.constant 128 : i32
        %mul3A_294 = vector.broadcast %mul3A_293 : i32 to vector<16xi32>
        %mul3A_295 = arith.muli %add3A_292, %mul3A_294 : vector<16xi32>
        %add3A_296 = arith.addi %mul3A_295, %convert_element_type3A_288 : vector<16xi32>
        %jit3A_297 = arith.constant 0 : i32
        %jit3A_298 = arith.constant 2097151 : i32
        %max3A_299 = vector.broadcast %jit3A_297 : i32 to vector<16xi32>
        %max3A_300 = arith.maxsi %max3A_299, %add3A_296 : vector<16xi32>
        %min3A_301 = vector.broadcast %jit3A_298 : i32 to vector<16xi32>
        %min3A_302 = arith.minsi %min3A_301, %max3A_300 : vector<16xi32>
        %mul3A_303 = arith.constant 16 : i32
        %mul3A_304 = arith.muli %add3A_213, %mul3A_303 : i32
        %swap3A_305 = arith.index_cast %mul3A_304 : i32 to index
        %swap3A_306 = tpu.vector_load %arg23[%swap3A_305] {strides = array<i32>} : memref<1024xi32, #tpu.memory_space<vmem>>, vector<16xi32>,
        %swap3A_307 = vector.shape_cast %swap3A_306 : vector<16xi32> to vector<16xi32>
        %swap3A_308 = vector.shape_cast %min3A_302 : vector<16xi32> to vector<16xi32>
        tpu.vector_store %arg23[%swap3A_305], %swap3A_308 {strides = array<i32>} : memref<1024xi32, #tpu.memory_space<vmem>>, vector<16xi32>,
        %jit3A_309 = arith.constant -1 : i32
        %broadcast_in_dim3A_310 = vector.broadcast %jit3A_309 : i32 to vector<16xi32>
        %select_n3A_311 = arith.select %and3A_285, %add3A_296, %broadcast_in_dim3A_310 : vector<16xi1>, vector<16xi32>
        %swap3A_312 = arith.index_cast %mul3A_304 : i32 to index
        %swap3A_313 = tpu.vector_load %arg25[%swap3A_312] {strides = array<i32>} : memref<1024xi32, #tpu.memory_space<vmem>>, vector<16xi32>,
        %swap3A_314 = vector.shape_cast %swap3A_313 : vector<16xi32> to vector<16xi32>
        %swap3A_315 = vector.shape_cast %select_n3A_311 : vector<16xi32> to vector<16xi32>
        tpu.vector_store %arg25[%swap3A_312], %swap3A_315 {strides = array<i32>} : memref<1024xi32, #tpu.memory_space<vmem>>, vector<16xi32>,
        %jit3A_316 = arith.constant 1.000000e+00 : f32
        %jit3A_317 = arith.constant 0.000000e+00 : f32
        %broadcast_in_dim3A_318 = vector.broadcast %jit3A_316 : f32 to vector<16xf32>
        %broadcast_in_dim3A_319 = vector.broadcast %jit3A_317 : f32 to vector<16xf32>
        %select_n3A_320 = arith.select %and3A_285, %broadcast_in_dim3A_318, %broadcast_in_dim3A_319 : vector<16xi1>, vector<16xf32>
        %swap3A_321 = arith.index_cast %mul3A_304 : i32 to index
        %swap3A_322 = tpu.vector_load %arg27[%swap3A_321] {strides = array<i32>} : memref<1024xf32, #tpu.memory_space<vmem>>, vector<16xf32>,
        %swap3A_323 = vector.shape_cast %swap3A_322 : vector<16xf32> to vector<16xf32>
        %swap3A_324 = vector.shape_cast %select_n3A_320 : vector<16xf32> to vector<16xf32>
        tpu.vector_store %arg27[%swap3A_321], %swap3A_324 {strides = array<i32>} : memref<1024xf32, #tpu.memory_space<vmem>>, vector<16xf32>,
        %scan3A_325 = arith.constant 2 : i32
        %scan3A_326 = arith.addi %scan3A_99, %scan3A_325 : i32
        %mul3A_327 = arith.constant 1 : i32
        %mul3A_328 = arith.muli %scan3A_326, %mul3A_327 : i32
        %add3A_329 = arith.constant 0 : i32
        %add3A_330 = arith.addi %add3A_329, %mul3A_328 : i32
        %mul3A_331 = arith.constant 16 : i32
        %mul3A_332 = arith.muli %add3A_25, %mul3A_331 : i32
        %get3A_333 = arith.index_cast %mul3A_332 : i32 to index
        %get3A_334 = tpu.vector_load %arg13[%get3A_333] {strides = array<i32>} : memref<9600xf32, #tpu.memory_space<vmem>>, vector<16xf32>,
        %get3A_335 = vector.shape_cast %get3A_334 : vector<16xf32> to vector<16xf32>
        %mul3A_336 = arith.constant 1.280000e+02 : f32
        %mul3A_337 = vector.broadcast %mul3A_336 : f32 to vector<16xf32>
        %mul3A_338 = arith.mulf %get3A_335, %mul3A_337 : vector<16xf32>
        %get3A_339 = arith.index_cast %mul3A_332 : i32 to index
        %get3A_340 = tpu.vector_load %arg14[%get3A_339] {strides = array<i32>} : memref<9600xf32, #tpu.memory_space<vmem>>, vector<16xf32>,
        %get3A_341 = vector.shape_cast %get3A_340 : vector<16xf32> to vector<16xf32>
        %mul3A_342 = arith.constant 1.280000e+02 : f32
        %mul3A_343 = vector.broadcast %mul3A_342 : f32 to vector<16xf32>
        %mul3A_344 = arith.mulf %get3A_341, %mul3A_343 : vector<16xf32>
        %get3A_345 = arith.index_cast %mul3A_332 : i32 to index
        %get3A_346 = tpu.vector_load %arg15[%get3A_345] {strides = array<i32>} : memref<9600xf32, #tpu.memory_space<vmem>>, vector<16xf32>,
        %get3A_347 = vector.shape_cast %get3A_346 : vector<16xf32> to vector<16xf32>
        %mul3A_348 = arith.constant 1.280000e+02 : f32
        %mul3A_349 = vector.broadcast %mul3A_348 : f32 to vector<16xf32>
        %mul3A_350 = arith.mulf %get3A_347, %mul3A_349 : vector<16xf32>
        %get3A_351 = arith.index_cast %mul3A_332 : i32 to index
        %get3A_352 = tpu.vector_load %arg16[%get3A_351] {strides = array<i32>} : memref<9600xf32, #tpu.memory_space<vmem>>, vector<16xf32>,
        %get3A_353 = vector.shape_cast %get3A_352 : vector<16xf32> to vector<16xf32>
        %get3A_354 = arith.index_cast %mul3A_332 : i32 to index
        %get3A_355 = tpu.vector_load %arg13[%get3A_354] {strides = array<i32>} : memref<9600xf32, #tpu.memory_space<vmem>>, vector<16xf32>,
        %get3A_356 = vector.shape_cast %get3A_355 : vector<16xf32> to vector<16xf32>
        %sub3A_357 = arith.subf %get3A_353, %get3A_356 : vector<16xf32>
        %mul3A_358 = arith.constant 1.280000e+02 : f32
        %mul3A_359 = vector.broadcast %mul3A_358 : f32 to vector<16xf32>
        %mul3A_360 = arith.mulf %sub3A_357, %mul3A_359 : vector<16xf32>
        %get3A_361 = arith.index_cast %mul3A_332 : i32 to index
        %get3A_362 = tpu.vector_load %arg17[%get3A_361] {strides = array<i32>} : memref<9600xf32, #tpu.memory_space<vmem>>, vector<16xf32>,
        %get3A_363 = vector.shape_cast %get3A_362 : vector<16xf32> to vector<16xf32>
        %get3A_364 = arith.index_cast %mul3A_332 : i32 to index
        %get3A_365 = tpu.vector_load %arg14[%get3A_364] {strides = array<i32>} : memref<9600xf32, #tpu.memory_space<vmem>>, vector<16xf32>,
        %get3A_366 = vector.shape_cast %get3A_365 : vector<16xf32> to vector<16xf32>
        %sub3A_367 = arith.subf %get3A_363, %get3A_366 : vector<16xf32>
        %mul3A_368 = arith.constant 1.280000e+02 : f32
        %mul3A_369 = vector.broadcast %mul3A_368 : f32 to vector<16xf32>
        %mul3A_370 = arith.mulf %sub3A_367, %mul3A_369 : vector<16xf32>
        %get3A_371 = arith.index_cast %mul3A_332 : i32 to index
        %get3A_372 = tpu.vector_load %arg18[%get3A_371] {strides = array<i32>} : memref<9600xf32, #tpu.memory_space<vmem>>, vector<16xf32>,
        %get3A_373 = vector.shape_cast %get3A_372 : vector<16xf32> to vector<16xf32>
        %get3A_374 = arith.index_cast %mul3A_332 : i32 to index
        %get3A_375 = tpu.vector_load %arg15[%get3A_374] {strides = array<i32>} : memref<9600xf32, #tpu.memory_space<vmem>>, vector<16xf32>,
        %get3A_376 = vector.shape_cast %get3A_375 : vector<16xf32> to vector<16xf32>
        %sub3A_377 = arith.subf %get3A_373, %get3A_376 : vector<16xf32>
        %mul3A_378 = arith.constant 1.280000e+02 : f32
        %mul3A_379 = vector.broadcast %mul3A_378 : f32 to vector<16xf32>
        %mul3A_380 = arith.mulf %sub3A_377, %mul3A_379 : vector<16xf32>
        %mul3A_381 = arith.constant 16 : i32
        %mul3A_382 = arith.muli %add3A_330, %mul3A_381 : i32
        %get3A_383 = arith.index_cast %mul3A_382 : i32 to index
        %get3A_384 = tpu.vector_load %arg21[%get3A_383] {strides = array<i32>} : memref<1024xf32, #tpu.memory_space<vmem>>, vector<16xf32>,
        %get3A_385 = vector.shape_cast %get3A_384 : vector<16xf32> to vector<16xf32>
        %mul3A_386 = arith.mulf %get3A_385, %mul3A_360 : vector<16xf32>
        %add3A_387 = arith.addf %mul3A_338, %mul3A_386 : vector<16xf32>
        %mul3A_388 = arith.mulf %get3A_385, %mul3A_370 : vector<16xf32>
        %add3A_389 = arith.addf %mul3A_344, %mul3A_388 : vector<16xf32>
        %mul3A_390 = arith.mulf %get3A_385, %mul3A_380 : vector<16xf32>
        %add3A_391 = arith.addf %mul3A_350, %mul3A_390 : vector<16xf32>
        %min3A_392 = arith.minimumf %add3A_389, %add3A_391 : vector<16xf32>
        %min3A_393 = arith.minimumf %add3A_387, %min3A_392 : vector<16xf32>
        %max3A_394 = arith.maximumf %add3A_389, %add3A_391 : vector<16xf32>
        %max3A_395 = arith.maximumf %add3A_387, %max3A_394 : vector<16xf32>
        %ge3A_396 = arith.constant 0.000000e+00 : f32
        %ge3A_397 = vector.broadcast %ge3A_396 : f32 to vector<16xf32>
        %ge3A_398 = arith.cmpf oge, %min3A_393, %ge3A_397 : vector<16xf32>
        %lt3A_399 = arith.constant 1.280000e+02 : f32
        %lt3A_400 = vector.broadcast %lt3A_399 : f32 to vector<16xf32>
        %lt3A_401 = arith.cmpf olt, %max3A_395, %lt3A_400 : vector<16xf32>
        %and3A_402 = arith.andi %ge3A_398, %lt3A_401 : vector<16xi1>
        %convert_element_type3A_403 = arith.fptosi %add3A_387 : vector<16xf32> to vector<16xi32>
        %convert_element_type3A_404 = arith.fptosi %add3A_389 : vector<16xf32> to vector<16xi32>
        %convert_element_type3A_405 = arith.fptosi %add3A_391 : vector<16xf32> to vector<16xi32>
        %mul3A_406 = arith.constant 128 : i32
        %mul3A_407 = vector.broadcast %mul3A_406 : i32 to vector<16xi32>
        %mul3A_408 = arith.muli %convert_element_type3A_403, %mul3A_407 : vector<16xi32>
        %add3A_409 = arith.addi %mul3A_408, %convert_element_type3A_404 : vector<16xi32>
        %mul3A_410 = arith.constant 128 : i32
        %mul3A_411 = vector.broadcast %mul3A_410 : i32 to vector<16xi32>
        %mul3A_412 = arith.muli %add3A_409, %mul3A_411 : vector<16xi32>
        %add3A_413 = arith.addi %mul3A_412, %convert_element_type3A_405 : vector<16xi32>
        %jit3A_414 = arith.constant 0 : i32
        %jit3A_415 = arith.constant 2097151 : i32
        %max3A_416 = vector.broadcast %jit3A_414 : i32 to vector<16xi32>
        %max3A_417 = arith.maxsi %max3A_416, %add3A_413 : vector<16xi32>
        %min3A_418 = vector.broadcast %jit3A_415 : i32 to vector<16xi32>
        %min3A_419 = arith.minsi %min3A_418, %max3A_417 : vector<16xi32>
        %mul3A_420 = arith.constant 16 : i32
        %mul3A_421 = arith.muli %add3A_330, %mul3A_420 : i32
        %swap3A_422 = arith.index_cast %mul3A_421 : i32 to index
        %swap3A_423 = tpu.vector_load %arg23[%swap3A_422] {strides = array<i32>} : memref<1024xi32, #tpu.memory_space<vmem>>, vector<16xi32>,
        %swap3A_424 = vector.shape_cast %swap3A_423 : vector<16xi32> to vector<16xi32>
        %swap3A_425 = vector.shape_cast %min3A_419 : vector<16xi32> to vector<16xi32>
        tpu.vector_store %arg23[%swap3A_422], %swap3A_425 {strides = array<i32>} : memref<1024xi32, #tpu.memory_space<vmem>>, vector<16xi32>,
        %jit3A_426 = arith.constant -1 : i32
        %broadcast_in_dim3A_427 = vector.broadcast %jit3A_426 : i32 to vector<16xi32>
        %select_n3A_428 = arith.select %and3A_402, %add3A_413, %broadcast_in_dim3A_427 : vector<16xi1>, vector<16xi32>
        %swap3A_429 = arith.index_cast %mul3A_421 : i32 to index
        %swap3A_430 = tpu.vector_load %arg25[%swap3A_429] {strides = array<i32>} : memref<1024xi32, #tpu.memory_space<vmem>>, vector<16xi32>,
        %swap3A_431 = vector.shape_cast %swap3A_430 : vector<16xi32> to vector<16xi32>
        %swap3A_432 = vector.shape_cast %select_n3A_428 : vector<16xi32> to vector<16xi32>
        tpu.vector_store %arg25[%swap3A_429], %swap3A_432 {strides = array<i32>} : memref<1024xi32, #tpu.memory_space<vmem>>, vector<16xi32>,
        %jit3A_433 = arith.constant 1.000000e+00 : f32
        %jit3A_434 = arith.constant 0.000000e+00 : f32
        %broadcast_in_dim3A_435 = vector.broadcast %jit3A_433 : f32 to vector<16xf32>
        %broadcast_in_dim3A_436 = vector.broadcast %jit3A_434 : f32 to vector<16xf32>
        %select_n3A_437 = arith.select %and3A_402, %broadcast_in_dim3A_435, %broadcast_in_dim3A_436 : vector<16xi1>, vector<16xf32>
        %swap3A_438 = arith.index_cast %mul3A_421 : i32 to index
        %swap3A_439 = tpu.vector_load %arg27[%swap3A_438] {strides = array<i32>} : memref<1024xf32, #tpu.memory_space<vmem>>, vector<16xf32>,
        %swap3A_440 = vector.shape_cast %swap3A_439 : vector<16xf32> to vector<16xf32>
        %swap3A_441 = vector.shape_cast %select_n3A_437 : vector<16xf32> to vector<16xf32>
        tpu.vector_store %arg27[%swap3A_438], %swap3A_441 {strides = array<i32>} : memref<1024xf32, #tpu.memory_space<vmem>>, vector<16xf32>,
        %scan3A_442 = arith.constant 3 : i32
        %scan3A_443 = arith.addi %scan3A_99, %scan3A_442 : i32
        %mul3A_444 = arith.constant 1 : i32
        %mul3A_445 = arith.muli %scan3A_443, %mul3A_444 : i32
        %add3A_446 = arith.constant 0 : i32
        %add3A_447 = arith.addi %add3A_446, %mul3A_445 : i32
        %mul3A_448 = arith.constant 16 : i32
        %mul3A_449 = arith.muli %add3A_25, %mul3A_448 : i32
        %get3A_450 = arith.index_cast %mul3A_449 : i32 to index
        %get3A_451 = tpu.vector_load %arg13[%get3A_450] {strides = array<i32>} : memref<9600xf32, #tpu.memory_space<vmem>>, vector<16xf32>,
        %get3A_452 = vector.shape_cast %get3A_451 : vector<16xf32> to vector<16xf32>
        %mul3A_453 = arith.constant 1.280000e+02 : f32
        %mul3A_454 = vector.broadcast %mul3A_453 : f32 to vector<16xf32>
        %mul3A_455 = arith.mulf %get3A_452, %mul3A_454 : vector<16xf32>
        %get3A_456 = arith.index_cast %mul3A_449 : i32 to index
        %get3A_457 = tpu.vector_load %arg14[%get3A_456] {strides = array<i32>} : memref<9600xf32, #tpu.memory_space<vmem>>, vector<16xf32>,
        %get3A_458 = vector.shape_cast %get3A_457 : vector<16xf32> to vector<16xf32>
        %mul3A_459 = arith.constant 1.280000e+02 : f32
        %mul3A_460 = vector.broadcast %mul3A_459 : f32 to vector<16xf32>
        %mul3A_461 = arith.mulf %get3A_458, %mul3A_460 : vector<16xf32>
        %get3A_462 = arith.index_cast %mul3A_449 : i32 to index
        %get3A_463 = tpu.vector_load %arg15[%get3A_462] {strides = array<i32>} : memref<9600xf32, #tpu.memory_space<vmem>>, vector<16xf32>,
        %get3A_464 = vector.shape_cast %get3A_463 : vector<16xf32> to vector<16xf32>
        %mul3A_465 = arith.constant 1.280000e+02 : f32
        %mul3A_466 = vector.broadcast %mul3A_465 : f32 to vector<16xf32>
        %mul3A_467 = arith.mulf %get3A_464, %mul3A_466 : vector<16xf32>
        %get3A_468 = arith.index_cast %mul3A_449 : i32 to index
        %get3A_469 = tpu.vector_load %arg16[%get3A_468] {strides = array<i32>} : memref<9600xf32, #tpu.memory_space<vmem>>, vector<16xf32>,
        %get3A_470 = vector.shape_cast %get3A_469 : vector<16xf32> to vector<16xf32>
        %get3A_471 = arith.index_cast %mul3A_449 : i32 to index
        %get3A_472 = tpu.vector_load %arg13[%get3A_471] {strides = array<i32>} : memref<9600xf32, #tpu.memory_space<vmem>>, vector<16xf32>,
        %get3A_473 = vector.shape_cast %get3A_472 : vector<16xf32> to vector<16xf32>
        %sub3A_474 = arith.subf %get3A_470, %get3A_473 : vector<16xf32>
        %mul3A_475 = arith.constant 1.280000e+02 : f32
        %mul3A_476 = vector.broadcast %mul3A_475 : f32 to vector<16xf32>
        %mul3A_477 = arith.mulf %sub3A_474, %mul3A_476 : vector<16xf32>
        %get3A_478 = arith.index_cast %mul3A_449 : i32 to index
        %get3A_479 = tpu.vector_load %arg17[%get3A_478] {strides = array<i32>} : memref<9600xf32, #tpu.memory_space<vmem>>, vector<16xf32>,
        %get3A_480 = vector.shape_cast %get3A_479 : vector<16xf32> to vector<16xf32>
        %get3A_481 = arith.index_cast %mul3A_449 : i32 to index
        %get3A_482 = tpu.vector_load %arg14[%get3A_481] {strides = array<i32>} : memref<9600xf32, #tpu.memory_space<vmem>>, vector<16xf32>,
        %get3A_483 = vector.shape_cast %get3A_482 : vector<16xf32> to vector<16xf32>
        %sub3A_484 = arith.subf %get3A_480, %get3A_483 : vector<16xf32>
        %mul3A_485 = arith.constant 1.280000e+02 : f32
        %mul3A_486 = vector.broadcast %mul3A_485 : f32 to vector<16xf32>
        %mul3A_487 = arith.mulf %sub3A_484, %mul3A_486 : vector<16xf32>
        %get3A_488 = arith.index_cast %mul3A_449 : i32 to index
        %get3A_489 = tpu.vector_load %arg18[%get3A_488] {strides = array<i32>} : memref<9600xf32, #tpu.memory_space<vmem>>, vector<16xf32>,
        %get3A_490 = vector.shape_cast %get3A_489 : vector<16xf32> to vector<16xf32>
        %get3A_491 = arith.index_cast %mul3A_449 : i32 to index
        %get3A_492 = tpu.vector_load %arg15[%get3A_491] {strides = array<i32>} : memref<9600xf32, #tpu.memory_space<vmem>>, vector<16xf32>,
        %get3A_493 = vector.shape_cast %get3A_492 : vector<16xf32> to vector<16xf32>
        %sub3A_494 = arith.subf %get3A_490, %get3A_493 : vector<16xf32>
        %mul3A_495 = arith.constant 1.280000e+02 : f32
        %mul3A_496 = vector.broadcast %mul3A_495 : f32 to vector<16xf32>
        %mul3A_497 = arith.mulf %sub3A_494, %mul3A_496 : vector<16xf32>
        %mul3A_498 = arith.constant 16 : i32
        %mul3A_499 = arith.muli %add3A_447, %mul3A_498 : i32
        %get3A_500 = arith.index_cast %mul3A_499 : i32 to index
        %get3A_501 = tpu.vector_load %arg21[%get3A_500] {strides = array<i32>} : memref<1024xf32, #tpu.memory_space<vmem>>, vector<16xf32>,
        %get3A_502 = vector.shape_cast %get3A_501 : vector<16xf32> to vector<16xf32>
        %mul3A_503 = arith.mulf %get3A_502, %mul3A_477 : vector<16xf32>
        %add3A_504 = arith.addf %mul3A_455, %mul3A_503 : vector<16xf32>
        %mul3A_505 = arith.mulf %get3A_502, %mul3A_487 : vector<16xf32>
        %add3A_506 = arith.addf %mul3A_461, %mul3A_505 : vector<16xf32>
        %mul3A_507 = arith.mulf %get3A_502, %mul3A_497 : vector<16xf32>
        %add3A_508 = arith.addf %mul3A_467, %mul3A_507 : vector<16xf32>
        %min3A_509 = arith.minimumf %add3A_506, %add3A_508 : vector<16xf32>
        %min3A_510 = arith.minimumf %add3A_504, %min3A_509 : vector<16xf32>
        %max3A_511 = arith.maximumf %add3A_506, %add3A_508 : vector<16xf32>
        %max3A_512 = arith.maximumf %add3A_504, %max3A_511 : vector<16xf32>
        %ge3A_513 = arith.constant 0.000000e+00 : f32
        %ge3A_514 = vector.broadcast %ge3A_513 : f32 to vector<16xf32>
        %ge3A_515 = arith.cmpf oge, %min3A_510, %ge3A_514 : vector<16xf32>
        %lt3A_516 = arith.constant 1.280000e+02 : f32
        %lt3A_517 = vector.broadcast %lt3A_516 : f32 to vector<16xf32>
        %lt3A_518 = arith.cmpf olt, %max3A_512, %lt3A_517 : vector<16xf32>
        %and3A_519 = arith.andi %ge3A_515, %lt3A_518 : vector<16xi1>
        %convert_element_type3A_520 = arith.fptosi %add3A_504 : vector<16xf32> to vector<16xi32>
        %convert_element_type3A_521 = arith.fptosi %add3A_506 : vector<16xf32> to vector<16xi32>
        %convert_element_type3A_522 = arith.fptosi %add3A_508 : vector<16xf32> to vector<16xi32>
        %mul3A_523 = arith.constant 128 : i32
        %mul3A_524 = vector.broadcast %mul3A_523 : i32 to vector<16xi32>
        %mul3A_525 = arith.muli %convert_element_type3A_520, %mul3A_524 : vector<16xi32>
        %add3A_526 = arith.addi %mul3A_525, %convert_element_type3A_521 : vector<16xi32>
        %mul3A_527 = arith.constant 128 : i32
        %mul3A_528 = vector.broadcast %mul3A_527 : i32 to vector<16xi32>
        %mul3A_529 = arith.muli %add3A_526, %mul3A_528 : vector<16xi32>
        %add3A_530 = arith.addi %mul3A_529, %convert_element_type3A_522 : vector<16xi32>
        %jit3A_531 = arith.constant 0 : i32
        %jit3A_532 = arith.constant 2097151 : i32
        %max3A_533 = vector.broadcast %jit3A_531 : i32 to vector<16xi32>
        %max3A_534 = arith.maxsi %max3A_533, %add3A_530 : vector<16xi32>
        %min3A_535 = vector.broadcast %jit3A_532 : i32 to vector<16xi32>
        %min3A_536 = arith.minsi %min3A_535, %max3A_534 : vector<16xi32>
        %mul3A_537 = arith.constant 16 : i32
        %mul3A_538 = arith.muli %add3A_447, %mul3A_537 : i32
        %swap3A_539 = arith.index_cast %mul3A_538 : i32 to index
        %swap3A_540 = tpu.vector_load %arg23[%swap3A_539] {strides = array<i32>} : memref<1024xi32, #tpu.memory_space<vmem>>, vector<16xi32>,
        %swap3A_541 = vector.shape_cast %swap3A_540 : vector<16xi32> to vector<16xi32>
        %swap3A_542 = vector.shape_cast %min3A_536 : vector<16xi32> to vector<16xi32>
        tpu.vector_store %arg23[%swap3A_539], %swap3A_542 {strides = array<i32>} : memref<1024xi32, #tpu.memory_space<vmem>>, vector<16xi32>,
        %jit3A_543 = arith.constant -1 : i32
        %broadcast_in_dim3A_544 = vector.broadcast %jit3A_543 : i32 to vector<16xi32>
        %select_n3A_545 = arith.select %and3A_519, %add3A_530, %broadcast_in_dim3A_544 : vector<16xi1>, vector<16xi32>
        %swap3A_546 = arith.index_cast %mul3A_538 : i32 to index
        %swap3A_547 = tpu.vector_load %arg25[%swap3A_546] {strides = array<i32>} : memref<1024xi32, #tpu.memory_space<vmem>>, vector<16xi32>,
        %swap3A_548 = vector.shape_cast %swap3A_547 : vector<16xi32> to vector<16xi32>
        %swap3A_549 = vector.shape_cast %select_n3A_545 : vector<16xi32> to vector<16xi32>
        tpu.vector_store %arg25[%swap3A_546], %swap3A_549 {strides = array<i32>} : memref<1024xi32, #tpu.memory_space<vmem>>, vector<16xi32>,
        %jit3A_550 = arith.constant 1.000000e+00 : f32
        %jit3A_551 = arith.constant 0.000000e+00 : f32
        %broadcast_in_dim3A_552 = vector.broadcast %jit3A_550 : f32 to vector<16xf32>
        %broadcast_in_dim3A_553 = vector.broadcast %jit3A_551 : f32 to vector<16xf32>
        %select_n3A_554 = arith.select %and3A_519, %broadcast_in_dim3A_552, %broadcast_in_dim3A_553 : vector<16xi1>, vector<16xf32>
        %swap3A_555 = arith.index_cast %mul3A_538 : i32 to index
        %swap3A_556 = tpu.vector_load %arg27[%swap3A_555] {strides = array<i32>} : memref<1024xf32, #tpu.memory_space<vmem>>, vector<16xf32>,
        %swap3A_557 = vector.shape_cast %swap3A_556 : vector<16xf32> to vector<16xf32>
        %swap3A_558 = vector.shape_cast %select_n3A_554 : vector<16xf32> to vector<16xf32>
        tpu.vector_store %arg27[%swap3A_555], %swap3A_558 {strides = array<i32>} : memref<1024xf32, #tpu.memory_space<vmem>>, vector<16xf32>,
      }
      %scan3A_30 = arith.constant 64 : i32
      %add3A_31 = arith.constant 1 : i32
      %add3A_32 = arith.addi %add3A_23, %add3A_31 : i32
      %dma_start3A_33 = arith.constant 0 : i32
      %dma_start3A_34 = tpu.memref_slice %arg10[%dma_start3A_33] : memref<2097152xf32, #tpu.memory_space<hbm>> -> memref<2097152xf32, #tpu.memory_space<hbm>>
      tpu.enqueue_indirect_dma source(%dma_start3A_34 : memref<2097152xf32, #tpu.memory_space<hbm>>) target(%arg29 : memref<1024xf32, #tpu.memory_space<vmem>>) offsets(%arg23 : memref<1024xi32, #tpu.memory_space<vmem>>) semaphore(%arg31 : memref<!tpu.dma_semaphore, #tpu.memory_space<semaphore_mem>>)
      %mul3A_35 = arith.constant 1024 : i32
      %mul3A_36 = arith.muli %add3A_32, %mul3A_35 : i32
      %add3A_37 = arith.addi %mul3A_4, %mul3A_36 : i32
      %dma_start3A_38 = tpu.memref_slice %arg12[%add3A_37] : memref<19660800xi32, #tpu.memory_space<hbm>> -> memref<1024xi32, #tpu.memory_space<hbm>>
      %dma_start3A_39 = tpu.memref_slice %arg12[%add3A_37] : memref<19660800xi32, #tpu.memory_space<hbm>> -> memref<1024xi32, #tpu.memory_space<hbm>>
      tpu.enqueue_dma source(%arg25 : memref<1024xi32, #tpu.memory_space<vmem>>) target(%dma_start3A_39 : memref<1024xi32, #tpu.memory_space<hbm>>) target_semaphore(%arg33 : memref<!tpu.dma_semaphore, #tpu.memory_space<semaphore_mem>>)
      %dma_wait3A = arith.constant 0 : i32
      %dma_wait3A_40 = tpu.memref_slice %arg10[%dma_wait3A] : memref<2097152xf32, #tpu.memory_space<hbm>> -> memref<2097152xf32, #tpu.memory_space<hbm>>
      tpu.wait_indirect_dma semaphore(%arg30 : memref<!tpu.dma_semaphore, #tpu.memory_space<semaphore_mem>>) src(%dma_wait3A_40 : memref<2097152xf32, #tpu.memory_space<hbm>>) dst(%arg28 : memref<1024xf32, #tpu.memory_space<vmem>>)
      %mul3A_41 = arith.constant 1024 : i32
      %mul3A_42 = arith.muli %add3A_23, %mul3A_41 : i32
      %add3A_43 = arith.addi %mul3A_4, %mul3A_42 : i32
      %dma_wait3A_44 = tpu.memref_slice %arg12[%add3A_43] : memref<19660800xi32, #tpu.memory_space<hbm>> -> memref<1024xi32, #tpu.memory_space<hbm>>
      %dma_wait3A_45 = tpu.memref_slice %arg12[%add3A_43] : memref<19660800xi32, #tpu.memory_space<hbm>> -> memref<1024xi32, #tpu.memory_space<hbm>>
      tpu.wait_dma2 semaphore(%arg32 : memref<!tpu.dma_semaphore, #tpu.memory_space<semaphore_mem>>) src(%arg24 : memref<1024xi32, #tpu.memory_space<vmem>>) dst(%dma_wait3A_45 : memref<1024xi32, #tpu.memory_space<hbm>>)
      %broadcast_in_dim3A = arith.constant 0.000000e+00 : f32
      %broadcast_in_dim3A_46 = vector.broadcast %broadcast_in_dim3A : f32 to vector<16xf32>
      %scan3A_47 = arith.constant 0 : i32
      %scan3A_48 = arith.constant 64 : i32
      %scan3A_49 = arith.addi %scan3A_47, %scan3A_48 : i32
      %scan3A_50 = arith.constant 4 : i32
      %scan3A_51 = scf.for %scan3A_99 = %scan3A_47 to %scan3A_49 step %scan3A_50 iter_args(%scan3A_100 = %broadcast_in_dim3A_46) -> (vector<16xf32>)  : i32 {
        %mul3A_101 = arith.constant 16 : i32
        %mul3A_102 = arith.muli %scan3A_99, %mul3A_101 : i32
        %get3A_103 = arith.index_cast %mul3A_102 : i32 to index
        %get3A_104 = tpu.vector_load %arg28[%get3A_103] {strides = array<i32>} : memref<1024xf32, #tpu.memory_space<vmem>>, vector<16xf32>,
        %get3A_105 = vector.shape_cast %get3A_104 : vector<16xf32> to vector<16xf32>
        %get3A_106 = arith.index_cast %mul3A_102 : i32 to index
        %get3A_107 = tpu.vector_load %arg26[%get3A_106] {strides = array<i32>} : memref<1024xf32, #tpu.memory_space<vmem>>, vector<16xf32>,
        %get3A_108 = vector.shape_cast %get3A_107 : vector<16xf32> to vector<16xf32>
        %mul3A_109 = arith.mulf %get3A_105, %get3A_108 : vector<16xf32>
        %add3A_110 = arith.addf %scan3A_100, %mul3A_109 : vector<16xf32>
        %scan3A_111 = arith.constant 1 : i32
        %scan3A_112 = arith.addi %scan3A_99, %scan3A_111 : i32
        %mul3A_113 = arith.constant 16 : i32
        %mul3A_114 = arith.muli %scan3A_112, %mul3A_113 : i32
        %get3A_115 = arith.index_cast %mul3A_114 : i32 to index
        %get3A_116 = tpu.vector_load %arg28[%get3A_115] {strides = array<i32>} : memref<1024xf32, #tpu.memory_space<vmem>>, vector<16xf32>,
        %get3A_117 = vector.shape_cast %get3A_116 : vector<16xf32> to vector<16xf32>
        %get3A_118 = arith.index_cast %mul3A_114 : i32 to index
        %get3A_119 = tpu.vector_load %arg26[%get3A_118] {strides = array<i32>} : memref<1024xf32, #tpu.memory_space<vmem>>, vector<16xf32>,
        %get3A_120 = vector.shape_cast %get3A_119 : vector<16xf32> to vector<16xf32>
        %mul3A_121 = arith.mulf %get3A_117, %get3A_120 : vector<16xf32>
        %add3A_122 = arith.addf %add3A_110, %mul3A_121 : vector<16xf32>
        %scan3A_123 = arith.constant 2 : i32
        %scan3A_124 = arith.addi %scan3A_99, %scan3A_123 : i32
        %mul3A_125 = arith.constant 16 : i32
        %mul3A_126 = arith.muli %scan3A_124, %mul3A_125 : i32
        %get3A_127 = arith.index_cast %mul3A_126 : i32 to index
        %get3A_128 = tpu.vector_load %arg28[%get3A_127] {strides = array<i32>} : memref<1024xf32, #tpu.memory_space<vmem>>, vector<16xf32>,
        %get3A_129 = vector.shape_cast %get3A_128 : vector<16xf32> to vector<16xf32>
        %get3A_130 = arith.index_cast %mul3A_126 : i32 to index
        %get3A_131 = tpu.vector_load %arg26[%get3A_130] {strides = array<i32>} : memref<1024xf32, #tpu.memory_space<vmem>>, vector<16xf32>,
        %get3A_132 = vector.shape_cast %get3A_131 : vector<16xf32> to vector<16xf32>
        %mul3A_133 = arith.mulf %get3A_129, %get3A_132 : vector<16xf32>
        %add3A_134 = arith.addf %add3A_122, %mul3A_133 : vector<16xf32>
        %scan3A_135 = arith.constant 3 : i32
        %scan3A_136 = arith.addi %scan3A_99, %scan3A_135 : i32
        %mul3A_137 = arith.constant 16 : i32
        %mul3A_138 = arith.muli %scan3A_136, %mul3A_137 : i32
        %get3A_139 = arith.index_cast %mul3A_138 : i32 to index
        %get3A_140 = tpu.vector_load %arg28[%get3A_139] {strides = array<i32>} : memref<1024xf32, #tpu.memory_space<vmem>>, vector<16xf32>,
        %get3A_141 = vector.shape_cast %get3A_140 : vector<16xf32> to vector<16xf32>
        %get3A_142 = arith.index_cast %mul3A_138 : i32 to index
        %get3A_143 = tpu.vector_load %arg26[%get3A_142] {strides = array<i32>} : memref<1024xf32, #tpu.memory_space<vmem>>, vector<16xf32>,
        %get3A_144 = vector.shape_cast %get3A_143 : vector<16xf32> to vector<16xf32>
        %mul3A_145 = arith.mulf %get3A_141, %get3A_144 : vector<16xf32>
        %add3A_146 = arith.addf %add3A_134, %mul3A_145 : vector<16xf32>
        scf.yield %add3A_146 : vector<16xf32>
      }
      %scan3A_52 = arith.constant 64 : i32
      %mul3A_53 = arith.constant 16 : i32
      %mul3A_54 = arith.muli %add3A_23, %mul3A_53 : i32
      %get3A = arith.index_cast %mul3A_54 : i32 to index
      %get3A_55 = tpu.vector_load %arg19[%get3A] {strides = array<i32>} : memref<9600xf32, #tpu.memory_space<vmem>>, vector<16xf32>,
      %get3A_56 = vector.shape_cast %get3A_55 : vector<16xf32> to vector<16xf32>
      %mul3A_57 = arith.mulf %scan3A_51, %get3A_56 : vector<16xf32>
      %add3A_58 = arith.constant 9.99999993E-9 : f32
      %add3A_59 = vector.broadcast %add3A_58 : f32 to vector<16xf32>
      %add3A_60 = arith.addf %mul3A_57, %add3A_59 : vector<16xf32>
      %div3A = arith.divf %get3A_56, %add3A_60 : vector<16xf32>
      %swap3A = arith.index_cast %mul3A_54 : i32 to index
      %swap3A_61 = tpu.vector_load %arg20[%swap3A] {strides = array<i32>} : memref<9600xf32, #tpu.memory_space<vmem>>, vector<16xf32>,
      %swap3A_62 = vector.shape_cast %swap3A_61 : vector<16xf32> to vector<16xf32>
      %swap3A_63 = vector.shape_cast %div3A : vector<16xf32> to vector<16xf32>
      tpu.vector_store %arg20[%swap3A], %swap3A_63 {strides = array<i32>} : memref<9600xf32, #tpu.memory_space<vmem>>, vector<16xf32>,
      %add3A_64 = arith.constant 2 : i32
      %add3A_65 = arith.addi %add3A_23, %add3A_64 : i32
      %lt3A = arith.constant 600 : i32
      %lt3A_66 = arith.cmpi slt, %add3A_65, %lt3A : i32
      %convert_element_type3A = arith.extui %lt3A_66 : i1 to i32
      %cond3A = arith.constant 0 : i32
      %cond3A_67 = arith.cmpi ne, %convert_element_type3A, %cond3A : i32
      scf.if %cond3A_67 {
        %add3A_99 = arith.constant 2 : i32
        %add3A_100 = arith.addi %add3A_23, %add3A_99 : i32
        %scan3A_101 = arith.constant 0 : i32
        %scan3A_102 = arith.constant 64 : i32
        %scan3A_103 = arith.addi %scan3A_101, %scan3A_102 : i32
        %scan3A_104 = arith.constant 4 : i32
        scf.for %scan3A_115 = %scan3A_101 to %scan3A_103 step %scan3A_104  : i32 {
          %mul3A_116 = arith.constant 1 : i32
          %mul3A_117 = arith.muli %scan3A_115, %mul3A_116 : i32
          %add3A_118 = arith.constant 0 : i32
          %add3A_119 = arith.addi %add3A_118, %mul3A_117 : i32
          %mul3A_120 = arith.constant 16 : i32
          %mul3A_121 = arith.muli %add3A_100, %mul3A_120 : i32
          %get3A_122 = arith.index_cast %mul3A_121 : i32 to index
          %get3A_123 = tpu.vector_load %arg13[%get3A_122] {strides = array<i32>} : memref<9600xf32, #tpu.memory_space<vmem>>, vector<16xf32>,
          %get3A_124 = vector.shape_cast %get3A_123 : vector<16xf32> to vector<16xf32>
          %mul3A_125 = arith.constant 1.280000e+02 : f32
          %mul3A_126 = vector.broadcast %mul3A_125 : f32 to vector<16xf32>
          %mul3A_127 = arith.mulf %get3A_124, %mul3A_126 : vector<16xf32>
          %get3A_128 = arith.index_cast %mul3A_121 : i32 to index
          %get3A_129 = tpu.vector_load %arg14[%get3A_128] {strides = array<i32>} : memref<9600xf32, #tpu.memory_space<vmem>>, vector<16xf32>,
          %get3A_130 = vector.shape_cast %get3A_129 : vector<16xf32> to vector<16xf32>
          %mul3A_131 = arith.constant 1.280000e+02 : f32
          %mul3A_132 = vector.broadcast %mul3A_131 : f32 to vector<16xf32>
          %mul3A_133 = arith.mulf %get3A_130, %mul3A_132 : vector<16xf32>
          %get3A_134 = arith.index_cast %mul3A_121 : i32 to index
          %get3A_135 = tpu.vector_load %arg15[%get3A_134] {strides = array<i32>} : memref<9600xf32, #tpu.memory_space<vmem>>, vector<16xf32>,
          %get3A_136 = vector.shape_cast %get3A_135 : vector<16xf32> to vector<16xf32>
          %mul3A_137 = arith.constant 1.280000e+02 : f32
          %mul3A_138 = vector.broadcast %mul3A_137 : f32 to vector<16xf32>
          %mul3A_139 = arith.mulf %get3A_136, %mul3A_138 : vector<16xf32>
          %get3A_140 = arith.index_cast %mul3A_121 : i32 to index
          %get3A_141 = tpu.vector_load %arg16[%get3A_140] {strides = array<i32>} : memref<9600xf32, #tpu.memory_space<vmem>>, vector<16xf32>,
          %get3A_142 = vector.shape_cast %get3A_141 : vector<16xf32> to vector<16xf32>
          %get3A_143 = arith.index_cast %mul3A_121 : i32 to index
          %get3A_144 = tpu.vector_load %arg13[%get3A_143] {strides = array<i32>} : memref<9600xf32, #tpu.memory_space<vmem>>, vector<16xf32>,
          %get3A_145 = vector.shape_cast %get3A_144 : vector<16xf32> to vector<16xf32>
          %sub3A = arith.subf %get3A_142, %get3A_145 : vector<16xf32>
          %mul3A_146 = arith.constant 1.280000e+02 : f32
          %mul3A_147 = vector.broadcast %mul3A_146 : f32 to vector<16xf32>
          %mul3A_148 = arith.mulf %sub3A, %mul3A_147 : vector<16xf32>
          %get3A_149 = arith.index_cast %mul3A_121 : i32 to index
          %get3A_150 = tpu.vector_load %arg17[%get3A_149] {strides = array<i32>} : memref<9600xf32, #tpu.memory_space<vmem>>, vector<16xf32>,
          %get3A_151 = vector.shape_cast %get3A_150 : vector<16xf32> to vector<16xf32>
          %get3A_152 = arith.index_cast %mul3A_121 : i32 to index
          %get3A_153 = tpu.vector_load %arg14[%get3A_152] {strides = array<i32>} : memref<9600xf32, #tpu.memory_space<vmem>>, vector<16xf32>,
          %get3A_154 = vector.shape_cast %get3A_153 : vector<16xf32> to vector<16xf32>
          %sub3A_155 = arith.subf %get3A_151, %get3A_154 : vector<16xf32>
          %mul3A_156 = arith.constant 1.280000e+02 : f32
          %mul3A_157 = vector.broadcast %mul3A_156 : f32 to vector<16xf32>
          %mul3A_158 = arith.mulf %sub3A_155, %mul3A_157 : vector<16xf32>
          %get3A_159 = arith.index_cast %mul3A_121 : i32 to index
          %get3A_160 = tpu.vector_load %arg18[%get3A_159] {strides = array<i32>} : memref<9600xf32, #tpu.memory_space<vmem>>, vector<16xf32>,
          %get3A_161 = vector.shape_cast %get3A_160 : vector<16xf32> to vector<16xf32>
          %get3A_162 = arith.index_cast %mul3A_121 : i32 to index
          %get3A_163 = tpu.vector_load %arg15[%get3A_162] {strides = array<i32>} : memref<9600xf32, #tpu.memory_space<vmem>>, vector<16xf32>,
          %get3A_164 = vector.shape_cast %get3A_163 : vector<16xf32> to vector<16xf32>
          %sub3A_165 = arith.subf %get3A_161, %get3A_164 : vector<16xf32>
          %mul3A_166 = arith.constant 1.280000e+02 : f32
          %mul3A_167 = vector.broadcast %mul3A_166 : f32 to vector<16xf32>
          %mul3A_168 = arith.mulf %sub3A_165, %mul3A_167 : vector<16xf32>
          %mul3A_169 = arith.constant 16 : i32
          %mul3A_170 = arith.muli %add3A_119, %mul3A_169 : i32
          %get3A_171 = arith.index_cast %mul3A_170 : i32 to index
          %get3A_172 = tpu.vector_load %arg21[%get3A_171] {strides = array<i32>} : memref<1024xf32, #tpu.memory_space<vmem>>, vector<16xf32>,
          %get3A_173 = vector.shape_cast %get3A_172 : vector<16xf32> to vector<16xf32>
          %mul3A_174 = arith.mulf %get3A_173, %mul3A_148 : vector<16xf32>
          %add3A_175 = arith.addf %mul3A_127, %mul3A_174 : vector<16xf32>
          %mul3A_176 = arith.mulf %get3A_173, %mul3A_158 : vector<16xf32>
          %add3A_177 = arith.addf %mul3A_133, %mul3A_176 : vector<16xf32>
          %mul3A_178 = arith.mulf %get3A_173, %mul3A_168 : vector<16xf32>
          %add3A_179 = arith.addf %mul3A_139, %mul3A_178 : vector<16xf32>
          %min3A = arith.minimumf %add3A_177, %add3A_179 : vector<16xf32>
          %min3A_180 = arith.minimumf %add3A_175, %min3A : vector<16xf32>
          %max3A = arith.maximumf %add3A_177, %add3A_179 : vector<16xf32>
          %max3A_181 = arith.maximumf %add3A_175, %max3A : vector<16xf32>
          %ge3A = arith.constant 0.000000e+00 : f32
          %ge3A_182 = vector.broadcast %ge3A : f32 to vector<16xf32>
          %ge3A_183 = arith.cmpf oge, %min3A_180, %ge3A_182 : vector<16xf32>
          %lt3A_184 = arith.constant 1.280000e+02 : f32
          %lt3A_185 = vector.broadcast %lt3A_184 : f32 to vector<16xf32>
          %lt3A_186 = arith.cmpf olt, %max3A_181, %lt3A_185 : vector<16xf32>
          %and3A = arith.andi %ge3A_183, %lt3A_186 : vector<16xi1>
          %convert_element_type3A_187 = arith.fptosi %add3A_175 : vector<16xf32> to vector<16xi32>
          %convert_element_type3A_188 = arith.fptosi %add3A_177 : vector<16xf32> to vector<16xi32>
          %convert_element_type3A_189 = arith.fptosi %add3A_179 : vector<16xf32> to vector<16xi32>
          %mul3A_190 = arith.constant 128 : i32
          %mul3A_191 = vector.broadcast %mul3A_190 : i32 to vector<16xi32>
          %mul3A_192 = arith.muli %convert_element_type3A_187, %mul3A_191 : vector<16xi32>
          %add3A_193 = arith.addi %mul3A_192, %convert_element_type3A_188 : vector<16xi32>
          %mul3A_194 = arith.constant 128 : i32
          %mul3A_195 = vector.broadcast %mul3A_194 : i32 to vector<16xi32>
          %mul3A_196 = arith.muli %add3A_193, %mul3A_195 : vector<16xi32>
          %add3A_197 = arith.addi %mul3A_196, %convert_element_type3A_189 : vector<16xi32>
          %jit3A = arith.constant 0 : i32
          %jit3A_198 = arith.constant 2097151 : i32
          %max3A_199 = vector.broadcast %jit3A : i32 to vector<16xi32>
          %max3A_200 = arith.maxsi %max3A_199, %add3A_197 : vector<16xi32>
          %min3A_201 = vector.broadcast %jit3A_198 : i32 to vector<16xi32>
          %min3A_202 = arith.minsi %min3A_201, %max3A_200 : vector<16xi32>
          %mul3A_203 = arith.constant 16 : i32
          %mul3A_204 = arith.muli %add3A_119, %mul3A_203 : i32
          %swap3A_205 = arith.index_cast %mul3A_204 : i32 to index
          %swap3A_206 = tpu.vector_load %arg22[%swap3A_205] {strides = array<i32>} : memref<1024xi32, #tpu.memory_space<vmem>>, vector<16xi32>,
          %swap3A_207 = vector.shape_cast %swap3A_206 : vector<16xi32> to vector<16xi32>
          %swap3A_208 = vector.shape_cast %min3A_202 : vector<16xi32> to vector<16xi32>
          tpu.vector_store %arg22[%swap3A_205], %swap3A_208 {strides = array<i32>} : memref<1024xi32, #tpu.memory_space<vmem>>, vector<16xi32>,
          %jit3A_209 = arith.constant -1 : i32
          %broadcast_in_dim3A_210 = vector.broadcast %jit3A_209 : i32 to vector<16xi32>
          %select_n3A = arith.select %and3A, %add3A_197, %broadcast_in_dim3A_210 : vector<16xi1>, vector<16xi32>
          %swap3A_211 = arith.index_cast %mul3A_204 : i32 to index
          %swap3A_212 = tpu.vector_load %arg24[%swap3A_211] {strides = array<i32>} : memref<1024xi32, #tpu.memory_space<vmem>>, vector<16xi32>,
          %swap3A_213 = vector.shape_cast %swap3A_212 : vector<16xi32> to vector<16xi32>
          %swap3A_214 = vector.shape_cast %select_n3A : vector<16xi32> to vector<16xi32>
          tpu.vector_store %arg24[%swap3A_211], %swap3A_214 {strides = array<i32>} : memref<1024xi32, #tpu.memory_space<vmem>>, vector<16xi32>,
          %jit3A_215 = arith.constant 1.000000e+00 : f32
          %jit3A_216 = arith.constant 0.000000e+00 : f32
          %broadcast_in_dim3A_217 = vector.broadcast %jit3A_215 : f32 to vector<16xf32>
          %broadcast_in_dim3A_218 = vector.broadcast %jit3A_216 : f32 to vector<16xf32>
          %select_n3A_219 = arith.select %and3A, %broadcast_in_dim3A_217, %broadcast_in_dim3A_218 : vector<16xi1>, vector<16xf32>
          %swap3A_220 = arith.index_cast %mul3A_204 : i32 to index
          %swap3A_221 = tpu.vector_load %arg26[%swap3A_220] {strides = array<i32>} : memref<1024xf32, #tpu.memory_space<vmem>>, vector<16xf32>,
          %swap3A_222 = vector.shape_cast %swap3A_221 : vector<16xf32> to vector<16xf32>
          %swap3A_223 = vector.shape_cast %select_n3A_219 : vector<16xf32> to vector<16xf32>
          tpu.vector_store %arg26[%swap3A_220], %swap3A_223 {strides = array<i32>} : memref<1024xf32, #tpu.memory_space<vmem>>, vector<16xf32>,
          %scan3A_224 = arith.constant 1 : i32
          %scan3A_225 = arith.addi %scan3A_115, %scan3A_224 : i32
          %mul3A_226 = arith.constant 1 : i32
          %mul3A_227 = arith.muli %scan3A_225, %mul3A_226 : i32
          %add3A_228 = arith.constant 0 : i32
          %add3A_229 = arith.addi %add3A_228, %mul3A_227 : i32
          %mul3A_230 = arith.constant 16 : i32
          %mul3A_231 = arith.muli %add3A_100, %mul3A_230 : i32
          %get3A_232 = arith.index_cast %mul3A_231 : i32 to index
          %get3A_233 = tpu.vector_load %arg13[%get3A_232] {strides = array<i32>} : memref<9600xf32, #tpu.memory_space<vmem>>, vector<16xf32>,
          %get3A_234 = vector.shape_cast %get3A_233 : vector<16xf32> to vector<16xf32>
          %mul3A_235 = arith.constant 1.280000e+02 : f32
          %mul3A_236 = vector.broadcast %mul3A_235 : f32 to vector<16xf32>
          %mul3A_237 = arith.mulf %get3A_234, %mul3A_236 : vector<16xf32>
          %get3A_238 = arith.index_cast %mul3A_231 : i32 to index
          %get3A_239 = tpu.vector_load %arg14[%get3A_238] {strides = array<i32>} : memref<9600xf32, #tpu.memory_space<vmem>>, vector<16xf32>,
          %get3A_240 = vector.shape_cast %get3A_239 : vector<16xf32> to vector<16xf32>
          %mul3A_241 = arith.constant 1.280000e+02 : f32
          %mul3A_242 = vector.broadcast %mul3A_241 : f32 to vector<16xf32>
          %mul3A_243 = arith.mulf %get3A_240, %mul3A_242 : vector<16xf32>
          %get3A_244 = arith.index_cast %mul3A_231 : i32 to index
          %get3A_245 = tpu.vector_load %arg15[%get3A_244] {strides = array<i32>} : memref<9600xf32, #tpu.memory_space<vmem>>, vector<16xf32>,
          %get3A_246 = vector.shape_cast %get3A_245 : vector<16xf32> to vector<16xf32>
          %mul3A_247 = arith.constant 1.280000e+02 : f32
          %mul3A_248 = vector.broadcast %mul3A_247 : f32 to vector<16xf32>
          %mul3A_249 = arith.mulf %get3A_246, %mul3A_248 : vector<16xf32>
          %get3A_250 = arith.index_cast %mul3A_231 : i32 to index
          %get3A_251 = tpu.vector_load %arg16[%get3A_250] {strides = array<i32>} : memref<9600xf32, #tpu.memory_space<vmem>>, vector<16xf32>,
          %get3A_252 = vector.shape_cast %get3A_251 : vector<16xf32> to vector<16xf32>
          %get3A_253 = arith.index_cast %mul3A_231 : i32 to index
          %get3A_254 = tpu.vector_load %arg13[%get3A_253] {strides = array<i32>} : memref<9600xf32, #tpu.memory_space<vmem>>, vector<16xf32>,
          %get3A_255 = vector.shape_cast %get3A_254 : vector<16xf32> to vector<16xf32>
          %sub3A_256 = arith.subf %get3A_252, %get3A_255 : vector<16xf32>
          %mul3A_257 = arith.constant 1.280000e+02 : f32
          %mul3A_258 = vector.broadcast %mul3A_257 : f32 to vector<16xf32>
          %mul3A_259 = arith.mulf %sub3A_256, %mul3A_258 : vector<16xf32>
          %get3A_260 = arith.index_cast %mul3A_231 : i32 to index
          %get3A_261 = tpu.vector_load %arg17[%get3A_260] {strides = array<i32>} : memref<9600xf32, #tpu.memory_space<vmem>>, vector<16xf32>,
          %get3A_262 = vector.shape_cast %get3A_261 : vector<16xf32> to vector<16xf32>
          %get3A_263 = arith.index_cast %mul3A_231 : i32 to index
          %get3A_264 = tpu.vector_load %arg14[%get3A_263] {strides = array<i32>} : memref<9600xf32, #tpu.memory_space<vmem>>, vector<16xf32>,
          %get3A_265 = vector.shape_cast %get3A_264 : vector<16xf32> to vector<16xf32>
          %sub3A_266 = arith.subf %get3A_262, %get3A_265 : vector<16xf32>
          %mul3A_267 = arith.constant 1.280000e+02 : f32
          %mul3A_268 = vector.broadcast %mul3A_267 : f32 to vector<16xf32>
          %mul3A_269 = arith.mulf %sub3A_266, %mul3A_268 : vector<16xf32>
          %get3A_270 = arith.index_cast %mul3A_231 : i32 to index
          %get3A_271 = tpu.vector_load %arg18[%get3A_270] {strides = array<i32>} : memref<9600xf32, #tpu.memory_space<vmem>>, vector<16xf32>,
          %get3A_272 = vector.shape_cast %get3A_271 : vector<16xf32> to vector<16xf32>
          %get3A_273 = arith.index_cast %mul3A_231 : i32 to index
          %get3A_274 = tpu.vector_load %arg15[%get3A_273] {strides = array<i32>} : memref<9600xf32, #tpu.memory_space<vmem>>, vector<16xf32>,
          %get3A_275 = vector.shape_cast %get3A_274 : vector<16xf32> to vector<16xf32>
          %sub3A_276 = arith.subf %get3A_272, %get3A_275 : vector<16xf32>
          %mul3A_277 = arith.constant 1.280000e+02 : f32
          %mul3A_278 = vector.broadcast %mul3A_277 : f32 to vector<16xf32>
          %mul3A_279 = arith.mulf %sub3A_276, %mul3A_278 : vector<16xf32>
          %mul3A_280 = arith.constant 16 : i32
          %mul3A_281 = arith.muli %add3A_229, %mul3A_280 : i32
          %get3A_282 = arith.index_cast %mul3A_281 : i32 to index
          %get3A_283 = tpu.vector_load %arg21[%get3A_282] {strides = array<i32>} : memref<1024xf32, #tpu.memory_space<vmem>>, vector<16xf32>,
          %get3A_284 = vector.shape_cast %get3A_283 : vector<16xf32> to vector<16xf32>
          %mul3A_285 = arith.mulf %get3A_284, %mul3A_259 : vector<16xf32>
          %add3A_286 = arith.addf %mul3A_237, %mul3A_285 : vector<16xf32>
          %mul3A_287 = arith.mulf %get3A_284, %mul3A_269 : vector<16xf32>
          %add3A_288 = arith.addf %mul3A_243, %mul3A_287 : vector<16xf32>
          %mul3A_289 = arith.mulf %get3A_284, %mul3A_279 : vector<16xf32>
          %add3A_290 = arith.addf %mul3A_249, %mul3A_289 : vector<16xf32>
          %min3A_291 = arith.minimumf %add3A_288, %add3A_290 : vector<16xf32>
          %min3A_292 = arith.minimumf %add3A_286, %min3A_291 : vector<16xf32>
          %max3A_293 = arith.maximumf %add3A_288, %add3A_290 : vector<16xf32>
          %max3A_294 = arith.maximumf %add3A_286, %max3A_293 : vector<16xf32>
          %ge3A_295 = arith.constant 0.000000e+00 : f32
          %ge3A_296 = vector.broadcast %ge3A_295 : f32 to vector<16xf32>
          %ge3A_297 = arith.cmpf oge, %min3A_292, %ge3A_296 : vector<16xf32>
          %lt3A_298 = arith.constant 1.280000e+02 : f32
          %lt3A_299 = vector.broadcast %lt3A_298 : f32 to vector<16xf32>
          %lt3A_300 = arith.cmpf olt, %max3A_294, %lt3A_299 : vector<16xf32>
          %and3A_301 = arith.andi %ge3A_297, %lt3A_300 : vector<16xi1>
          %convert_element_type3A_302 = arith.fptosi %add3A_286 : vector<16xf32> to vector<16xi32>
          %convert_element_type3A_303 = arith.fptosi %add3A_288 : vector<16xf32> to vector<16xi32>
          %convert_element_type3A_304 = arith.fptosi %add3A_290 : vector<16xf32> to vector<16xi32>
          %mul3A_305 = arith.constant 128 : i32
          %mul3A_306 = vector.broadcast %mul3A_305 : i32 to vector<16xi32>
          %mul3A_307 = arith.muli %convert_element_type3A_302, %mul3A_306 : vector<16xi32>
          %add3A_308 = arith.addi %mul3A_307, %convert_element_type3A_303 : vector<16xi32>
          %mul3A_309 = arith.constant 128 : i32
          %mul3A_310 = vector.broadcast %mul3A_309 : i32 to vector<16xi32>
          %mul3A_311 = arith.muli %add3A_308, %mul3A_310 : vector<16xi32>
          %add3A_312 = arith.addi %mul3A_311, %convert_element_type3A_304 : vector<16xi32>
          %jit3A_313 = arith.constant 0 : i32
          %jit3A_314 = arith.constant 2097151 : i32
          %max3A_315 = vector.broadcast %jit3A_313 : i32 to vector<16xi32>
          %max3A_316 = arith.maxsi %max3A_315, %add3A_312 : vector<16xi32>
          %min3A_317 = vector.broadcast %jit3A_314 : i32 to vector<16xi32>
          %min3A_318 = arith.minsi %min3A_317, %max3A_316 : vector<16xi32>
          %mul3A_319 = arith.constant 16 : i32
          %mul3A_320 = arith.muli %add3A_229, %mul3A_319 : i32
          %swap3A_321 = arith.index_cast %mul3A_320 : i32 to index
          %swap3A_322 = tpu.vector_load %arg22[%swap3A_321] {strides = array<i32>} : memref<1024xi32, #tpu.memory_space<vmem>>, vector<16xi32>,
          %swap3A_323 = vector.shape_cast %swap3A_322 : vector<16xi32> to vector<16xi32>
          %swap3A_324 = vector.shape_cast %min3A_318 : vector<16xi32> to vector<16xi32>
          tpu.vector_store %arg22[%swap3A_321], %swap3A_324 {strides = array<i32>} : memref<1024xi32, #tpu.memory_space<vmem>>, vector<16xi32>,
          %jit3A_325 = arith.constant -1 : i32
          %broadcast_in_dim3A_326 = vector.broadcast %jit3A_325 : i32 to vector<16xi32>
          %select_n3A_327 = arith.select %and3A_301, %add3A_312, %broadcast_in_dim3A_326 : vector<16xi1>, vector<16xi32>
          %swap3A_328 = arith.index_cast %mul3A_320 : i32 to index
          %swap3A_329 = tpu.vector_load %arg24[%swap3A_328] {strides = array<i32>} : memref<1024xi32, #tpu.memory_space<vmem>>, vector<16xi32>,
          %swap3A_330 = vector.shape_cast %swap3A_329 : vector<16xi32> to vector<16xi32>
          %swap3A_331 = vector.shape_cast %select_n3A_327 : vector<16xi32> to vector<16xi32>
          tpu.vector_store %arg24[%swap3A_328], %swap3A_331 {strides = array<i32>} : memref<1024xi32, #tpu.memory_space<vmem>>, vector<16xi32>,
          %jit3A_332 = arith.constant 1.000000e+00 : f32
          %jit3A_333 = arith.constant 0.000000e+00 : f32
          %broadcast_in_dim3A_334 = vector.broadcast %jit3A_332 : f32 to vector<16xf32>
          %broadcast_in_dim3A_335 = vector.broadcast %jit3A_333 : f32 to vector<16xf32>
          %select_n3A_336 = arith.select %and3A_301, %broadcast_in_dim3A_334, %broadcast_in_dim3A_335 : vector<16xi1>, vector<16xf32>
          %swap3A_337 = arith.index_cast %mul3A_320 : i32 to index
          %swap3A_338 = tpu.vector_load %arg26[%swap3A_337] {strides = array<i32>} : memref<1024xf32, #tpu.memory_space<vmem>>, vector<16xf32>,
          %swap3A_339 = vector.shape_cast %swap3A_338 : vector<16xf32> to vector<16xf32>
          %swap3A_340 = vector.shape_cast %select_n3A_336 : vector<16xf32> to vector<16xf32>
          tpu.vector_store %arg26[%swap3A_337], %swap3A_340 {strides = array<i32>} : memref<1024xf32, #tpu.memory_space<vmem>>, vector<16xf32>,
          %scan3A_341 = arith.constant 2 : i32
          %scan3A_342 = arith.addi %scan3A_115, %scan3A_341 : i32
          %mul3A_343 = arith.constant 1 : i32
          %mul3A_344 = arith.muli %scan3A_342, %mul3A_343 : i32
          %add3A_345 = arith.constant 0 : i32
          %add3A_346 = arith.addi %add3A_345, %mul3A_344 : i32
          %mul3A_347 = arith.constant 16 : i32
          %mul3A_348 = arith.muli %add3A_100, %mul3A_347 : i32
          %get3A_349 = arith.index_cast %mul3A_348 : i32 to index
          %get3A_350 = tpu.vector_load %arg13[%get3A_349] {strides = array<i32>} : memref<9600xf32, #tpu.memory_space<vmem>>, vector<16xf32>,
          %get3A_351 = vector.shape_cast %get3A_350 : vector<16xf32> to vector<16xf32>
          %mul3A_352 = arith.constant 1.280000e+02 : f32
          %mul3A_353 = vector.broadcast %mul3A_352 : f32 to vector<16xf32>
          %mul3A_354 = arith.mulf %get3A_351, %mul3A_353 : vector<16xf32>
          %get3A_355 = arith.index_cast %mul3A_348 : i32 to index
          %get3A_356 = tpu.vector_load %arg14[%get3A_355] {strides = array<i32>} : memref<9600xf32, #tpu.memory_space<vmem>>, vector<16xf32>,
          %get3A_357 = vector.shape_cast %get3A_356 : vector<16xf32> to vector<16xf32>
          %mul3A_358 = arith.constant 1.280000e+02 : f32
          %mul3A_359 = vector.broadcast %mul3A_358 : f32 to vector<16xf32>
          %mul3A_360 = arith.mulf %get3A_357, %mul3A_359 : vector<16xf32>
          %get3A_361 = arith.index_cast %mul3A_348 : i32 to index
          %get3A_362 = tpu.vector_load %arg15[%get3A_361] {strides = array<i32>} : memref<9600xf32, #tpu.memory_space<vmem>>, vector<16xf32>,
          %get3A_363 = vector.shape_cast %get3A_362 : vector<16xf32> to vector<16xf32>
          %mul3A_364 = arith.constant 1.280000e+02 : f32
          %mul3A_365 = vector.broadcast %mul3A_364 : f32 to vector<16xf32>
          %mul3A_366 = arith.mulf %get3A_363, %mul3A_365 : vector<16xf32>
          %get3A_367 = arith.index_cast %mul3A_348 : i32 to index
          %get3A_368 = tpu.vector_load %arg16[%get3A_367] {strides = array<i32>} : memref<9600xf32, #tpu.memory_space<vmem>>, vector<16xf32>,
          %get3A_369 = vector.shape_cast %get3A_368 : vector<16xf32> to vector<16xf32>
          %get3A_370 = arith.index_cast %mul3A_348 : i32 to index
          %get3A_371 = tpu.vector_load %arg13[%get3A_370] {strides = array<i32>} : memref<9600xf32, #tpu.memory_space<vmem>>, vector<16xf32>,
          %get3A_372 = vector.shape_cast %get3A_371 : vector<16xf32> to vector<16xf32>
          %sub3A_373 = arith.subf %get3A_369, %get3A_372 : vector<16xf32>
          %mul3A_374 = arith.constant 1.280000e+02 : f32
          %mul3A_375 = vector.broadcast %mul3A_374 : f32 to vector<16xf32>
          %mul3A_376 = arith.mulf %sub3A_373, %mul3A_375 : vector<16xf32>
          %get3A_377 = arith.index_cast %mul3A_348 : i32 to index
          %get3A_378 = tpu.vector_load %arg17[%get3A_377] {strides = array<i32>} : memref<9600xf32, #tpu.memory_space<vmem>>, vector<16xf32>,
          %get3A_379 = vector.shape_cast %get3A_378 : vector<16xf32> to vector<16xf32>
          %get3A_380 = arith.index_cast %mul3A_348 : i32 to index
          %get3A_381 = tpu.vector_load %arg14[%get3A_380] {strides = array<i32>} : memref<9600xf32, #tpu.memory_space<vmem>>, vector<16xf32>,
          %get3A_382 = vector.shape_cast %get3A_381 : vector<16xf32> to vector<16xf32>
          %sub3A_383 = arith.subf %get3A_379, %get3A_382 : vector<16xf32>
          %mul3A_384 = arith.constant 1.280000e+02 : f32
          %mul3A_385 = vector.broadcast %mul3A_384 : f32 to vector<16xf32>
          %mul3A_386 = arith.mulf %sub3A_383, %mul3A_385 : vector<16xf32>
          %get3A_387 = arith.index_cast %mul3A_348 : i32 to index
          %get3A_388 = tpu.vector_load %arg18[%get3A_387] {strides = array<i32>} : memref<9600xf32, #tpu.memory_space<vmem>>, vector<16xf32>,
          %get3A_389 = vector.shape_cast %get3A_388 : vector<16xf32> to vector<16xf32>
          %get3A_390 = arith.index_cast %mul3A_348 : i32 to index
          %get3A_391 = tpu.vector_load %arg15[%get3A_390] {strides = array<i32>} : memref<9600xf32, #tpu.memory_space<vmem>>, vector<16xf32>,
          %get3A_392 = vector.shape_cast %get3A_391 : vector<16xf32> to vector<16xf32>
          %sub3A_393 = arith.subf %get3A_389, %get3A_392 : vector<16xf32>
          %mul3A_394 = arith.constant 1.280000e+02 : f32
          %mul3A_395 = vector.broadcast %mul3A_394 : f32 to vector<16xf32>
          %mul3A_396 = arith.mulf %sub3A_393, %mul3A_395 : vector<16xf32>
          %mul3A_397 = arith.constant 16 : i32
          %mul3A_398 = arith.muli %add3A_346, %mul3A_397 : i32
          %get3A_399 = arith.index_cast %mul3A_398 : i32 to index
          %get3A_400 = tpu.vector_load %arg21[%get3A_399] {strides = array<i32>} : memref<1024xf32, #tpu.memory_space<vmem>>, vector<16xf32>,
          %get3A_401 = vector.shape_cast %get3A_400 : vector<16xf32> to vector<16xf32>
          %mul3A_402 = arith.mulf %get3A_401, %mul3A_376 : vector<16xf32>
          %add3A_403 = arith.addf %mul3A_354, %mul3A_402 : vector<16xf32>
          %mul3A_404 = arith.mulf %get3A_401, %mul3A_386 : vector<16xf32>
          %add3A_405 = arith.addf %mul3A_360, %mul3A_404 : vector<16xf32>
          %mul3A_406 = arith.mulf %get3A_401, %mul3A_396 : vector<16xf32>
          %add3A_407 = arith.addf %mul3A_366, %mul3A_406 : vector<16xf32>
          %min3A_408 = arith.minimumf %add3A_405, %add3A_407 : vector<16xf32>
          %min3A_409 = arith.minimumf %add3A_403, %min3A_408 : vector<16xf32>
          %max3A_410 = arith.maximumf %add3A_405, %add3A_407 : vector<16xf32>
          %max3A_411 = arith.maximumf %add3A_403, %max3A_410 : vector<16xf32>
          %ge3A_412 = arith.constant 0.000000e+00 : f32
          %ge3A_413 = vector.broadcast %ge3A_412 : f32 to vector<16xf32>
          %ge3A_414 = arith.cmpf oge, %min3A_409, %ge3A_413 : vector<16xf32>
          %lt3A_415 = arith.constant 1.280000e+02 : f32
          %lt3A_416 = vector.broadcast %lt3A_415 : f32 to vector<16xf32>
          %lt3A_417 = arith.cmpf olt, %max3A_411, %lt3A_416 : vector<16xf32>
          %and3A_418 = arith.andi %ge3A_414, %lt3A_417 : vector<16xi1>
          %convert_element_type3A_419 = arith.fptosi %add3A_403 : vector<16xf32> to vector<16xi32>
          %convert_element_type3A_420 = arith.fptosi %add3A_405 : vector<16xf32> to vector<16xi32>
          %convert_element_type3A_421 = arith.fptosi %add3A_407 : vector<16xf32> to vector<16xi32>
          %mul3A_422 = arith.constant 128 : i32
          %mul3A_423 = vector.broadcast %mul3A_422 : i32 to vector<16xi32>
          %mul3A_424 = arith.muli %convert_element_type3A_419, %mul3A_423 : vector<16xi32>
          %add3A_425 = arith.addi %mul3A_424, %convert_element_type3A_420 : vector<16xi32>
          %mul3A_426 = arith.constant 128 : i32
          %mul3A_427 = vector.broadcast %mul3A_426 : i32 to vector<16xi32>
          %mul3A_428 = arith.muli %add3A_425, %mul3A_427 : vector<16xi32>
          %add3A_429 = arith.addi %mul3A_428, %convert_element_type3A_421 : vector<16xi32>
          %jit3A_430 = arith.constant 0 : i32
          %jit3A_431 = arith.constant 2097151 : i32
          %max3A_432 = vector.broadcast %jit3A_430 : i32 to vector<16xi32>
          %max3A_433 = arith.maxsi %max3A_432, %add3A_429 : vector<16xi32>
          %min3A_434 = vector.broadcast %jit3A_431 : i32 to vector<16xi32>
          %min3A_435 = arith.minsi %min3A_434, %max3A_433 : vector<16xi32>
          %mul3A_436 = arith.constant 16 : i32
          %mul3A_437 = arith.muli %add3A_346, %mul3A_436 : i32
          %swap3A_438 = arith.index_cast %mul3A_437 : i32 to index
          %swap3A_439 = tpu.vector_load %arg22[%swap3A_438] {strides = array<i32>} : memref<1024xi32, #tpu.memory_space<vmem>>, vector<16xi32>,
          %swap3A_440 = vector.shape_cast %swap3A_439 : vector<16xi32> to vector<16xi32>
          %swap3A_441 = vector.shape_cast %min3A_435 : vector<16xi32> to vector<16xi32>
          tpu.vector_store %arg22[%swap3A_438], %swap3A_441 {strides = array<i32>} : memref<1024xi32, #tpu.memory_space<vmem>>, vector<16xi32>,
          %jit3A_442 = arith.constant -1 : i32
          %broadcast_in_dim3A_443 = vector.broadcast %jit3A_442 : i32 to vector<16xi32>
          %select_n3A_444 = arith.select %and3A_418, %add3A_429, %broadcast_in_dim3A_443 : vector<16xi1>, vector<16xi32>
          %swap3A_445 = arith.index_cast %mul3A_437 : i32 to index
          %swap3A_446 = tpu.vector_load %arg24[%swap3A_445] {strides = array<i32>} : memref<1024xi32, #tpu.memory_space<vmem>>, vector<16xi32>,
          %swap3A_447 = vector.shape_cast %swap3A_446 : vector<16xi32> to vector<16xi32>
          %swap3A_448 = vector.shape_cast %select_n3A_444 : vector<16xi32> to vector<16xi32>
          tpu.vector_store %arg24[%swap3A_445], %swap3A_448 {strides = array<i32>} : memref<1024xi32, #tpu.memory_space<vmem>>, vector<16xi32>,
          %jit3A_449 = arith.constant 1.000000e+00 : f32
          %jit3A_450 = arith.constant 0.000000e+00 : f32
          %broadcast_in_dim3A_451 = vector.broadcast %jit3A_449 : f32 to vector<16xf32>
          %broadcast_in_dim3A_452 = vector.broadcast %jit3A_450 : f32 to vector<16xf32>
          %select_n3A_453 = arith.select %and3A_418, %broadcast_in_dim3A_451, %broadcast_in_dim3A_452 : vector<16xi1>, vector<16xf32>
          %swap3A_454 = arith.index_cast %mul3A_437 : i32 to index
          %swap3A_455 = tpu.vector_load %arg26[%swap3A_454] {strides = array<i32>} : memref<1024xf32, #tpu.memory_space<vmem>>, vector<16xf32>,
          %swap3A_456 = vector.shape_cast %swap3A_455 : vector<16xf32> to vector<16xf32>
          %swap3A_457 = vector.shape_cast %select_n3A_453 : vector<16xf32> to vector<16xf32>
          tpu.vector_store %arg26[%swap3A_454], %swap3A_457 {strides = array<i32>} : memref<1024xf32, #tpu.memory_space<vmem>>, vector<16xf32>,
          %scan3A_458 = arith.constant 3 : i32
          %scan3A_459 = arith.addi %scan3A_115, %scan3A_458 : i32
          %mul3A_460 = arith.constant 1 : i32
          %mul3A_461 = arith.muli %scan3A_459, %mul3A_460 : i32
          %add3A_462 = arith.constant 0 : i32
          %add3A_463 = arith.addi %add3A_462, %mul3A_461 : i32
          %mul3A_464 = arith.constant 16 : i32
          %mul3A_465 = arith.muli %add3A_100, %mul3A_464 : i32
          %get3A_466 = arith.index_cast %mul3A_465 : i32 to index
          %get3A_467 = tpu.vector_load %arg13[%get3A_466] {strides = array<i32>} : memref<9600xf32, #tpu.memory_space<vmem>>, vector<16xf32>,
          %get3A_468 = vector.shape_cast %get3A_467 : vector<16xf32> to vector<16xf32>
          %mul3A_469 = arith.constant 1.280000e+02 : f32
          %mul3A_470 = vector.broadcast %mul3A_469 : f32 to vector<16xf32>
          %mul3A_471 = arith.mulf %get3A_468, %mul3A_470 : vector<16xf32>
          %get3A_472 = arith.index_cast %mul3A_465 : i32 to index
          %get3A_473 = tpu.vector_load %arg14[%get3A_472] {strides = array<i32>} : memref<9600xf32, #tpu.memory_space<vmem>>, vector<16xf32>,
          %get3A_474 = vector.shape_cast %get3A_473 : vector<16xf32> to vector<16xf32>
          %mul3A_475 = arith.constant 1.280000e+02 : f32
          %mul3A_476 = vector.broadcast %mul3A_475 : f32 to vector<16xf32>
          %mul3A_477 = arith.mulf %get3A_474, %mul3A_476 : vector<16xf32>
          %get3A_478 = arith.index_cast %mul3A_465 : i32 to index
          %get3A_479 = tpu.vector_load %arg15[%get3A_478] {strides = array<i32>} : memref<9600xf32, #tpu.memory_space<vmem>>, vector<16xf32>,
          %get3A_480 = vector.shape_cast %get3A_479 : vector<16xf32> to vector<16xf32>
          %mul3A_481 = arith.constant 1.280000e+02 : f32
          %mul3A_482 = vector.broadcast %mul3A_481 : f32 to vector<16xf32>
          %mul3A_483 = arith.mulf %get3A_480, %mul3A_482 : vector<16xf32>
          %get3A_484 = arith.index_cast %mul3A_465 : i32 to index
          %get3A_485 = tpu.vector_load %arg16[%get3A_484] {strides = array<i32>} : memref<9600xf32, #tpu.memory_space<vmem>>, vector<16xf32>,
          %get3A_486 = vector.shape_cast %get3A_485 : vector<16xf32> to vector<16xf32>
          %get3A_487 = arith.index_cast %mul3A_465 : i32 to index
          %get3A_488 = tpu.vector_load %arg13[%get3A_487] {strides = array<i32>} : memref<9600xf32, #tpu.memory_space<vmem>>, vector<16xf32>,
          %get3A_489 = vector.shape_cast %get3A_488 : vector<16xf32> to vector<16xf32>
          %sub3A_490 = arith.subf %get3A_486, %get3A_489 : vector<16xf32>
          %mul3A_491 = arith.constant 1.280000e+02 : f32
          %mul3A_492 = vector.broadcast %mul3A_491 : f32 to vector<16xf32>
          %mul3A_493 = arith.mulf %sub3A_490, %mul3A_492 : vector<16xf32>
          %get3A_494 = arith.index_cast %mul3A_465 : i32 to index
          %get3A_495 = tpu.vector_load %arg17[%get3A_494] {strides = array<i32>} : memref<9600xf32, #tpu.memory_space<vmem>>, vector<16xf32>,
          %get3A_496 = vector.shape_cast %get3A_495 : vector<16xf32> to vector<16xf32>
          %get3A_497 = arith.index_cast %mul3A_465 : i32 to index
          %get3A_498 = tpu.vector_load %arg14[%get3A_497] {strides = array<i32>} : memref<9600xf32, #tpu.memory_space<vmem>>, vector<16xf32>,
          %get3A_499 = vector.shape_cast %get3A_498 : vector<16xf32> to vector<16xf32>
          %sub3A_500 = arith.subf %get3A_496, %get3A_499 : vector<16xf32>
          %mul3A_501 = arith.constant 1.280000e+02 : f32
          %mul3A_502 = vector.broadcast %mul3A_501 : f32 to vector<16xf32>
          %mul3A_503 = arith.mulf %sub3A_500, %mul3A_502 : vector<16xf32>
          %get3A_504 = arith.index_cast %mul3A_465 : i32 to index
          %get3A_505 = tpu.vector_load %arg18[%get3A_504] {strides = array<i32>} : memref<9600xf32, #tpu.memory_space<vmem>>, vector<16xf32>,
          %get3A_506 = vector.shape_cast %get3A_505 : vector<16xf32> to vector<16xf32>
          %get3A_507 = arith.index_cast %mul3A_465 : i32 to index
          %get3A_508 = tpu.vector_load %arg15[%get3A_507] {strides = array<i32>} : memref<9600xf32, #tpu.memory_space<vmem>>, vector<16xf32>,
          %get3A_509 = vector.shape_cast %get3A_508 : vector<16xf32> to vector<16xf32>
          %sub3A_510 = arith.subf %get3A_506, %get3A_509 : vector<16xf32>
          %mul3A_511 = arith.constant 1.280000e+02 : f32
          %mul3A_512 = vector.broadcast %mul3A_511 : f32 to vector<16xf32>
          %mul3A_513 = arith.mulf %sub3A_510, %mul3A_512 : vector<16xf32>
          %mul3A_514 = arith.constant 16 : i32
          %mul3A_515 = arith.muli %add3A_463, %mul3A_514 : i32
          %get3A_516 = arith.index_cast %mul3A_515 : i32 to index
          %get3A_517 = tpu.vector_load %arg21[%get3A_516] {strides = array<i32>} : memref<1024xf32, #tpu.memory_space<vmem>>, vector<16xf32>,
          %get3A_518 = vector.shape_cast %get3A_517 : vector<16xf32> to vector<16xf32>
          %mul3A_519 = arith.mulf %get3A_518, %mul3A_493 : vector<16xf32>
          %add3A_520 = arith.addf %mul3A_471, %mul3A_519 : vector<16xf32>
          %mul3A_521 = arith.mulf %get3A_518, %mul3A_503 : vector<16xf32>
          %add3A_522 = arith.addf %mul3A_477, %mul3A_521 : vector<16xf32>
          %mul3A_523 = arith.mulf %get3A_518, %mul3A_513 : vector<16xf32>
          %add3A_524 = arith.addf %mul3A_483, %mul3A_523 : vector<16xf32>
          %min3A_525 = arith.minimumf %add3A_522, %add3A_524 : vector<16xf32>
          %min3A_526 = arith.minimumf %add3A_520, %min3A_525 : vector<16xf32>
          %max3A_527 = arith.maximumf %add3A_522, %add3A_524 : vector<16xf32>
          %max3A_528 = arith.maximumf %add3A_520, %max3A_527 : vector<16xf32>
          %ge3A_529 = arith.constant 0.000000e+00 : f32
          %ge3A_530 = vector.broadcast %ge3A_529 : f32 to vector<16xf32>
          %ge3A_531 = arith.cmpf oge, %min3A_526, %ge3A_530 : vector<16xf32>
          %lt3A_532 = arith.constant 1.280000e+02 : f32
          %lt3A_533 = vector.broadcast %lt3A_532 : f32 to vector<16xf32>
          %lt3A_534 = arith.cmpf olt, %max3A_528, %lt3A_533 : vector<16xf32>
          %and3A_535 = arith.andi %ge3A_531, %lt3A_534 : vector<16xi1>
          %convert_element_type3A_536 = arith.fptosi %add3A_520 : vector<16xf32> to vector<16xi32>
          %convert_element_type3A_537 = arith.fptosi %add3A_522 : vector<16xf32> to vector<16xi32>
          %convert_element_type3A_538 = arith.fptosi %add3A_524 : vector<16xf32> to vector<16xi32>
          %mul3A_539 = arith.constant 128 : i32
          %mul3A_540 = vector.broadcast %mul3A_539 : i32 to vector<16xi32>
          %mul3A_541 = arith.muli %convert_element_type3A_536, %mul3A_540 : vector<16xi32>
          %add3A_542 = arith.addi %mul3A_541, %convert_element_type3A_537 : vector<16xi32>
          %mul3A_543 = arith.constant 128 : i32
          %mul3A_544 = vector.broadcast %mul3A_543 : i32 to vector<16xi32>
          %mul3A_545 = arith.muli %add3A_542, %mul3A_544 : vector<16xi32>
          %add3A_546 = arith.addi %mul3A_545, %convert_element_type3A_538 : vector<16xi32>
          %jit3A_547 = arith.constant 0 : i32
          %jit3A_548 = arith.constant 2097151 : i32
          %max3A_549 = vector.broadcast %jit3A_547 : i32 to vector<16xi32>
          %max3A_550 = arith.maxsi %max3A_549, %add3A_546 : vector<16xi32>
          %min3A_551 = vector.broadcast %jit3A_548 : i32 to vector<16xi32>
          %min3A_552 = arith.minsi %min3A_551, %max3A_550 : vector<16xi32>
          %mul3A_553 = arith.constant 16 : i32
          %mul3A_554 = arith.muli %add3A_463, %mul3A_553 : i32
          %swap3A_555 = arith.index_cast %mul3A_554 : i32 to index
          %swap3A_556 = tpu.vector_load %arg22[%swap3A_555] {strides = array<i32>} : memref<1024xi32, #tpu.memory_space<vmem>>, vector<16xi32>,
          %swap3A_557 = vector.shape_cast %swap3A_556 : vector<16xi32> to vector<16xi32>
          %swap3A_558 = vector.shape_cast %min3A_552 : vector<16xi32> to vector<16xi32>
          tpu.vector_store %arg22[%swap3A_555], %swap3A_558 {strides = array<i32>} : memref<1024xi32, #tpu.memory_space<vmem>>, vector<16xi32>,
          %jit3A_559 = arith.constant -1 : i32
          %broadcast_in_dim3A_560 = vector.broadcast %jit3A_559 : i32 to vector<16xi32>
          %select_n3A_561 = arith.select %and3A_535, %add3A_546, %broadcast_in_dim3A_560 : vector<16xi1>, vector<16xi32>
          %swap3A_562 = arith.index_cast %mul3A_554 : i32 to index
          %swap3A_563 = tpu.vector_load %arg24[%swap3A_562] {strides = array<i32>} : memref<1024xi32, #tpu.memory_space<vmem>>, vector<16xi32>,
          %swap3A_564 = vector.shape_cast %swap3A_563 : vector<16xi32> to vector<16xi32>
          %swap3A_565 = vector.shape_cast %select_n3A_561 : vector<16xi32> to vector<16xi32>
          tpu.vector_store %arg24[%swap3A_562], %swap3A_565 {strides = array<i32>} : memref<1024xi32, #tpu.memory_space<vmem>>, vector<16xi32>,
          %jit3A_566 = arith.constant 1.000000e+00 : f32
          %jit3A_567 = arith.constant 0.000000e+00 : f32
          %broadcast_in_dim3A_568 = vector.broadcast %jit3A_566 : f32 to vector<16xf32>
          %broadcast_in_dim3A_569 = vector.broadcast %jit3A_567 : f32 to vector<16xf32>
          %select_n3A_570 = arith.select %and3A_535, %broadcast_in_dim3A_568, %broadcast_in_dim3A_569 : vector<16xi1>, vector<16xf32>
          %swap3A_571 = arith.index_cast %mul3A_554 : i32 to index
          %swap3A_572 = tpu.vector_load %arg26[%swap3A_571] {strides = array<i32>} : memref<1024xf32, #tpu.memory_space<vmem>>, vector<16xf32>,
          %swap3A_573 = vector.shape_cast %swap3A_572 : vector<16xf32> to vector<16xf32>
          %swap3A_574 = vector.shape_cast %select_n3A_570 : vector<16xf32> to vector<16xf32>
          tpu.vector_store %arg26[%swap3A_571], %swap3A_574 {strides = array<i32>} : memref<1024xf32, #tpu.memory_space<vmem>>, vector<16xf32>,
        }
        %scan3A_105 = arith.constant 64 : i32
        %add3A_106 = arith.constant 2 : i32
        %add3A_107 = arith.addi %add3A_23, %add3A_106 : i32
        %dma_start3A_108 = arith.constant 0 : i32
        %dma_start3A_109 = tpu.memref_slice %arg10[%dma_start3A_108] : memref<2097152xf32, #tpu.memory_space<hbm>> -> memref<2097152xf32, #tpu.memory_space<hbm>>
        tpu.enqueue_indirect_dma source(%dma_start3A_109 : memref<2097152xf32, #tpu.memory_space<hbm>>) target(%arg28 : memref<1024xf32, #tpu.memory_space<vmem>>) offsets(%arg22 : memref<1024xi32, #tpu.memory_space<vmem>>) semaphore(%arg30 : memref<!tpu.dma_semaphore, #tpu.memory_space<semaphore_mem>>)
        %mul3A_110 = arith.constant 1024 : i32
        %mul3A_111 = arith.muli %add3A_107, %mul3A_110 : i32
        %add3A_112 = arith.addi %mul3A_4, %mul3A_111 : i32
        %dma_start3A_113 = tpu.memref_slice %arg12[%add3A_112] : memref<19660800xi32, #tpu.memory_space<hbm>> -> memref<1024xi32, #tpu.memory_space<hbm>>
        %dma_start3A_114 = tpu.memref_slice %arg12[%add3A_112] : memref<19660800xi32, #tpu.memory_space<hbm>> -> memref<1024xi32, #tpu.memory_space<hbm>>
        tpu.enqueue_dma source(%arg24 : memref<1024xi32, #tpu.memory_space<vmem>>) target(%dma_start3A_114 : memref<1024xi32, #tpu.memory_space<hbm>>) target_semaphore(%arg32 : memref<!tpu.dma_semaphore, #tpu.memory_space<semaphore_mem>>)
      } else {
      }
      %add3A_68 = arith.constant 1 : i32
      %add3A_69 = arith.addi %add3A_23, %add3A_68 : i32
      %dma_wait3A_70 = arith.constant 0 : i32
      %dma_wait3A_71 = tpu.memref_slice %arg10[%dma_wait3A_70] : memref<2097152xf32, #tpu.memory_space<hbm>> -> memref<2097152xf32, #tpu.memory_space<hbm>>
      tpu.wait_indirect_dma semaphore(%arg31 : memref<!tpu.dma_semaphore, #tpu.memory_space<semaphore_mem>>) src(%dma_wait3A_71 : memref<2097152xf32, #tpu.memory_space<hbm>>) dst(%arg29 : memref<1024xf32, #tpu.memory_space<vmem>>)
      %mul3A_72 = arith.constant 1024 : i32
      %mul3A_73 = arith.muli %add3A_69, %mul3A_72 : i32
      %add3A_74 = arith.addi %mul3A_4, %mul3A_73 : i32
      %dma_wait3A_75 = tpu.memref_slice %arg12[%add3A_74] : memref<19660800xi32, #tpu.memory_space<hbm>> -> memref<1024xi32, #tpu.memory_space<hbm>>
      %dma_wait3A_76 = tpu.memref_slice %arg12[%add3A_74] : memref<19660800xi32, #tpu.memory_space<hbm>> -> memref<1024xi32, #tpu.memory_space<hbm>>
      tpu.wait_dma2 semaphore(%arg33 : memref<!tpu.dma_semaphore, #tpu.memory_space<semaphore_mem>>) src(%arg25 : memref<1024xi32, #tpu.memory_space<vmem>>) dst(%dma_wait3A_76 : memref<1024xi32, #tpu.memory_space<hbm>>)
      %broadcast_in_dim3A_77 = arith.constant 0.000000e+00 : f32
      %broadcast_in_dim3A_78 = vector.broadcast %broadcast_in_dim3A_77 : f32 to vector<16xf32>
      %scan3A_79 = arith.constant 0 : i32
      %scan3A_80 = arith.constant 64 : i32
      %scan3A_81 = arith.addi %scan3A_79, %scan3A_80 : i32
      %scan3A_82 = arith.constant 4 : i32
      %scan3A_83 = scf.for %scan3A_99 = %scan3A_79 to %scan3A_81 step %scan3A_82 iter_args(%scan3A_100 = %broadcast_in_dim3A_78) -> (vector<16xf32>)  : i32 {
        %mul3A_101 = arith.constant 16 : i32
        %mul3A_102 = arith.muli %scan3A_99, %mul3A_101 : i32
        %get3A_103 = arith.index_cast %mul3A_102 : i32 to index
        %get3A_104 = tpu.vector_load %arg29[%get3A_103] {strides = array<i32>} : memref<1024xf32, #tpu.memory_space<vmem>>, vector<16xf32>,
        %get3A_105 = vector.shape_cast %get3A_104 : vector<16xf32> to vector<16xf32>
        %get3A_106 = arith.index_cast %mul3A_102 : i32 to index
        %get3A_107 = tpu.vector_load %arg27[%get3A_106] {strides = array<i32>} : memref<1024xf32, #tpu.memory_space<vmem>>, vector<16xf32>,
        %get3A_108 = vector.shape_cast %get3A_107 : vector<16xf32> to vector<16xf32>
        %mul3A_109 = arith.mulf %get3A_105, %get3A_108 : vector<16xf32>
        %add3A_110 = arith.addf %scan3A_100, %mul3A_109 : vector<16xf32>
        %scan3A_111 = arith.constant 1 : i32
        %scan3A_112 = arith.addi %scan3A_99, %scan3A_111 : i32
        %mul3A_113 = arith.constant 16 : i32
        %mul3A_114 = arith.muli %scan3A_112, %mul3A_113 : i32
        %get3A_115 = arith.index_cast %mul3A_114 : i32 to index
        %get3A_116 = tpu.vector_load %arg29[%get3A_115] {strides = array<i32>} : memref<1024xf32, #tpu.memory_space<vmem>>, vector<16xf32>,
        %get3A_117 = vector.shape_cast %get3A_116 : vector<16xf32> to vector<16xf32>
        %get3A_118 = arith.index_cast %mul3A_114 : i32 to index
        %get3A_119 = tpu.vector_load %arg27[%get3A_118] {strides = array<i32>} : memref<1024xf32, #tpu.memory_space<vmem>>, vector<16xf32>,
        %get3A_120 = vector.shape_cast %get3A_119 : vector<16xf32> to vector<16xf32>
        %mul3A_121 = arith.mulf %get3A_117, %get3A_120 : vector<16xf32>
        %add3A_122 = arith.addf %add3A_110, %mul3A_121 : vector<16xf32>
        %scan3A_123 = arith.constant 2 : i32
        %scan3A_124 = arith.addi %scan3A_99, %scan3A_123 : i32
        %mul3A_125 = arith.constant 16 : i32
        %mul3A_126 = arith.muli %scan3A_124, %mul3A_125 : i32
        %get3A_127 = arith.index_cast %mul3A_126 : i32 to index
        %get3A_128 = tpu.vector_load %arg29[%get3A_127] {strides = array<i32>} : memref<1024xf32, #tpu.memory_space<vmem>>, vector<16xf32>,
        %get3A_129 = vector.shape_cast %get3A_128 : vector<16xf32> to vector<16xf32>
        %get3A_130 = arith.index_cast %mul3A_126 : i32 to index
        %get3A_131 = tpu.vector_load %arg27[%get3A_130] {strides = array<i32>} : memref<1024xf32, #tpu.memory_space<vmem>>, vector<16xf32>,
        %get3A_132 = vector.shape_cast %get3A_131 : vector<16xf32> to vector<16xf32>
        %mul3A_133 = arith.mulf %get3A_129, %get3A_132 : vector<16xf32>
        %add3A_134 = arith.addf %add3A_122, %mul3A_133 : vector<16xf32>
        %scan3A_135 = arith.constant 3 : i32
        %scan3A_136 = arith.addi %scan3A_99, %scan3A_135 : i32
        %mul3A_137 = arith.constant 16 : i32
        %mul3A_138 = arith.muli %scan3A_136, %mul3A_137 : i32
        %get3A_139 = arith.index_cast %mul3A_138 : i32 to index
        %get3A_140 = tpu.vector_load %arg29[%get3A_139] {strides = array<i32>} : memref<1024xf32, #tpu.memory_space<vmem>>, vector<16xf32>,
        %get3A_141 = vector.shape_cast %get3A_140 : vector<16xf32> to vector<16xf32>
        %get3A_142 = arith.index_cast %mul3A_138 : i32 to index
        %get3A_143 = tpu.vector_load %arg27[%get3A_142] {strides = array<i32>} : memref<1024xf32, #tpu.memory_space<vmem>>, vector<16xf32>,
        %get3A_144 = vector.shape_cast %get3A_143 : vector<16xf32> to vector<16xf32>
        %mul3A_145 = arith.mulf %get3A_141, %get3A_144 : vector<16xf32>
        %add3A_146 = arith.addf %add3A_134, %mul3A_145 : vector<16xf32>
        scf.yield %add3A_146 : vector<16xf32>
      }
      %scan3A_84 = arith.constant 64 : i32
      %mul3A_85 = arith.constant 16 : i32
      %mul3A_86 = arith.muli %add3A_69, %mul3A_85 : i32
      %get3A_87 = arith.index_cast %mul3A_86 : i32 to index
      %get3A_88 = tpu.vector_load %arg19[%get3A_87] {strides = array<i32>} : memref<9600xf32, #tpu.memory_space<vmem>>, vector<16xf32>,
      %get3A_89 = vector.shape_cast %get3A_88 : vector<16xf32> to vector<16xf32>
      %mul3A_90 = arith.mulf %scan3A_83, %get3A_89 : vector<16xf32>
      %add3A_91 = arith.constant 9.99999993E-9 : f32
      %add3A_92 = vector.broadcast %add3A_91 : f32 to vector<16xf32>
      %add3A_93 = arith.addf %mul3A_90, %add3A_92 : vector<16xf32>
      %div3A_94 = arith.divf %get3A_89, %add3A_93 : vector<16xf32>
      %swap3A_95 = arith.index_cast %mul3A_86 : i32 to index
      %swap3A_96 = tpu.vector_load %arg20[%swap3A_95] {strides = array<i32>} : memref<9600xf32, #tpu.memory_space<vmem>>, vector<16xf32>,
      %swap3A_97 = vector.shape_cast %swap3A_96 : vector<16xf32> to vector<16xf32>
      %swap3A_98 = vector.shape_cast %div3A_94 : vector<16xf32> to vector<16xf32>
      tpu.vector_store %arg20[%swap3A_95], %swap3A_98 {strides = array<i32>} : memref<9600xf32, #tpu.memory_space<vmem>>, vector<16xf32>,
    }
    %scan3A_18 = arith.constant 300 : i32
    "tpu.region"() ({
      %run_scoped3A = tpu.sem_alloc : memref<!tpu.dma_semaphore, #tpu.memory_space<semaphore_mem>>
      %dma_start3A_19 = tpu.memref_slice %arg11[%mul3A_2] : memref<307200xf32, #tpu.memory_space<hbm>> -> memref<9600xf32, #tpu.memory_space<hbm>>
      %dma_start3A_20 = tpu.memref_slice %arg11[%mul3A_2] : memref<307200xf32, #tpu.memory_space<hbm>> -> memref<9600xf32, #tpu.memory_space<hbm>>
      tpu.enqueue_dma source(%arg20 : memref<9600xf32, #tpu.memory_space<vmem>>) target(%dma_start3A_20 : memref<9600xf32, #tpu.memory_space<hbm>>) target_semaphore(%run_scoped3A : memref<!tpu.dma_semaphore, #tpu.memory_space<semaphore_mem>>)
      %dma_wait3A = tpu.memref_slice %arg11[%mul3A_2] : memref<307200xf32, #tpu.memory_space<hbm>> -> memref<9600xf32, #tpu.memory_space<hbm>>
      %dma_wait3A_21 = tpu.memref_slice %arg11[%mul3A_2] : memref<307200xf32, #tpu.memory_space<hbm>> -> memref<9600xf32, #tpu.memory_space<hbm>>
      tpu.wait_dma2 semaphore(%run_scoped3A : memref<!tpu.dma_semaphore, #tpu.memory_space<semaphore_mem>>) src(%arg20 : memref<9600xf32, #tpu.memory_space<vmem>>) dst(%dma_wait3A_21 : memref<9600xf32, #tpu.memory_space<hbm>>)
      tpu.yield
    }) : () -> ()
    return
  }
}

#map = affine_map<(d0, d1) -> (0)>
module attributes {stable_mosaic.version = 14 : i64} {
  func.func @_backproject_sc(%arg0: i32, %arg1: i32, %arg2: memref<307200xf32, #tpu.memory_space<hbm>>, %arg3: memref<19660800xi32, #tpu.memory_space<hbm>>, %arg4: memref<2097152xf32, #tpu.memory_space<hbm>>, %arg5: memref<1048576xf32, #tpu.memory_space<vmem_shared>>, %arg6: memref<20480xi32, #tpu.memory_space<vmem>>, %arg7: memref<20480xi32, #tpu.memory_space<vmem>>, %arg8: memref<320xf32, #tpu.memory_space<vmem>>, %arg9: memref<320xf32, #tpu.memory_space<vmem>>, %arg10: memref<1024xi32, #tpu.memory_space<vmem>>, %arg11: memref<1024xi32, #tpu.memory_space<vmem>>, %arg12: memref<1024xf32, #tpu.memory_space<vmem>>, %arg13: memref<1024xf32, #tpu.memory_space<vmem>>, %arg14: memref<8192xf32, #tpu.memory_space<vmem>>, %arg15: memref<!tpu.dma_semaphore, #tpu.memory_space<semaphore_mem>>, %arg16: memref<!tpu.dma_semaphore, #tpu.memory_space<semaphore_mem>>, %arg17: memref<!tpu.dma_semaphore, #tpu.memory_space<semaphore_mem>>, %arg18: memref<!tpu.dma_semaphore, #tpu.memory_space<semaphore_mem>>) attributes {dimension_semantics = [#tpu.dimension_semantics<core_parallel>, #tpu.dimension_semantics<subcore_parallel>], iteration_bounds = array<i64: 2, 16>, scalar_prefetch = 0 : i64, scratch_operands = 14 : i64, tpu.core_type = #tpu.core_type<sc_vector_subcore>, window_params = [{transform_indices = #map}, {transform_indices = #map}, {transform_indices = #map}]} {
    %mul3A = arith.constant 1048576 : i32
    %mul3A_0 = arith.muli %arg0, %mul3A : i32
    %scan3A = arith.constant 0 : i32
    %scan3A_1 = arith.constant 0 : i32
    %scan3A_2 = arith.constant 512 : i32
    %scan3A_3 = arith.addi %scan3A_1, %scan3A_2 : i32
    %scan3A_4 = arith.constant 1 : i32
    scf.for %scan3A_67 = %scan3A_1 to %scan3A_3 step %scan3A_4  : i32 {
      %broadcast_in_dim3A = arith.constant 0.000000e+00 : f32
      %broadcast_in_dim3A_68 = vector.broadcast %broadcast_in_dim3A : f32 to vector<16xf32>
      %mul3A_69 = arith.constant 16 : i32
      %mul3A_70 = arith.muli %scan3A_67, %mul3A_69 : i32
      %swap3A = arith.index_cast %mul3A_70 : i32 to index
      %swap3A_71 = tpu.vector_load %arg14[%swap3A] {strides = array<i32>} : memref<8192xf32, #tpu.memory_space<vmem>>, vector<16xf32>,
      %swap3A_72 = vector.shape_cast %swap3A_71 : vector<16xf32> to vector<16xf32>
      %swap3A_73 = vector.shape_cast %broadcast_in_dim3A_68 : vector<16xf32> to vector<16xf32>
      tpu.vector_store %arg14[%swap3A], %swap3A_73 {strides = array<i32>} : memref<8192xf32, #tpu.memory_space<vmem>>, vector<16xf32>,
    }
    %scan3A_5 = arith.constant 512 : i32
    %mul3A_6 = arith.constant 65536 : i32
    %mul3A_7 = arith.muli %arg1, %mul3A_6 : i32
    %add3A = arith.constant 0 : i32
    %add3A_8 = arith.addi %mul3A_7, %add3A : i32
    "tpu.region"() ({
      %run_scoped3A = tpu.sem_alloc : memref<!tpu.dma_semaphore, #tpu.memory_space<semaphore_mem>>
      %dma_start3A_67 = tpu.memref_slice %arg5[%add3A_8] : memref<1048576xf32, #tpu.memory_space<vmem_shared>> -> memref<8192xf32, #tpu.memory_space<vmem_shared>>
      %dma_start3A_68 = tpu.memref_slice %arg5[%add3A_8] : memref<1048576xf32, #tpu.memory_space<vmem_shared>> -> memref<8192xf32, #tpu.memory_space<vmem_shared>>
      tpu.enqueue_dma source(%arg14 : memref<8192xf32, #tpu.memory_space<vmem>>) target(%dma_start3A_68 : memref<8192xf32, #tpu.memory_space<vmem_shared>>) target_semaphore(%run_scoped3A : memref<!tpu.dma_semaphore, #tpu.memory_space<semaphore_mem>>)
      %dma_wait3A = tpu.memref_slice %arg5[%add3A_8] : memref<1048576xf32, #tpu.memory_space<vmem_shared>> -> memref<8192xf32, #tpu.memory_space<vmem_shared>>
      %dma_wait3A_69 = tpu.memref_slice %arg5[%add3A_8] : memref<1048576xf32, #tpu.memory_space<vmem_shared>> -> memref<8192xf32, #tpu.memory_space<vmem_shared>>
      tpu.wait_dma2 semaphore(%run_scoped3A : memref<!tpu.dma_semaphore, #tpu.memory_space<semaphore_mem>>) src(%arg14 : memref<8192xf32, #tpu.memory_space<vmem>>) dst(%dma_wait3A_69 : memref<8192xf32, #tpu.memory_space<vmem_shared>>)
      tpu.yield
    }) : () -> ()
    %mul3A_9 = arith.constant 65536 : i32
    %mul3A_10 = arith.muli %arg1, %mul3A_9 : i32
    %add3A_11 = arith.constant 8192 : i32
    %add3A_12 = arith.addi %mul3A_10, %add3A_11 : i32
    "tpu.region"() ({
      %run_scoped3A = tpu.sem_alloc : memref<!tpu.dma_semaphore, #tpu.memory_space<semaphore_mem>>
      %dma_start3A_67 = tpu.memref_slice %arg5[%add3A_12] : memref<1048576xf32, #tpu.memory_space<vmem_shared>> -> memref<8192xf32, #tpu.memory_space<vmem_shared>>
      %dma_start3A_68 = tpu.memref_slice %arg5[%add3A_12] : memref<1048576xf32, #tpu.memory_space<vmem_shared>> -> memref<8192xf32, #tpu.memory_space<vmem_shared>>
      tpu.enqueue_dma source(%arg14 : memref<8192xf32, #tpu.memory_space<vmem>>) target(%dma_start3A_68 : memref<8192xf32, #tpu.memory_space<vmem_shared>>) target_semaphore(%run_scoped3A : memref<!tpu.dma_semaphore, #tpu.memory_space<semaphore_mem>>)
      %dma_wait3A = tpu.memref_slice %arg5[%add3A_12] : memref<1048576xf32, #tpu.memory_space<vmem_shared>> -> memref<8192xf32, #tpu.memory_space<vmem_shared>>
      %dma_wait3A_69 = tpu.memref_slice %arg5[%add3A_12] : memref<1048576xf32, #tpu.memory_space<vmem_shared>> -> memref<8192xf32, #tpu.memory_space<vmem_shared>>
      tpu.wait_dma2 semaphore(%run_scoped3A : memref<!tpu.dma_semaphore, #tpu.memory_space<semaphore_mem>>) src(%arg14 : memref<8192xf32, #tpu.memory_space<vmem>>) dst(%dma_wait3A_69 : memref<8192xf32, #tpu.memory_space<vmem_shared>>)
      tpu.yield
    }) : () -> ()
    %mul3A_13 = arith.constant 65536 : i32
    %mul3A_14 = arith.muli %arg1, %mul3A_13 : i32
    %add3A_15 = arith.constant 16384 : i32
    %add3A_16 = arith.addi %mul3A_14, %add3A_15 : i32
    "tpu.region"() ({
      %run_scoped3A = tpu.sem_alloc : memref<!tpu.dma_semaphore, #tpu.memory_space<semaphore_mem>>
      %dma_start3A_67 = tpu.memref_slice %arg5[%add3A_16] : memref<1048576xf32, #tpu.memory_space<vmem_shared>> -> memref<8192xf32, #tpu.memory_space<vmem_shared>>
      %dma_start3A_68 = tpu.memref_slice %arg5[%add3A_16] : memref<1048576xf32, #tpu.memory_space<vmem_shared>> -> memref<8192xf32, #tpu.memory_space<vmem_shared>>
      tpu.enqueue_dma source(%arg14 : memref<8192xf32, #tpu.memory_space<vmem>>) target(%dma_start3A_68 : memref<8192xf32, #tpu.memory_space<vmem_shared>>) target_semaphore(%run_scoped3A : memref<!tpu.dma_semaphore, #tpu.memory_space<semaphore_mem>>)
      %dma_wait3A = tpu.memref_slice %arg5[%add3A_16] : memref<1048576xf32, #tpu.memory_space<vmem_shared>> -> memref<8192xf32, #tpu.memory_space<vmem_shared>>
      %dma_wait3A_69 = tpu.memref_slice %arg5[%add3A_16] : memref<1048576xf32, #tpu.memory_space<vmem_shared>> -> memref<8192xf32, #tpu.memory_space<vmem_shared>>
      tpu.wait_dma2 semaphore(%run_scoped3A : memref<!tpu.dma_semaphore, #tpu.memory_space<semaphore_mem>>) src(%arg14 : memref<8192xf32, #tpu.memory_space<vmem>>) dst(%dma_wait3A_69 : memref<8192xf32, #tpu.memory_space<vmem_shared>>)
      tpu.yield
    }) : () -> ()
    %mul3A_17 = arith.constant 65536 : i32
    %mul3A_18 = arith.muli %arg1, %mul3A_17 : i32
    %add3A_19 = arith.constant 24576 : i32
    %add3A_20 = arith.addi %mul3A_18, %add3A_19 : i32
    "tpu.region"() ({
      %run_scoped3A = tpu.sem_alloc : memref<!tpu.dma_semaphore, #tpu.memory_space<semaphore_mem>>
      %dma_start3A_67 = tpu.memref_slice %arg5[%add3A_20] : memref<1048576xf32, #tpu.memory_space<vmem_shared>> -> memref<8192xf32, #tpu.memory_space<vmem_shared>>
      %dma_start3A_68 = tpu.memref_slice %arg5[%add3A_20] : memref<1048576xf32, #tpu.memory_space<vmem_shared>> -> memref<8192xf32, #tpu.memory_space<vmem_shared>>
      tpu.enqueue_dma source(%arg14 : memref<8192xf32, #tpu.memory_space<vmem>>) target(%dma_start3A_68 : memref<8192xf32, #tpu.memory_space<vmem_shared>>) target_semaphore(%run_scoped3A : memref<!tpu.dma_semaphore, #tpu.memory_space<semaphore_mem>>)
      %dma_wait3A = tpu.memref_slice %arg5[%add3A_20] : memref<1048576xf32, #tpu.memory_space<vmem_shared>> -> memref<8192xf32, #tpu.memory_space<vmem_shared>>
      %dma_wait3A_69 = tpu.memref_slice %arg5[%add3A_20] : memref<1048576xf32, #tpu.memory_space<vmem_shared>> -> memref<8192xf32, #tpu.memory_space<vmem_shared>>
      tpu.wait_dma2 semaphore(%run_scoped3A : memref<!tpu.dma_semaphore, #tpu.memory_space<semaphore_mem>>) src(%arg14 : memref<8192xf32, #tpu.memory_space<vmem>>) dst(%dma_wait3A_69 : memref<8192xf32, #tpu.memory_space<vmem_shared>>)
      tpu.yield
    }) : () -> ()
    %mul3A_21 = arith.constant 65536 : i32
    %mul3A_22 = arith.muli %arg1, %mul3A_21 : i32
    %add3A_23 = arith.constant 32768 : i32
    %add3A_24 = arith.addi %mul3A_22, %add3A_23 : i32
    "tpu.region"() ({
      %run_scoped3A = tpu.sem_alloc : memref<!tpu.dma_semaphore, #tpu.memory_space<semaphore_mem>>
      %dma_start3A_67 = tpu.memref_slice %arg5[%add3A_24] : memref<1048576xf32, #tpu.memory_space<vmem_shared>> -> memref<8192xf32, #tpu.memory_space<vmem_shared>>
      %dma_start3A_68 = tpu.memref_slice %arg5[%add3A_24] : memref<1048576xf32, #tpu.memory_space<vmem_shared>> -> memref<8192xf32, #tpu.memory_space<vmem_shared>>
      tpu.enqueue_dma source(%arg14 : memref<8192xf32, #tpu.memory_space<vmem>>) target(%dma_start3A_68 : memref<8192xf32, #tpu.memory_space<vmem_shared>>) target_semaphore(%run_scoped3A : memref<!tpu.dma_semaphore, #tpu.memory_space<semaphore_mem>>)
      %dma_wait3A = tpu.memref_slice %arg5[%add3A_24] : memref<1048576xf32, #tpu.memory_space<vmem_shared>> -> memref<8192xf32, #tpu.memory_space<vmem_shared>>
      %dma_wait3A_69 = tpu.memref_slice %arg5[%add3A_24] : memref<1048576xf32, #tpu.memory_space<vmem_shared>> -> memref<8192xf32, #tpu.memory_space<vmem_shared>>
      tpu.wait_dma2 semaphore(%run_scoped3A : memref<!tpu.dma_semaphore, #tpu.memory_space<semaphore_mem>>) src(%arg14 : memref<8192xf32, #tpu.memory_space<vmem>>) dst(%dma_wait3A_69 : memref<8192xf32, #tpu.memory_space<vmem_shared>>)
      tpu.yield
    }) : () -> ()
    %mul3A_25 = arith.constant 65536 : i32
    %mul3A_26 = arith.muli %arg1, %mul3A_25 : i32
    %add3A_27 = arith.constant 40960 : i32
    %add3A_28 = arith.addi %mul3A_26, %add3A_27 : i32
    "tpu.region"() ({
      %run_scoped3A = tpu.sem_alloc : memref<!tpu.dma_semaphore, #tpu.memory_space<semaphore_mem>>
      %dma_start3A_67 = tpu.memref_slice %arg5[%add3A_28] : memref<1048576xf32, #tpu.memory_space<vmem_shared>> -> memref<8192xf32, #tpu.memory_space<vmem_shared>>
      %dma_start3A_68 = tpu.memref_slice %arg5[%add3A_28] : memref<1048576xf32, #tpu.memory_space<vmem_shared>> -> memref<8192xf32, #tpu.memory_space<vmem_shared>>
      tpu.enqueue_dma source(%arg14 : memref<8192xf32, #tpu.memory_space<vmem>>) target(%dma_start3A_68 : memref<8192xf32, #tpu.memory_space<vmem_shared>>) target_semaphore(%run_scoped3A : memref<!tpu.dma_semaphore, #tpu.memory_space<semaphore_mem>>)
      %dma_wait3A = tpu.memref_slice %arg5[%add3A_28] : memref<1048576xf32, #tpu.memory_space<vmem_shared>> -> memref<8192xf32, #tpu.memory_space<vmem_shared>>
      %dma_wait3A_69 = tpu.memref_slice %arg5[%add3A_28] : memref<1048576xf32, #tpu.memory_space<vmem_shared>> -> memref<8192xf32, #tpu.memory_space<vmem_shared>>
      tpu.wait_dma2 semaphore(%run_scoped3A : memref<!tpu.dma_semaphore, #tpu.memory_space<semaphore_mem>>) src(%arg14 : memref<8192xf32, #tpu.memory_space<vmem>>) dst(%dma_wait3A_69 : memref<8192xf32, #tpu.memory_space<vmem_shared>>)
      tpu.yield
    }) : () -> ()
    %mul3A_29 = arith.constant 65536 : i32
    %mul3A_30 = arith.muli %arg1, %mul3A_29 : i32
    %add3A_31 = arith.constant 49152 : i32
    %add3A_32 = arith.addi %mul3A_30, %add3A_31 : i32
    "tpu.region"() ({
      %run_scoped3A = tpu.sem_alloc : memref<!tpu.dma_semaphore, #tpu.memory_space<semaphore_mem>>
      %dma_start3A_67 = tpu.memref_slice %arg5[%add3A_32] : memref<1048576xf32, #tpu.memory_space<vmem_shared>> -> memref<8192xf32, #tpu.memory_space<vmem_shared>>
      %dma_start3A_68 = tpu.memref_slice %arg5[%add3A_32] : memref<1048576xf32, #tpu.memory_space<vmem_shared>> -> memref<8192xf32, #tpu.memory_space<vmem_shared>>
      tpu.enqueue_dma source(%arg14 : memref<8192xf32, #tpu.memory_space<vmem>>) target(%dma_start3A_68 : memref<8192xf32, #tpu.memory_space<vmem_shared>>) target_semaphore(%run_scoped3A : memref<!tpu.dma_semaphore, #tpu.memory_space<semaphore_mem>>)
      %dma_wait3A = tpu.memref_slice %arg5[%add3A_32] : memref<1048576xf32, #tpu.memory_space<vmem_shared>> -> memref<8192xf32, #tpu.memory_space<vmem_shared>>
      %dma_wait3A_69 = tpu.memref_slice %arg5[%add3A_32] : memref<1048576xf32, #tpu.memory_space<vmem_shared>> -> memref<8192xf32, #tpu.memory_space<vmem_shared>>
      tpu.wait_dma2 semaphore(%run_scoped3A : memref<!tpu.dma_semaphore, #tpu.memory_space<semaphore_mem>>) src(%arg14 : memref<8192xf32, #tpu.memory_space<vmem>>) dst(%dma_wait3A_69 : memref<8192xf32, #tpu.memory_space<vmem_shared>>)
      tpu.yield
    }) : () -> ()
    %mul3A_33 = arith.constant 65536 : i32
    %mul3A_34 = arith.muli %arg1, %mul3A_33 : i32
    %add3A_35 = arith.constant 57344 : i32
    %add3A_36 = arith.addi %mul3A_34, %add3A_35 : i32
    "tpu.region"() ({
      %run_scoped3A = tpu.sem_alloc : memref<!tpu.dma_semaphore, #tpu.memory_space<semaphore_mem>>
      %dma_start3A_67 = tpu.memref_slice %arg5[%add3A_36] : memref<1048576xf32, #tpu.memory_space<vmem_shared>> -> memref<8192xf32, #tpu.memory_space<vmem_shared>>
      %dma_start3A_68 = tpu.memref_slice %arg5[%add3A_36] : memref<1048576xf32, #tpu.memory_space<vmem_shared>> -> memref<8192xf32, #tpu.memory_space<vmem_shared>>
      tpu.enqueue_dma source(%arg14 : memref<8192xf32, #tpu.memory_space<vmem>>) target(%dma_start3A_68 : memref<8192xf32, #tpu.memory_space<vmem_shared>>) target_semaphore(%run_scoped3A : memref<!tpu.dma_semaphore, #tpu.memory_space<semaphore_mem>>)
      %dma_wait3A = tpu.memref_slice %arg5[%add3A_36] : memref<1048576xf32, #tpu.memory_space<vmem_shared>> -> memref<8192xf32, #tpu.memory_space<vmem_shared>>
      %dma_wait3A_69 = tpu.memref_slice %arg5[%add3A_36] : memref<1048576xf32, #tpu.memory_space<vmem_shared>> -> memref<8192xf32, #tpu.memory_space<vmem_shared>>
      tpu.wait_dma2 semaphore(%run_scoped3A : memref<!tpu.dma_semaphore, #tpu.memory_space<semaphore_mem>>) src(%arg14 : memref<8192xf32, #tpu.memory_space<vmem>>) dst(%dma_wait3A_69 : memref<8192xf32, #tpu.memory_space<vmem_shared>>)
      tpu.yield
    }) : () -> ()
    %barrier3A = arith.constant 0 : index
    tpu.barrier barrier_id(%barrier3A)
    %mul3A_37 = arith.constant 19200 : i32
    %mul3A_38 = arith.muli %arg1, %mul3A_37 : i32
    %add3A_39 = arith.constant 0 : i32
    %add3A_40 = arith.addi %mul3A_38, %add3A_39 : i32
    %mul3A_41 = arith.constant 64 : i32
    %mul3A_42 = arith.muli %add3A_40, %mul3A_41 : i32
    %dma_start3A = tpu.memref_slice %arg3[%mul3A_42] : memref<19660800xi32, #tpu.memory_space<hbm>> -> memref<20480xi32, #tpu.memory_space<hbm>>
    %dma_start3A_43 = tpu.memref_slice %arg3[%mul3A_42] : memref<19660800xi32, #tpu.memory_space<hbm>> -> memref<20480xi32, #tpu.memory_space<hbm>>
    tpu.enqueue_dma source(%dma_start3A_43 : memref<20480xi32, #tpu.memory_space<hbm>>) target(%arg6 : memref<20480xi32, #tpu.memory_space<vmem>>) target_semaphore(%arg17 : memref<!tpu.dma_semaphore, #tpu.memory_space<semaphore_mem>>)
    %dma_start3A_44 = tpu.memref_slice %arg2[%add3A_40] : memref<307200xf32, #tpu.memory_space<hbm>> -> memref<320xf32, #tpu.memory_space<hbm>>
    %dma_start3A_45 = tpu.memref_slice %arg2[%add3A_40] : memref<307200xf32, #tpu.memory_space<hbm>> -> memref<320xf32, #tpu.memory_space<hbm>>
    tpu.enqueue_dma source(%dma_start3A_45 : memref<320xf32, #tpu.memory_space<hbm>>) target(%arg8 : memref<320xf32, #tpu.memory_space<vmem>>) target_semaphore(%arg17 : memref<!tpu.dma_semaphore, #tpu.memory_space<semaphore_mem>>)
    %mul3A_46 = arith.constant 19200 : i32
    %mul3A_47 = arith.muli %arg1, %mul3A_46 : i32
    %add3A_48 = arith.constant 320 : i32
    %add3A_49 = arith.addi %mul3A_47, %add3A_48 : i32
    %mul3A_50 = arith.constant 64 : i32
    %mul3A_51 = arith.muli %add3A_49, %mul3A_50 : i32
    %dma_start3A_52 = tpu.memref_slice %arg3[%mul3A_51] : memref<19660800xi32, #tpu.memory_space<hbm>> -> memref<20480xi32, #tpu.memory_space<hbm>>
    %dma_start3A_53 = tpu.memref_slice %arg3[%mul3A_51] : memref<19660800xi32, #tpu.memory_space<hbm>> -> memref<20480xi32, #tpu.memory_space<hbm>>
    tpu.enqueue_dma source(%dma_start3A_53 : memref<20480xi32, #tpu.memory_space<hbm>>) target(%arg7 : memref<20480xi32, #tpu.memory_space<vmem>>) target_semaphore(%arg18 : memref<!tpu.dma_semaphore, #tpu.memory_space<semaphore_mem>>)
    %dma_start3A_54 = tpu.memref_slice %arg2[%add3A_49] : memref<307200xf32, #tpu.memory_space<hbm>> -> memref<320xf32, #tpu.memory_space<hbm>>
    %dma_start3A_55 = tpu.memref_slice %arg2[%add3A_49] : memref<307200xf32, #tpu.memory_space<hbm>> -> memref<320xf32, #tpu.memory_space<hbm>>
    tpu.enqueue_dma source(%dma_start3A_55 : memref<320xf32, #tpu.memory_space<hbm>>) target(%arg9 : memref<320xf32, #tpu.memory_space<vmem>>) target_semaphore(%arg18 : memref<!tpu.dma_semaphore, #tpu.memory_space<semaphore_mem>>)
    %scan3A_56 = arith.constant 0 : i32
    %scan3A_57 = arith.constant 30 : i32
    %scan3A_58 = arith.addi %scan3A_56, %scan3A_57 : i32
    %scan3A_59 = arith.constant 1 : i32
    scf.for %scan3A_67 = %scan3A_56 to %scan3A_58 step %scan3A_59  : i32 {
      %mul3A_68 = arith.constant 2 : i32
      %mul3A_69 = arith.muli %scan3A_67, %mul3A_68 : i32
      %add3A_70 = arith.constant 0 : i32
      %add3A_71 = arith.addi %add3A_70, %mul3A_69 : i32
      %mul3A_72 = arith.constant 19200 : i32
      %mul3A_73 = arith.muli %arg1, %mul3A_72 : i32
      %mul3A_74 = arith.constant 320 : i32
      %mul3A_75 = arith.muli %add3A_71, %mul3A_74 : i32
      %add3A_76 = arith.addi %mul3A_73, %mul3A_75 : i32
      %mul3A_77 = arith.constant 64 : i32
      %mul3A_78 = arith.muli %add3A_76, %mul3A_77 : i32
      %dma_wait3A = tpu.memref_slice %arg3[%mul3A_78] : memref<19660800xi32, #tpu.memory_space<hbm>> -> memref<20480xi32, #tpu.memory_space<hbm>>
      %dma_wait3A_79 = tpu.memref_slice %arg3[%mul3A_78] : memref<19660800xi32, #tpu.memory_space<hbm>> -> memref<20480xi32, #tpu.memory_space<hbm>>
      tpu.wait_dma2 semaphore(%arg17 : memref<!tpu.dma_semaphore, #tpu.memory_space<semaphore_mem>>) src(%dma_wait3A_79 : memref<20480xi32, #tpu.memory_space<hbm>>) dst(%arg6 : memref<20480xi32, #tpu.memory_space<vmem>>)
      %dma_wait3A_80 = tpu.memref_slice %arg2[%add3A_76] : memref<307200xf32, #tpu.memory_space<hbm>> -> memref<320xf32, #tpu.memory_space<hbm>>
      %dma_wait3A_81 = tpu.memref_slice %arg2[%add3A_76] : memref<307200xf32, #tpu.memory_space<hbm>> -> memref<320xf32, #tpu.memory_space<hbm>>
      tpu.wait_dma2 semaphore(%arg17 : memref<!tpu.dma_semaphore, #tpu.memory_space<semaphore_mem>>) src(%dma_wait3A_81 : memref<320xf32, #tpu.memory_space<hbm>>) dst(%arg8 : memref<320xf32, #tpu.memory_space<vmem>>)
      %get3A = arith.constant 0 : index
      %get3A_82 = tpu.vector_load %arg8[%get3A] {strides = array<i32>} : memref<320xf32, #tpu.memory_space<vmem>>, vector<16xf32>,
      %get3A_83 = vector.shape_cast %get3A_82 : vector<16xf32> to vector<16xf32>
      %scan3A_84 = arith.constant 0 : i32
      %scan3A_85 = arith.constant 64 : i32
      %scan3A_86 = arith.addi %scan3A_84, %scan3A_85 : i32
      %scan3A_87 = arith.constant 8 : i32
      scf.for %scan3A_137 = %scan3A_84 to %scan3A_86 step %scan3A_87  : i32 {
        %mul3A_138 = arith.constant 1 : i32
        %mul3A_139 = arith.muli %scan3A_137, %mul3A_138 : i32
        %add3A_140 = arith.constant 0 : i32
        %add3A_141 = arith.addi %add3A_140, %mul3A_139 : i32
        %mul3A_142 = arith.constant 16 : i32
        %mul3A_143 = arith.muli %add3A_141, %mul3A_142 : i32
        %add3A_144 = arith.constant 0 : i32
        %add3A_145 = arith.addi %add3A_144, %mul3A_143 : i32
        %get3A_146 = arith.index_cast %add3A_145 : i32 to index
        %get3A_147 = tpu.vector_load %arg6[%get3A_146] {strides = array<i32>} : memref<20480xi32, #tpu.memory_space<vmem>>, vector<16xi32>,
        %get3A_148 = vector.shape_cast %get3A_147 : vector<16xi32> to vector<16xi32>
        %sub3A = vector.broadcast %mul3A_0 : i32 to vector<16xi32>
        %sub3A_149 = arith.subi %get3A_148, %sub3A : vector<16xi32>
        %lt3A_150 = arith.constant 1048576 : i32
        %lt3A_151 = vector.broadcast %lt3A_150 : i32 to vector<16xi32>
        %lt3A_152 = arith.cmpi ult, %sub3A_149, %lt3A_151 : vector<16xi32>
        %mul3A_153 = arith.constant 16 : i32
        %mul3A_154 = arith.muli %add3A_141, %mul3A_153 : i32
        %jit3A = arith.constant -1 : i32
        %broadcast_in_dim3A = vector.broadcast %jit3A : i32 to vector<16xi32>
        %select_n3A = arith.select %lt3A_152, %sub3A_149, %broadcast_in_dim3A : vector<16xi1>, vector<16xi32>
        %swap3A = arith.index_cast %mul3A_154 : i32 to index
        %swap3A_155 = tpu.vector_load %arg10[%swap3A] {strides = array<i32>} : memref<1024xi32, #tpu.memory_space<vmem>>, vector<16xi32>,
        %swap3A_156 = vector.shape_cast %swap3A_155 : vector<16xi32> to vector<16xi32>
        %swap3A_157 = vector.shape_cast %select_n3A : vector<16xi32> to vector<16xi32>
        tpu.vector_store %arg10[%swap3A], %swap3A_157 {strides = array<i32>} : memref<1024xi32, #tpu.memory_space<vmem>>, vector<16xi32>,
        %swap3A_158 = arith.index_cast %mul3A_154 : i32 to index
        %swap3A_159 = tpu.vector_load %arg12[%swap3A_158] {strides = array<i32>} : memref<1024xf32, #tpu.memory_space<vmem>>, vector<16xf32>,
        %swap3A_160 = vector.shape_cast %swap3A_159 : vector<16xf32> to vector<16xf32>
        %swap3A_161 = vector.shape_cast %get3A_83 : vector<16xf32> to vector<16xf32>
        tpu.vector_store %arg12[%swap3A_158], %swap3A_161 {strides = array<i32>} : memref<1024xf32, #tpu.memory_space<vmem>>, vector<16xf32>,
        %scan3A_162 = arith.constant 1 : i32
        %scan3A_163 = arith.addi %scan3A_137, %scan3A_162 : i32
        %mul3A_164 = arith.constant 1 : i32
        %mul3A_165 = arith.muli %scan3A_163, %mul3A_164 : i32
        %add3A_166 = arith.constant 0 : i32
        %add3A_167 = arith.addi %add3A_166, %mul3A_165 : i32
        %mul3A_168 = arith.constant 16 : i32
        %mul3A_169 = arith.muli %add3A_167, %mul3A_168 : i32
        %add3A_170 = arith.constant 0 : i32
        %add3A_171 = arith.addi %add3A_170, %mul3A_169 : i32
        %get3A_172 = arith.index_cast %add3A_171 : i32 to index
        %get3A_173 = tpu.vector_load %arg6[%get3A_172] {strides = array<i32>} : memref<20480xi32, #tpu.memory_space<vmem>>, vector<16xi32>,
        %get3A_174 = vector.shape_cast %get3A_173 : vector<16xi32> to vector<16xi32>
        %sub3A_175 = vector.broadcast %mul3A_0 : i32 to vector<16xi32>
        %sub3A_176 = arith.subi %get3A_174, %sub3A_175 : vector<16xi32>
        %lt3A_177 = arith.constant 1048576 : i32
        %lt3A_178 = vector.broadcast %lt3A_177 : i32 to vector<16xi32>
        %lt3A_179 = arith.cmpi ult, %sub3A_176, %lt3A_178 : vector<16xi32>
        %mul3A_180 = arith.constant 16 : i32
        %mul3A_181 = arith.muli %add3A_167, %mul3A_180 : i32
        %jit3A_182 = arith.constant -1 : i32
        %broadcast_in_dim3A_183 = vector.broadcast %jit3A_182 : i32 to vector<16xi32>
        %select_n3A_184 = arith.select %lt3A_179, %sub3A_176, %broadcast_in_dim3A_183 : vector<16xi1>, vector<16xi32>
        %swap3A_185 = arith.index_cast %mul3A_181 : i32 to index
        %swap3A_186 = tpu.vector_load %arg10[%swap3A_185] {strides = array<i32>} : memref<1024xi32, #tpu.memory_space<vmem>>, vector<16xi32>,
        %swap3A_187 = vector.shape_cast %swap3A_186 : vector<16xi32> to vector<16xi32>
        %swap3A_188 = vector.shape_cast %select_n3A_184 : vector<16xi32> to vector<16xi32>
        tpu.vector_store %arg10[%swap3A_185], %swap3A_188 {strides = array<i32>} : memref<1024xi32, #tpu.memory_space<vmem>>, vector<16xi32>,
        %swap3A_189 = arith.index_cast %mul3A_181 : i32 to index
        %swap3A_190 = tpu.vector_load %arg12[%swap3A_189] {strides = array<i32>} : memref<1024xf32, #tpu.memory_space<vmem>>, vector<16xf32>,
        %swap3A_191 = vector.shape_cast %swap3A_190 : vector<16xf32> to vector<16xf32>
        %swap3A_192 = vector.shape_cast %get3A_83 : vector<16xf32> to vector<16xf32>
        tpu.vector_store %arg12[%swap3A_189], %swap3A_192 {strides = array<i32>} : memref<1024xf32, #tpu.memory_space<vmem>>, vector<16xf32>,
        %scan3A_193 = arith.constant 2 : i32
        %scan3A_194 = arith.addi %scan3A_137, %scan3A_193 : i32
        %mul3A_195 = arith.constant 1 : i32
        %mul3A_196 = arith.muli %scan3A_194, %mul3A_195 : i32
        %add3A_197 = arith.constant 0 : i32
        %add3A_198 = arith.addi %add3A_197, %mul3A_196 : i32
        %mul3A_199 = arith.constant 16 : i32
        %mul3A_200 = arith.muli %add3A_198, %mul3A_199 : i32
        %add3A_201 = arith.constant 0 : i32
        %add3A_202 = arith.addi %add3A_201, %mul3A_200 : i32
        %get3A_203 = arith.index_cast %add3A_202 : i32 to index
        %get3A_204 = tpu.vector_load %arg6[%get3A_203] {strides = array<i32>} : memref<20480xi32, #tpu.memory_space<vmem>>, vector<16xi32>,
        %get3A_205 = vector.shape_cast %get3A_204 : vector<16xi32> to vector<16xi32>
        %sub3A_206 = vector.broadcast %mul3A_0 : i32 to vector<16xi32>
        %sub3A_207 = arith.subi %get3A_205, %sub3A_206 : vector<16xi32>
        %lt3A_208 = arith.constant 1048576 : i32
        %lt3A_209 = vector.broadcast %lt3A_208 : i32 to vector<16xi32>
        %lt3A_210 = arith.cmpi ult, %sub3A_207, %lt3A_209 : vector<16xi32>
        %mul3A_211 = arith.constant 16 : i32
        %mul3A_212 = arith.muli %add3A_198, %mul3A_211 : i32
        %jit3A_213 = arith.constant -1 : i32
        %broadcast_in_dim3A_214 = vector.broadcast %jit3A_213 : i32 to vector<16xi32>
        %select_n3A_215 = arith.select %lt3A_210, %sub3A_207, %broadcast_in_dim3A_214 : vector<16xi1>, vector<16xi32>
        %swap3A_216 = arith.index_cast %mul3A_212 : i32 to index
        %swap3A_217 = tpu.vector_load %arg10[%swap3A_216] {strides = array<i32>} : memref<1024xi32, #tpu.memory_space<vmem>>, vector<16xi32>,
        %swap3A_218 = vector.shape_cast %swap3A_217 : vector<16xi32> to vector<16xi32>
        %swap3A_219 = vector.shape_cast %select_n3A_215 : vector<16xi32> to vector<16xi32>
        tpu.vector_store %arg10[%swap3A_216], %swap3A_219 {strides = array<i32>} : memref<1024xi32, #tpu.memory_space<vmem>>, vector<16xi32>,
        %swap3A_220 = arith.index_cast %mul3A_212 : i32 to index
        %swap3A_221 = tpu.vector_load %arg12[%swap3A_220] {strides = array<i32>} : memref<1024xf32, #tpu.memory_space<vmem>>, vector<16xf32>,
        %swap3A_222 = vector.shape_cast %swap3A_221 : vector<16xf32> to vector<16xf32>
        %swap3A_223 = vector.shape_cast %get3A_83 : vector<16xf32> to vector<16xf32>
        tpu.vector_store %arg12[%swap3A_220], %swap3A_223 {strides = array<i32>} : memref<1024xf32, #tpu.memory_space<vmem>>, vector<16xf32>,
        %scan3A_224 = arith.constant 3 : i32
        %scan3A_225 = arith.addi %scan3A_137, %scan3A_224 : i32
        %mul3A_226 = arith.constant 1 : i32
        %mul3A_227 = arith.muli %scan3A_225, %mul3A_226 : i32
        %add3A_228 = arith.constant 0 : i32
        %add3A_229 = arith.addi %add3A_228, %mul3A_227 : i32
        %mul3A_230 = arith.constant 16 : i32
        %mul3A_231 = arith.muli %add3A_229, %mul3A_230 : i32
        %add3A_232 = arith.constant 0 : i32
        %add3A_233 = arith.addi %add3A_232, %mul3A_231 : i32
        %get3A_234 = arith.index_cast %add3A_233 : i32 to index
        %get3A_235 = tpu.vector_load %arg6[%get3A_234] {strides = array<i32>} : memref<20480xi32, #tpu.memory_space<vmem>>, vector<16xi32>,
        %get3A_236 = vector.shape_cast %get3A_235 : vector<16xi32> to vector<16xi32>
        %sub3A_237 = vector.broadcast %mul3A_0 : i32 to vector<16xi32>
        %sub3A_238 = arith.subi %get3A_236, %sub3A_237 : vector<16xi32>
        %lt3A_239 = arith.constant 1048576 : i32
        %lt3A_240 = vector.broadcast %lt3A_239 : i32 to vector<16xi32>
        %lt3A_241 = arith.cmpi ult, %sub3A_238, %lt3A_240 : vector<16xi32>
        %mul3A_242 = arith.constant 16 : i32
        %mul3A_243 = arith.muli %add3A_229, %mul3A_242 : i32
        %jit3A_244 = arith.constant -1 : i32
        %broadcast_in_dim3A_245 = vector.broadcast %jit3A_244 : i32 to vector<16xi32>
        %select_n3A_246 = arith.select %lt3A_241, %sub3A_238, %broadcast_in_dim3A_245 : vector<16xi1>, vector<16xi32>
        %swap3A_247 = arith.index_cast %mul3A_243 : i32 to index
        %swap3A_248 = tpu.vector_load %arg10[%swap3A_247] {strides = array<i32>} : memref<1024xi32, #tpu.memory_space<vmem>>, vector<16xi32>,
        %swap3A_249 = vector.shape_cast %swap3A_248 : vector<16xi32> to vector<16xi32>
        %swap3A_250 = vector.shape_cast %select_n3A_246 : vector<16xi32> to vector<16xi32>
        tpu.vector_store %arg10[%swap3A_247], %swap3A_250 {strides = array<i32>} : memref<1024xi32, #tpu.memory_space<vmem>>, vector<16xi32>,
        %swap3A_251 = arith.index_cast %mul3A_243 : i32 to index
        %swap3A_252 = tpu.vector_load %arg12[%swap3A_251] {strides = array<i32>} : memref<1024xf32, #tpu.memory_space<vmem>>, vector<16xf32>,
        %swap3A_253 = vector.shape_cast %swap3A_252 : vector<16xf32> to vector<16xf32>
        %swap3A_254 = vector.shape_cast %get3A_83 : vector<16xf32> to vector<16xf32>
        tpu.vector_store %arg12[%swap3A_251], %swap3A_254 {strides = array<i32>} : memref<1024xf32, #tpu.memory_space<vmem>>, vector<16xf32>,
        %scan3A_255 = arith.constant 4 : i32
        %scan3A_256 = arith.addi %scan3A_137, %scan3A_255 : i32
        %mul3A_257 = arith.constant 1 : i32
        %mul3A_258 = arith.muli %scan3A_256, %mul3A_257 : i32
        %add3A_259 = arith.constant 0 : i32
        %add3A_260 = arith.addi %add3A_259, %mul3A_258 : i32
        %mul3A_261 = arith.constant 16 : i32
        %mul3A_262 = arith.muli %add3A_260, %mul3A_261 : i32
        %add3A_263 = arith.constant 0 : i32
        %add3A_264 = arith.addi %add3A_263, %mul3A_262 : i32
        %get3A_265 = arith.index_cast %add3A_264 : i32 to index
        %get3A_266 = tpu.vector_load %arg6[%get3A_265] {strides = array<i32>} : memref<20480xi32, #tpu.memory_space<vmem>>, vector<16xi32>,
        %get3A_267 = vector.shape_cast %get3A_266 : vector<16xi32> to vector<16xi32>
        %sub3A_268 = vector.broadcast %mul3A_0 : i32 to vector<16xi32>
        %sub3A_269 = arith.subi %get3A_267, %sub3A_268 : vector<16xi32>
        %lt3A_270 = arith.constant 1048576 : i32
        %lt3A_271 = vector.broadcast %lt3A_270 : i32 to vector<16xi32>
        %lt3A_272 = arith.cmpi ult, %sub3A_269, %lt3A_271 : vector<16xi32>
        %mul3A_273 = arith.constant 16 : i32
        %mul3A_274 = arith.muli %add3A_260, %mul3A_273 : i32
        %jit3A_275 = arith.constant -1 : i32
        %broadcast_in_dim3A_276 = vector.broadcast %jit3A_275 : i32 to vector<16xi32>
        %select_n3A_277 = arith.select %lt3A_272, %sub3A_269, %broadcast_in_dim3A_276 : vector<16xi1>, vector<16xi32>
        %swap3A_278 = arith.index_cast %mul3A_274 : i32 to index
        %swap3A_279 = tpu.vector_load %arg10[%swap3A_278] {strides = array<i32>} : memref<1024xi32, #tpu.memory_space<vmem>>, vector<16xi32>,
        %swap3A_280 = vector.shape_cast %swap3A_279 : vector<16xi32> to vector<16xi32>
        %swap3A_281 = vector.shape_cast %select_n3A_277 : vector<16xi32> to vector<16xi32>
        tpu.vector_store %arg10[%swap3A_278], %swap3A_281 {strides = array<i32>} : memref<1024xi32, #tpu.memory_space<vmem>>, vector<16xi32>,
        %swap3A_282 = arith.index_cast %mul3A_274 : i32 to index
        %swap3A_283 = tpu.vector_load %arg12[%swap3A_282] {strides = array<i32>} : memref<1024xf32, #tpu.memory_space<vmem>>, vector<16xf32>,
        %swap3A_284 = vector.shape_cast %swap3A_283 : vector<16xf32> to vector<16xf32>
        %swap3A_285 = vector.shape_cast %get3A_83 : vector<16xf32> to vector<16xf32>
        tpu.vector_store %arg12[%swap3A_282], %swap3A_285 {strides = array<i32>} : memref<1024xf32, #tpu.memory_space<vmem>>, vector<16xf32>,
        %scan3A_286 = arith.constant 5 : i32
        %scan3A_287 = arith.addi %scan3A_137, %scan3A_286 : i32
        %mul3A_288 = arith.constant 1 : i32
        %mul3A_289 = arith.muli %scan3A_287, %mul3A_288 : i32
        %add3A_290 = arith.constant 0 : i32
        %add3A_291 = arith.addi %add3A_290, %mul3A_289 : i32
        %mul3A_292 = arith.constant 16 : i32
        %mul3A_293 = arith.muli %add3A_291, %mul3A_292 : i32
        %add3A_294 = arith.constant 0 : i32
        %add3A_295 = arith.addi %add3A_294, %mul3A_293 : i32
        %get3A_296 = arith.index_cast %add3A_295 : i32 to index
        %get3A_297 = tpu.vector_load %arg6[%get3A_296] {strides = array<i32>} : memref<20480xi32, #tpu.memory_space<vmem>>, vector<16xi32>,
        %get3A_298 = vector.shape_cast %get3A_297 : vector<16xi32> to vector<16xi32>
        %sub3A_299 = vector.broadcast %mul3A_0 : i32 to vector<16xi32>
        %sub3A_300 = arith.subi %get3A_298, %sub3A_299 : vector<16xi32>
        %lt3A_301 = arith.constant 1048576 : i32
        %lt3A_302 = vector.broadcast %lt3A_301 : i32 to vector<16xi32>
        %lt3A_303 = arith.cmpi ult, %sub3A_300, %lt3A_302 : vector<16xi32>
        %mul3A_304 = arith.constant 16 : i32
        %mul3A_305 = arith.muli %add3A_291, %mul3A_304 : i32
        %jit3A_306 = arith.constant -1 : i32
        %broadcast_in_dim3A_307 = vector.broadcast %jit3A_306 : i32 to vector<16xi32>
        %select_n3A_308 = arith.select %lt3A_303, %sub3A_300, %broadcast_in_dim3A_307 : vector<16xi1>, vector<16xi32>
        %swap3A_309 = arith.index_cast %mul3A_305 : i32 to index
        %swap3A_310 = tpu.vector_load %arg10[%swap3A_309] {strides = array<i32>} : memref<1024xi32, #tpu.memory_space<vmem>>, vector<16xi32>,
        %swap3A_311 = vector.shape_cast %swap3A_310 : vector<16xi32> to vector<16xi32>
        %swap3A_312 = vector.shape_cast %select_n3A_308 : vector<16xi32> to vector<16xi32>
        tpu.vector_store %arg10[%swap3A_309], %swap3A_312 {strides = array<i32>} : memref<1024xi32, #tpu.memory_space<vmem>>, vector<16xi32>,
        %swap3A_313 = arith.index_cast %mul3A_305 : i32 to index
        %swap3A_314 = tpu.vector_load %arg12[%swap3A_313] {strides = array<i32>} : memref<1024xf32, #tpu.memory_space<vmem>>, vector<16xf32>,
        %swap3A_315 = vector.shape_cast %swap3A_314 : vector<16xf32> to vector<16xf32>
        %swap3A_316 = vector.shape_cast %get3A_83 : vector<16xf32> to vector<16xf32>
        tpu.vector_store %arg12[%swap3A_313], %swap3A_316 {strides = array<i32>} : memref<1024xf32, #tpu.memory_space<vmem>>, vector<16xf32>,
        %scan3A_317 = arith.constant 6 : i32
        %scan3A_318 = arith.addi %scan3A_137, %scan3A_317 : i32
        %mul3A_319 = arith.constant 1 : i32
        %mul3A_320 = arith.muli %scan3A_318, %mul3A_319 : i32
        %add3A_321 = arith.constant 0 : i32
        %add3A_322 = arith.addi %add3A_321, %mul3A_320 : i32
        %mul3A_323 = arith.constant 16 : i32
        %mul3A_324 = arith.muli %add3A_322, %mul3A_323 : i32
        %add3A_325 = arith.constant 0 : i32
        %add3A_326 = arith.addi %add3A_325, %mul3A_324 : i32
        %get3A_327 = arith.index_cast %add3A_326 : i32 to index
        %get3A_328 = tpu.vector_load %arg6[%get3A_327] {strides = array<i32>} : memref<20480xi32, #tpu.memory_space<vmem>>, vector<16xi32>,
        %get3A_329 = vector.shape_cast %get3A_328 : vector<16xi32> to vector<16xi32>
        %sub3A_330 = vector.broadcast %mul3A_0 : i32 to vector<16xi32>
        %sub3A_331 = arith.subi %get3A_329, %sub3A_330 : vector<16xi32>
        %lt3A_332 = arith.constant 1048576 : i32
        %lt3A_333 = vector.broadcast %lt3A_332 : i32 to vector<16xi32>
        %lt3A_334 = arith.cmpi ult, %sub3A_331, %lt3A_333 : vector<16xi32>
        %mul3A_335 = arith.constant 16 : i32
        %mul3A_336 = arith.muli %add3A_322, %mul3A_335 : i32
        %jit3A_337 = arith.constant -1 : i32
        %broadcast_in_dim3A_338 = vector.broadcast %jit3A_337 : i32 to vector<16xi32>
        %select_n3A_339 = arith.select %lt3A_334, %sub3A_331, %broadcast_in_dim3A_338 : vector<16xi1>, vector<16xi32>
        %swap3A_340 = arith.index_cast %mul3A_336 : i32 to index
        %swap3A_341 = tpu.vector_load %arg10[%swap3A_340] {strides = array<i32>} : memref<1024xi32, #tpu.memory_space<vmem>>, vector<16xi32>,
        %swap3A_342 = vector.shape_cast %swap3A_341 : vector<16xi32> to vector<16xi32>
        %swap3A_343 = vector.shape_cast %select_n3A_339 : vector<16xi32> to vector<16xi32>
        tpu.vector_store %arg10[%swap3A_340], %swap3A_343 {strides = array<i32>} : memref<1024xi32, #tpu.memory_space<vmem>>, vector<16xi32>,
        %swap3A_344 = arith.index_cast %mul3A_336 : i32 to index
        %swap3A_345 = tpu.vector_load %arg12[%swap3A_344] {strides = array<i32>} : memref<1024xf32, #tpu.memory_space<vmem>>, vector<16xf32>,
        %swap3A_346 = vector.shape_cast %swap3A_345 : vector<16xf32> to vector<16xf32>
        %swap3A_347 = vector.shape_cast %get3A_83 : vector<16xf32> to vector<16xf32>
        tpu.vector_store %arg12[%swap3A_344], %swap3A_347 {strides = array<i32>} : memref<1024xf32, #tpu.memory_space<vmem>>, vector<16xf32>,
        %scan3A_348 = arith.constant 7 : i32
        %scan3A_349 = arith.addi %scan3A_137, %scan3A_348 : i32
        %mul3A_350 = arith.constant 1 : i32
        %mul3A_351 = arith.muli %scan3A_349, %mul3A_350 : i32
        %add3A_352 = arith.constant 0 : i32
        %add3A_353 = arith.addi %add3A_352, %mul3A_351 : i32
        %mul3A_354 = arith.constant 16 : i32
        %mul3A_355 = arith.muli %add3A_353, %mul3A_354 : i32
        %add3A_356 = arith.constant 0 : i32
        %add3A_357 = arith.addi %add3A_356, %mul3A_355 : i32
        %get3A_358 = arith.index_cast %add3A_357 : i32 to index
        %get3A_359 = tpu.vector_load %arg6[%get3A_358] {strides = array<i32>} : memref<20480xi32, #tpu.memory_space<vmem>>, vector<16xi32>,
        %get3A_360 = vector.shape_cast %get3A_359 : vector<16xi32> to vector<16xi32>
        %sub3A_361 = vector.broadcast %mul3A_0 : i32 to vector<16xi32>
        %sub3A_362 = arith.subi %get3A_360, %sub3A_361 : vector<16xi32>
        %lt3A_363 = arith.constant 1048576 : i32
        %lt3A_364 = vector.broadcast %lt3A_363 : i32 to vector<16xi32>
        %lt3A_365 = arith.cmpi ult, %sub3A_362, %lt3A_364 : vector<16xi32>
        %mul3A_366 = arith.constant 16 : i32
        %mul3A_367 = arith.muli %add3A_353, %mul3A_366 : i32
        %jit3A_368 = arith.constant -1 : i32
        %broadcast_in_dim3A_369 = vector.broadcast %jit3A_368 : i32 to vector<16xi32>
        %select_n3A_370 = arith.select %lt3A_365, %sub3A_362, %broadcast_in_dim3A_369 : vector<16xi1>, vector<16xi32>
        %swap3A_371 = arith.index_cast %mul3A_367 : i32 to index
        %swap3A_372 = tpu.vector_load %arg10[%swap3A_371] {strides = array<i32>} : memref<1024xi32, #tpu.memory_space<vmem>>, vector<16xi32>,
        %swap3A_373 = vector.shape_cast %swap3A_372 : vector<16xi32> to vector<16xi32>
        %swap3A_374 = vector.shape_cast %select_n3A_370 : vector<16xi32> to vector<16xi32>
        tpu.vector_store %arg10[%swap3A_371], %swap3A_374 {strides = array<i32>} : memref<1024xi32, #tpu.memory_space<vmem>>, vector<16xi32>,
        %swap3A_375 = arith.index_cast %mul3A_367 : i32 to index
        %swap3A_376 = tpu.vector_load %arg12[%swap3A_375] {strides = array<i32>} : memref<1024xf32, #tpu.memory_space<vmem>>, vector<16xf32>,
        %swap3A_377 = vector.shape_cast %swap3A_376 : vector<16xf32> to vector<16xf32>
        %swap3A_378 = vector.shape_cast %get3A_83 : vector<16xf32> to vector<16xf32>
        tpu.vector_store %arg12[%swap3A_375], %swap3A_378 {strides = array<i32>} : memref<1024xf32, #tpu.memory_space<vmem>>, vector<16xf32>,
      }
      %scan3A_88 = arith.constant 64 : i32
      %dma_start3A_89 = arith.constant 0 : i32
      %dma_start3A_90 = tpu.memref_slice %arg5[%dma_start3A_89] : memref<1048576xf32, #tpu.memory_space<vmem_shared>> -> memref<1048576xf32, #tpu.memory_space<vmem_shared>>
      %dma_start3A_91 = arith.constant -1 : i32
      tpu.enqueue_indirect_dma source(%arg12 : memref<1024xf32, #tpu.memory_space<vmem>>) target(%dma_start3A_90 : memref<1048576xf32, #tpu.memory_space<vmem_shared>>) offsets(%arg10 : memref<1024xi32, #tpu.memory_space<vmem>>) offset_filter(%dma_start3A_91) semaphore(%arg15 : memref<!tpu.dma_semaphore, #tpu.memory_space<semaphore_mem>>) {add = true}
      %scan3A_92 = arith.constant 0 : i32
      %scan3A_93 = arith.constant 10 : i32
      %scan3A_94 = arith.addi %scan3A_92, %scan3A_93 : i32
      %scan3A_95 = arith.constant 1 : i32
      scf.for %scan3A_137 = %scan3A_92 to %scan3A_94 step %scan3A_95  : i32 {
        %mul3A_138 = arith.constant 2 : i32
        %mul3A_139 = arith.muli %scan3A_137, %mul3A_138 : i32
        %add3A_140 = arith.constant 0 : i32
        %add3A_141 = arith.addi %add3A_140, %mul3A_139 : i32
        %add3A_142 = arith.constant 1 : i32
        %add3A_143 = arith.addi %add3A_141, %add3A_142 : i32
        %mul3A_144 = arith.constant 16 : i32
        %mul3A_145 = arith.muli %add3A_143, %mul3A_144 : i32
        %get3A_146 = arith.index_cast %mul3A_145 : i32 to index
        %get3A_147 = tpu.vector_load %arg8[%get3A_146] {strides = array<i32>} : memref<320xf32, #tpu.memory_space<vmem>>, vector<16xf32>,
        %get3A_148 = vector.shape_cast %get3A_147 : vector<16xf32> to vector<16xf32>
        %scan3A_149 = arith.constant 0 : i32
        %scan3A_150 = arith.constant 64 : i32
        %scan3A_151 = arith.addi %scan3A_149, %scan3A_150 : i32
        %scan3A_152 = arith.constant 8 : i32
        scf.for %scan3A_168 = %scan3A_149 to %scan3A_151 step %scan3A_152  : i32 {
          %mul3A_169 = arith.constant 1 : i32
          %mul3A_170 = arith.muli %scan3A_168, %mul3A_169 : i32
          %add3A_171 = arith.constant 0 : i32
          %add3A_172 = arith.addi %add3A_171, %mul3A_170 : i32
          %mul3A_173 = arith.constant 1024 : i32
          %mul3A_174 = arith.muli %add3A_143, %mul3A_173 : i32
          %mul3A_175 = arith.constant 16 : i32
          %mul3A_176 = arith.muli %add3A_172, %mul3A_175 : i32
          %add3A_177 = arith.addi %mul3A_174, %mul3A_176 : i32
          %get3A_178 = arith.index_cast %add3A_177 : i32 to index
          %get3A_179 = tpu.vector_load %arg6[%get3A_178] {strides = array<i32>} : memref<20480xi32, #tpu.memory_space<vmem>>, vector<16xi32>,
          %get3A_180 = vector.shape_cast %get3A_179 : vector<16xi32> to vector<16xi32>
          %sub3A = vector.broadcast %mul3A_0 : i32 to vector<16xi32>
          %sub3A_181 = arith.subi %get3A_180, %sub3A : vector<16xi32>
          %lt3A_182 = arith.constant 1048576 : i32
          %lt3A_183 = vector.broadcast %lt3A_182 : i32 to vector<16xi32>
          %lt3A_184 = arith.cmpi ult, %sub3A_181, %lt3A_183 : vector<16xi32>
          %mul3A_185 = arith.constant 16 : i32
          %mul3A_186 = arith.muli %add3A_172, %mul3A_185 : i32
          %jit3A = arith.constant -1 : i32
          %broadcast_in_dim3A = vector.broadcast %jit3A : i32 to vector<16xi32>
          %select_n3A = arith.select %lt3A_184, %sub3A_181, %broadcast_in_dim3A : vector<16xi1>, vector<16xi32>
          %swap3A = arith.index_cast %mul3A_186 : i32 to index
          %swap3A_187 = tpu.vector_load %arg11[%swap3A] {strides = array<i32>} : memref<1024xi32, #tpu.memory_space<vmem>>, vector<16xi32>,
          %swap3A_188 = vector.shape_cast %swap3A_187 : vector<16xi32> to vector<16xi32>
          %swap3A_189 = vector.shape_cast %select_n3A : vector<16xi32> to vector<16xi32>
          tpu.vector_store %arg11[%swap3A], %swap3A_189 {strides = array<i32>} : memref<1024xi32, #tpu.memory_space<vmem>>, vector<16xi32>,
          %swap3A_190 = arith.index_cast %mul3A_186 : i32 to index
          %swap3A_191 = tpu.vector_load %arg13[%swap3A_190] {strides = array<i32>} : memref<1024xf32, #tpu.memory_space<vmem>>, vector<16xf32>,
          %swap3A_192 = vector.shape_cast %swap3A_191 : vector<16xf32> to vector<16xf32>
          %swap3A_193 = vector.shape_cast %get3A_148 : vector<16xf32> to vector<16xf32>
          tpu.vector_store %arg13[%swap3A_190], %swap3A_193 {strides = array<i32>} : memref<1024xf32, #tpu.memory_space<vmem>>, vector<16xf32>,
          %scan3A_194 = arith.constant 1 : i32
          %scan3A_195 = arith.addi %scan3A_168, %scan3A_194 : i32
          %mul3A_196 = arith.constant 1 : i32
          %mul3A_197 = arith.muli %scan3A_195, %mul3A_196 : i32
          %add3A_198 = arith.constant 0 : i32
          %add3A_199 = arith.addi %add3A_198, %mul3A_197 : i32
          %mul3A_200 = arith.constant 1024 : i32
          %mul3A_201 = arith.muli %add3A_143, %mul3A_200 : i32
          %mul3A_202 = arith.constant 16 : i32
          %mul3A_203 = arith.muli %add3A_199, %mul3A_202 : i32
          %add3A_204 = arith.addi %mul3A_201, %mul3A_203 : i32
          %get3A_205 = arith.index_cast %add3A_204 : i32 to index
          %get3A_206 = tpu.vector_load %arg6[%get3A_205] {strides = array<i32>} : memref<20480xi32, #tpu.memory_space<vmem>>, vector<16xi32>,
          %get3A_207 = vector.shape_cast %get3A_206 : vector<16xi32> to vector<16xi32>
          %sub3A_208 = vector.broadcast %mul3A_0 : i32 to vector<16xi32>
          %sub3A_209 = arith.subi %get3A_207, %sub3A_208 : vector<16xi32>
          %lt3A_210 = arith.constant 1048576 : i32
          %lt3A_211 = vector.broadcast %lt3A_210 : i32 to vector<16xi32>
          %lt3A_212 = arith.cmpi ult, %sub3A_209, %lt3A_211 : vector<16xi32>
          %mul3A_213 = arith.constant 16 : i32
          %mul3A_214 = arith.muli %add3A_199, %mul3A_213 : i32
          %jit3A_215 = arith.constant -1 : i32
          %broadcast_in_dim3A_216 = vector.broadcast %jit3A_215 : i32 to vector<16xi32>
          %select_n3A_217 = arith.select %lt3A_212, %sub3A_209, %broadcast_in_dim3A_216 : vector<16xi1>, vector<16xi32>
          %swap3A_218 = arith.index_cast %mul3A_214 : i32 to index
          %swap3A_219 = tpu.vector_load %arg11[%swap3A_218] {strides = array<i32>} : memref<1024xi32, #tpu.memory_space<vmem>>, vector<16xi32>,
          %swap3A_220 = vector.shape_cast %swap3A_219 : vector<16xi32> to vector<16xi32>
          %swap3A_221 = vector.shape_cast %select_n3A_217 : vector<16xi32> to vector<16xi32>
          tpu.vector_store %arg11[%swap3A_218], %swap3A_221 {strides = array<i32>} : memref<1024xi32, #tpu.memory_space<vmem>>, vector<16xi32>,
          %swap3A_222 = arith.index_cast %mul3A_214 : i32 to index
          %swap3A_223 = tpu.vector_load %arg13[%swap3A_222] {strides = array<i32>} : memref<1024xf32, #tpu.memory_space<vmem>>, vector<16xf32>,
          %swap3A_224 = vector.shape_cast %swap3A_223 : vector<16xf32> to vector<16xf32>
          %swap3A_225 = vector.shape_cast %get3A_148 : vector<16xf32> to vector<16xf32>
          tpu.vector_store %arg13[%swap3A_222], %swap3A_225 {strides = array<i32>} : memref<1024xf32, #tpu.memory_space<vmem>>, vector<16xf32>,
          %scan3A_226 = arith.constant 2 : i32
          %scan3A_227 = arith.addi %scan3A_168, %scan3A_226 : i32
          %mul3A_228 = arith.constant 1 : i32
          %mul3A_229 = arith.muli %scan3A_227, %mul3A_228 : i32
          %add3A_230 = arith.constant 0 : i32
          %add3A_231 = arith.addi %add3A_230, %mul3A_229 : i32
          %mul3A_232 = arith.constant 1024 : i32
          %mul3A_233 = arith.muli %add3A_143, %mul3A_232 : i32
          %mul3A_234 = arith.constant 16 : i32
          %mul3A_235 = arith.muli %add3A_231, %mul3A_234 : i32
          %add3A_236 = arith.addi %mul3A_233, %mul3A_235 : i32
          %get3A_237 = arith.index_cast %add3A_236 : i32 to index
          %get3A_238 = tpu.vector_load %arg6[%get3A_237] {strides = array<i32>} : memref<20480xi32, #tpu.memory_space<vmem>>, vector<16xi32>,
          %get3A_239 = vector.shape_cast %get3A_238 : vector<16xi32> to vector<16xi32>
          %sub3A_240 = vector.broadcast %mul3A_0 : i32 to vector<16xi32>
          %sub3A_241 = arith.subi %get3A_239, %sub3A_240 : vector<16xi32>
          %lt3A_242 = arith.constant 1048576 : i32
          %lt3A_243 = vector.broadcast %lt3A_242 : i32 to vector<16xi32>
          %lt3A_244 = arith.cmpi ult, %sub3A_241, %lt3A_243 : vector<16xi32>
          %mul3A_245 = arith.constant 16 : i32
          %mul3A_246 = arith.muli %add3A_231, %mul3A_245 : i32
          %jit3A_247 = arith.constant -1 : i32
          %broadcast_in_dim3A_248 = vector.broadcast %jit3A_247 : i32 to vector<16xi32>
          %select_n3A_249 = arith.select %lt3A_244, %sub3A_241, %broadcast_in_dim3A_248 : vector<16xi1>, vector<16xi32>
          %swap3A_250 = arith.index_cast %mul3A_246 : i32 to index
          %swap3A_251 = tpu.vector_load %arg11[%swap3A_250] {strides = array<i32>} : memref<1024xi32, #tpu.memory_space<vmem>>, vector<16xi32>,
          %swap3A_252 = vector.shape_cast %swap3A_251 : vector<16xi32> to vector<16xi32>
          %swap3A_253 = vector.shape_cast %select_n3A_249 : vector<16xi32> to vector<16xi32>
          tpu.vector_store %arg11[%swap3A_250], %swap3A_253 {strides = array<i32>} : memref<1024xi32, #tpu.memory_space<vmem>>, vector<16xi32>,
          %swap3A_254 = arith.index_cast %mul3A_246 : i32 to index
          %swap3A_255 = tpu.vector_load %arg13[%swap3A_254] {strides = array<i32>} : memref<1024xf32, #tpu.memory_space<vmem>>, vector<16xf32>,
          %swap3A_256 = vector.shape_cast %swap3A_255 : vector<16xf32> to vector<16xf32>
          %swap3A_257 = vector.shape_cast %get3A_148 : vector<16xf32> to vector<16xf32>
          tpu.vector_store %arg13[%swap3A_254], %swap3A_257 {strides = array<i32>} : memref<1024xf32, #tpu.memory_space<vmem>>, vector<16xf32>,
          %scan3A_258 = arith.constant 3 : i32
          %scan3A_259 = arith.addi %scan3A_168, %scan3A_258 : i32
          %mul3A_260 = arith.constant 1 : i32
          %mul3A_261 = arith.muli %scan3A_259, %mul3A_260 : i32
          %add3A_262 = arith.constant 0 : i32
          %add3A_263 = arith.addi %add3A_262, %mul3A_261 : i32
          %mul3A_264 = arith.constant 1024 : i32
          %mul3A_265 = arith.muli %add3A_143, %mul3A_264 : i32
          %mul3A_266 = arith.constant 16 : i32
          %mul3A_267 = arith.muli %add3A_263, %mul3A_266 : i32
          %add3A_268 = arith.addi %mul3A_265, %mul3A_267 : i32
          %get3A_269 = arith.index_cast %add3A_268 : i32 to index
          %get3A_270 = tpu.vector_load %arg6[%get3A_269] {strides = array<i32>} : memref<20480xi32, #tpu.memory_space<vmem>>, vector<16xi32>,
          %get3A_271 = vector.shape_cast %get3A_270 : vector<16xi32> to vector<16xi32>
          %sub3A_272 = vector.broadcast %mul3A_0 : i32 to vector<16xi32>
          %sub3A_273 = arith.subi %get3A_271, %sub3A_272 : vector<16xi32>
          %lt3A_274 = arith.constant 1048576 : i32
          %lt3A_275 = vector.broadcast %lt3A_274 : i32 to vector<16xi32>
          %lt3A_276 = arith.cmpi ult, %sub3A_273, %lt3A_275 : vector<16xi32>
          %mul3A_277 = arith.constant 16 : i32
          %mul3A_278 = arith.muli %add3A_263, %mul3A_277 : i32
          %jit3A_279 = arith.constant -1 : i32
          %broadcast_in_dim3A_280 = vector.broadcast %jit3A_279 : i32 to vector<16xi32>
          %select_n3A_281 = arith.select %lt3A_276, %sub3A_273, %broadcast_in_dim3A_280 : vector<16xi1>, vector<16xi32>
          %swap3A_282 = arith.index_cast %mul3A_278 : i32 to index
          %swap3A_283 = tpu.vector_load %arg11[%swap3A_282] {strides = array<i32>} : memref<1024xi32, #tpu.memory_space<vmem>>, vector<16xi32>,
          %swap3A_284 = vector.shape_cast %swap3A_283 : vector<16xi32> to vector<16xi32>
          %swap3A_285 = vector.shape_cast %select_n3A_281 : vector<16xi32> to vector<16xi32>
          tpu.vector_store %arg11[%swap3A_282], %swap3A_285 {strides = array<i32>} : memref<1024xi32, #tpu.memory_space<vmem>>, vector<16xi32>,
          %swap3A_286 = arith.index_cast %mul3A_278 : i32 to index
          %swap3A_287 = tpu.vector_load %arg13[%swap3A_286] {strides = array<i32>} : memref<1024xf32, #tpu.memory_space<vmem>>, vector<16xf32>,
          %swap3A_288 = vector.shape_cast %swap3A_287 : vector<16xf32> to vector<16xf32>
          %swap3A_289 = vector.shape_cast %get3A_148 : vector<16xf32> to vector<16xf32>
          tpu.vector_store %arg13[%swap3A_286], %swap3A_289 {strides = array<i32>} : memref<1024xf32, #tpu.memory_space<vmem>>, vector<16xf32>,
          %scan3A_290 = arith.constant 4 : i32
          %scan3A_291 = arith.addi %scan3A_168, %scan3A_290 : i32
          %mul3A_292 = arith.constant 1 : i32
          %mul3A_293 = arith.muli %scan3A_291, %mul3A_292 : i32
          %add3A_294 = arith.constant 0 : i32
          %add3A_295 = arith.addi %add3A_294, %mul3A_293 : i32
          %mul3A_296 = arith.constant 1024 : i32
          %mul3A_297 = arith.muli %add3A_143, %mul3A_296 : i32
          %mul3A_298 = arith.constant 16 : i32
          %mul3A_299 = arith.muli %add3A_295, %mul3A_298 : i32
          %add3A_300 = arith.addi %mul3A_297, %mul3A_299 : i32
          %get3A_301 = arith.index_cast %add3A_300 : i32 to index
          %get3A_302 = tpu.vector_load %arg6[%get3A_301] {strides = array<i32>} : memref<20480xi32, #tpu.memory_space<vmem>>, vector<16xi32>,
          %get3A_303 = vector.shape_cast %get3A_302 : vector<16xi32> to vector<16xi32>
          %sub3A_304 = vector.broadcast %mul3A_0 : i32 to vector<16xi32>
          %sub3A_305 = arith.subi %get3A_303, %sub3A_304 : vector<16xi32>
          %lt3A_306 = arith.constant 1048576 : i32
          %lt3A_307 = vector.broadcast %lt3A_306 : i32 to vector<16xi32>
          %lt3A_308 = arith.cmpi ult, %sub3A_305, %lt3A_307 : vector<16xi32>
          %mul3A_309 = arith.constant 16 : i32
          %mul3A_310 = arith.muli %add3A_295, %mul3A_309 : i32
          %jit3A_311 = arith.constant -1 : i32
          %broadcast_in_dim3A_312 = vector.broadcast %jit3A_311 : i32 to vector<16xi32>
          %select_n3A_313 = arith.select %lt3A_308, %sub3A_305, %broadcast_in_dim3A_312 : vector<16xi1>, vector<16xi32>
          %swap3A_314 = arith.index_cast %mul3A_310 : i32 to index
          %swap3A_315 = tpu.vector_load %arg11[%swap3A_314] {strides = array<i32>} : memref<1024xi32, #tpu.memory_space<vmem>>, vector<16xi32>,
          %swap3A_316 = vector.shape_cast %swap3A_315 : vector<16xi32> to vector<16xi32>
          %swap3A_317 = vector.shape_cast %select_n3A_313 : vector<16xi32> to vector<16xi32>
          tpu.vector_store %arg11[%swap3A_314], %swap3A_317 {strides = array<i32>} : memref<1024xi32, #tpu.memory_space<vmem>>, vector<16xi32>,
          %swap3A_318 = arith.index_cast %mul3A_310 : i32 to index
          %swap3A_319 = tpu.vector_load %arg13[%swap3A_318] {strides = array<i32>} : memref<1024xf32, #tpu.memory_space<vmem>>, vector<16xf32>,
          %swap3A_320 = vector.shape_cast %swap3A_319 : vector<16xf32> to vector<16xf32>
          %swap3A_321 = vector.shape_cast %get3A_148 : vector<16xf32> to vector<16xf32>
          tpu.vector_store %arg13[%swap3A_318], %swap3A_321 {strides = array<i32>} : memref<1024xf32, #tpu.memory_space<vmem>>, vector<16xf32>,
          %scan3A_322 = arith.constant 5 : i32
          %scan3A_323 = arith.addi %scan3A_168, %scan3A_322 : i32
          %mul3A_324 = arith.constant 1 : i32
          %mul3A_325 = arith.muli %scan3A_323, %mul3A_324 : i32
          %add3A_326 = arith.constant 0 : i32
          %add3A_327 = arith.addi %add3A_326, %mul3A_325 : i32
          %mul3A_328 = arith.constant 1024 : i32
          %mul3A_329 = arith.muli %add3A_143, %mul3A_328 : i32
          %mul3A_330 = arith.constant 16 : i32
          %mul3A_331 = arith.muli %add3A_327, %mul3A_330 : i32
          %add3A_332 = arith.addi %mul3A_329, %mul3A_331 : i32
          %get3A_333 = arith.index_cast %add3A_332 : i32 to index
          %get3A_334 = tpu.vector_load %arg6[%get3A_333] {strides = array<i32>} : memref<20480xi32, #tpu.memory_space<vmem>>, vector<16xi32>,
          %get3A_335 = vector.shape_cast %get3A_334 : vector<16xi32> to vector<16xi32>
          %sub3A_336 = vector.broadcast %mul3A_0 : i32 to vector<16xi32>
          %sub3A_337 = arith.subi %get3A_335, %sub3A_336 : vector<16xi32>
          %lt3A_338 = arith.constant 1048576 : i32
          %lt3A_339 = vector.broadcast %lt3A_338 : i32 to vector<16xi32>
          %lt3A_340 = arith.cmpi ult, %sub3A_337, %lt3A_339 : vector<16xi32>
          %mul3A_341 = arith.constant 16 : i32
          %mul3A_342 = arith.muli %add3A_327, %mul3A_341 : i32
          %jit3A_343 = arith.constant -1 : i32
          %broadcast_in_dim3A_344 = vector.broadcast %jit3A_343 : i32 to vector<16xi32>
          %select_n3A_345 = arith.select %lt3A_340, %sub3A_337, %broadcast_in_dim3A_344 : vector<16xi1>, vector<16xi32>
          %swap3A_346 = arith.index_cast %mul3A_342 : i32 to index
          %swap3A_347 = tpu.vector_load %arg11[%swap3A_346] {strides = array<i32>} : memref<1024xi32, #tpu.memory_space<vmem>>, vector<16xi32>,
          %swap3A_348 = vector.shape_cast %swap3A_347 : vector<16xi32> to vector<16xi32>
          %swap3A_349 = vector.shape_cast %select_n3A_345 : vector<16xi32> to vector<16xi32>
          tpu.vector_store %arg11[%swap3A_346], %swap3A_349 {strides = array<i32>} : memref<1024xi32, #tpu.memory_space<vmem>>, vector<16xi32>,
          %swap3A_350 = arith.index_cast %mul3A_342 : i32 to index
          %swap3A_351 = tpu.vector_load %arg13[%swap3A_350] {strides = array<i32>} : memref<1024xf32, #tpu.memory_space<vmem>>, vector<16xf32>,
          %swap3A_352 = vector.shape_cast %swap3A_351 : vector<16xf32> to vector<16xf32>
          %swap3A_353 = vector.shape_cast %get3A_148 : vector<16xf32> to vector<16xf32>
          tpu.vector_store %arg13[%swap3A_350], %swap3A_353 {strides = array<i32>} : memref<1024xf32, #tpu.memory_space<vmem>>, vector<16xf32>,
          %scan3A_354 = arith.constant 6 : i32
          %scan3A_355 = arith.addi %scan3A_168, %scan3A_354 : i32
          %mul3A_356 = arith.constant 1 : i32
          %mul3A_357 = arith.muli %scan3A_355, %mul3A_356 : i32
          %add3A_358 = arith.constant 0 : i32
          %add3A_359 = arith.addi %add3A_358, %mul3A_357 : i32
          %mul3A_360 = arith.constant 1024 : i32
          %mul3A_361 = arith.muli %add3A_143, %mul3A_360 : i32
          %mul3A_362 = arith.constant 16 : i32
          %mul3A_363 = arith.muli %add3A_359, %mul3A_362 : i32
          %add3A_364 = arith.addi %mul3A_361, %mul3A_363 : i32
          %get3A_365 = arith.index_cast %add3A_364 : i32 to index
          %get3A_366 = tpu.vector_load %arg6[%get3A_365] {strides = array<i32>} : memref<20480xi32, #tpu.memory_space<vmem>>, vector<16xi32>,
          %get3A_367 = vector.shape_cast %get3A_366 : vector<16xi32> to vector<16xi32>
          %sub3A_368 = vector.broadcast %mul3A_0 : i32 to vector<16xi32>
          %sub3A_369 = arith.subi %get3A_367, %sub3A_368 : vector<16xi32>
          %lt3A_370 = arith.constant 1048576 : i32
          %lt3A_371 = vector.broadcast %lt3A_370 : i32 to vector<16xi32>
          %lt3A_372 = arith.cmpi ult, %sub3A_369, %lt3A_371 : vector<16xi32>
          %mul3A_373 = arith.constant 16 : i32
          %mul3A_374 = arith.muli %add3A_359, %mul3A_373 : i32
          %jit3A_375 = arith.constant -1 : i32
          %broadcast_in_dim3A_376 = vector.broadcast %jit3A_375 : i32 to vector<16xi32>
          %select_n3A_377 = arith.select %lt3A_372, %sub3A_369, %broadcast_in_dim3A_376 : vector<16xi1>, vector<16xi32>
          %swap3A_378 = arith.index_cast %mul3A_374 : i32 to index
          %swap3A_379 = tpu.vector_load %arg11[%swap3A_378] {strides = array<i32>} : memref<1024xi32, #tpu.memory_space<vmem>>, vector<16xi32>,
          %swap3A_380 = vector.shape_cast %swap3A_379 : vector<16xi32> to vector<16xi32>
          %swap3A_381 = vector.shape_cast %select_n3A_377 : vector<16xi32> to vector<16xi32>
          tpu.vector_store %arg11[%swap3A_378], %swap3A_381 {strides = array<i32>} : memref<1024xi32, #tpu.memory_space<vmem>>, vector<16xi32>,
          %swap3A_382 = arith.index_cast %mul3A_374 : i32 to index
          %swap3A_383 = tpu.vector_load %arg13[%swap3A_382] {strides = array<i32>} : memref<1024xf32, #tpu.memory_space<vmem>>, vector<16xf32>,
          %swap3A_384 = vector.shape_cast %swap3A_383 : vector<16xf32> to vector<16xf32>
          %swap3A_385 = vector.shape_cast %get3A_148 : vector<16xf32> to vector<16xf32>
          tpu.vector_store %arg13[%swap3A_382], %swap3A_385 {strides = array<i32>} : memref<1024xf32, #tpu.memory_space<vmem>>, vector<16xf32>,
          %scan3A_386 = arith.constant 7 : i32
          %scan3A_387 = arith.addi %scan3A_168, %scan3A_386 : i32
          %mul3A_388 = arith.constant 1 : i32
          %mul3A_389 = arith.muli %scan3A_387, %mul3A_388 : i32
          %add3A_390 = arith.constant 0 : i32
          %add3A_391 = arith.addi %add3A_390, %mul3A_389 : i32
          %mul3A_392 = arith.constant 1024 : i32
          %mul3A_393 = arith.muli %add3A_143, %mul3A_392 : i32
          %mul3A_394 = arith.constant 16 : i32
          %mul3A_395 = arith.muli %add3A_391, %mul3A_394 : i32
          %add3A_396 = arith.addi %mul3A_393, %mul3A_395 : i32
          %get3A_397 = arith.index_cast %add3A_396 : i32 to index
          %get3A_398 = tpu.vector_load %arg6[%get3A_397] {strides = array<i32>} : memref<20480xi32, #tpu.memory_space<vmem>>, vector<16xi32>,
          %get3A_399 = vector.shape_cast %get3A_398 : vector<16xi32> to vector<16xi32>
          %sub3A_400 = vector.broadcast %mul3A_0 : i32 to vector<16xi32>
          %sub3A_401 = arith.subi %get3A_399, %sub3A_400 : vector<16xi32>
          %lt3A_402 = arith.constant 1048576 : i32
          %lt3A_403 = vector.broadcast %lt3A_402 : i32 to vector<16xi32>
          %lt3A_404 = arith.cmpi ult, %sub3A_401, %lt3A_403 : vector<16xi32>
          %mul3A_405 = arith.constant 16 : i32
          %mul3A_406 = arith.muli %add3A_391, %mul3A_405 : i32
          %jit3A_407 = arith.constant -1 : i32
          %broadcast_in_dim3A_408 = vector.broadcast %jit3A_407 : i32 to vector<16xi32>
          %select_n3A_409 = arith.select %lt3A_404, %sub3A_401, %broadcast_in_dim3A_408 : vector<16xi1>, vector<16xi32>
          %swap3A_410 = arith.index_cast %mul3A_406 : i32 to index
          %swap3A_411 = tpu.vector_load %arg11[%swap3A_410] {strides = array<i32>} : memref<1024xi32, #tpu.memory_space<vmem>>, vector<16xi32>,
          %swap3A_412 = vector.shape_cast %swap3A_411 : vector<16xi32> to vector<16xi32>
          %swap3A_413 = vector.shape_cast %select_n3A_409 : vector<16xi32> to vector<16xi32>
          tpu.vector_store %arg11[%swap3A_410], %swap3A_413 {strides = array<i32>} : memref<1024xi32, #tpu.memory_space<vmem>>, vector<16xi32>,
          %swap3A_414 = arith.index_cast %mul3A_406 : i32 to index
          %swap3A_415 = tpu.vector_load %arg13[%swap3A_414] {strides = array<i32>} : memref<1024xf32, #tpu.memory_space<vmem>>, vector<16xf32>,
          %swap3A_416 = vector.shape_cast %swap3A_415 : vector<16xf32> to vector<16xf32>
          %swap3A_417 = vector.shape_cast %get3A_148 : vector<16xf32> to vector<16xf32>
          tpu.vector_store %arg13[%swap3A_414], %swap3A_417 {strides = array<i32>} : memref<1024xf32, #tpu.memory_space<vmem>>, vector<16xf32>,
        }
        %scan3A_153 = arith.constant 64 : i32
        %dma_start3A_154 = arith.constant 0 : i32
        %dma_start3A_155 = tpu.memref_slice %arg5[%dma_start3A_154] : memref<1048576xf32, #tpu.memory_space<vmem_shared>> -> memref<1048576xf32, #tpu.memory_space<vmem_shared>>
        %dma_start3A_156 = arith.constant -1 : i32
        tpu.enqueue_indirect_dma source(%arg13 : memref<1024xf32, #tpu.memory_space<vmem>>) target(%dma_start3A_155 : memref<1048576xf32, #tpu.memory_space<vmem_shared>>) offsets(%arg11 : memref<1024xi32, #tpu.memory_space<vmem>>) offset_filter(%dma_start3A_156) semaphore(%arg16 : memref<!tpu.dma_semaphore, #tpu.memory_space<semaphore_mem>>) {add = true}
        %dma_wait3A_157 = arith.constant 0 : i32
        %dma_wait3A_158 = tpu.memref_slice %arg5[%dma_wait3A_157] : memref<1048576xf32, #tpu.memory_space<vmem_shared>> -> memref<1048576xf32, #tpu.memory_space<vmem_shared>>
        tpu.wait_indirect_dma semaphore(%arg15 : memref<!tpu.dma_semaphore, #tpu.memory_space<semaphore_mem>>) src(%arg12 : memref<1024xf32, #tpu.memory_space<vmem>>) dst(%dma_wait3A_158 : memref<1048576xf32, #tpu.memory_space<vmem_shared>>)
        %add3A_159 = arith.constant 2 : i32
        %add3A_160 = arith.addi %add3A_141, %add3A_159 : i32
        %lt3A_161 = arith.constant 20 : i32
        %lt3A_162 = arith.cmpi slt, %add3A_160, %lt3A_161 : i32
        %convert_element_type3A_163 = arith.extui %lt3A_162 : i1 to i32
        %cond3A_164 = arith.constant 0 : i32
        %cond3A_165 = arith.cmpi ne, %convert_element_type3A_163, %cond3A_164 : i32
        scf.if %cond3A_165 {
          %add3A_168 = arith.constant 2 : i32
          %add3A_169 = arith.addi %add3A_141, %add3A_168 : i32
          %mul3A_170 = arith.constant 16 : i32
          %mul3A_171 = arith.muli %add3A_169, %mul3A_170 : i32
          %get3A_172 = arith.index_cast %mul3A_171 : i32 to index
          %get3A_173 = tpu.vector_load %arg8[%get3A_172] {strides = array<i32>} : memref<320xf32, #tpu.memory_space<vmem>>, vector<16xf32>,
          %get3A_174 = vector.shape_cast %get3A_173 : vector<16xf32> to vector<16xf32>
          %scan3A_175 = arith.constant 0 : i32
          %scan3A_176 = arith.constant 64 : i32
          %scan3A_177 = arith.addi %scan3A_175, %scan3A_176 : i32
          %scan3A_178 = arith.constant 8 : i32
          scf.for %scan3A_183 = %scan3A_175 to %scan3A_177 step %scan3A_178  : i32 {
            %mul3A_184 = arith.constant 1 : i32
            %mul3A_185 = arith.muli %scan3A_183, %mul3A_184 : i32
            %add3A_186 = arith.constant 0 : i32
            %add3A_187 = arith.addi %add3A_186, %mul3A_185 : i32
            %mul3A_188 = arith.constant 1024 : i32
            %mul3A_189 = arith.muli %add3A_169, %mul3A_188 : i32
            %mul3A_190 = arith.constant 16 : i32
            %mul3A_191 = arith.muli %add3A_187, %mul3A_190 : i32
            %add3A_192 = arith.addi %mul3A_189, %mul3A_191 : i32
            %get3A_193 = arith.index_cast %add3A_192 : i32 to index
            %get3A_194 = tpu.vector_load %arg6[%get3A_193] {strides = array<i32>} : memref<20480xi32, #tpu.memory_space<vmem>>, vector<16xi32>,
            %get3A_195 = vector.shape_cast %get3A_194 : vector<16xi32> to vector<16xi32>
            %sub3A = vector.broadcast %mul3A_0 : i32 to vector<16xi32>
            %sub3A_196 = arith.subi %get3A_195, %sub3A : vector<16xi32>
            %lt3A_197 = arith.constant 1048576 : i32
            %lt3A_198 = vector.broadcast %lt3A_197 : i32 to vector<16xi32>
            %lt3A_199 = arith.cmpi ult, %sub3A_196, %lt3A_198 : vector<16xi32>
            %mul3A_200 = arith.constant 16 : i32
            %mul3A_201 = arith.muli %add3A_187, %mul3A_200 : i32
            %jit3A = arith.constant -1 : i32
            %broadcast_in_dim3A = vector.broadcast %jit3A : i32 to vector<16xi32>
            %select_n3A = arith.select %lt3A_199, %sub3A_196, %broadcast_in_dim3A : vector<16xi1>, vector<16xi32>
            %swap3A = arith.index_cast %mul3A_201 : i32 to index
            %swap3A_202 = tpu.vector_load %arg10[%swap3A] {strides = array<i32>} : memref<1024xi32, #tpu.memory_space<vmem>>, vector<16xi32>,
            %swap3A_203 = vector.shape_cast %swap3A_202 : vector<16xi32> to vector<16xi32>
            %swap3A_204 = vector.shape_cast %select_n3A : vector<16xi32> to vector<16xi32>
            tpu.vector_store %arg10[%swap3A], %swap3A_204 {strides = array<i32>} : memref<1024xi32, #tpu.memory_space<vmem>>, vector<16xi32>,
            %swap3A_205 = arith.index_cast %mul3A_201 : i32 to index
            %swap3A_206 = tpu.vector_load %arg12[%swap3A_205] {strides = array<i32>} : memref<1024xf32, #tpu.memory_space<vmem>>, vector<16xf32>,
            %swap3A_207 = vector.shape_cast %swap3A_206 : vector<16xf32> to vector<16xf32>
            %swap3A_208 = vector.shape_cast %get3A_174 : vector<16xf32> to vector<16xf32>
            tpu.vector_store %arg12[%swap3A_205], %swap3A_208 {strides = array<i32>} : memref<1024xf32, #tpu.memory_space<vmem>>, vector<16xf32>,
            %scan3A_209 = arith.constant 1 : i32
            %scan3A_210 = arith.addi %scan3A_183, %scan3A_209 : i32
            %mul3A_211 = arith.constant 1 : i32
            %mul3A_212 = arith.muli %scan3A_210, %mul3A_211 : i32
            %add3A_213 = arith.constant 0 : i32
            %add3A_214 = arith.addi %add3A_213, %mul3A_212 : i32
            %mul3A_215 = arith.constant 1024 : i32
            %mul3A_216 = arith.muli %add3A_169, %mul3A_215 : i32
            %mul3A_217 = arith.constant 16 : i32
            %mul3A_218 = arith.muli %add3A_214, %mul3A_217 : i32
            %add3A_219 = arith.addi %mul3A_216, %mul3A_218 : i32
            %get3A_220 = arith.index_cast %add3A_219 : i32 to index
            %get3A_221 = tpu.vector_load %arg6[%get3A_220] {strides = array<i32>} : memref<20480xi32, #tpu.memory_space<vmem>>, vector<16xi32>,
            %get3A_222 = vector.shape_cast %get3A_221 : vector<16xi32> to vector<16xi32>
            %sub3A_223 = vector.broadcast %mul3A_0 : i32 to vector<16xi32>
            %sub3A_224 = arith.subi %get3A_222, %sub3A_223 : vector<16xi32>
            %lt3A_225 = arith.constant 1048576 : i32
            %lt3A_226 = vector.broadcast %lt3A_225 : i32 to vector<16xi32>
            %lt3A_227 = arith.cmpi ult, %sub3A_224, %lt3A_226 : vector<16xi32>
            %mul3A_228 = arith.constant 16 : i32
            %mul3A_229 = arith.muli %add3A_214, %mul3A_228 : i32
            %jit3A_230 = arith.constant -1 : i32
            %broadcast_in_dim3A_231 = vector.broadcast %jit3A_230 : i32 to vector<16xi32>
            %select_n3A_232 = arith.select %lt3A_227, %sub3A_224, %broadcast_in_dim3A_231 : vector<16xi1>, vector<16xi32>
            %swap3A_233 = arith.index_cast %mul3A_229 : i32 to index
            %swap3A_234 = tpu.vector_load %arg10[%swap3A_233] {strides = array<i32>} : memref<1024xi32, #tpu.memory_space<vmem>>, vector<16xi32>,
            %swap3A_235 = vector.shape_cast %swap3A_234 : vector<16xi32> to vector<16xi32>
            %swap3A_236 = vector.shape_cast %select_n3A_232 : vector<16xi32> to vector<16xi32>
            tpu.vector_store %arg10[%swap3A_233], %swap3A_236 {strides = array<i32>} : memref<1024xi32, #tpu.memory_space<vmem>>, vector<16xi32>,
            %swap3A_237 = arith.index_cast %mul3A_229 : i32 to index
            %swap3A_238 = tpu.vector_load %arg12[%swap3A_237] {strides = array<i32>} : memref<1024xf32, #tpu.memory_space<vmem>>, vector<16xf32>,
            %swap3A_239 = vector.shape_cast %swap3A_238 : vector<16xf32> to vector<16xf32>
            %swap3A_240 = vector.shape_cast %get3A_174 : vector<16xf32> to vector<16xf32>
            tpu.vector_store %arg12[%swap3A_237], %swap3A_240 {strides = array<i32>} : memref<1024xf32, #tpu.memory_space<vmem>>, vector<16xf32>,
            %scan3A_241 = arith.constant 2 : i32
            %scan3A_242 = arith.addi %scan3A_183, %scan3A_241 : i32
            %mul3A_243 = arith.constant 1 : i32
            %mul3A_244 = arith.muli %scan3A_242, %mul3A_243 : i32
            %add3A_245 = arith.constant 0 : i32
            %add3A_246 = arith.addi %add3A_245, %mul3A_244 : i32
            %mul3A_247 = arith.constant 1024 : i32
            %mul3A_248 = arith.muli %add3A_169, %mul3A_247 : i32
            %mul3A_249 = arith.constant 16 : i32
            %mul3A_250 = arith.muli %add3A_246, %mul3A_249 : i32
            %add3A_251 = arith.addi %mul3A_248, %mul3A_250 : i32
            %get3A_252 = arith.index_cast %add3A_251 : i32 to index
            %get3A_253 = tpu.vector_load %arg6[%get3A_252] {strides = array<i32>} : memref<20480xi32, #tpu.memory_space<vmem>>, vector<16xi32>,
            %get3A_254 = vector.shape_cast %get3A_253 : vector<16xi32> to vector<16xi32>
            %sub3A_255 = vector.broadcast %mul3A_0 : i32 to vector<16xi32>
            %sub3A_256 = arith.subi %get3A_254, %sub3A_255 : vector<16xi32>
            %lt3A_257 = arith.constant 1048576 : i32
            %lt3A_258 = vector.broadcast %lt3A_257 : i32 to vector<16xi32>
            %lt3A_259 = arith.cmpi ult, %sub3A_256, %lt3A_258 : vector<16xi32>
            %mul3A_260 = arith.constant 16 : i32
            %mul3A_261 = arith.muli %add3A_246, %mul3A_260 : i32
            %jit3A_262 = arith.constant -1 : i32
            %broadcast_in_dim3A_263 = vector.broadcast %jit3A_262 : i32 to vector<16xi32>
            %select_n3A_264 = arith.select %lt3A_259, %sub3A_256, %broadcast_in_dim3A_263 : vector<16xi1>, vector<16xi32>
            %swap3A_265 = arith.index_cast %mul3A_261 : i32 to index
            %swap3A_266 = tpu.vector_load %arg10[%swap3A_265] {strides = array<i32>} : memref<1024xi32, #tpu.memory_space<vmem>>, vector<16xi32>,
            %swap3A_267 = vector.shape_cast %swap3A_266 : vector<16xi32> to vector<16xi32>
            %swap3A_268 = vector.shape_cast %select_n3A_264 : vector<16xi32> to vector<16xi32>
            tpu.vector_store %arg10[%swap3A_265], %swap3A_268 {strides = array<i32>} : memref<1024xi32, #tpu.memory_space<vmem>>, vector<16xi32>,
            %swap3A_269 = arith.index_cast %mul3A_261 : i32 to index
            %swap3A_270 = tpu.vector_load %arg12[%swap3A_269] {strides = array<i32>} : memref<1024xf32, #tpu.memory_space<vmem>>, vector<16xf32>,
            %swap3A_271 = vector.shape_cast %swap3A_270 : vector<16xf32> to vector<16xf32>
            %swap3A_272 = vector.shape_cast %get3A_174 : vector<16xf32> to vector<16xf32>
            tpu.vector_store %arg12[%swap3A_269], %swap3A_272 {strides = array<i32>} : memref<1024xf32, #tpu.memory_space<vmem>>, vector<16xf32>,
            %scan3A_273 = arith.constant 3 : i32
            %scan3A_274 = arith.addi %scan3A_183, %scan3A_273 : i32
            %mul3A_275 = arith.constant 1 : i32
            %mul3A_276 = arith.muli %scan3A_274, %mul3A_275 : i32
            %add3A_277 = arith.constant 0 : i32
            %add3A_278 = arith.addi %add3A_277, %mul3A_276 : i32
            %mul3A_279 = arith.constant 1024 : i32
            %mul3A_280 = arith.muli %add3A_169, %mul3A_279 : i32
            %mul3A_281 = arith.constant 16 : i32
            %mul3A_282 = arith.muli %add3A_278, %mul3A_281 : i32
            %add3A_283 = arith.addi %mul3A_280, %mul3A_282 : i32
            %get3A_284 = arith.index_cast %add3A_283 : i32 to index
            %get3A_285 = tpu.vector_load %arg6[%get3A_284] {strides = array<i32>} : memref<20480xi32, #tpu.memory_space<vmem>>, vector<16xi32>,
            %get3A_286 = vector.shape_cast %get3A_285 : vector<16xi32> to vector<16xi32>
            %sub3A_287 = vector.broadcast %mul3A_0 : i32 to vector<16xi32>
            %sub3A_288 = arith.subi %get3A_286, %sub3A_287 : vector<16xi32>
            %lt3A_289 = arith.constant 1048576 : i32
            %lt3A_290 = vector.broadcast %lt3A_289 : i32 to vector<16xi32>
            %lt3A_291 = arith.cmpi ult, %sub3A_288, %lt3A_290 : vector<16xi32>
            %mul3A_292 = arith.constant 16 : i32
            %mul3A_293 = arith.muli %add3A_278, %mul3A_292 : i32
            %jit3A_294 = arith.constant -1 : i32
            %broadcast_in_dim3A_295 = vector.broadcast %jit3A_294 : i32 to vector<16xi32>
            %select_n3A_296 = arith.select %lt3A_291, %sub3A_288, %broadcast_in_dim3A_295 : vector<16xi1>, vector<16xi32>
            %swap3A_297 = arith.index_cast %mul3A_293 : i32 to index
            %swap3A_298 = tpu.vector_load %arg10[%swap3A_297] {strides = array<i32>} : memref<1024xi32, #tpu.memory_space<vmem>>, vector<16xi32>,
            %swap3A_299 = vector.shape_cast %swap3A_298 : vector<16xi32> to vector<16xi32>
            %swap3A_300 = vector.shape_cast %select_n3A_296 : vector<16xi32> to vector<16xi32>
            tpu.vector_store %arg10[%swap3A_297], %swap3A_300 {strides = array<i32>} : memref<1024xi32, #tpu.memory_space<vmem>>, vector<16xi32>,
            %swap3A_301 = arith.index_cast %mul3A_293 : i32 to index
            %swap3A_302 = tpu.vector_load %arg12[%swap3A_301] {strides = array<i32>} : memref<1024xf32, #tpu.memory_space<vmem>>, vector<16xf32>,
            %swap3A_303 = vector.shape_cast %swap3A_302 : vector<16xf32> to vector<16xf32>
            %swap3A_304 = vector.shape_cast %get3A_174 : vector<16xf32> to vector<16xf32>
            tpu.vector_store %arg12[%swap3A_301], %swap3A_304 {strides = array<i32>} : memref<1024xf32, #tpu.memory_space<vmem>>, vector<16xf32>,
            %scan3A_305 = arith.constant 4 : i32
            %scan3A_306 = arith.addi %scan3A_183, %scan3A_305 : i32
            %mul3A_307 = arith.constant 1 : i32
            %mul3A_308 = arith.muli %scan3A_306, %mul3A_307 : i32
            %add3A_309 = arith.constant 0 : i32
            %add3A_310 = arith.addi %add3A_309, %mul3A_308 : i32
            %mul3A_311 = arith.constant 1024 : i32
            %mul3A_312 = arith.muli %add3A_169, %mul3A_311 : i32
            %mul3A_313 = arith.constant 16 : i32
            %mul3A_314 = arith.muli %add3A_310, %mul3A_313 : i32
            %add3A_315 = arith.addi %mul3A_312, %mul3A_314 : i32
            %get3A_316 = arith.index_cast %add3A_315 : i32 to index
            %get3A_317 = tpu.vector_load %arg6[%get3A_316] {strides = array<i32>} : memref<20480xi32, #tpu.memory_space<vmem>>, vector<16xi32>,
            %get3A_318 = vector.shape_cast %get3A_317 : vector<16xi32> to vector<16xi32>
            %sub3A_319 = vector.broadcast %mul3A_0 : i32 to vector<16xi32>
            %sub3A_320 = arith.subi %get3A_318, %sub3A_319 : vector<16xi32>
            %lt3A_321 = arith.constant 1048576 : i32
            %lt3A_322 = vector.broadcast %lt3A_321 : i32 to vector<16xi32>
            %lt3A_323 = arith.cmpi ult, %sub3A_320, %lt3A_322 : vector<16xi32>
            %mul3A_324 = arith.constant 16 : i32
            %mul3A_325 = arith.muli %add3A_310, %mul3A_324 : i32
            %jit3A_326 = arith.constant -1 : i32
            %broadcast_in_dim3A_327 = vector.broadcast %jit3A_326 : i32 to vector<16xi32>
            %select_n3A_328 = arith.select %lt3A_323, %sub3A_320, %broadcast_in_dim3A_327 : vector<16xi1>, vector<16xi32>
            %swap3A_329 = arith.index_cast %mul3A_325 : i32 to index
            %swap3A_330 = tpu.vector_load %arg10[%swap3A_329] {strides = array<i32>} : memref<1024xi32, #tpu.memory_space<vmem>>, vector<16xi32>,
            %swap3A_331 = vector.shape_cast %swap3A_330 : vector<16xi32> to vector<16xi32>
            %swap3A_332 = vector.shape_cast %select_n3A_328 : vector<16xi32> to vector<16xi32>
            tpu.vector_store %arg10[%swap3A_329], %swap3A_332 {strides = array<i32>} : memref<1024xi32, #tpu.memory_space<vmem>>, vector<16xi32>,
            %swap3A_333 = arith.index_cast %mul3A_325 : i32 to index
            %swap3A_334 = tpu.vector_load %arg12[%swap3A_333] {strides = array<i32>} : memref<1024xf32, #tpu.memory_space<vmem>>, vector<16xf32>,
            %swap3A_335 = vector.shape_cast %swap3A_334 : vector<16xf32> to vector<16xf32>
            %swap3A_336 = vector.shape_cast %get3A_174 : vector<16xf32> to vector<16xf32>
            tpu.vector_store %arg12[%swap3A_333], %swap3A_336 {strides = array<i32>} : memref<1024xf32, #tpu.memory_space<vmem>>, vector<16xf32>,
            %scan3A_337 = arith.constant 5 : i32
            %scan3A_338 = arith.addi %scan3A_183, %scan3A_337 : i32
            %mul3A_339 = arith.constant 1 : i32
            %mul3A_340 = arith.muli %scan3A_338, %mul3A_339 : i32
            %add3A_341 = arith.constant 0 : i32
            %add3A_342 = arith.addi %add3A_341, %mul3A_340 : i32
            %mul3A_343 = arith.constant 1024 : i32
            %mul3A_344 = arith.muli %add3A_169, %mul3A_343 : i32
            %mul3A_345 = arith.constant 16 : i32
            %mul3A_346 = arith.muli %add3A_342, %mul3A_345 : i32
            %add3A_347 = arith.addi %mul3A_344, %mul3A_346 : i32
            %get3A_348 = arith.index_cast %add3A_347 : i32 to index
            %get3A_349 = tpu.vector_load %arg6[%get3A_348] {strides = array<i32>} : memref<20480xi32, #tpu.memory_space<vmem>>, vector<16xi32>,
            %get3A_350 = vector.shape_cast %get3A_349 : vector<16xi32> to vector<16xi32>
            %sub3A_351 = vector.broadcast %mul3A_0 : i32 to vector<16xi32>
            %sub3A_352 = arith.subi %get3A_350, %sub3A_351 : vector<16xi32>
            %lt3A_353 = arith.constant 1048576 : i32
            %lt3A_354 = vector.broadcast %lt3A_353 : i32 to vector<16xi32>
            %lt3A_355 = arith.cmpi ult, %sub3A_352, %lt3A_354 : vector<16xi32>
            %mul3A_356 = arith.constant 16 : i32
            %mul3A_357 = arith.muli %add3A_342, %mul3A_356 : i32
            %jit3A_358 = arith.constant -1 : i32
            %broadcast_in_dim3A_359 = vector.broadcast %jit3A_358 : i32 to vector<16xi32>
            %select_n3A_360 = arith.select %lt3A_355, %sub3A_352, %broadcast_in_dim3A_359 : vector<16xi1>, vector<16xi32>
            %swap3A_361 = arith.index_cast %mul3A_357 : i32 to index
            %swap3A_362 = tpu.vector_load %arg10[%swap3A_361] {strides = array<i32>} : memref<1024xi32, #tpu.memory_space<vmem>>, vector<16xi32>,
            %swap3A_363 = vector.shape_cast %swap3A_362 : vector<16xi32> to vector<16xi32>
            %swap3A_364 = vector.shape_cast %select_n3A_360 : vector<16xi32> to vector<16xi32>
            tpu.vector_store %arg10[%swap3A_361], %swap3A_364 {strides = array<i32>} : memref<1024xi32, #tpu.memory_space<vmem>>, vector<16xi32>,
            %swap3A_365 = arith.index_cast %mul3A_357 : i32 to index
            %swap3A_366 = tpu.vector_load %arg12[%swap3A_365] {strides = array<i32>} : memref<1024xf32, #tpu.memory_space<vmem>>, vector<16xf32>,
            %swap3A_367 = vector.shape_cast %swap3A_366 : vector<16xf32> to vector<16xf32>
            %swap3A_368 = vector.shape_cast %get3A_174 : vector<16xf32> to vector<16xf32>
            tpu.vector_store %arg12[%swap3A_365], %swap3A_368 {strides = array<i32>} : memref<1024xf32, #tpu.memory_space<vmem>>, vector<16xf32>,
            %scan3A_369 = arith.constant 6 : i32
            %scan3A_370 = arith.addi %scan3A_183, %scan3A_369 : i32
            %mul3A_371 = arith.constant 1 : i32
            %mul3A_372 = arith.muli %scan3A_370, %mul3A_371 : i32
            %add3A_373 = arith.constant 0 : i32
            %add3A_374 = arith.addi %add3A_373, %mul3A_372 : i32
            %mul3A_375 = arith.constant 1024 : i32
            %mul3A_376 = arith.muli %add3A_169, %mul3A_375 : i32
            %mul3A_377 = arith.constant 16 : i32
            %mul3A_378 = arith.muli %add3A_374, %mul3A_377 : i32
            %add3A_379 = arith.addi %mul3A_376, %mul3A_378 : i32
            %get3A_380 = arith.index_cast %add3A_379 : i32 to index
            %get3A_381 = tpu.vector_load %arg6[%get3A_380] {strides = array<i32>} : memref<20480xi32, #tpu.memory_space<vmem>>, vector<16xi32>,
            %get3A_382 = vector.shape_cast %get3A_381 : vector<16xi32> to vector<16xi32>
            %sub3A_383 = vector.broadcast %mul3A_0 : i32 to vector<16xi32>
            %sub3A_384 = arith.subi %get3A_382, %sub3A_383 : vector<16xi32>
            %lt3A_385 = arith.constant 1048576 : i32
            %lt3A_386 = vector.broadcast %lt3A_385 : i32 to vector<16xi32>
            %lt3A_387 = arith.cmpi ult, %sub3A_384, %lt3A_386 : vector<16xi32>
            %mul3A_388 = arith.constant 16 : i32
            %mul3A_389 = arith.muli %add3A_374, %mul3A_388 : i32
            %jit3A_390 = arith.constant -1 : i32
            %broadcast_in_dim3A_391 = vector.broadcast %jit3A_390 : i32 to vector<16xi32>
            %select_n3A_392 = arith.select %lt3A_387, %sub3A_384, %broadcast_in_dim3A_391 : vector<16xi1>, vector<16xi32>
            %swap3A_393 = arith.index_cast %mul3A_389 : i32 to index
            %swap3A_394 = tpu.vector_load %arg10[%swap3A_393] {strides = array<i32>} : memref<1024xi32, #tpu.memory_space<vmem>>, vector<16xi32>,
            %swap3A_395 = vector.shape_cast %swap3A_394 : vector<16xi32> to vector<16xi32>
            %swap3A_396 = vector.shape_cast %select_n3A_392 : vector<16xi32> to vector<16xi32>
            tpu.vector_store %arg10[%swap3A_393], %swap3A_396 {strides = array<i32>} : memref<1024xi32, #tpu.memory_space<vmem>>, vector<16xi32>,
            %swap3A_397 = arith.index_cast %mul3A_389 : i32 to index
            %swap3A_398 = tpu.vector_load %arg12[%swap3A_397] {strides = array<i32>} : memref<1024xf32, #tpu.memory_space<vmem>>, vector<16xf32>,
            %swap3A_399 = vector.shape_cast %swap3A_398 : vector<16xf32> to vector<16xf32>
            %swap3A_400 = vector.shape_cast %get3A_174 : vector<16xf32> to vector<16xf32>
            tpu.vector_store %arg12[%swap3A_397], %swap3A_400 {strides = array<i32>} : memref<1024xf32, #tpu.memory_space<vmem>>, vector<16xf32>,
            %scan3A_401 = arith.constant 7 : i32
            %scan3A_402 = arith.addi %scan3A_183, %scan3A_401 : i32
            %mul3A_403 = arith.constant 1 : i32
            %mul3A_404 = arith.muli %scan3A_402, %mul3A_403 : i32
            %add3A_405 = arith.constant 0 : i32
            %add3A_406 = arith.addi %add3A_405, %mul3A_404 : i32
            %mul3A_407 = arith.constant 1024 : i32
            %mul3A_408 = arith.muli %add3A_169, %mul3A_407 : i32
            %mul3A_409 = arith.constant 16 : i32
            %mul3A_410 = arith.muli %add3A_406, %mul3A_409 : i32
            %add3A_411 = arith.addi %mul3A_408, %mul3A_410 : i32
            %get3A_412 = arith.index_cast %add3A_411 : i32 to index
            %get3A_413 = tpu.vector_load %arg6[%get3A_412] {strides = array<i32>} : memref<20480xi32, #tpu.memory_space<vmem>>, vector<16xi32>,
            %get3A_414 = vector.shape_cast %get3A_413 : vector<16xi32> to vector<16xi32>
            %sub3A_415 = vector.broadcast %mul3A_0 : i32 to vector<16xi32>
            %sub3A_416 = arith.subi %get3A_414, %sub3A_415 : vector<16xi32>
            %lt3A_417 = arith.constant 1048576 : i32
            %lt3A_418 = vector.broadcast %lt3A_417 : i32 to vector<16xi32>
            %lt3A_419 = arith.cmpi ult, %sub3A_416, %lt3A_418 : vector<16xi32>
            %mul3A_420 = arith.constant 16 : i32
            %mul3A_421 = arith.muli %add3A_406, %mul3A_420 : i32
            %jit3A_422 = arith.constant -1 : i32
            %broadcast_in_dim3A_423 = vector.broadcast %jit3A_422 : i32 to vector<16xi32>
            %select_n3A_424 = arith.select %lt3A_419, %sub3A_416, %broadcast_in_dim3A_423 : vector<16xi1>, vector<16xi32>
            %swap3A_425 = arith.index_cast %mul3A_421 : i32 to index
            %swap3A_426 = tpu.vector_load %arg10[%swap3A_425] {strides = array<i32>} : memref<1024xi32, #tpu.memory_space<vmem>>, vector<16xi32>,
            %swap3A_427 = vector.shape_cast %swap3A_426 : vector<16xi32> to vector<16xi32>
            %swap3A_428 = vector.shape_cast %select_n3A_424 : vector<16xi32> to vector<16xi32>
            tpu.vector_store %arg10[%swap3A_425], %swap3A_428 {strides = array<i32>} : memref<1024xi32, #tpu.memory_space<vmem>>, vector<16xi32>,
            %swap3A_429 = arith.index_cast %mul3A_421 : i32 to index
            %swap3A_430 = tpu.vector_load %arg12[%swap3A_429] {strides = array<i32>} : memref<1024xf32, #tpu.memory_space<vmem>>, vector<16xf32>,
            %swap3A_431 = vector.shape_cast %swap3A_430 : vector<16xf32> to vector<16xf32>
            %swap3A_432 = vector.shape_cast %get3A_174 : vector<16xf32> to vector<16xf32>
            tpu.vector_store %arg12[%swap3A_429], %swap3A_432 {strides = array<i32>} : memref<1024xf32, #tpu.memory_space<vmem>>, vector<16xf32>,
          }
          %scan3A_179 = arith.constant 64 : i32
          %dma_start3A_180 = arith.constant 0 : i32
          %dma_start3A_181 = tpu.memref_slice %arg5[%dma_start3A_180] : memref<1048576xf32, #tpu.memory_space<vmem_shared>> -> memref<1048576xf32, #tpu.memory_space<vmem_shared>>
          %dma_start3A_182 = arith.constant -1 : i32
          tpu.enqueue_indirect_dma source(%arg12 : memref<1024xf32, #tpu.memory_space<vmem>>) target(%dma_start3A_181 : memref<1048576xf32, #tpu.memory_space<vmem_shared>>) offsets(%arg10 : memref<1024xi32, #tpu.memory_space<vmem>>) offset_filter(%dma_start3A_182) semaphore(%arg15 : memref<!tpu.dma_semaphore, #tpu.memory_space<semaphore_mem>>) {add = true}
        } else {
        }
        %dma_wait3A_166 = arith.constant 0 : i32
        %dma_wait3A_167 = tpu.memref_slice %arg5[%dma_wait3A_166] : memref<1048576xf32, #tpu.memory_space<vmem_shared>> -> memref<1048576xf32, #tpu.memory_space<vmem_shared>>
        tpu.wait_indirect_dma semaphore(%arg16 : memref<!tpu.dma_semaphore, #tpu.memory_space<semaphore_mem>>) src(%arg13 : memref<1024xf32, #tpu.memory_space<vmem>>) dst(%dma_wait3A_167 : memref<1048576xf32, #tpu.memory_space<vmem_shared>>)
      }
      %scan3A_96 = arith.constant 10 : i32
      %add3A_97 = arith.constant 2 : i32
      %add3A_98 = arith.addi %add3A_71, %add3A_97 : i32
      %lt3A = arith.constant 60 : i32
      %lt3A_99 = arith.cmpi slt, %add3A_98, %lt3A : i32
      %convert_element_type3A = arith.extui %lt3A_99 : i1 to i32
      %cond3A = arith.constant 0 : i32
      %cond3A_100 = arith.cmpi ne, %convert_element_type3A, %cond3A : i32
      scf.if %cond3A_100 {
        %add3A_137 = arith.constant 2 : i32
        %add3A_138 = arith.addi %add3A_71, %add3A_137 : i32
        %mul3A_139 = arith.constant 19200 : i32
        %mul3A_140 = arith.muli %arg1, %mul3A_139 : i32
        %mul3A_141 = arith.constant 320 : i32
        %mul3A_142 = arith.muli %add3A_138, %mul3A_141 : i32
        %add3A_143 = arith.addi %mul3A_140, %mul3A_142 : i32
        %mul3A_144 = arith.constant 64 : i32
        %mul3A_145 = arith.muli %add3A_143, %mul3A_144 : i32
        %dma_start3A_146 = tpu.memref_slice %arg3[%mul3A_145] : memref<19660800xi32, #tpu.memory_space<hbm>> -> memref<20480xi32, #tpu.memory_space<hbm>>
        %dma_start3A_147 = tpu.memref_slice %arg3[%mul3A_145] : memref<19660800xi32, #tpu.memory_space<hbm>> -> memref<20480xi32, #tpu.memory_space<hbm>>
        tpu.enqueue_dma source(%dma_start3A_147 : memref<20480xi32, #tpu.memory_space<hbm>>) target(%arg6 : memref<20480xi32, #tpu.memory_space<vmem>>) target_semaphore(%arg17 : memref<!tpu.dma_semaphore, #tpu.memory_space<semaphore_mem>>)
        %dma_start3A_148 = tpu.memref_slice %arg2[%add3A_143] : memref<307200xf32, #tpu.memory_space<hbm>> -> memref<320xf32, #tpu.memory_space<hbm>>
        %dma_start3A_149 = tpu.memref_slice %arg2[%add3A_143] : memref<307200xf32, #tpu.memory_space<hbm>> -> memref<320xf32, #tpu.memory_space<hbm>>
        tpu.enqueue_dma source(%dma_start3A_149 : memref<320xf32, #tpu.memory_space<hbm>>) target(%arg8 : memref<320xf32, #tpu.memory_space<vmem>>) target_semaphore(%arg17 : memref<!tpu.dma_semaphore, #tpu.memory_space<semaphore_mem>>)
      } else {
      }
      %add3A_101 = arith.constant 1 : i32
      %add3A_102 = arith.addi %add3A_71, %add3A_101 : i32
      %mul3A_103 = arith.constant 19200 : i32
      %mul3A_104 = arith.muli %arg1, %mul3A_103 : i32
      %mul3A_105 = arith.constant 320 : i32
      %mul3A_106 = arith.muli %add3A_102, %mul3A_105 : i32
      %add3A_107 = arith.addi %mul3A_104, %mul3A_106 : i32
      %mul3A_108 = arith.constant 64 : i32
      %mul3A_109 = arith.muli %add3A_107, %mul3A_108 : i32
      %dma_wait3A_110 = tpu.memref_slice %arg3[%mul3A_109] : memref<19660800xi32, #tpu.memory_space<hbm>> -> memref<20480xi32, #tpu.memory_space<hbm>>
      %dma_wait3A_111 = tpu.memref_slice %arg3[%mul3A_109] : memref<19660800xi32, #tpu.memory_space<hbm>> -> memref<20480xi32, #tpu.memory_space<hbm>>
      tpu.wait_dma2 semaphore(%arg18 : memref<!tpu.dma_semaphore, #tpu.memory_space<semaphore_mem>>) src(%dma_wait3A_111 : memref<20480xi32, #tpu.memory_space<hbm>>) dst(%arg7 : memref<20480xi32, #tpu.memory_space<vmem>>)
      %dma_wait3A_112 = tpu.memref_slice %arg2[%add3A_107] : memref<307200xf32, #tpu.memory_space<hbm>> -> memref<320xf32, #tpu.memory_space<hbm>>
      %dma_wait3A_113 = tpu.memref_slice %arg2[%add3A_107] : memref<307200xf32, #tpu.memory_space<hbm>> -> memref<320xf32, #tpu.memory_space<hbm>>
      tpu.wait_dma2 semaphore(%arg18 : memref<!tpu.dma_semaphore, #tpu.memory_space<semaphore_mem>>) src(%dma_wait3A_113 : memref<320xf32, #tpu.memory_space<hbm>>) dst(%arg9 : memref<320xf32, #tpu.memory_space<vmem>>)
      %get3A_114 = arith.constant 0 : index
      %get3A_115 = tpu.vector_load %arg9[%get3A_114] {strides = array<i32>} : memref<320xf32, #tpu.memory_space<vmem>>, vector<16xf32>,
      %get3A_116 = vector.shape_cast %get3A_115 : vector<16xf32> to vector<16xf32>
      %scan3A_117 = arith.constant 0 : i32
      %scan3A_118 = arith.constant 64 : i32
      %scan3A_119 = arith.addi %scan3A_117, %scan3A_118 : i32
      %scan3A_120 = arith.constant 8 : i32
      scf.for %scan3A_137 = %scan3A_117 to %scan3A_119 step %scan3A_120  : i32 {
        %mul3A_138 = arith.constant 1 : i32
        %mul3A_139 = arith.muli %scan3A_137, %mul3A_138 : i32
        %add3A_140 = arith.constant 0 : i32
        %add3A_141 = arith.addi %add3A_140, %mul3A_139 : i32
        %mul3A_142 = arith.constant 16 : i32
        %mul3A_143 = arith.muli %add3A_141, %mul3A_142 : i32
        %add3A_144 = arith.constant 0 : i32
        %add3A_145 = arith.addi %add3A_144, %mul3A_143 : i32
        %get3A_146 = arith.index_cast %add3A_145 : i32 to index
        %get3A_147 = tpu.vector_load %arg7[%get3A_146] {strides = array<i32>} : memref<20480xi32, #tpu.memory_space<vmem>>, vector<16xi32>,
        %get3A_148 = vector.shape_cast %get3A_147 : vector<16xi32> to vector<16xi32>
        %sub3A = vector.broadcast %mul3A_0 : i32 to vector<16xi32>
        %sub3A_149 = arith.subi %get3A_148, %sub3A : vector<16xi32>
        %lt3A_150 = arith.constant 1048576 : i32
        %lt3A_151 = vector.broadcast %lt3A_150 : i32 to vector<16xi32>
        %lt3A_152 = arith.cmpi ult, %sub3A_149, %lt3A_151 : vector<16xi32>
        %mul3A_153 = arith.constant 16 : i32
        %mul3A_154 = arith.muli %add3A_141, %mul3A_153 : i32
        %jit3A = arith.constant -1 : i32
        %broadcast_in_dim3A = vector.broadcast %jit3A : i32 to vector<16xi32>
        %select_n3A = arith.select %lt3A_152, %sub3A_149, %broadcast_in_dim3A : vector<16xi1>, vector<16xi32>
        %swap3A = arith.index_cast %mul3A_154 : i32 to index
        %swap3A_155 = tpu.vector_load %arg10[%swap3A] {strides = array<i32>} : memref<1024xi32, #tpu.memory_space<vmem>>, vector<16xi32>,
        %swap3A_156 = vector.shape_cast %swap3A_155 : vector<16xi32> to vector<16xi32>
        %swap3A_157 = vector.shape_cast %select_n3A : vector<16xi32> to vector<16xi32>
        tpu.vector_store %arg10[%swap3A], %swap3A_157 {strides = array<i32>} : memref<1024xi32, #tpu.memory_space<vmem>>, vector<16xi32>,
        %swap3A_158 = arith.index_cast %mul3A_154 : i32 to index
        %swap3A_159 = tpu.vector_load %arg12[%swap3A_158] {strides = array<i32>} : memref<1024xf32, #tpu.memory_space<vmem>>, vector<16xf32>,
        %swap3A_160 = vector.shape_cast %swap3A_159 : vector<16xf32> to vector<16xf32>
        %swap3A_161 = vector.shape_cast %get3A_116 : vector<16xf32> to vector<16xf32>
        tpu.vector_store %arg12[%swap3A_158], %swap3A_161 {strides = array<i32>} : memref<1024xf32, #tpu.memory_space<vmem>>, vector<16xf32>,
        %scan3A_162 = arith.constant 1 : i32
        %scan3A_163 = arith.addi %scan3A_137, %scan3A_162 : i32
        %mul3A_164 = arith.constant 1 : i32
        %mul3A_165 = arith.muli %scan3A_163, %mul3A_164 : i32
        %add3A_166 = arith.constant 0 : i32
        %add3A_167 = arith.addi %add3A_166, %mul3A_165 : i32
        %mul3A_168 = arith.constant 16 : i32
        %mul3A_169 = arith.muli %add3A_167, %mul3A_168 : i32
        %add3A_170 = arith.constant 0 : i32
        %add3A_171 = arith.addi %add3A_170, %mul3A_169 : i32
        %get3A_172 = arith.index_cast %add3A_171 : i32 to index
        %get3A_173 = tpu.vector_load %arg7[%get3A_172] {strides = array<i32>} : memref<20480xi32, #tpu.memory_space<vmem>>, vector<16xi32>,
        %get3A_174 = vector.shape_cast %get3A_173 : vector<16xi32> to vector<16xi32>
        %sub3A_175 = vector.broadcast %mul3A_0 : i32 to vector<16xi32>
        %sub3A_176 = arith.subi %get3A_174, %sub3A_175 : vector<16xi32>
        %lt3A_177 = arith.constant 1048576 : i32
        %lt3A_178 = vector.broadcast %lt3A_177 : i32 to vector<16xi32>
        %lt3A_179 = arith.cmpi ult, %sub3A_176, %lt3A_178 : vector<16xi32>
        %mul3A_180 = arith.constant 16 : i32
        %mul3A_181 = arith.muli %add3A_167, %mul3A_180 : i32
        %jit3A_182 = arith.constant -1 : i32
        %broadcast_in_dim3A_183 = vector.broadcast %jit3A_182 : i32 to vector<16xi32>
        %select_n3A_184 = arith.select %lt3A_179, %sub3A_176, %broadcast_in_dim3A_183 : vector<16xi1>, vector<16xi32>
        %swap3A_185 = arith.index_cast %mul3A_181 : i32 to index
        %swap3A_186 = tpu.vector_load %arg10[%swap3A_185] {strides = array<i32>} : memref<1024xi32, #tpu.memory_space<vmem>>, vector<16xi32>,
        %swap3A_187 = vector.shape_cast %swap3A_186 : vector<16xi32> to vector<16xi32>
        %swap3A_188 = vector.shape_cast %select_n3A_184 : vector<16xi32> to vector<16xi32>
        tpu.vector_store %arg10[%swap3A_185], %swap3A_188 {strides = array<i32>} : memref<1024xi32, #tpu.memory_space<vmem>>, vector<16xi32>,
        %swap3A_189 = arith.index_cast %mul3A_181 : i32 to index
        %swap3A_190 = tpu.vector_load %arg12[%swap3A_189] {strides = array<i32>} : memref<1024xf32, #tpu.memory_space<vmem>>, vector<16xf32>,
        %swap3A_191 = vector.shape_cast %swap3A_190 : vector<16xf32> to vector<16xf32>
        %swap3A_192 = vector.shape_cast %get3A_116 : vector<16xf32> to vector<16xf32>
        tpu.vector_store %arg12[%swap3A_189], %swap3A_192 {strides = array<i32>} : memref<1024xf32, #tpu.memory_space<vmem>>, vector<16xf32>,
        %scan3A_193 = arith.constant 2 : i32
        %scan3A_194 = arith.addi %scan3A_137, %scan3A_193 : i32
        %mul3A_195 = arith.constant 1 : i32
        %mul3A_196 = arith.muli %scan3A_194, %mul3A_195 : i32
        %add3A_197 = arith.constant 0 : i32
        %add3A_198 = arith.addi %add3A_197, %mul3A_196 : i32
        %mul3A_199 = arith.constant 16 : i32
        %mul3A_200 = arith.muli %add3A_198, %mul3A_199 : i32
        %add3A_201 = arith.constant 0 : i32
        %add3A_202 = arith.addi %add3A_201, %mul3A_200 : i32
        %get3A_203 = arith.index_cast %add3A_202 : i32 to index
        %get3A_204 = tpu.vector_load %arg7[%get3A_203] {strides = array<i32>} : memref<20480xi32, #tpu.memory_space<vmem>>, vector<16xi32>,
        %get3A_205 = vector.shape_cast %get3A_204 : vector<16xi32> to vector<16xi32>
        %sub3A_206 = vector.broadcast %mul3A_0 : i32 to vector<16xi32>
        %sub3A_207 = arith.subi %get3A_205, %sub3A_206 : vector<16xi32>
        %lt3A_208 = arith.constant 1048576 : i32
        %lt3A_209 = vector.broadcast %lt3A_208 : i32 to vector<16xi32>
        %lt3A_210 = arith.cmpi ult, %sub3A_207, %lt3A_209 : vector<16xi32>
        %mul3A_211 = arith.constant 16 : i32
        %mul3A_212 = arith.muli %add3A_198, %mul3A_211 : i32
        %jit3A_213 = arith.constant -1 : i32
        %broadcast_in_dim3A_214 = vector.broadcast %jit3A_213 : i32 to vector<16xi32>
        %select_n3A_215 = arith.select %lt3A_210, %sub3A_207, %broadcast_in_dim3A_214 : vector<16xi1>, vector<16xi32>
        %swap3A_216 = arith.index_cast %mul3A_212 : i32 to index
        %swap3A_217 = tpu.vector_load %arg10[%swap3A_216] {strides = array<i32>} : memref<1024xi32, #tpu.memory_space<vmem>>, vector<16xi32>,
        %swap3A_218 = vector.shape_cast %swap3A_217 : vector<16xi32> to vector<16xi32>
        %swap3A_219 = vector.shape_cast %select_n3A_215 : vector<16xi32> to vector<16xi32>
        tpu.vector_store %arg10[%swap3A_216], %swap3A_219 {strides = array<i32>} : memref<1024xi32, #tpu.memory_space<vmem>>, vector<16xi32>,
        %swap3A_220 = arith.index_cast %mul3A_212 : i32 to index
        %swap3A_221 = tpu.vector_load %arg12[%swap3A_220] {strides = array<i32>} : memref<1024xf32, #tpu.memory_space<vmem>>, vector<16xf32>,
        %swap3A_222 = vector.shape_cast %swap3A_221 : vector<16xf32> to vector<16xf32>
        %swap3A_223 = vector.shape_cast %get3A_116 : vector<16xf32> to vector<16xf32>
        tpu.vector_store %arg12[%swap3A_220], %swap3A_223 {strides = array<i32>} : memref<1024xf32, #tpu.memory_space<vmem>>, vector<16xf32>,
        %scan3A_224 = arith.constant 3 : i32
        %scan3A_225 = arith.addi %scan3A_137, %scan3A_224 : i32
        %mul3A_226 = arith.constant 1 : i32
        %mul3A_227 = arith.muli %scan3A_225, %mul3A_226 : i32
        %add3A_228 = arith.constant 0 : i32
        %add3A_229 = arith.addi %add3A_228, %mul3A_227 : i32
        %mul3A_230 = arith.constant 16 : i32
        %mul3A_231 = arith.muli %add3A_229, %mul3A_230 : i32
        %add3A_232 = arith.constant 0 : i32
        %add3A_233 = arith.addi %add3A_232, %mul3A_231 : i32
        %get3A_234 = arith.index_cast %add3A_233 : i32 to index
        %get3A_235 = tpu.vector_load %arg7[%get3A_234] {strides = array<i32>} : memref<20480xi32, #tpu.memory_space<vmem>>, vector<16xi32>,
        %get3A_236 = vector.shape_cast %get3A_235 : vector<16xi32> to vector<16xi32>
        %sub3A_237 = vector.broadcast %mul3A_0 : i32 to vector<16xi32>
        %sub3A_238 = arith.subi %get3A_236, %sub3A_237 : vector<16xi32>
        %lt3A_239 = arith.constant 1048576 : i32
        %lt3A_240 = vector.broadcast %lt3A_239 : i32 to vector<16xi32>
        %lt3A_241 = arith.cmpi ult, %sub3A_238, %lt3A_240 : vector<16xi32>
        %mul3A_242 = arith.constant 16 : i32
        %mul3A_243 = arith.muli %add3A_229, %mul3A_242 : i32
        %jit3A_244 = arith.constant -1 : i32
        %broadcast_in_dim3A_245 = vector.broadcast %jit3A_244 : i32 to vector<16xi32>
        %select_n3A_246 = arith.select %lt3A_241, %sub3A_238, %broadcast_in_dim3A_245 : vector<16xi1>, vector<16xi32>
        %swap3A_247 = arith.index_cast %mul3A_243 : i32 to index
        %swap3A_248 = tpu.vector_load %arg10[%swap3A_247] {strides = array<i32>} : memref<1024xi32, #tpu.memory_space<vmem>>, vector<16xi32>,
        %swap3A_249 = vector.shape_cast %swap3A_248 : vector<16xi32> to vector<16xi32>
        %swap3A_250 = vector.shape_cast %select_n3A_246 : vector<16xi32> to vector<16xi32>
        tpu.vector_store %arg10[%swap3A_247], %swap3A_250 {strides = array<i32>} : memref<1024xi32, #tpu.memory_space<vmem>>, vector<16xi32>,
        %swap3A_251 = arith.index_cast %mul3A_243 : i32 to index
        %swap3A_252 = tpu.vector_load %arg12[%swap3A_251] {strides = array<i32>} : memref<1024xf32, #tpu.memory_space<vmem>>, vector<16xf32>,
        %swap3A_253 = vector.shape_cast %swap3A_252 : vector<16xf32> to vector<16xf32>
        %swap3A_254 = vector.shape_cast %get3A_116 : vector<16xf32> to vector<16xf32>
        tpu.vector_store %arg12[%swap3A_251], %swap3A_254 {strides = array<i32>} : memref<1024xf32, #tpu.memory_space<vmem>>, vector<16xf32>,
        %scan3A_255 = arith.constant 4 : i32
        %scan3A_256 = arith.addi %scan3A_137, %scan3A_255 : i32
        %mul3A_257 = arith.constant 1 : i32
        %mul3A_258 = arith.muli %scan3A_256, %mul3A_257 : i32
        %add3A_259 = arith.constant 0 : i32
        %add3A_260 = arith.addi %add3A_259, %mul3A_258 : i32
        %mul3A_261 = arith.constant 16 : i32
        %mul3A_262 = arith.muli %add3A_260, %mul3A_261 : i32
        %add3A_263 = arith.constant 0 : i32
        %add3A_264 = arith.addi %add3A_263, %mul3A_262 : i32
        %get3A_265 = arith.index_cast %add3A_264 : i32 to index
        %get3A_266 = tpu.vector_load %arg7[%get3A_265] {strides = array<i32>} : memref<20480xi32, #tpu.memory_space<vmem>>, vector<16xi32>,
        %get3A_267 = vector.shape_cast %get3A_266 : vector<16xi32> to vector<16xi32>
        %sub3A_268 = vector.broadcast %mul3A_0 : i32 to vector<16xi32>
        %sub3A_269 = arith.subi %get3A_267, %sub3A_268 : vector<16xi32>
        %lt3A_270 = arith.constant 1048576 : i32
        %lt3A_271 = vector.broadcast %lt3A_270 : i32 to vector<16xi32>
        %lt3A_272 = arith.cmpi ult, %sub3A_269, %lt3A_271 : vector<16xi32>
        %mul3A_273 = arith.constant 16 : i32
        %mul3A_274 = arith.muli %add3A_260, %mul3A_273 : i32
        %jit3A_275 = arith.constant -1 : i32
        %broadcast_in_dim3A_276 = vector.broadcast %jit3A_275 : i32 to vector<16xi32>
        %select_n3A_277 = arith.select %lt3A_272, %sub3A_269, %broadcast_in_dim3A_276 : vector<16xi1>, vector<16xi32>
        %swap3A_278 = arith.index_cast %mul3A_274 : i32 to index
        %swap3A_279 = tpu.vector_load %arg10[%swap3A_278] {strides = array<i32>} : memref<1024xi32, #tpu.memory_space<vmem>>, vector<16xi32>,
        %swap3A_280 = vector.shape_cast %swap3A_279 : vector<16xi32> to vector<16xi32>
        %swap3A_281 = vector.shape_cast %select_n3A_277 : vector<16xi32> to vector<16xi32>
        tpu.vector_store %arg10[%swap3A_278], %swap3A_281 {strides = array<i32>} : memref<1024xi32, #tpu.memory_space<vmem>>, vector<16xi32>,
        %swap3A_282 = arith.index_cast %mul3A_274 : i32 to index
        %swap3A_283 = tpu.vector_load %arg12[%swap3A_282] {strides = array<i32>} : memref<1024xf32, #tpu.memory_space<vmem>>, vector<16xf32>,
        %swap3A_284 = vector.shape_cast %swap3A_283 : vector<16xf32> to vector<16xf32>
        %swap3A_285 = vector.shape_cast %get3A_116 : vector<16xf32> to vector<16xf32>
        tpu.vector_store %arg12[%swap3A_282], %swap3A_285 {strides = array<i32>} : memref<1024xf32, #tpu.memory_space<vmem>>, vector<16xf32>,
        %scan3A_286 = arith.constant 5 : i32
        %scan3A_287 = arith.addi %scan3A_137, %scan3A_286 : i32
        %mul3A_288 = arith.constant 1 : i32
        %mul3A_289 = arith.muli %scan3A_287, %mul3A_288 : i32
        %add3A_290 = arith.constant 0 : i32
        %add3A_291 = arith.addi %add3A_290, %mul3A_289 : i32
        %mul3A_292 = arith.constant 16 : i32
        %mul3A_293 = arith.muli %add3A_291, %mul3A_292 : i32
        %add3A_294 = arith.constant 0 : i32
        %add3A_295 = arith.addi %add3A_294, %mul3A_293 : i32
        %get3A_296 = arith.index_cast %add3A_295 : i32 to index
        %get3A_297 = tpu.vector_load %arg7[%get3A_296] {strides = array<i32>} : memref<20480xi32, #tpu.memory_space<vmem>>, vector<16xi32>,
        %get3A_298 = vector.shape_cast %get3A_297 : vector<16xi32> to vector<16xi32>
        %sub3A_299 = vector.broadcast %mul3A_0 : i32 to vector<16xi32>
        %sub3A_300 = arith.subi %get3A_298, %sub3A_299 : vector<16xi32>
        %lt3A_301 = arith.constant 1048576 : i32
        %lt3A_302 = vector.broadcast %lt3A_301 : i32 to vector<16xi32>
        %lt3A_303 = arith.cmpi ult, %sub3A_300, %lt3A_302 : vector<16xi32>
        %mul3A_304 = arith.constant 16 : i32
        %mul3A_305 = arith.muli %add3A_291, %mul3A_304 : i32
        %jit3A_306 = arith.constant -1 : i32
        %broadcast_in_dim3A_307 = vector.broadcast %jit3A_306 : i32 to vector<16xi32>
        %select_n3A_308 = arith.select %lt3A_303, %sub3A_300, %broadcast_in_dim3A_307 : vector<16xi1>, vector<16xi32>
        %swap3A_309 = arith.index_cast %mul3A_305 : i32 to index
        %swap3A_310 = tpu.vector_load %arg10[%swap3A_309] {strides = array<i32>} : memref<1024xi32, #tpu.memory_space<vmem>>, vector<16xi32>,
        %swap3A_311 = vector.shape_cast %swap3A_310 : vector<16xi32> to vector<16xi32>
        %swap3A_312 = vector.shape_cast %select_n3A_308 : vector<16xi32> to vector<16xi32>
        tpu.vector_store %arg10[%swap3A_309], %swap3A_312 {strides = array<i32>} : memref<1024xi32, #tpu.memory_space<vmem>>, vector<16xi32>,
        %swap3A_313 = arith.index_cast %mul3A_305 : i32 to index
        %swap3A_314 = tpu.vector_load %arg12[%swap3A_313] {strides = array<i32>} : memref<1024xf32, #tpu.memory_space<vmem>>, vector<16xf32>,
        %swap3A_315 = vector.shape_cast %swap3A_314 : vector<16xf32> to vector<16xf32>
        %swap3A_316 = vector.shape_cast %get3A_116 : vector<16xf32> to vector<16xf32>
        tpu.vector_store %arg12[%swap3A_313], %swap3A_316 {strides = array<i32>} : memref<1024xf32, #tpu.memory_space<vmem>>, vector<16xf32>,
        %scan3A_317 = arith.constant 6 : i32
        %scan3A_318 = arith.addi %scan3A_137, %scan3A_317 : i32
        %mul3A_319 = arith.constant 1 : i32
        %mul3A_320 = arith.muli %scan3A_318, %mul3A_319 : i32
        %add3A_321 = arith.constant 0 : i32
        %add3A_322 = arith.addi %add3A_321, %mul3A_320 : i32
        %mul3A_323 = arith.constant 16 : i32
        %mul3A_324 = arith.muli %add3A_322, %mul3A_323 : i32
        %add3A_325 = arith.constant 0 : i32
        %add3A_326 = arith.addi %add3A_325, %mul3A_324 : i32
        %get3A_327 = arith.index_cast %add3A_326 : i32 to index
        %get3A_328 = tpu.vector_load %arg7[%get3A_327] {strides = array<i32>} : memref<20480xi32, #tpu.memory_space<vmem>>, vector<16xi32>,
        %get3A_329 = vector.shape_cast %get3A_328 : vector<16xi32> to vector<16xi32>
        %sub3A_330 = vector.broadcast %mul3A_0 : i32 to vector<16xi32>
        %sub3A_331 = arith.subi %get3A_329, %sub3A_330 : vector<16xi32>
        %lt3A_332 = arith.constant 1048576 : i32
        %lt3A_333 = vector.broadcast %lt3A_332 : i32 to vector<16xi32>
        %lt3A_334 = arith.cmpi ult, %sub3A_331, %lt3A_333 : vector<16xi32>
        %mul3A_335 = arith.constant 16 : i32
        %mul3A_336 = arith.muli %add3A_322, %mul3A_335 : i32
        %jit3A_337 = arith.constant -1 : i32
        %broadcast_in_dim3A_338 = vector.broadcast %jit3A_337 : i32 to vector<16xi32>
        %select_n3A_339 = arith.select %lt3A_334, %sub3A_331, %broadcast_in_dim3A_338 : vector<16xi1>, vector<16xi32>
        %swap3A_340 = arith.index_cast %mul3A_336 : i32 to index
        %swap3A_341 = tpu.vector_load %arg10[%swap3A_340] {strides = array<i32>} : memref<1024xi32, #tpu.memory_space<vmem>>, vector<16xi32>,
        %swap3A_342 = vector.shape_cast %swap3A_341 : vector<16xi32> to vector<16xi32>
        %swap3A_343 = vector.shape_cast %select_n3A_339 : vector<16xi32> to vector<16xi32>
        tpu.vector_store %arg10[%swap3A_340], %swap3A_343 {strides = array<i32>} : memref<1024xi32, #tpu.memory_space<vmem>>, vector<16xi32>,
        %swap3A_344 = arith.index_cast %mul3A_336 : i32 to index
        %swap3A_345 = tpu.vector_load %arg12[%swap3A_344] {strides = array<i32>} : memref<1024xf32, #tpu.memory_space<vmem>>, vector<16xf32>,
        %swap3A_346 = vector.shape_cast %swap3A_345 : vector<16xf32> to vector<16xf32>
        %swap3A_347 = vector.shape_cast %get3A_116 : vector<16xf32> to vector<16xf32>
        tpu.vector_store %arg12[%swap3A_344], %swap3A_347 {strides = array<i32>} : memref<1024xf32, #tpu.memory_space<vmem>>, vector<16xf32>,
        %scan3A_348 = arith.constant 7 : i32
        %scan3A_349 = arith.addi %scan3A_137, %scan3A_348 : i32
        %mul3A_350 = arith.constant 1 : i32
        %mul3A_351 = arith.muli %scan3A_349, %mul3A_350 : i32
        %add3A_352 = arith.constant 0 : i32
        %add3A_353 = arith.addi %add3A_352, %mul3A_351 : i32
        %mul3A_354 = arith.constant 16 : i32
        %mul3A_355 = arith.muli %add3A_353, %mul3A_354 : i32
        %add3A_356 = arith.constant 0 : i32
        %add3A_357 = arith.addi %add3A_356, %mul3A_355 : i32
        %get3A_358 = arith.index_cast %add3A_357 : i32 to index
        %get3A_359 = tpu.vector_load %arg7[%get3A_358] {strides = array<i32>} : memref<20480xi32, #tpu.memory_space<vmem>>, vector<16xi32>,
        %get3A_360 = vector.shape_cast %get3A_359 : vector<16xi32> to vector<16xi32>
        %sub3A_361 = vector.broadcast %mul3A_0 : i32 to vector<16xi32>
        %sub3A_362 = arith.subi %get3A_360, %sub3A_361 : vector<16xi32>
        %lt3A_363 = arith.constant 1048576 : i32
        %lt3A_364 = vector.broadcast %lt3A_363 : i32 to vector<16xi32>
        %lt3A_365 = arith.cmpi ult, %sub3A_362, %lt3A_364 : vector<16xi32>
        %mul3A_366 = arith.constant 16 : i32
        %mul3A_367 = arith.muli %add3A_353, %mul3A_366 : i32
        %jit3A_368 = arith.constant -1 : i32
        %broadcast_in_dim3A_369 = vector.broadcast %jit3A_368 : i32 to vector<16xi32>
        %select_n3A_370 = arith.select %lt3A_365, %sub3A_362, %broadcast_in_dim3A_369 : vector<16xi1>, vector<16xi32>
        %swap3A_371 = arith.index_cast %mul3A_367 : i32 to index
        %swap3A_372 = tpu.vector_load %arg10[%swap3A_371] {strides = array<i32>} : memref<1024xi32, #tpu.memory_space<vmem>>, vector<16xi32>,
        %swap3A_373 = vector.shape_cast %swap3A_372 : vector<16xi32> to vector<16xi32>
        %swap3A_374 = vector.shape_cast %select_n3A_370 : vector<16xi32> to vector<16xi32>
        tpu.vector_store %arg10[%swap3A_371], %swap3A_374 {strides = array<i32>} : memref<1024xi32, #tpu.memory_space<vmem>>, vector<16xi32>,
        %swap3A_375 = arith.index_cast %mul3A_367 : i32 to index
        %swap3A_376 = tpu.vector_load %arg12[%swap3A_375] {strides = array<i32>} : memref<1024xf32, #tpu.memory_space<vmem>>, vector<16xf32>,
        %swap3A_377 = vector.shape_cast %swap3A_376 : vector<16xf32> to vector<16xf32>
        %swap3A_378 = vector.shape_cast %get3A_116 : vector<16xf32> to vector<16xf32>
        tpu.vector_store %arg12[%swap3A_375], %swap3A_378 {strides = array<i32>} : memref<1024xf32, #tpu.memory_space<vmem>>, vector<16xf32>,
      }
      %scan3A_121 = arith.constant 64 : i32
      %dma_start3A_122 = arith.constant 0 : i32
      %dma_start3A_123 = tpu.memref_slice %arg5[%dma_start3A_122] : memref<1048576xf32, #tpu.memory_space<vmem_shared>> -> memref<1048576xf32, #tpu.memory_space<vmem_shared>>
      %dma_start3A_124 = arith.constant -1 : i32
      tpu.enqueue_indirect_dma source(%arg12 : memref<1024xf32, #tpu.memory_space<vmem>>) target(%dma_start3A_123 : memref<1048576xf32, #tpu.memory_space<vmem_shared>>) offsets(%arg10 : memref<1024xi32, #tpu.memory_space<vmem>>) offset_filter(%dma_start3A_124) semaphore(%arg15 : memref<!tpu.dma_semaphore, #tpu.memory_space<semaphore_mem>>) {add = true}
      %scan3A_125 = arith.constant 0 : i32
      %scan3A_126 = arith.constant 10 : i32
      %scan3A_127 = arith.addi %scan3A_125, %scan3A_126 : i32
      %scan3A_128 = arith.constant 1 : i32
      scf.for %scan3A_137 = %scan3A_125 to %scan3A_127 step %scan3A_128  : i32 {
        %mul3A_138 = arith.constant 2 : i32
        %mul3A_139 = arith.muli %scan3A_137, %mul3A_138 : i32
        %add3A_140 = arith.constant 0 : i32
        %add3A_141 = arith.addi %add3A_140, %mul3A_139 : i32
        %add3A_142 = arith.constant 1 : i32
        %add3A_143 = arith.addi %add3A_141, %add3A_142 : i32
        %mul3A_144 = arith.constant 16 : i32
        %mul3A_145 = arith.muli %add3A_143, %mul3A_144 : i32
        %get3A_146 = arith.index_cast %mul3A_145 : i32 to index
        %get3A_147 = tpu.vector_load %arg9[%get3A_146] {strides = array<i32>} : memref<320xf32, #tpu.memory_space<vmem>>, vector<16xf32>,
        %get3A_148 = vector.shape_cast %get3A_147 : vector<16xf32> to vector<16xf32>
        %scan3A_149 = arith.constant 0 : i32
        %scan3A_150 = arith.constant 64 : i32
        %scan3A_151 = arith.addi %scan3A_149, %scan3A_150 : i32
        %scan3A_152 = arith.constant 8 : i32
        scf.for %scan3A_168 = %scan3A_149 to %scan3A_151 step %scan3A_152  : i32 {
          %mul3A_169 = arith.constant 1 : i32
          %mul3A_170 = arith.muli %scan3A_168, %mul3A_169 : i32
          %add3A_171 = arith.constant 0 : i32
          %add3A_172 = arith.addi %add3A_171, %mul3A_170 : i32
          %mul3A_173 = arith.constant 1024 : i32
          %mul3A_174 = arith.muli %add3A_143, %mul3A_173 : i32
          %mul3A_175 = arith.constant 16 : i32
          %mul3A_176 = arith.muli %add3A_172, %mul3A_175 : i32
          %add3A_177 = arith.addi %mul3A_174, %mul3A_176 : i32
          %get3A_178 = arith.index_cast %add3A_177 : i32 to index
          %get3A_179 = tpu.vector_load %arg7[%get3A_178] {strides = array<i32>} : memref<20480xi32, #tpu.memory_space<vmem>>, vector<16xi32>,
          %get3A_180 = vector.shape_cast %get3A_179 : vector<16xi32> to vector<16xi32>
          %sub3A = vector.broadcast %mul3A_0 : i32 to vector<16xi32>
          %sub3A_181 = arith.subi %get3A_180, %sub3A : vector<16xi32>
          %lt3A_182 = arith.constant 1048576 : i32
          %lt3A_183 = vector.broadcast %lt3A_182 : i32 to vector<16xi32>
          %lt3A_184 = arith.cmpi ult, %sub3A_181, %lt3A_183 : vector<16xi32>
          %mul3A_185 = arith.constant 16 : i32
          %mul3A_186 = arith.muli %add3A_172, %mul3A_185 : i32
          %jit3A = arith.constant -1 : i32
          %broadcast_in_dim3A = vector.broadcast %jit3A : i32 to vector<16xi32>
          %select_n3A = arith.select %lt3A_184, %sub3A_181, %broadcast_in_dim3A : vector<16xi1>, vector<16xi32>
          %swap3A = arith.index_cast %mul3A_186 : i32 to index
          %swap3A_187 = tpu.vector_load %arg11[%swap3A] {strides = array<i32>} : memref<1024xi32, #tpu.memory_space<vmem>>, vector<16xi32>,
          %swap3A_188 = vector.shape_cast %swap3A_187 : vector<16xi32> to vector<16xi32>
          %swap3A_189 = vector.shape_cast %select_n3A : vector<16xi32> to vector<16xi32>
          tpu.vector_store %arg11[%swap3A], %swap3A_189 {strides = array<i32>} : memref<1024xi32, #tpu.memory_space<vmem>>, vector<16xi32>,
          %swap3A_190 = arith.index_cast %mul3A_186 : i32 to index
          %swap3A_191 = tpu.vector_load %arg13[%swap3A_190] {strides = array<i32>} : memref<1024xf32, #tpu.memory_space<vmem>>, vector<16xf32>,
          %swap3A_192 = vector.shape_cast %swap3A_191 : vector<16xf32> to vector<16xf32>
          %swap3A_193 = vector.shape_cast %get3A_148 : vector<16xf32> to vector<16xf32>
          tpu.vector_store %arg13[%swap3A_190], %swap3A_193 {strides = array<i32>} : memref<1024xf32, #tpu.memory_space<vmem>>, vector<16xf32>,
          %scan3A_194 = arith.constant 1 : i32
          %scan3A_195 = arith.addi %scan3A_168, %scan3A_194 : i32
          %mul3A_196 = arith.constant 1 : i32
          %mul3A_197 = arith.muli %scan3A_195, %mul3A_196 : i32
          %add3A_198 = arith.constant 0 : i32
          %add3A_199 = arith.addi %add3A_198, %mul3A_197 : i32
          %mul3A_200 = arith.constant 1024 : i32
          %mul3A_201 = arith.muli %add3A_143, %mul3A_200 : i32
          %mul3A_202 = arith.constant 16 : i32
          %mul3A_203 = arith.muli %add3A_199, %mul3A_202 : i32
          %add3A_204 = arith.addi %mul3A_201, %mul3A_203 : i32
          %get3A_205 = arith.index_cast %add3A_204 : i32 to index
          %get3A_206 = tpu.vector_load %arg7[%get3A_205] {strides = array<i32>} : memref<20480xi32, #tpu.memory_space<vmem>>, vector<16xi32>,
          %get3A_207 = vector.shape_cast %get3A_206 : vector<16xi32> to vector<16xi32>
          %sub3A_208 = vector.broadcast %mul3A_0 : i32 to vector<16xi32>
          %sub3A_209 = arith.subi %get3A_207, %sub3A_208 : vector<16xi32>
          %lt3A_210 = arith.constant 1048576 : i32
          %lt3A_211 = vector.broadcast %lt3A_210 : i32 to vector<16xi32>
          %lt3A_212 = arith.cmpi ult, %sub3A_209, %lt3A_211 : vector<16xi32>
          %mul3A_213 = arith.constant 16 : i32
          %mul3A_214 = arith.muli %add3A_199, %mul3A_213 : i32
          %jit3A_215 = arith.constant -1 : i32
          %broadcast_in_dim3A_216 = vector.broadcast %jit3A_215 : i32 to vector<16xi32>
          %select_n3A_217 = arith.select %lt3A_212, %sub3A_209, %broadcast_in_dim3A_216 : vector<16xi1>, vector<16xi32>
          %swap3A_218 = arith.index_cast %mul3A_214 : i32 to index
          %swap3A_219 = tpu.vector_load %arg11[%swap3A_218] {strides = array<i32>} : memref<1024xi32, #tpu.memory_space<vmem>>, vector<16xi32>,
          %swap3A_220 = vector.shape_cast %swap3A_219 : vector<16xi32> to vector<16xi32>
          %swap3A_221 = vector.shape_cast %select_n3A_217 : vector<16xi32> to vector<16xi32>
          tpu.vector_store %arg11[%swap3A_218], %swap3A_221 {strides = array<i32>} : memref<1024xi32, #tpu.memory_space<vmem>>, vector<16xi32>,
          %swap3A_222 = arith.index_cast %mul3A_214 : i32 to index
          %swap3A_223 = tpu.vector_load %arg13[%swap3A_222] {strides = array<i32>} : memref<1024xf32, #tpu.memory_space<vmem>>, vector<16xf32>,
          %swap3A_224 = vector.shape_cast %swap3A_223 : vector<16xf32> to vector<16xf32>
          %swap3A_225 = vector.shape_cast %get3A_148 : vector<16xf32> to vector<16xf32>
          tpu.vector_store %arg13[%swap3A_222], %swap3A_225 {strides = array<i32>} : memref<1024xf32, #tpu.memory_space<vmem>>, vector<16xf32>,
          %scan3A_226 = arith.constant 2 : i32
          %scan3A_227 = arith.addi %scan3A_168, %scan3A_226 : i32
          %mul3A_228 = arith.constant 1 : i32
          %mul3A_229 = arith.muli %scan3A_227, %mul3A_228 : i32
          %add3A_230 = arith.constant 0 : i32
          %add3A_231 = arith.addi %add3A_230, %mul3A_229 : i32
          %mul3A_232 = arith.constant 1024 : i32
          %mul3A_233 = arith.muli %add3A_143, %mul3A_232 : i32
          %mul3A_234 = arith.constant 16 : i32
          %mul3A_235 = arith.muli %add3A_231, %mul3A_234 : i32
          %add3A_236 = arith.addi %mul3A_233, %mul3A_235 : i32
          %get3A_237 = arith.index_cast %add3A_236 : i32 to index
          %get3A_238 = tpu.vector_load %arg7[%get3A_237] {strides = array<i32>} : memref<20480xi32, #tpu.memory_space<vmem>>, vector<16xi32>,
          %get3A_239 = vector.shape_cast %get3A_238 : vector<16xi32> to vector<16xi32>
          %sub3A_240 = vector.broadcast %mul3A_0 : i32 to vector<16xi32>
          %sub3A_241 = arith.subi %get3A_239, %sub3A_240 : vector<16xi32>
          %lt3A_242 = arith.constant 1048576 : i32
          %lt3A_243 = vector.broadcast %lt3A_242 : i32 to vector<16xi32>
          %lt3A_244 = arith.cmpi ult, %sub3A_241, %lt3A_243 : vector<16xi32>
          %mul3A_245 = arith.constant 16 : i32
          %mul3A_246 = arith.muli %add3A_231, %mul3A_245 : i32
          %jit3A_247 = arith.constant -1 : i32
          %broadcast_in_dim3A_248 = vector.broadcast %jit3A_247 : i32 to vector<16xi32>
          %select_n3A_249 = arith.select %lt3A_244, %sub3A_241, %broadcast_in_dim3A_248 : vector<16xi1>, vector<16xi32>
          %swap3A_250 = arith.index_cast %mul3A_246 : i32 to index
          %swap3A_251 = tpu.vector_load %arg11[%swap3A_250] {strides = array<i32>} : memref<1024xi32, #tpu.memory_space<vmem>>, vector<16xi32>,
          %swap3A_252 = vector.shape_cast %swap3A_251 : vector<16xi32> to vector<16xi32>
          %swap3A_253 = vector.shape_cast %select_n3A_249 : vector<16xi32> to vector<16xi32>
          tpu.vector_store %arg11[%swap3A_250], %swap3A_253 {strides = array<i32>} : memref<1024xi32, #tpu.memory_space<vmem>>, vector<16xi32>,
          %swap3A_254 = arith.index_cast %mul3A_246 : i32 to index
          %swap3A_255 = tpu.vector_load %arg13[%swap3A_254] {strides = array<i32>} : memref<1024xf32, #tpu.memory_space<vmem>>, vector<16xf32>,
          %swap3A_256 = vector.shape_cast %swap3A_255 : vector<16xf32> to vector<16xf32>
          %swap3A_257 = vector.shape_cast %get3A_148 : vector<16xf32> to vector<16xf32>
          tpu.vector_store %arg13[%swap3A_254], %swap3A_257 {strides = array<i32>} : memref<1024xf32, #tpu.memory_space<vmem>>, vector<16xf32>,
          %scan3A_258 = arith.constant 3 : i32
          %scan3A_259 = arith.addi %scan3A_168, %scan3A_258 : i32
          %mul3A_260 = arith.constant 1 : i32
          %mul3A_261 = arith.muli %scan3A_259, %mul3A_260 : i32
          %add3A_262 = arith.constant 0 : i32
          %add3A_263 = arith.addi %add3A_262, %mul3A_261 : i32
          %mul3A_264 = arith.constant 1024 : i32
          %mul3A_265 = arith.muli %add3A_143, %mul3A_264 : i32
          %mul3A_266 = arith.constant 16 : i32
          %mul3A_267 = arith.muli %add3A_263, %mul3A_266 : i32
          %add3A_268 = arith.addi %mul3A_265, %mul3A_267 : i32
          %get3A_269 = arith.index_cast %add3A_268 : i32 to index
          %get3A_270 = tpu.vector_load %arg7[%get3A_269] {strides = array<i32>} : memref<20480xi32, #tpu.memory_space<vmem>>, vector<16xi32>,
          %get3A_271 = vector.shape_cast %get3A_270 : vector<16xi32> to vector<16xi32>
          %sub3A_272 = vector.broadcast %mul3A_0 : i32 to vector<16xi32>
          %sub3A_273 = arith.subi %get3A_271, %sub3A_272 : vector<16xi32>
          %lt3A_274 = arith.constant 1048576 : i32
          %lt3A_275 = vector.broadcast %lt3A_274 : i32 to vector<16xi32>
          %lt3A_276 = arith.cmpi ult, %sub3A_273, %lt3A_275 : vector<16xi32>
          %mul3A_277 = arith.constant 16 : i32
          %mul3A_278 = arith.muli %add3A_263, %mul3A_277 : i32
          %jit3A_279 = arith.constant -1 : i32
          %broadcast_in_dim3A_280 = vector.broadcast %jit3A_279 : i32 to vector<16xi32>
          %select_n3A_281 = arith.select %lt3A_276, %sub3A_273, %broadcast_in_dim3A_280 : vector<16xi1>, vector<16xi32>
          %swap3A_282 = arith.index_cast %mul3A_278 : i32 to index
          %swap3A_283 = tpu.vector_load %arg11[%swap3A_282] {strides = array<i32>} : memref<1024xi32, #tpu.memory_space<vmem>>, vector<16xi32>,
          %swap3A_284 = vector.shape_cast %swap3A_283 : vector<16xi32> to vector<16xi32>
          %swap3A_285 = vector.shape_cast %select_n3A_281 : vector<16xi32> to vector<16xi32>
          tpu.vector_store %arg11[%swap3A_282], %swap3A_285 {strides = array<i32>} : memref<1024xi32, #tpu.memory_space<vmem>>, vector<16xi32>,
          %swap3A_286 = arith.index_cast %mul3A_278 : i32 to index
          %swap3A_287 = tpu.vector_load %arg13[%swap3A_286] {strides = array<i32>} : memref<1024xf32, #tpu.memory_space<vmem>>, vector<16xf32>,
          %swap3A_288 = vector.shape_cast %swap3A_287 : vector<16xf32> to vector<16xf32>
          %swap3A_289 = vector.shape_cast %get3A_148 : vector<16xf32> to vector<16xf32>
          tpu.vector_store %arg13[%swap3A_286], %swap3A_289 {strides = array<i32>} : memref<1024xf32, #tpu.memory_space<vmem>>, vector<16xf32>,
          %scan3A_290 = arith.constant 4 : i32
          %scan3A_291 = arith.addi %scan3A_168, %scan3A_290 : i32
          %mul3A_292 = arith.constant 1 : i32
          %mul3A_293 = arith.muli %scan3A_291, %mul3A_292 : i32
          %add3A_294 = arith.constant 0 : i32
          %add3A_295 = arith.addi %add3A_294, %mul3A_293 : i32
          %mul3A_296 = arith.constant 1024 : i32
          %mul3A_297 = arith.muli %add3A_143, %mul3A_296 : i32
          %mul3A_298 = arith.constant 16 : i32
          %mul3A_299 = arith.muli %add3A_295, %mul3A_298 : i32
          %add3A_300 = arith.addi %mul3A_297, %mul3A_299 : i32
          %get3A_301 = arith.index_cast %add3A_300 : i32 to index
          %get3A_302 = tpu.vector_load %arg7[%get3A_301] {strides = array<i32>} : memref<20480xi32, #tpu.memory_space<vmem>>, vector<16xi32>,
          %get3A_303 = vector.shape_cast %get3A_302 : vector<16xi32> to vector<16xi32>
          %sub3A_304 = vector.broadcast %mul3A_0 : i32 to vector<16xi32>
          %sub3A_305 = arith.subi %get3A_303, %sub3A_304 : vector<16xi32>
          %lt3A_306 = arith.constant 1048576 : i32
          %lt3A_307 = vector.broadcast %lt3A_306 : i32 to vector<16xi32>
          %lt3A_308 = arith.cmpi ult, %sub3A_305, %lt3A_307 : vector<16xi32>
          %mul3A_309 = arith.constant 16 : i32
          %mul3A_310 = arith.muli %add3A_295, %mul3A_309 : i32
          %jit3A_311 = arith.constant -1 : i32
          %broadcast_in_dim3A_312 = vector.broadcast %jit3A_311 : i32 to vector<16xi32>
          %select_n3A_313 = arith.select %lt3A_308, %sub3A_305, %broadcast_in_dim3A_312 : vector<16xi1>, vector<16xi32>
          %swap3A_314 = arith.index_cast %mul3A_310 : i32 to index
          %swap3A_315 = tpu.vector_load %arg11[%swap3A_314] {strides = array<i32>} : memref<1024xi32, #tpu.memory_space<vmem>>, vector<16xi32>,
          %swap3A_316 = vector.shape_cast %swap3A_315 : vector<16xi32> to vector<16xi32>
          %swap3A_317 = vector.shape_cast %select_n3A_313 : vector<16xi32> to vector<16xi32>
          tpu.vector_store %arg11[%swap3A_314], %swap3A_317 {strides = array<i32>} : memref<1024xi32, #tpu.memory_space<vmem>>, vector<16xi32>,
          %swap3A_318 = arith.index_cast %mul3A_310 : i32 to index
          %swap3A_319 = tpu.vector_load %arg13[%swap3A_318] {strides = array<i32>} : memref<1024xf32, #tpu.memory_space<vmem>>, vector<16xf32>,
          %swap3A_320 = vector.shape_cast %swap3A_319 : vector<16xf32> to vector<16xf32>
          %swap3A_321 = vector.shape_cast %get3A_148 : vector<16xf32> to vector<16xf32>
          tpu.vector_store %arg13[%swap3A_318], %swap3A_321 {strides = array<i32>} : memref<1024xf32, #tpu.memory_space<vmem>>, vector<16xf32>,
          %scan3A_322 = arith.constant 5 : i32
          %scan3A_323 = arith.addi %scan3A_168, %scan3A_322 : i32
          %mul3A_324 = arith.constant 1 : i32
          %mul3A_325 = arith.muli %scan3A_323, %mul3A_324 : i32
          %add3A_326 = arith.constant 0 : i32
          %add3A_327 = arith.addi %add3A_326, %mul3A_325 : i32
          %mul3A_328 = arith.constant 1024 : i32
          %mul3A_329 = arith.muli %add3A_143, %mul3A_328 : i32
          %mul3A_330 = arith.constant 16 : i32
          %mul3A_331 = arith.muli %add3A_327, %mul3A_330 : i32
          %add3A_332 = arith.addi %mul3A_329, %mul3A_331 : i32
          %get3A_333 = arith.index_cast %add3A_332 : i32 to index
          %get3A_334 = tpu.vector_load %arg7[%get3A_333] {strides = array<i32>} : memref<20480xi32, #tpu.memory_space<vmem>>, vector<16xi32>,
          %get3A_335 = vector.shape_cast %get3A_334 : vector<16xi32> to vector<16xi32>
          %sub3A_336 = vector.broadcast %mul3A_0 : i32 to vector<16xi32>
          %sub3A_337 = arith.subi %get3A_335, %sub3A_336 : vector<16xi32>
          %lt3A_338 = arith.constant 1048576 : i32
          %lt3A_339 = vector.broadcast %lt3A_338 : i32 to vector<16xi32>
          %lt3A_340 = arith.cmpi ult, %sub3A_337, %lt3A_339 : vector<16xi32>
          %mul3A_341 = arith.constant 16 : i32
          %mul3A_342 = arith.muli %add3A_327, %mul3A_341 : i32
          %jit3A_343 = arith.constant -1 : i32
          %broadcast_in_dim3A_344 = vector.broadcast %jit3A_343 : i32 to vector<16xi32>
          %select_n3A_345 = arith.select %lt3A_340, %sub3A_337, %broadcast_in_dim3A_344 : vector<16xi1>, vector<16xi32>
          %swap3A_346 = arith.index_cast %mul3A_342 : i32 to index
          %swap3A_347 = tpu.vector_load %arg11[%swap3A_346] {strides = array<i32>} : memref<1024xi32, #tpu.memory_space<vmem>>, vector<16xi32>,
          %swap3A_348 = vector.shape_cast %swap3A_347 : vector<16xi32> to vector<16xi32>
          %swap3A_349 = vector.shape_cast %select_n3A_345 : vector<16xi32> to vector<16xi32>
          tpu.vector_store %arg11[%swap3A_346], %swap3A_349 {strides = array<i32>} : memref<1024xi32, #tpu.memory_space<vmem>>, vector<16xi32>,
          %swap3A_350 = arith.index_cast %mul3A_342 : i32 to index
          %swap3A_351 = tpu.vector_load %arg13[%swap3A_350] {strides = array<i32>} : memref<1024xf32, #tpu.memory_space<vmem>>, vector<16xf32>,
          %swap3A_352 = vector.shape_cast %swap3A_351 : vector<16xf32> to vector<16xf32>
          %swap3A_353 = vector.shape_cast %get3A_148 : vector<16xf32> to vector<16xf32>
          tpu.vector_store %arg13[%swap3A_350], %swap3A_353 {strides = array<i32>} : memref<1024xf32, #tpu.memory_space<vmem>>, vector<16xf32>,
          %scan3A_354 = arith.constant 6 : i32
          %scan3A_355 = arith.addi %scan3A_168, %scan3A_354 : i32
          %mul3A_356 = arith.constant 1 : i32
          %mul3A_357 = arith.muli %scan3A_355, %mul3A_356 : i32
          %add3A_358 = arith.constant 0 : i32
          %add3A_359 = arith.addi %add3A_358, %mul3A_357 : i32
          %mul3A_360 = arith.constant 1024 : i32
          %mul3A_361 = arith.muli %add3A_143, %mul3A_360 : i32
          %mul3A_362 = arith.constant 16 : i32
          %mul3A_363 = arith.muli %add3A_359, %mul3A_362 : i32
          %add3A_364 = arith.addi %mul3A_361, %mul3A_363 : i32
          %get3A_365 = arith.index_cast %add3A_364 : i32 to index
          %get3A_366 = tpu.vector_load %arg7[%get3A_365] {strides = array<i32>} : memref<20480xi32, #tpu.memory_space<vmem>>, vector<16xi32>,
          %get3A_367 = vector.shape_cast %get3A_366 : vector<16xi32> to vector<16xi32>
          %sub3A_368 = vector.broadcast %mul3A_0 : i32 to vector<16xi32>
          %sub3A_369 = arith.subi %get3A_367, %sub3A_368 : vector<16xi32>
          %lt3A_370 = arith.constant 1048576 : i32
          %lt3A_371 = vector.broadcast %lt3A_370 : i32 to vector<16xi32>
          %lt3A_372 = arith.cmpi ult, %sub3A_369, %lt3A_371 : vector<16xi32>
          %mul3A_373 = arith.constant 16 : i32
          %mul3A_374 = arith.muli %add3A_359, %mul3A_373 : i32
          %jit3A_375 = arith.constant -1 : i32
          %broadcast_in_dim3A_376 = vector.broadcast %jit3A_375 : i32 to vector<16xi32>
          %select_n3A_377 = arith.select %lt3A_372, %sub3A_369, %broadcast_in_dim3A_376 : vector<16xi1>, vector<16xi32>
          %swap3A_378 = arith.index_cast %mul3A_374 : i32 to index
          %swap3A_379 = tpu.vector_load %arg11[%swap3A_378] {strides = array<i32>} : memref<1024xi32, #tpu.memory_space<vmem>>, vector<16xi32>,
          %swap3A_380 = vector.shape_cast %swap3A_379 : vector<16xi32> to vector<16xi32>
          %swap3A_381 = vector.shape_cast %select_n3A_377 : vector<16xi32> to vector<16xi32>
          tpu.vector_store %arg11[%swap3A_378], %swap3A_381 {strides = array<i32>} : memref<1024xi32, #tpu.memory_space<vmem>>, vector<16xi32>,
          %swap3A_382 = arith.index_cast %mul3A_374 : i32 to index
          %swap3A_383 = tpu.vector_load %arg13[%swap3A_382] {strides = array<i32>} : memref<1024xf32, #tpu.memory_space<vmem>>, vector<16xf32>,
          %swap3A_384 = vector.shape_cast %swap3A_383 : vector<16xf32> to vector<16xf32>
          %swap3A_385 = vector.shape_cast %get3A_148 : vector<16xf32> to vector<16xf32>
          tpu.vector_store %arg13[%swap3A_382], %swap3A_385 {strides = array<i32>} : memref<1024xf32, #tpu.memory_space<vmem>>, vector<16xf32>,
          %scan3A_386 = arith.constant 7 : i32
          %scan3A_387 = arith.addi %scan3A_168, %scan3A_386 : i32
          %mul3A_388 = arith.constant 1 : i32
          %mul3A_389 = arith.muli %scan3A_387, %mul3A_388 : i32
          %add3A_390 = arith.constant 0 : i32
          %add3A_391 = arith.addi %add3A_390, %mul3A_389 : i32
          %mul3A_392 = arith.constant 1024 : i32
          %mul3A_393 = arith.muli %add3A_143, %mul3A_392 : i32
          %mul3A_394 = arith.constant 16 : i32
          %mul3A_395 = arith.muli %add3A_391, %mul3A_394 : i32
          %add3A_396 = arith.addi %mul3A_393, %mul3A_395 : i32
          %get3A_397 = arith.index_cast %add3A_396 : i32 to index
          %get3A_398 = tpu.vector_load %arg7[%get3A_397] {strides = array<i32>} : memref<20480xi32, #tpu.memory_space<vmem>>, vector<16xi32>,
          %get3A_399 = vector.shape_cast %get3A_398 : vector<16xi32> to vector<16xi32>
          %sub3A_400 = vector.broadcast %mul3A_0 : i32 to vector<16xi32>
          %sub3A_401 = arith.subi %get3A_399, %sub3A_400 : vector<16xi32>
          %lt3A_402 = arith.constant 1048576 : i32
          %lt3A_403 = vector.broadcast %lt3A_402 : i32 to vector<16xi32>
          %lt3A_404 = arith.cmpi ult, %sub3A_401, %lt3A_403 : vector<16xi32>
          %mul3A_405 = arith.constant 16 : i32
          %mul3A_406 = arith.muli %add3A_391, %mul3A_405 : i32
          %jit3A_407 = arith.constant -1 : i32
          %broadcast_in_dim3A_408 = vector.broadcast %jit3A_407 : i32 to vector<16xi32>
          %select_n3A_409 = arith.select %lt3A_404, %sub3A_401, %broadcast_in_dim3A_408 : vector<16xi1>, vector<16xi32>
          %swap3A_410 = arith.index_cast %mul3A_406 : i32 to index
          %swap3A_411 = tpu.vector_load %arg11[%swap3A_410] {strides = array<i32>} : memref<1024xi32, #tpu.memory_space<vmem>>, vector<16xi32>,
          %swap3A_412 = vector.shape_cast %swap3A_411 : vector<16xi32> to vector<16xi32>
          %swap3A_413 = vector.shape_cast %select_n3A_409 : vector<16xi32> to vector<16xi32>
          tpu.vector_store %arg11[%swap3A_410], %swap3A_413 {strides = array<i32>} : memref<1024xi32, #tpu.memory_space<vmem>>, vector<16xi32>,
          %swap3A_414 = arith.index_cast %mul3A_406 : i32 to index
          %swap3A_415 = tpu.vector_load %arg13[%swap3A_414] {strides = array<i32>} : memref<1024xf32, #tpu.memory_space<vmem>>, vector<16xf32>,
          %swap3A_416 = vector.shape_cast %swap3A_415 : vector<16xf32> to vector<16xf32>
          %swap3A_417 = vector.shape_cast %get3A_148 : vector<16xf32> to vector<16xf32>
          tpu.vector_store %arg13[%swap3A_414], %swap3A_417 {strides = array<i32>} : memref<1024xf32, #tpu.memory_space<vmem>>, vector<16xf32>,
        }
        %scan3A_153 = arith.constant 64 : i32
        %dma_start3A_154 = arith.constant 0 : i32
        %dma_start3A_155 = tpu.memref_slice %arg5[%dma_start3A_154] : memref<1048576xf32, #tpu.memory_space<vmem_shared>> -> memref<1048576xf32, #tpu.memory_space<vmem_shared>>
        %dma_start3A_156 = arith.constant -1 : i32
        tpu.enqueue_indirect_dma source(%arg13 : memref<1024xf32, #tpu.memory_space<vmem>>) target(%dma_start3A_155 : memref<1048576xf32, #tpu.memory_space<vmem_shared>>) offsets(%arg11 : memref<1024xi32, #tpu.memory_space<vmem>>) offset_filter(%dma_start3A_156) semaphore(%arg16 : memref<!tpu.dma_semaphore, #tpu.memory_space<semaphore_mem>>) {add = true}
        %dma_wait3A_157 = arith.constant 0 : i32
        %dma_wait3A_158 = tpu.memref_slice %arg5[%dma_wait3A_157] : memref<1048576xf32, #tpu.memory_space<vmem_shared>> -> memref<1048576xf32, #tpu.memory_space<vmem_shared>>
        tpu.wait_indirect_dma semaphore(%arg15 : memref<!tpu.dma_semaphore, #tpu.memory_space<semaphore_mem>>) src(%arg12 : memref<1024xf32, #tpu.memory_space<vmem>>) dst(%dma_wait3A_158 : memref<1048576xf32, #tpu.memory_space<vmem_shared>>)
        %add3A_159 = arith.constant 2 : i32
        %add3A_160 = arith.addi %add3A_141, %add3A_159 : i32
        %lt3A_161 = arith.constant 20 : i32
        %lt3A_162 = arith.cmpi slt, %add3A_160, %lt3A_161 : i32
        %convert_element_type3A_163 = arith.extui %lt3A_162 : i1 to i32
        %cond3A_164 = arith.constant 0 : i32
        %cond3A_165 = arith.cmpi ne, %convert_element_type3A_163, %cond3A_164 : i32
        scf.if %cond3A_165 {
          %add3A_168 = arith.constant 2 : i32
          %add3A_169 = arith.addi %add3A_141, %add3A_168 : i32
          %mul3A_170 = arith.constant 16 : i32
          %mul3A_171 = arith.muli %add3A_169, %mul3A_170 : i32
          %get3A_172 = arith.index_cast %mul3A_171 : i32 to index
          %get3A_173 = tpu.vector_load %arg9[%get3A_172] {strides = array<i32>} : memref<320xf32, #tpu.memory_space<vmem>>, vector<16xf32>,
          %get3A_174 = vector.shape_cast %get3A_173 : vector<16xf32> to vector<16xf32>
          %scan3A_175 = arith.constant 0 : i32
          %scan3A_176 = arith.constant 64 : i32
          %scan3A_177 = arith.addi %scan3A_175, %scan3A_176 : i32
          %scan3A_178 = arith.constant 8 : i32
          scf.for %scan3A_183 = %scan3A_175 to %scan3A_177 step %scan3A_178  : i32 {
            %mul3A_184 = arith.constant 1 : i32
            %mul3A_185 = arith.muli %scan3A_183, %mul3A_184 : i32
            %add3A_186 = arith.constant 0 : i32
            %add3A_187 = arith.addi %add3A_186, %mul3A_185 : i32
            %mul3A_188 = arith.constant 1024 : i32
            %mul3A_189 = arith.muli %add3A_169, %mul3A_188 : i32
            %mul3A_190 = arith.constant 16 : i32
            %mul3A_191 = arith.muli %add3A_187, %mul3A_190 : i32
            %add3A_192 = arith.addi %mul3A_189, %mul3A_191 : i32
            %get3A_193 = arith.index_cast %add3A_192 : i32 to index
            %get3A_194 = tpu.vector_load %arg7[%get3A_193] {strides = array<i32>} : memref<20480xi32, #tpu.memory_space<vmem>>, vector<16xi32>,
            %get3A_195 = vector.shape_cast %get3A_194 : vector<16xi32> to vector<16xi32>
            %sub3A = vector.broadcast %mul3A_0 : i32 to vector<16xi32>
            %sub3A_196 = arith.subi %get3A_195, %sub3A : vector<16xi32>
            %lt3A_197 = arith.constant 1048576 : i32
            %lt3A_198 = vector.broadcast %lt3A_197 : i32 to vector<16xi32>
            %lt3A_199 = arith.cmpi ult, %sub3A_196, %lt3A_198 : vector<16xi32>
            %mul3A_200 = arith.constant 16 : i32
            %mul3A_201 = arith.muli %add3A_187, %mul3A_200 : i32
            %jit3A = arith.constant -1 : i32
            %broadcast_in_dim3A = vector.broadcast %jit3A : i32 to vector<16xi32>
            %select_n3A = arith.select %lt3A_199, %sub3A_196, %broadcast_in_dim3A : vector<16xi1>, vector<16xi32>
            %swap3A = arith.index_cast %mul3A_201 : i32 to index
            %swap3A_202 = tpu.vector_load %arg10[%swap3A] {strides = array<i32>} : memref<1024xi32, #tpu.memory_space<vmem>>, vector<16xi32>,
            %swap3A_203 = vector.shape_cast %swap3A_202 : vector<16xi32> to vector<16xi32>
            %swap3A_204 = vector.shape_cast %select_n3A : vector<16xi32> to vector<16xi32>
            tpu.vector_store %arg10[%swap3A], %swap3A_204 {strides = array<i32>} : memref<1024xi32, #tpu.memory_space<vmem>>, vector<16xi32>,
            %swap3A_205 = arith.index_cast %mul3A_201 : i32 to index
            %swap3A_206 = tpu.vector_load %arg12[%swap3A_205] {strides = array<i32>} : memref<1024xf32, #tpu.memory_space<vmem>>, vector<16xf32>,
            %swap3A_207 = vector.shape_cast %swap3A_206 : vector<16xf32> to vector<16xf32>
            %swap3A_208 = vector.shape_cast %get3A_174 : vector<16xf32> to vector<16xf32>
            tpu.vector_store %arg12[%swap3A_205], %swap3A_208 {strides = array<i32>} : memref<1024xf32, #tpu.memory_space<vmem>>, vector<16xf32>,
            %scan3A_209 = arith.constant 1 : i32
            %scan3A_210 = arith.addi %scan3A_183, %scan3A_209 : i32
            %mul3A_211 = arith.constant 1 : i32
            %mul3A_212 = arith.muli %scan3A_210, %mul3A_211 : i32
            %add3A_213 = arith.constant 0 : i32
            %add3A_214 = arith.addi %add3A_213, %mul3A_212 : i32
            %mul3A_215 = arith.constant 1024 : i32
            %mul3A_216 = arith.muli %add3A_169, %mul3A_215 : i32
            %mul3A_217 = arith.constant 16 : i32
            %mul3A_218 = arith.muli %add3A_214, %mul3A_217 : i32
            %add3A_219 = arith.addi %mul3A_216, %mul3A_218 : i32
            %get3A_220 = arith.index_cast %add3A_219 : i32 to index
            %get3A_221 = tpu.vector_load %arg7[%get3A_220] {strides = array<i32>} : memref<20480xi32, #tpu.memory_space<vmem>>, vector<16xi32>,
            %get3A_222 = vector.shape_cast %get3A_221 : vector<16xi32> to vector<16xi32>
            %sub3A_223 = vector.broadcast %mul3A_0 : i32 to vector<16xi32>
            %sub3A_224 = arith.subi %get3A_222, %sub3A_223 : vector<16xi32>
            %lt3A_225 = arith.constant 1048576 : i32
            %lt3A_226 = vector.broadcast %lt3A_225 : i32 to vector<16xi32>
            %lt3A_227 = arith.cmpi ult, %sub3A_224, %lt3A_226 : vector<16xi32>
            %mul3A_228 = arith.constant 16 : i32
            %mul3A_229 = arith.muli %add3A_214, %mul3A_228 : i32
            %jit3A_230 = arith.constant -1 : i32
            %broadcast_in_dim3A_231 = vector.broadcast %jit3A_230 : i32 to vector<16xi32>
            %select_n3A_232 = arith.select %lt3A_227, %sub3A_224, %broadcast_in_dim3A_231 : vector<16xi1>, vector<16xi32>
            %swap3A_233 = arith.index_cast %mul3A_229 : i32 to index
            %swap3A_234 = tpu.vector_load %arg10[%swap3A_233] {strides = array<i32>} : memref<1024xi32, #tpu.memory_space<vmem>>, vector<16xi32>,
            %swap3A_235 = vector.shape_cast %swap3A_234 : vector<16xi32> to vector<16xi32>
            %swap3A_236 = vector.shape_cast %select_n3A_232 : vector<16xi32> to vector<16xi32>
            tpu.vector_store %arg10[%swap3A_233], %swap3A_236 {strides = array<i32>} : memref<1024xi32, #tpu.memory_space<vmem>>, vector<16xi32>,
            %swap3A_237 = arith.index_cast %mul3A_229 : i32 to index
            %swap3A_238 = tpu.vector_load %arg12[%swap3A_237] {strides = array<i32>} : memref<1024xf32, #tpu.memory_space<vmem>>, vector<16xf32>,
            %swap3A_239 = vector.shape_cast %swap3A_238 : vector<16xf32> to vector<16xf32>
            %swap3A_240 = vector.shape_cast %get3A_174 : vector<16xf32> to vector<16xf32>
            tpu.vector_store %arg12[%swap3A_237], %swap3A_240 {strides = array<i32>} : memref<1024xf32, #tpu.memory_space<vmem>>, vector<16xf32>,
            %scan3A_241 = arith.constant 2 : i32
            %scan3A_242 = arith.addi %scan3A_183, %scan3A_241 : i32
            %mul3A_243 = arith.constant 1 : i32
            %mul3A_244 = arith.muli %scan3A_242, %mul3A_243 : i32
            %add3A_245 = arith.constant 0 : i32
            %add3A_246 = arith.addi %add3A_245, %mul3A_244 : i32
            %mul3A_247 = arith.constant 1024 : i32
            %mul3A_248 = arith.muli %add3A_169, %mul3A_247 : i32
            %mul3A_249 = arith.constant 16 : i32
            %mul3A_250 = arith.muli %add3A_246, %mul3A_249 : i32
            %add3A_251 = arith.addi %mul3A_248, %mul3A_250 : i32
            %get3A_252 = arith.index_cast %add3A_251 : i32 to index
            %get3A_253 = tpu.vector_load %arg7[%get3A_252] {strides = array<i32>} : memref<20480xi32, #tpu.memory_space<vmem>>, vector<16xi32>,
            %get3A_254 = vector.shape_cast %get3A_253 : vector<16xi32> to vector<16xi32>
            %sub3A_255 = vector.broadcast %mul3A_0 : i32 to vector<16xi32>
            %sub3A_256 = arith.subi %get3A_254, %sub3A_255 : vector<16xi32>
            %lt3A_257 = arith.constant 1048576 : i32
            %lt3A_258 = vector.broadcast %lt3A_257 : i32 to vector<16xi32>
            %lt3A_259 = arith.cmpi ult, %sub3A_256, %lt3A_258 : vector<16xi32>
            %mul3A_260 = arith.constant 16 : i32
            %mul3A_261 = arith.muli %add3A_246, %mul3A_260 : i32
            %jit3A_262 = arith.constant -1 : i32
            %broadcast_in_dim3A_263 = vector.broadcast %jit3A_262 : i32 to vector<16xi32>
            %select_n3A_264 = arith.select %lt3A_259, %sub3A_256, %broadcast_in_dim3A_263 : vector<16xi1>, vector<16xi32>
            %swap3A_265 = arith.index_cast %mul3A_261 : i32 to index
            %swap3A_266 = tpu.vector_load %arg10[%swap3A_265] {strides = array<i32>} : memref<1024xi32, #tpu.memory_space<vmem>>, vector<16xi32>,
            %swap3A_267 = vector.shape_cast %swap3A_266 : vector<16xi32> to vector<16xi32>
            %swap3A_268 = vector.shape_cast %select_n3A_264 : vector<16xi32> to vector<16xi32>
            tpu.vector_store %arg10[%swap3A_265], %swap3A_268 {strides = array<i32>} : memref<1024xi32, #tpu.memory_space<vmem>>, vector<16xi32>,
            %swap3A_269 = arith.index_cast %mul3A_261 : i32 to index
            %swap3A_270 = tpu.vector_load %arg12[%swap3A_269] {strides = array<i32>} : memref<1024xf32, #tpu.memory_space<vmem>>, vector<16xf32>,
            %swap3A_271 = vector.shape_cast %swap3A_270 : vector<16xf32> to vector<16xf32>
            %swap3A_272 = vector.shape_cast %get3A_174 : vector<16xf32> to vector<16xf32>
            tpu.vector_store %arg12[%swap3A_269], %swap3A_272 {strides = array<i32>} : memref<1024xf32, #tpu.memory_space<vmem>>, vector<16xf32>,
            %scan3A_273 = arith.constant 3 : i32
            %scan3A_274 = arith.addi %scan3A_183, %scan3A_273 : i32
            %mul3A_275 = arith.constant 1 : i32
            %mul3A_276 = arith.muli %scan3A_274, %mul3A_275 : i32
            %add3A_277 = arith.constant 0 : i32
            %add3A_278 = arith.addi %add3A_277, %mul3A_276 : i32
            %mul3A_279 = arith.constant 1024 : i32
            %mul3A_280 = arith.muli %add3A_169, %mul3A_279 : i32
            %mul3A_281 = arith.constant 16 : i32
            %mul3A_282 = arith.muli %add3A_278, %mul3A_281 : i32
            %add3A_283 = arith.addi %mul3A_280, %mul3A_282 : i32
            %get3A_284 = arith.index_cast %add3A_283 : i32 to index
            %get3A_285 = tpu.vector_load %arg7[%get3A_284] {strides = array<i32>} : memref<20480xi32, #tpu.memory_space<vmem>>, vector<16xi32>,
            %get3A_286 = vector.shape_cast %get3A_285 : vector<16xi32> to vector<16xi32>
            %sub3A_287 = vector.broadcast %mul3A_0 : i32 to vector<16xi32>
            %sub3A_288 = arith.subi %get3A_286, %sub3A_287 : vector<16xi32>
            %lt3A_289 = arith.constant 1048576 : i32
            %lt3A_290 = vector.broadcast %lt3A_289 : i32 to vector<16xi32>
            %lt3A_291 = arith.cmpi ult, %sub3A_288, %lt3A_290 : vector<16xi32>
            %mul3A_292 = arith.constant 16 : i32
            %mul3A_293 = arith.muli %add3A_278, %mul3A_292 : i32
            %jit3A_294 = arith.constant -1 : i32
            %broadcast_in_dim3A_295 = vector.broadcast %jit3A_294 : i32 to vector<16xi32>
            %select_n3A_296 = arith.select %lt3A_291, %sub3A_288, %broadcast_in_dim3A_295 : vector<16xi1>, vector<16xi32>
            %swap3A_297 = arith.index_cast %mul3A_293 : i32 to index
            %swap3A_298 = tpu.vector_load %arg10[%swap3A_297] {strides = array<i32>} : memref<1024xi32, #tpu.memory_space<vmem>>, vector<16xi32>,
            %swap3A_299 = vector.shape_cast %swap3A_298 : vector<16xi32> to vector<16xi32>
            %swap3A_300 = vector.shape_cast %select_n3A_296 : vector<16xi32> to vector<16xi32>
            tpu.vector_store %arg10[%swap3A_297], %swap3A_300 {strides = array<i32>} : memref<1024xi32, #tpu.memory_space<vmem>>, vector<16xi32>,
            %swap3A_301 = arith.index_cast %mul3A_293 : i32 to index
            %swap3A_302 = tpu.vector_load %arg12[%swap3A_301] {strides = array<i32>} : memref<1024xf32, #tpu.memory_space<vmem>>, vector<16xf32>,
            %swap3A_303 = vector.shape_cast %swap3A_302 : vector<16xf32> to vector<16xf32>
            %swap3A_304 = vector.shape_cast %get3A_174 : vector<16xf32> to vector<16xf32>
            tpu.vector_store %arg12[%swap3A_301], %swap3A_304 {strides = array<i32>} : memref<1024xf32, #tpu.memory_space<vmem>>, vector<16xf32>,
            %scan3A_305 = arith.constant 4 : i32
            %scan3A_306 = arith.addi %scan3A_183, %scan3A_305 : i32
            %mul3A_307 = arith.constant 1 : i32
            %mul3A_308 = arith.muli %scan3A_306, %mul3A_307 : i32
            %add3A_309 = arith.constant 0 : i32
            %add3A_310 = arith.addi %add3A_309, %mul3A_308 : i32
            %mul3A_311 = arith.constant 1024 : i32
            %mul3A_312 = arith.muli %add3A_169, %mul3A_311 : i32
            %mul3A_313 = arith.constant 16 : i32
            %mul3A_314 = arith.muli %add3A_310, %mul3A_313 : i32
            %add3A_315 = arith.addi %mul3A_312, %mul3A_314 : i32
            %get3A_316 = arith.index_cast %add3A_315 : i32 to index
            %get3A_317 = tpu.vector_load %arg7[%get3A_316] {strides = array<i32>} : memref<20480xi32, #tpu.memory_space<vmem>>, vector<16xi32>,
            %get3A_318 = vector.shape_cast %get3A_317 : vector<16xi32> to vector<16xi32>
            %sub3A_319 = vector.broadcast %mul3A_0 : i32 to vector<16xi32>
            %sub3A_320 = arith.subi %get3A_318, %sub3A_319 : vector<16xi32>
            %lt3A_321 = arith.constant 1048576 : i32
            %lt3A_322 = vector.broadcast %lt3A_321 : i32 to vector<16xi32>
            %lt3A_323 = arith.cmpi ult, %sub3A_320, %lt3A_322 : vector<16xi32>
            %mul3A_324 = arith.constant 16 : i32
            %mul3A_325 = arith.muli %add3A_310, %mul3A_324 : i32
            %jit3A_326 = arith.constant -1 : i32
            %broadcast_in_dim3A_327 = vector.broadcast %jit3A_326 : i32 to vector<16xi32>
            %select_n3A_328 = arith.select %lt3A_323, %sub3A_320, %broadcast_in_dim3A_327 : vector<16xi1>, vector<16xi32>
            %swap3A_329 = arith.index_cast %mul3A_325 : i32 to index
            %swap3A_330 = tpu.vector_load %arg10[%swap3A_329] {strides = array<i32>} : memref<1024xi32, #tpu.memory_space<vmem>>, vector<16xi32>,
            %swap3A_331 = vector.shape_cast %swap3A_330 : vector<16xi32> to vector<16xi32>
            %swap3A_332 = vector.shape_cast %select_n3A_328 : vector<16xi32> to vector<16xi32>
            tpu.vector_store %arg10[%swap3A_329], %swap3A_332 {strides = array<i32>} : memref<1024xi32, #tpu.memory_space<vmem>>, vector<16xi32>,
            %swap3A_333 = arith.index_cast %mul3A_325 : i32 to index
            %swap3A_334 = tpu.vector_load %arg12[%swap3A_333] {strides = array<i32>} : memref<1024xf32, #tpu.memory_space<vmem>>, vector<16xf32>,
            %swap3A_335 = vector.shape_cast %swap3A_334 : vector<16xf32> to vector<16xf32>
            %swap3A_336 = vector.shape_cast %get3A_174 : vector<16xf32> to vector<16xf32>
            tpu.vector_store %arg12[%swap3A_333], %swap3A_336 {strides = array<i32>} : memref<1024xf32, #tpu.memory_space<vmem>>, vector<16xf32>,
            %scan3A_337 = arith.constant 5 : i32
            %scan3A_338 = arith.addi %scan3A_183, %scan3A_337 : i32
            %mul3A_339 = arith.constant 1 : i32
            %mul3A_340 = arith.muli %scan3A_338, %mul3A_339 : i32
            %add3A_341 = arith.constant 0 : i32
            %add3A_342 = arith.addi %add3A_341, %mul3A_340 : i32
            %mul3A_343 = arith.constant 1024 : i32
            %mul3A_344 = arith.muli %add3A_169, %mul3A_343 : i32
            %mul3A_345 = arith.constant 16 : i32
            %mul3A_346 = arith.muli %add3A_342, %mul3A_345 : i32
            %add3A_347 = arith.addi %mul3A_344, %mul3A_346 : i32
            %get3A_348 = arith.index_cast %add3A_347 : i32 to index
            %get3A_349 = tpu.vector_load %arg7[%get3A_348] {strides = array<i32>} : memref<20480xi32, #tpu.memory_space<vmem>>, vector<16xi32>,
            %get3A_350 = vector.shape_cast %get3A_349 : vector<16xi32> to vector<16xi32>
            %sub3A_351 = vector.broadcast %mul3A_0 : i32 to vector<16xi32>
            %sub3A_352 = arith.subi %get3A_350, %sub3A_351 : vector<16xi32>
            %lt3A_353 = arith.constant 1048576 : i32
            %lt3A_354 = vector.broadcast %lt3A_353 : i32 to vector<16xi32>
            %lt3A_355 = arith.cmpi ult, %sub3A_352, %lt3A_354 : vector<16xi32>
            %mul3A_356 = arith.constant 16 : i32
            %mul3A_357 = arith.muli %add3A_342, %mul3A_356 : i32
            %jit3A_358 = arith.constant -1 : i32
            %broadcast_in_dim3A_359 = vector.broadcast %jit3A_358 : i32 to vector<16xi32>
            %select_n3A_360 = arith.select %lt3A_355, %sub3A_352, %broadcast_in_dim3A_359 : vector<16xi1>, vector<16xi32>
            %swap3A_361 = arith.index_cast %mul3A_357 : i32 to index
            %swap3A_362 = tpu.vector_load %arg10[%swap3A_361] {strides = array<i32>} : memref<1024xi32, #tpu.memory_space<vmem>>, vector<16xi32>,
            %swap3A_363 = vector.shape_cast %swap3A_362 : vector<16xi32> to vector<16xi32>
            %swap3A_364 = vector.shape_cast %select_n3A_360 : vector<16xi32> to vector<16xi32>
            tpu.vector_store %arg10[%swap3A_361], %swap3A_364 {strides = array<i32>} : memref<1024xi32, #tpu.memory_space<vmem>>, vector<16xi32>,
            %swap3A_365 = arith.index_cast %mul3A_357 : i32 to index
            %swap3A_366 = tpu.vector_load %arg12[%swap3A_365] {strides = array<i32>} : memref<1024xf32, #tpu.memory_space<vmem>>, vector<16xf32>,
            %swap3A_367 = vector.shape_cast %swap3A_366 : vector<16xf32> to vector<16xf32>
            %swap3A_368 = vector.shape_cast %get3A_174 : vector<16xf32> to vector<16xf32>
            tpu.vector_store %arg12[%swap3A_365], %swap3A_368 {strides = array<i32>} : memref<1024xf32, #tpu.memory_space<vmem>>, vector<16xf32>,
            %scan3A_369 = arith.constant 6 : i32
            %scan3A_370 = arith.addi %scan3A_183, %scan3A_369 : i32
            %mul3A_371 = arith.constant 1 : i32
            %mul3A_372 = arith.muli %scan3A_370, %mul3A_371 : i32
            %add3A_373 = arith.constant 0 : i32
            %add3A_374 = arith.addi %add3A_373, %mul3A_372 : i32
            %mul3A_375 = arith.constant 1024 : i32
            %mul3A_376 = arith.muli %add3A_169, %mul3A_375 : i32
            %mul3A_377 = arith.constant 16 : i32
            %mul3A_378 = arith.muli %add3A_374, %mul3A_377 : i32
            %add3A_379 = arith.addi %mul3A_376, %mul3A_378 : i32
            %get3A_380 = arith.index_cast %add3A_379 : i32 to index
            %get3A_381 = tpu.vector_load %arg7[%get3A_380] {strides = array<i32>} : memref<20480xi32, #tpu.memory_space<vmem>>, vector<16xi32>,
            %get3A_382 = vector.shape_cast %get3A_381 : vector<16xi32> to vector<16xi32>
            %sub3A_383 = vector.broadcast %mul3A_0 : i32 to vector<16xi32>
            %sub3A_384 = arith.subi %get3A_382, %sub3A_383 : vector<16xi32>
            %lt3A_385 = arith.constant 1048576 : i32
            %lt3A_386 = vector.broadcast %lt3A_385 : i32 to vector<16xi32>
            %lt3A_387 = arith.cmpi ult, %sub3A_384, %lt3A_386 : vector<16xi32>
            %mul3A_388 = arith.constant 16 : i32
            %mul3A_389 = arith.muli %add3A_374, %mul3A_388 : i32
            %jit3A_390 = arith.constant -1 : i32
            %broadcast_in_dim3A_391 = vector.broadcast %jit3A_390 : i32 to vector<16xi32>
            %select_n3A_392 = arith.select %lt3A_387, %sub3A_384, %broadcast_in_dim3A_391 : vector<16xi1>, vector<16xi32>
            %swap3A_393 = arith.index_cast %mul3A_389 : i32 to index
            %swap3A_394 = tpu.vector_load %arg10[%swap3A_393] {strides = array<i32>} : memref<1024xi32, #tpu.memory_space<vmem>>, vector<16xi32>,
            %swap3A_395 = vector.shape_cast %swap3A_394 : vector<16xi32> to vector<16xi32>
            %swap3A_396 = vector.shape_cast %select_n3A_392 : vector<16xi32> to vector<16xi32>
            tpu.vector_store %arg10[%swap3A_393], %swap3A_396 {strides = array<i32>} : memref<1024xi32, #tpu.memory_space<vmem>>, vector<16xi32>,
            %swap3A_397 = arith.index_cast %mul3A_389 : i32 to index
            %swap3A_398 = tpu.vector_load %arg12[%swap3A_397] {strides = array<i32>} : memref<1024xf32, #tpu.memory_space<vmem>>, vector<16xf32>,
            %swap3A_399 = vector.shape_cast %swap3A_398 : vector<16xf32> to vector<16xf32>
            %swap3A_400 = vector.shape_cast %get3A_174 : vector<16xf32> to vector<16xf32>
            tpu.vector_store %arg12[%swap3A_397], %swap3A_400 {strides = array<i32>} : memref<1024xf32, #tpu.memory_space<vmem>>, vector<16xf32>,
            %scan3A_401 = arith.constant 7 : i32
            %scan3A_402 = arith.addi %scan3A_183, %scan3A_401 : i32
            %mul3A_403 = arith.constant 1 : i32
            %mul3A_404 = arith.muli %scan3A_402, %mul3A_403 : i32
            %add3A_405 = arith.constant 0 : i32
            %add3A_406 = arith.addi %add3A_405, %mul3A_404 : i32
            %mul3A_407 = arith.constant 1024 : i32
            %mul3A_408 = arith.muli %add3A_169, %mul3A_407 : i32
            %mul3A_409 = arith.constant 16 : i32
            %mul3A_410 = arith.muli %add3A_406, %mul3A_409 : i32
            %add3A_411 = arith.addi %mul3A_408, %mul3A_410 : i32
            %get3A_412 = arith.index_cast %add3A_411 : i32 to index
            %get3A_413 = tpu.vector_load %arg7[%get3A_412] {strides = array<i32>} : memref<20480xi32, #tpu.memory_space<vmem>>, vector<16xi32>,
            %get3A_414 = vector.shape_cast %get3A_413 : vector<16xi32> to vector<16xi32>
            %sub3A_415 = vector.broadcast %mul3A_0 : i32 to vector<16xi32>
            %sub3A_416 = arith.subi %get3A_414, %sub3A_415 : vector<16xi32>
            %lt3A_417 = arith.constant 1048576 : i32
            %lt3A_418 = vector.broadcast %lt3A_417 : i32 to vector<16xi32>
            %lt3A_419 = arith.cmpi ult, %sub3A_416, %lt3A_418 : vector<16xi32>
            %mul3A_420 = arith.constant 16 : i32
            %mul3A_421 = arith.muli %add3A_406, %mul3A_420 : i32
            %jit3A_422 = arith.constant -1 : i32
            %broadcast_in_dim3A_423 = vector.broadcast %jit3A_422 : i32 to vector<16xi32>
            %select_n3A_424 = arith.select %lt3A_419, %sub3A_416, %broadcast_in_dim3A_423 : vector<16xi1>, vector<16xi32>
            %swap3A_425 = arith.index_cast %mul3A_421 : i32 to index
            %swap3A_426 = tpu.vector_load %arg10[%swap3A_425] {strides = array<i32>} : memref<1024xi32, #tpu.memory_space<vmem>>, vector<16xi32>,
            %swap3A_427 = vector.shape_cast %swap3A_426 : vector<16xi32> to vector<16xi32>
            %swap3A_428 = vector.shape_cast %select_n3A_424 : vector<16xi32> to vector<16xi32>
            tpu.vector_store %arg10[%swap3A_425], %swap3A_428 {strides = array<i32>} : memref<1024xi32, #tpu.memory_space<vmem>>, vector<16xi32>,
            %swap3A_429 = arith.index_cast %mul3A_421 : i32 to index
            %swap3A_430 = tpu.vector_load %arg12[%swap3A_429] {strides = array<i32>} : memref<1024xf32, #tpu.memory_space<vmem>>, vector<16xf32>,
            %swap3A_431 = vector.shape_cast %swap3A_430 : vector<16xf32> to vector<16xf32>
            %swap3A_432 = vector.shape_cast %get3A_174 : vector<16xf32> to vector<16xf32>
            tpu.vector_store %arg12[%swap3A_429], %swap3A_432 {strides = array<i32>} : memref<1024xf32, #tpu.memory_space<vmem>>, vector<16xf32>,
          }
          %scan3A_179 = arith.constant 64 : i32
          %dma_start3A_180 = arith.constant 0 : i32
          %dma_start3A_181 = tpu.memref_slice %arg5[%dma_start3A_180] : memref<1048576xf32, #tpu.memory_space<vmem_shared>> -> memref<1048576xf32, #tpu.memory_space<vmem_shared>>
          %dma_start3A_182 = arith.constant -1 : i32
          tpu.enqueue_indirect_dma source(%arg12 : memref<1024xf32, #tpu.memory_space<vmem>>) target(%dma_start3A_181 : memref<1048576xf32, #tpu.memory_space<vmem_shared>>) offsets(%arg10 : memref<1024xi32, #tpu.memory_space<vmem>>) offset_filter(%dma_start3A_182) semaphore(%arg15 : memref<!tpu.dma_semaphore, #tpu.memory_space<semaphore_mem>>) {add = true}
        } else {
        }
        %dma_wait3A_166 = arith.constant 0 : i32
        %dma_wait3A_167 = tpu.memref_slice %arg5[%dma_wait3A_166] : memref<1048576xf32, #tpu.memory_space<vmem_shared>> -> memref<1048576xf32, #tpu.memory_space<vmem_shared>>
        tpu.wait_indirect_dma semaphore(%arg16 : memref<!tpu.dma_semaphore, #tpu.memory_space<semaphore_mem>>) src(%arg13 : memref<1024xf32, #tpu.memory_space<vmem>>) dst(%dma_wait3A_167 : memref<1048576xf32, #tpu.memory_space<vmem_shared>>)
      }
      %scan3A_129 = arith.constant 10 : i32
      %add3A_130 = arith.constant 3 : i32
      %add3A_131 = arith.addi %add3A_71, %add3A_130 : i32
      %lt3A_132 = arith.constant 60 : i32
      %lt3A_133 = arith.cmpi slt, %add3A_131, %lt3A_132 : i32
      %convert_element_type3A_134 = arith.extui %lt3A_133 : i1 to i32
      %cond3A_135 = arith.constant 0 : i32
      %cond3A_136 = arith.cmpi ne, %convert_element_type3A_134, %cond3A_135 : i32
      scf.if %cond3A_136 {
        %add3A_137 = arith.constant 3 : i32
        %add3A_138 = arith.addi %add3A_71, %add3A_137 : i32
        %mul3A_139 = arith.constant 19200 : i32
        %mul3A_140 = arith.muli %arg1, %mul3A_139 : i32
        %mul3A_141 = arith.constant 320 : i32
        %mul3A_142 = arith.muli %add3A_138, %mul3A_141 : i32
        %add3A_143 = arith.addi %mul3A_140, %mul3A_142 : i32
        %mul3A_144 = arith.constant 64 : i32
        %mul3A_145 = arith.muli %add3A_143, %mul3A_144 : i32
        %dma_start3A_146 = tpu.memref_slice %arg3[%mul3A_145] : memref<19660800xi32, #tpu.memory_space<hbm>> -> memref<20480xi32, #tpu.memory_space<hbm>>
        %dma_start3A_147 = tpu.memref_slice %arg3[%mul3A_145] : memref<19660800xi32, #tpu.memory_space<hbm>> -> memref<20480xi32, #tpu.memory_space<hbm>>
        tpu.enqueue_dma source(%dma_start3A_147 : memref<20480xi32, #tpu.memory_space<hbm>>) target(%arg7 : memref<20480xi32, #tpu.memory_space<vmem>>) target_semaphore(%arg18 : memref<!tpu.dma_semaphore, #tpu.memory_space<semaphore_mem>>)
        %dma_start3A_148 = tpu.memref_slice %arg2[%add3A_143] : memref<307200xf32, #tpu.memory_space<hbm>> -> memref<320xf32, #tpu.memory_space<hbm>>
        %dma_start3A_149 = tpu.memref_slice %arg2[%add3A_143] : memref<307200xf32, #tpu.memory_space<hbm>> -> memref<320xf32, #tpu.memory_space<hbm>>
        tpu.enqueue_dma source(%dma_start3A_149 : memref<320xf32, #tpu.memory_space<hbm>>) target(%arg9 : memref<320xf32, #tpu.memory_space<vmem>>) target_semaphore(%arg18 : memref<!tpu.dma_semaphore, #tpu.memory_space<semaphore_mem>>)
      } else {
      }
    }
    %scan3A_60 = arith.constant 30 : i32
    %barrier3A_61 = arith.constant 0 : index
    tpu.barrier barrier_id(%barrier3A_61)
    %mul3A_62 = arith.constant 65536 : i32
    %mul3A_63 = arith.muli %arg1, %mul3A_62 : i32
    %mul3A_64 = arith.constant 65536 : i32
    %mul3A_65 = arith.muli %arg1, %mul3A_64 : i32
    %add3A_66 = arith.addi %mul3A_0, %mul3A_65 : i32
    "tpu.region"() ({
      %run_scoped3A = tpu.sem_alloc : memref<!tpu.dma_semaphore, #tpu.memory_space<semaphore_mem>>
      %dma_start3A_67 = tpu.memref_slice %arg4[%add3A_66] : memref<2097152xf32, #tpu.memory_space<hbm>> -> memref<65536xf32, #tpu.memory_space<hbm>>
      %dma_start3A_68 = tpu.memref_slice %arg5[%mul3A_63] : memref<1048576xf32, #tpu.memory_space<vmem_shared>> -> memref<65536xf32, #tpu.memory_space<vmem_shared>>
      tpu.enqueue_dma source(%dma_start3A_68 : memref<65536xf32, #tpu.memory_space<vmem_shared>>) target(%dma_start3A_67 : memref<65536xf32, #tpu.memory_space<hbm>>) target_semaphore(%run_scoped3A : memref<!tpu.dma_semaphore, #tpu.memory_space<semaphore_mem>>)
      %dma_wait3A = tpu.memref_slice %arg4[%add3A_66] : memref<2097152xf32, #tpu.memory_space<hbm>> -> memref<65536xf32, #tpu.memory_space<hbm>>
      %dma_wait3A_69 = tpu.memref_slice %arg5[%mul3A_63] : memref<1048576xf32, #tpu.memory_space<vmem_shared>> -> memref<65536xf32, #tpu.memory_space<vmem_shared>>
      tpu.wait_dma2 semaphore(%run_scoped3A : memref<!tpu.dma_semaphore, #tpu.memory_space<semaphore_mem>>) src(%dma_wait3A_69 : memref<65536xf32, #tpu.memory_space<vmem_shared>>) dst(%dma_wait3A : memref<65536xf32, #tpu.memory_space<hbm>>)
      tpu.yield
    }) : () -> ()
    return
  }
}

module attributes {stable_mosaic.version = 14 : i64} {
  func.func @_seg_body(%arg0: memref<6x307200xf32, #tpu.memory_space<vmem>>, %arg1: memref<1x307200xf32, #tpu.memory_space<vmem>>) attributes {dimension_semantics = [], scalar_prefetch = 0 : i64, scratch_operands = 0 : i64, tpu.core_type = #tpu.core_type<tc>} {
    %get3A = arith.constant 3 : index
    %get3A_0 = arith.constant 0 : index
    %get3A_1 = vector.load %arg0[%get3A, %get3A_0] : memref<6x307200xf32, #tpu.memory_space<vmem>>, vector<1x307200xf32>
    %get3A_2 = vector.shape_cast %get3A_1 : vector<1x307200xf32> to vector<307200xf32>
    %get3A_3 = arith.constant 0 : index
    %get3A_4 = arith.constant 0 : index
    %get3A_5 = vector.load %arg0[%get3A_3, %get3A_4] : memref<6x307200xf32, #tpu.memory_space<vmem>>, vector<1x307200xf32>
    %get3A_6 = vector.shape_cast %get3A_5 : vector<1x307200xf32> to vector<307200xf32>
    %sub3A = arith.subf %get3A_2, %get3A_6 : vector<307200xf32>
    %get3A_7 = arith.constant 4 : index
    %get3A_8 = arith.constant 0 : index
    %get3A_9 = vector.load %arg0[%get3A_7, %get3A_8] : memref<6x307200xf32, #tpu.memory_space<vmem>>, vector<1x307200xf32>
    %get3A_10 = vector.shape_cast %get3A_9 : vector<1x307200xf32> to vector<307200xf32>
    %get3A_11 = arith.constant 1 : index
    %get3A_12 = arith.constant 0 : index
    %get3A_13 = vector.load %arg0[%get3A_11, %get3A_12] : memref<6x307200xf32, #tpu.memory_space<vmem>>, vector<1x307200xf32>
    %get3A_14 = vector.shape_cast %get3A_13 : vector<1x307200xf32> to vector<307200xf32>
    %sub3A_15 = arith.subf %get3A_10, %get3A_14 : vector<307200xf32>
    %get3A_16 = arith.constant 5 : index
    %get3A_17 = arith.constant 0 : index
    %get3A_18 = vector.load %arg0[%get3A_16, %get3A_17] : memref<6x307200xf32, #tpu.memory_space<vmem>>, vector<1x307200xf32>
    %get3A_19 = vector.shape_cast %get3A_18 : vector<1x307200xf32> to vector<307200xf32>
    %get3A_20 = arith.constant 2 : index
    %get3A_21 = arith.constant 0 : index
    %get3A_22 = vector.load %arg0[%get3A_20, %get3A_21] : memref<6x307200xf32, #tpu.memory_space<vmem>>, vector<1x307200xf32>
    %get3A_23 = vector.shape_cast %get3A_22 : vector<1x307200xf32> to vector<307200xf32>
    %sub3A_24 = arith.subf %get3A_19, %get3A_23 : vector<307200xf32>
    %mul3A = arith.mulf %sub3A, %sub3A : vector<307200xf32>
    %mul3A_25 = arith.mulf %sub3A_15, %sub3A_15 : vector<307200xf32>
    %add3A = arith.addf %mul3A, %mul3A_25 : vector<307200xf32>
    %mul3A_26 = arith.mulf %sub3A_24, %sub3A_24 : vector<307200xf32>
    %add3A_27 = arith.addf %add3A, %mul3A_26 : vector<307200xf32>
    %sqrt3A = math.sqrt %add3A_27 : vector<307200xf32>
    %div3A = arith.constant 6.400000e+01 : f32
    %div3A_28 = vector.broadcast %div3A : f32 to vector<307200xf32>
    %div3A_29 = arith.divf %sqrt3A, %div3A_28 : vector<307200xf32>
    %swap3A = arith.constant 0 : index
    %swap3A_30 = arith.constant 0 : index
    %swap3A_31 = vector.load %arg1[%swap3A, %swap3A_30] : memref<1x307200xf32, #tpu.memory_space<vmem>>, vector<1x307200xf32>
    %swap3A_32 = vector.shape_cast %swap3A_31 : vector<1x307200xf32> to vector<307200xf32>
    %swap3A_33 = vector.shape_cast %div3A_29 : vector<307200xf32> to vector<1x307200xf32>
    tpu.vector_store %arg1[%swap3A, %swap3A_30], %swap3A_33 {strides = array<i32>} : memref<1x307200xf32, #tpu.memory_space<vmem>>, vector<1x307200xf32>,
    return
  }
}

module attributes {stable_mosaic.version = 14 : i64} {
  func.func @_combine_body(%arg0: i32, %arg1: memref<2048x128xf32, #tpu.memory_space<vmem>>, %arg2: memref<2048x128xf32, #tpu.memory_space<vmem>>, %arg3: memref<2048x128xf32, #tpu.memory_space<vmem>>, %arg4: memref<2048x128xf32, #tpu.memory_space<vmem>>) attributes {dimension_semantics = [#tpu.dimension_semantics<arbitrary>], iteration_bounds = array<i64: 8>, scalar_prefetch = 0 : i64, scratch_operands = 0 : i64, tpu.core_type = #tpu.core_type<tc>, window_params = [{transform_indices = @transform_0, window_bounds = array<i64: 2048, 128>}, {transform_indices = @transform_1, window_bounds = array<i64: 2048, 128>}, {transform_indices = @transform_2, window_bounds = array<i64: 2048, 128>}, {transform_indices = @transform_3, window_bounds = array<i64: 2048, 128>}]} {
    %get3A = arith.constant 0 : index
    %get3A_0 = arith.constant 0 : index
    %get3A_1 = vector.load %arg1[%get3A, %get3A_0] : memref<2048x128xf32, #tpu.memory_space<vmem>>, vector<2048x128xf32>
    %get3A_2 = arith.constant 0 : index
    %get3A_3 = arith.constant 0 : index
    %get3A_4 = vector.load %arg2[%get3A_2, %get3A_3] : memref<2048x128xf32, #tpu.memory_space<vmem>>, vector<2048x128xf32>
    %add3A = arith.constant 9.99999993E-9 : f32
    %add3A_5 = vector.broadcast %add3A : f32 to vector<2048x128xf32>
    %add3A_6 = arith.addf %get3A_4, %add3A_5 : vector<2048x128xf32>
    %div3A = arith.divf %get3A_1, %add3A_6 : vector<2048x128xf32>
    %get3A_7 = arith.constant 0 : index
    %get3A_8 = arith.constant 0 : index
    %get3A_9 = vector.load %arg3[%get3A_7, %get3A_8] : memref<2048x128xf32, #tpu.memory_space<vmem>>, vector<2048x128xf32>
    %mul3A = arith.mulf %div3A, %get3A_9 : vector<2048x128xf32>
    %swap3A = arith.constant 0 : index
    %swap3A_10 = arith.constant 0 : index
    %swap3A_11 = vector.load %arg4[%swap3A, %swap3A_10] : memref<2048x128xf32, #tpu.memory_space<vmem>>, vector<2048x128xf32>
    tpu.vector_store %arg4[%swap3A, %swap3A_10], %mul3A {strides = array<i32>} : memref<2048x128xf32, #tpu.memory_space<vmem>>, vector<2048x128xf32>,
    return
  }
  func.func @transform_0(%arg0: i32) -> (i32, i32) {
    %c0_i32 = arith.constant 0 : i32
    %c0_i32_0 = arith.constant 0 : i32
    return %arg0, %c0_i32 : i32, i32
  }
  func.func @transform_1(%arg0: i32) -> (i32, i32) {
    %c0_i32 = arith.constant 0 : i32
    %c0_i32_0 = arith.constant 0 : i32
    return %arg0, %c0_i32 : i32, i32
  }
  func.func @transform_2(%arg0: i32) -> (i32, i32) {
    %c0_i32 = arith.constant 0 : i32
    %c0_i32_0 = arith.constant 0 : i32
    return %arg0, %c0_i32 : i32, i32
  }
  func.func @transform_3(%arg0: i32) -> (i32, i32) {
    %c0_i32 = arith.constant 0 : i32
    %c0_i32_0 = arith.constant 0 : i32
    return %arg0, %c0_i32 : i32, i32
  }
}

</mosaic_0001>

<sc_bundles>
// kernel: kernel.6.cloned.1.call-start
scs
__scs_entry_jumppad:
0x0: {  	(pc) =	sbr.rel $0x88, $3  }
0x1: {  	(tag) =	ssettag $0x0;
	lr =	simm.s32 $0x1  }
0x2: {  	[smem:$0x3F9C] =	sst lr;
	_ =	strace $0xD0000000  }
0x3: {  	_ = 	snop  }
0x4: {  	_ = 	snop  }
0x5: {  	_ = 	snop  }
0x6: {  	_ = 	snop  }
0x7: {  	_ = 	snop  }
__scs_overlays_trampoline_lowered:
0x8: {  	[smem:$0x3FAB] =	sst s0  }
0x9: {  	[smem:$0x3FAC] =	sst s1  }
0xa: {  	[smem:$0x3FAD] =	sst s2  }
0xb: {  	[smem:$0x3FAE] =	sst s3  }
0xc: {  	[smem:$0x3FAF] =	sst s4  }
0xd: {  	[smem:$0x3FB0] =	sst s5  }
0xe: {  	[smem:$0x3FB1] =	sst s6  }
0xf: {  	[smem:$0x3FB2] =	sst s7  }
0x10: {  	[smem:$0x3FB3] =	sst s8  }
0x11: {  	[smem:$0x3FB4] =	sst s9;
	s0 =	simm.s32 @!p0 $0x0  }
0x12: {  	s1 =	sld [smem:$0x3F9A];
	s0 =	simm.s32 @p0 $0x1  }
0x13: {  	[smem:$0x3FB5] =	sst s0;
	s0 =	simm.s32 @!p1 $0x0  }
0x14: {  	s2 =	sld [smem:$0x3F99];
	s0 =	simm.s32 @p1 $0x1  }
0x15: {  	[smem:$0x3FB6] =	sst s0;
	s0 =	simm.s32 @!p2 $0x0  }
0x16: {  	s3 =	sld [smem:$0x3FDB];
	s0 =	simm.s32 @p2 $0x1  }
0x17: {  	s4 =	simm.s32 $0x1BF5;
	[smem:$0x3FB8] =	sst s0  }
0x18: {  	s0 =	sld [smem:$0x3F9B];
	_ =	swait.ge [sflag:s4], $0x0  }
0x19: {  	s7 =	sld [smem:$0x3F9C]  }
0x1a: {  	s8 =	sadd.s32 $0xFFFFE003, lr  }
0x1b: {  	s9 =	sadd.s32 $0xFFFFFEF7, lr;
	s5 =	simm.s32 $0xFFFFFFFF;
	p2 =	slt.u32 s8, $0xFFFFF086  }
0x1c: {  	p1 =	slt.u32 s9, $0xF7A;
	s5 =	simm.s32 @!p2 $0x0  }
0x1d: {  	s5 =	simm.s32 @p1 $0x1;
	p0 =	seq.s32 s7, s2  }
0x1e: {  	s7 =	smul.u32 @!p0 $0xF7A, s2;
	p2 =	seq.s32 @!p0 s5, $0x0  }
0x1f: {  	s9 =	smul.u32 $0xF7A, s1;
	s8 =	simm.s32 @!p0 $0x1BF5;
	p2 =	por !p2, p0  }
0x20: {  	[sflag:s8] =	ssyncset.s32 @!p0 $0xFFFFF086;
	s6 =	sadd.s32 @!p0 s3, s7;
	s7 =	simm.s32 @!p0 $0x108  }
0x21: {  	s3 =	sadd.s32 s3, s9;
	s6 =	sadd.s32 @!p0 $0x88, s6;
	s7 =	simm.s32 @p2 $0x1082  }
0x22: {  	[simem:s7], [sflag:s8] =	dma.local @!p0 [hbm:s6], $0xF7A  }
0x23: {  	s9 =	sor.u32 $0xD0000000, s2;
	s6 =	simm.s32 $0x108;
	_ =	swait.ge @!p0 [sflag:s8], $0x0  }
0x24: {  	s3 =	sadd.s32 $0x88, s3;
	s6 =	simm.s32 @!p1 $0x1082;
	[sflag:s4] =	ssyncset.s32 $0xFFFFF086  }
0x25: {  	[simem:s6], [sflag:s4] =	dma.local [hbm:s3], $0xF7A  }
0x26: {  	[smem:$0x3F9C] =	sst s1;
	(tag) =	ssettag s2;
	_ =	strace s9  }
0x27: {  	s1 =	sld [smem:$0x3FAC]  }
0x28: {  	s2 =	sld [smem:$0x3FAD]  }
0x29: {  	s4 =	sld [smem:$0x3FAF]  }
0x2a: {  	p0 =	seq.s32 s5, $0x0;
	s5 =	sld [smem:$0x3FB0]  }
0x2b: {  	s6 =	sld [smem:$0x3FB1]  }
0x2c: {  	s7 =	sld [smem:$0x3FB2]  }
0x2d: {  	s3 =	simm.s32 $0x108;
	s8 =	sld [smem:$0x3FB3]  }
0x2e: {  	s3 =	simm.s32 @!p0 $0x1082;
	s9 =	sld [smem:$0x3FB4]  }
0x2f: {  	lr =	sadd.s32 s0, s3;
	s0 =	sld [smem:$0x3FAB]  }
0x30: {  	s3 =	sld [smem:$0x3FAE]  }
0x31: {  	[smem:$0x3FB7] =	sst s10  }
0x32: {  	s10 =	sld [smem:$0x3FB5];
	_ =	sdelay $0x3  }
0x33: {  	p0 =	seq.s32 s10, $0x1;
	s10 =	sld [smem:$0x3FB7];
	_ =	sdelay $0x3  }
0x34: {  	[smem:$0x3FB7] =	sst s10  }
0x35: {  	s10 =	sld [smem:$0x3FB6];
	_ =	sdelay $0x3  }
0x36: {  	p1 =	seq.s32 s10, $0x1;
	s10 =	sld [smem:$0x3FB7];
	_ =	sdelay $0x3  }
0x37: {  	[smem:$0x3FB7] =	sst s10  }
0x38: {  	s10 =	sld [smem:$0x3FB8]  }
0x39: {  	_ = 	snop;
	(pc) =	sbr.ind lr, $3  }
0x3a: {  	_ = 	snop  }
0x3b: {  	_ = 	snop  }
0x3c: {  	p2 =	seq.s32 s10, $0x1;
	s10 =	sld [smem:$0x3FB7]  }
0x3d: {  	_ =	shalt  }
0x3e: {  	_ =	shalt  }
0x3f: {  	_ =	shalt  }
0x40: {  	_ =	shalt  }
0x41: {  	_ =	shalt  }
0x42: {  	_ =	shalt  }
0x43: {  	_ =	shalt  }
0x44: {  	_ =	shalt  }
0x45: {  	_ =	shalt  }
0x46: {  	_ =	shalt  }
0x47: {  	_ =	shalt  }
0x48: {  	_ =	shalt  }
0x49: {  	_ =	shalt  }
0x4a: {  	_ =	shalt  }
0x4b: {  	_ =	shalt  }
0x4c: {  	_ =	shalt  }
0x4d: {  	_ =	shalt  }
0x4e: {  	_ =	shalt  }
0x4f: {  	_ =	shalt  }
0x50: {  	_ =	shalt  }
0x51: {  	_ =	shalt  }
0x52: {  	_ =	shalt  }
0x53: {  	_ =	shalt  }
0x54: {  	_ =	shalt  }
0x55: {  	_ =	shalt  }
0x56: {  	_ =	shalt  }
0x57: {  	_ =	shalt  }
0x58: {  	_ =	shalt  }
0x59: {  	_ =	shalt  }
0x5a: {  	_ =	shalt  }
0x5b: {  	_ =	shalt  }
0x5c: {  	_ =	shalt  }
0x5d: {  	_ =	shalt  }
0x5e: {  	_ =	shalt  }
0x5f: {  	_ =	shalt  }
0x60: {  	_ =	shalt  }
0x61: {  	_ =	shalt  }
0x62: {  	_ =	shalt  }
0x63: {  	_ =	shalt  }
0x64: {  	_ =	shalt  }
0x65: {  	_ =	shalt  }
0x66: {  	_ =	shalt  }
0x67: {  	_ =	shalt  }
0x68: {  	_ =	shalt  }
0x69: {  	_ =	shalt  }
0x6a: {  	_ =	shalt  }
0x6b: {  	_ =	shalt  }
0x6c: {  	_ =	shalt  }
0x6d: {  	_ =	shalt  }
0x6e: {  	_ =	shalt  }
0x6f: {  	_ =	shalt  }
0x70: {  	_ =	shalt  }
0x71: {  	_ =	shalt  }
0x72: {  	_ =	shalt  }
0x73: {  	_ =	shalt  }
0x74: {  	_ =	shalt  }
0x75: {  	_ =	shalt  }
0x76: {  	_ =	shalt  }
0x77: {  	_ =	shalt  }
0x78: {  	_ =	shalt  }
0x79: {  	_ =	shalt  }
0x7a: {  	_ =	shalt  }
0x7b: {  	_ =	shalt  }
0x7c: {  	_ =	shalt  }
0x7d: {  	_ =	shalt  }
0x7e: {  	_ =	shalt  }
0x7f: {  	_ =	shalt  }
0x80: {  	_ =	shalt  }
0x81: {  	_ =	shalt  }
0x82: {  	_ =	shalt  }
0x83: {  	_ =	shalt  }
0x84: {  	_ =	shalt  }
0x85: {  	_ =	shalt  }
0x86: {  	_ =	shalt  }
0x87: {  	_ =	shalt  }
.Lfunc_end0:
.L_simem_size_0:
called_computation_lowered:
.L_overlay_start_0:
0x88: {  	s2 =	sld [smem:$0x3FD9]  }
0x89: {  	s3 =	sld [smem:$0x3FFE];
	_ =	sdelay $0x1  }
0x8a: {  	s1 =	srdreg.scid  }
0x8b: {  	s0 =	sand.u32 $0x1, s1  }
0x8c: {  	s17 =	sshll.u32 s0, $0xA;
	s2 =	sadd.s32 s3, s2  }
0x8d: {  	s2 =	sadd.s32 s2, s17  }
0x8e: {  	[smem:$0x3FC3] =	sst s2  }
0x8f: {  	_ = 	snop  }
0x90: {  	s2 =	sld [smem:$0x3FC9]  }
0x91: {  	s18 =	sld [smem:$0x3FD0];
	(tm) =	ssettm $0x1  }
0x92: {  	s4 =	sld [smem:$0x3FFB];
	_ =	sdelay $0x3  }
0x93: {  	_ =	strace s4  }
0x94: {  	s4 =	sld [smem:$0x3FFC];
	_ =	sdelay $0x3  }
0x95: {  	_ =	strace s4  }
0x96: {  	s4 =	sld [smem:$0x3FFD];
	_ =	sdelay $0x3  }
0x97: {  	_ =	strace s4  }
0x98: {  	_ =	strace $0x8FFFFFFF  }
0x99: {  	s19 =	sld [smem:$0x3FDB];
	_ =	sdelay $0x1  }
0x9a: {  	s5 =	simm.s32 $_scs_section_size  }
0x9b: {  	s6 =	simm.s32 $_size__tile_overlayer_lowered;
	s7 =	simm.s32 $_tile_overlayer_lowered  }
0x9c: {  	s22 =	simm.s32 $0x1BFF;
	s21 =	sshll.u32 s7, $0x1;
	s4 =	sadd.s32 s5, s19  }
0x9d: {  	s8 =	simm.s32 $0x0;
	s20 =	sshll.u32 s6, $0x1;
	s6 =	sadd.s32 s21, s4  }
0x9e: {  	[timem:s8], [sflag:s22] =	dma.local [hbm:s6], s20  }
0x9f: {  	_ =	swait.ge [sflag:s22], s20  }
0xa0: {  	s5 =	ssub.s32 $0x0, s20;
	[sflag:s22] =	ssyncset.done $0x0  }
0xa1: {  	[sflag:s22] =	ssyncadd.s32 s5;
	_ =	sdelay $0x1  }
0xa2: {  	s23 =	simm.s32 $0x1B8B  }
0xa3: {  	_ =	swait.ge [sflag:s23], $0x1  }
0xa4: {  	[sflag:s23] =	ssyncset.done $0x0  }
0xa5: {  	s25 =	simm.s32 $0x1B8E;
	s24 =	sld [smem:$0x3FFE];
	[sflag:s23] =	ssyncadd.s32 $0xFFFFFFFF  }
0xa6: {  	s26 =	simm.s32 $execute0_lowered;
	[smem:$0x3FD2] =	sst s25  }
0xa7: {  	s6 =	sshll.u32 s26, $0x1;
	_ =	strace $0x80000046;
	[dreg:$0x1] =	wrdreg $0xFFFFFFFF  }
0xa8: {  	s28 =	simm.s32 $_size_execute0_lowered;
	s4 =	sadd.s32 s4, s6;
	[dreg:$0x0] =	wrdreg $0x0  }
0xa9: {  	s6 =	sshll.u32 s28, $0x1;
	[dreg:$0x2] =	wrdreg s4  }
0xaa: {  	[dreg:$0x3] =	wrdreg s6  }
0xab: {  	[dreg:$0x4] =	wrdreg $0xC0  }
0xac: {  	_ =	task [dreg:s8], $0x5FFFF  }
0xad: {  	[dreg:$0x1] =	wrdreg $0xFFFFFFFF  }
0xae: {  	[dreg:$0x0] =	wrdreg $0x60  }
0xaf: {  	[dreg:$0x2] =	wrdreg s24  }
0xb0: {  	[dreg:$0x3] =	wrdreg s18  }
0xb1: {  	[dreg:$0x4] =	wrdreg s2  }
0xb2: {  	[dreg:$0x5] =	wrdreg $0x9  }
0xb3: {  	_ =	task.clear_ibuf [dreg:s8], $0x6FFFF;
	_ =	strace $0x90000046  }
0xb4: {  	s29 =	simm.s32 $0x9;
	_ =	strace $0x80000048  }
0xb5: {  	_ =	swait.ge [sflag:s29], $0x1  }
0xb6: {  	[sflag:s29] =	ssyncadd.s32 $0xFFFFFFFF  }
0xb7: {  	_ =	strace $0x90000048  }
0xb8: {  	_ =	sfence  }
0xb9: {  	s30 =	sld [smem:$0x0];
	_ =	sdelay $0x2  }
0xba: {  	s31 =	sshll.u32 s1, $0xD;
	s1 =	sshrl.u32 s1, $0x2  }
0xbb: {  	s3 =	sand.u32 $0x4000, s31;
	s1 =	sadd.s32 s1, s30  }
0xbc: {  	s0 =	sor.u32 s3, s0;
	s1 =	sshll.u32 s1, $0x11  }
0xbd: {  	s0 =	sor.u32 s1, s0  }
0xbe: {  	s0 =	sadd.s32 $0x8F2B, s0  }
0xbf: {  	[sflag:s0] =	ssyncadd.remote.s32 $0x1  }
0xc0: {  	_ =	sfence.sel $0xFFFF  }
0xc1: {  	[dreg:$0x0] =	wrdreg $0xFFFFFFFF;
	(pc) =	sbr.abs _section_cstart, $3  }
0xc2: {  	[dreg:$0x1] =	wrdreg $0xFFFFFFFF  }
0xc3: {  	_ =	task.clear_ibuf [dreg:s8], $0x2FFFF;
	_ =	strace $0x9FFFFFFF  }
0xc4: {  	(tm) =	ssettm $0x7FFFFFFF  }
0xc5: {  	_ =	shalt  }
tec
execute0_lowered:
.L_overlay_start_1:
0x0: {  	(tag) =	ssettag $0x1  }
0x1: {  	s0 =	rddreg [dreg:$0x0]  }
0x2: {  	s4 =	rddreg [dreg:$0x1]  }
0x3: {  	s1 =	srdreg.scid;
	s2 =	rddreg [dreg:$0x2]  }
0x4: {  	s6 =	stileid.u32;
	s3 =	simm.s32 $0x0;
	s28 =	simm.s32 $0x14800  }
0x5: {  	s29 =	simm.s32 $0x13800;
	s30 =	simm.s32 $0x13400;
	s1 =	sand.u32 $0x1, s1  }
0x6: {  	s31 =	simm.s32 $0x14C00;
	[smem:$0x7FF] =	sst s3;
	s5 =	sshll.u32 s1, $0x4  }
0x7: {  	s17 =	sadd.s32 $0x3AC00, s0;
	s1 =	ssub.s32 $0x2, s1;
	s6 =	sor.u32 s6, s5  }
0x8: {  	_ =	strace $0x80000047;
	[dreg:$0x4] =	wrdreg s17;
	s7 =	smul.u32 $0x4B0, s6  }
0x9: {  	s17 =	simm.s32 $0x5;
	s8 =	sshrl.u32 s1, $0x1;
	s5 =	sadd.s32 $0x44400, s0  }
0xa: {  	s18 =	ssub.s32 s1, s8;
	s9 =	sadd.s32 s7, s0;
	s24 =	sadd.s32 s4, s7  }
0xb: {  	s6 =	smul.u32 $0x96000, s6;
	s19 =	sadd.s32 $0x31600, s9;
	[dreg:$0xa] =	wrdreg s24  }
0xc: {  	s16 =	smax.u32 s18, $0x1;
	s20 =	sadd.s32 $0x28000, s9;
	[dreg:$0x5] =	wrdreg s19  }
0xd: {  	s18 =	simm.s32 $0x3;
	s21 =	sadd.s32 $0x1EA00, s9;
	[dreg:$0x6] =	wrdreg s20  }
0xe: {  	s26 =	sshrl.u32 s6, $0x3;
	s22 =	sadd.s32 $0x15400, s9;
	[dreg:$0x7] =	wrdreg s21  }
0xf: {  	s0 =	simm.s32 $0x13C00;
	s23 =	sadd.s32 $0xBE00, s9;
	[dreg:$0x8] =	wrdreg s22  }
0x10: {  	s25 =	sadd.s32 $0x2800, s9;
	s1 =	sadd.s32 s5, s26;
	[dreg:$0x9] =	wrdreg s23  }
0x11: {  	s15 =	sadd.s32 $0x3AE00, s9;
	s26 =	simm.s32 $0x13000;
	[dreg:$0xb] =	wrdreg s25  }
0x12: {  	[dreg:$0xc] =	wrdreg s1;
	s25 =	simm.s32 $0x400;
	s1 =	simm.s32 $0x1  }
0x13: {  	v0 =	vimm.f32 $0.0e+00;
	s19 =	simm.s32 $0x2;
	s20 =	simm.s32 $0x4;
	s22 =	simm.s32 $0x0  }
.LBB2_1:
0x14: {  	s4 =	rddreg [dreg:$0x5]  }
0x15: {  	[tilespmem:s3], [sflag:$0x5] =	stream.linear.gather [hbm4b:s4+s3], $0x2580, $0x38;
	[tilespmem:$0x15000] =	vst v63  }
0x16: {  	_ =	swait.ge [sflag:s17], $0x2580  }
0x17: {  	[sflag:s17] =	ssyncset.done $0x0  }
0x18: {  	s7 =	simm.s32 $0x2580;
	s21 =	rddreg [dreg:$0x6];
	[sflag:s17] =	ssyncadd.s32 $0xFFFFDA80  }
0x19: {  	[tilespmem:s7], [sflag:$0x5] =	stream.linear.gather [hbm4b:s21+s3], $0x2580, $0x38;
	[tilespmem:$0x15000] =	vst v63  }
0x1a: {  	_ =	swait.ge [sflag:s17], $0x2580  }
0x1b: {  	[sflag:s17] =	ssyncset.done $0x0  }
0x1c: {  	s24 =	simm.s32 $0x4B00;
	s23 =	rddreg [dreg:$0x7];
	[sflag:s17] =	ssyncadd.s32 $0xFFFFDA80  }
0x1d: {  	[tilespmem:s24], [sflag:$0x5] =	stream.linear.gather [hbm4b:s23+s3], $0x2580, $0x38;
	[tilespmem:$0x15000] =	vst v63  }
0x1e: {  	_ =	swait.ge [sflag:s17], $0x2580  }
0x1f: {  	[sflag:s17] =	ssyncset.done $0x0  }
0x20: {  	s9 =	simm.s32 $0x7080;
	s8 =	rddreg [dreg:$0x8];
	[sflag:s17] =	ssyncadd.s32 $0xFFFFDA80  }
0x21: {  	[tilespmem:s9], [sflag:$0x5] =	stream.linear.gather [hbm4b:s8+s3], $0x2580, $0x38;
	[tilespmem:$0x15000] =	vst v63  }
0x22: {  	_ =	swait.ge [sflag:s17], $0x2580  }
0x23: {  	[sflag:s17] =	ssyncset.done $0x0  }
0x24: {  	s11 =	simm.s32 $0x9600;
	s10 =	rddreg [dreg:$0x9];
	[sflag:s17] =	ssyncadd.s32 $0xFFFFDA80  }
0x25: {  	[tilespmem:s11], [sflag:$0x5] =	stream.linear.gather [hbm4b:s10+s3], $0x2580, $0x38;
	[tilespmem:$0x15000] =	vst v63  }
0x26: {  	_ =	swait.ge [sflag:s17], $0x2580  }
0x27: {  	[sflag:s17] =	ssyncset.done $0x0  }
0x28: {  	s13 =	simm.s32 $0xBB80;
	s12 =	rddreg [dreg:$0xa];
	[sflag:s17] =	ssyncadd.s32 $0xFFFFDA80  }
0x29: {  	[tilespmem:s13], [sflag:$0x5] =	stream.linear.gather [hbm4b:s12+s3], $0x2580, $0x38;
	[tilespmem:$0x15000] =	vst v63  }
0x2a: {  	_ =	swait.ge [sflag:s17], $0x2580  }
0x2b: {  	[sflag:s17] =	ssyncset.done $0x0  }
0x2c: {  	s21 =	simm.s32 $0xE100;
	s14 =	rddreg [dreg:$0xb];
	[sflag:s17] =	ssyncadd.s32 $0xFFFFDA80  }
0x2d: {  	[tilespmem:s21], [sflag:$0x5] =	stream.linear.gather [hbm4b:s14+s3], $0x2580, $0x38;
	[tilespmem:$0x15000] =	vst v63  }
0x2e: {  	_ =	swait.ge [sflag:s17], $0x2580  }
0x2f: {  	[sflag:s17] =	ssyncset.done $0x0  }
0x30: {  	s24 =	simm.s32 $0x12C00;
	s23 =	rddreg [dreg:$0x4];
	[sflag:s17] =	ssyncadd.s32 $0xFFFFDA80  }
0x31: {  	[tilespmem:s24], [sflag:$0x5] =	stream.linear.gather [hbm4b:s23+s3], $0x400, $0x38;
	[tilespmem:$0x15000] =	vst v63  }
0x32: {  	_ =	swait.ge [sflag:s17], $0x400  }
0x33: {  	[sflag:s17] =	ssyncset.done $0x0  }
0x34: {  	[sflag:s17] =	ssyncadd.s32 $0xFFFFFC00  }
0x35: {  	v1 =	vld [tilespmem:$0x0]  }
0x36: {  	v2 =	vld [tilespmem:$0x9600]  }
0x37: {  	v3 =	vld [tilespmem:$0x7080]  }
0x38: {  	v4 =	vld [tilespmem:$0x2580]  }
0x39: {  	v5 =	vld [tilespmem:$0xBB80]  }
0x3a: {  	s9 =	simm.s32 $0x12C20;
	v6 =	vld [tilespmem:$0x4B00]  }
0x3b: {  	v7 =	vld [tilespmem:s9+$0xFFFFFFE0]  }
0x3c: {  	v3 =	vsub.f32 v3, v1  }
0x3d: {  	v2 =	vsub.f32 v2, v4  }
0x3e: {  	v3 =	vmul.f32 $1.280000000e+02, v3  }
0x3f: {  	v1 =	vmul.f32 $1.280000000e+02, v1;
	v5 =	vsub.f32 v5, v6;
	v2 =	vmul.f32 $1.280000000e+02, v2  }
0x40: {  	v4 =	vmul.f32 $1.280000000e+02, v4;
	v3 =	vmul.f32 v7, v3  }
0x41: {  	v5 =	vmul.f32 $1.280000000e+02, v5;
	v2 =	vmul.f32 v2, v7  }
0x42: {  	v1 =	vadd.f32 v3, v1  }
0x43: {  	v3 =	vmul.f32 $1.280000000e+02, v6;
	v2 =	vadd.f32 v2, v4;
	v4 =	vmul.f32 v5, v7;
	_ =	sdelay $0x1  }
0x44: {  	v5 =	vtrunc.f32 v1;
	v3 =	vadd.f32 v4, v3;
	v4 =	vtrunc.f32 v2  }
0x45: {  	v5 =	vcvt.f32.s32 v5;
	v4 =	vcvt.f32.s32 v4  }
0x46: {  	v6 =	vtrunc.f32 v3  }
0x47: {  	v6 =	vcvt.f32.s32 v6;
	v5 =	vshll.u32 v5, $0xE;
	v4 =	vshll.u32 v4, $0x7  }
0x48: {  	v4 =	vadd.s32 v4, v5  }
0x49: {  	v5 =	vmin.f32 v2, v3;
	v2 =	vmax.f32 v2, v3;
	v3 =	vadd.s32 v6, v4  }
0x4a: {  	v4 =	vmin.f32 v1, v5;
	v1 =	vmax.f32 v1, v2;
	vm0 =	vgt.s32 v3, $0x0  }
0x4b: {  	vm1 =	vge.f32 v4, $0.0e+00;
	vm2 =	vlt.f32 v1, $1.280000000e+02;
	v1 =	vnsel vm0, $0x0, v3  }
0x4c: {  	s4 =	simm.s32 $0x13020;
	vm7 =	vmand vm1, vm2;
	v1 =	vmin.u32 v1, $0x1FFFFF  }
0x4d: {  	s7 =	simm.s32 $0x13820;
	[tilespmem:s4+$0xFFFFFFE0] =	vst v1;
	v1 =	vnsel vm7, $0xFFFFFFFF, v3  }
0x4e: {  	s8 =	simm.s32 $0x14020;
	[tilespmem:s7+$0xFFFFFFE0] =	vst v1;
	v1 =	vsel vm7, $0x3F800000, v0  }
0x4f: {  	[tilespmem:s8+$0xFFFFFFE0] =	vst v1  }
0x50: {  	v1 =	vld [tilespmem:$0x9600]  }
0x51: {  	v2 =	vld [tilespmem:$0x0]  }
0x52: {  	v3 =	vld [tilespmem:$0x7080]  }
0x53: {  	v4 =	vld [tilespmem:$0x2580]  }
0x54: {  	v5 =	vld [tilespmem:$0xBB80]  }
0x55: {  	v6 =	vld [tilespmem:$0x4B00]  }
0x56: {  	v7 =	vld [tilespmem:s9+$0xFFFFFFF0]  }
0x57: {  	v3 =	vsub.f32 v3, v2  }
0x58: {  	v1 =	vsub.f32 v1, v4  }
0x59: {  	v3 =	vmul.f32 $1.280000000e+02, v3  }
0x5a: {  	v2 =	vmul.f32 $1.280000000e+02, v2;
	v5 =	vsub.f32 v5, v6;
	v1 =	vmul.f32 $1.280000000e+02, v1  }
0x5b: {  	v4 =	vmul.f32 $1.280000000e+02, v4;
	v3 =	vmul.f32 v7, v3  }
0x5c: {  	v5 =	vmul.f32 $1.280000000e+02, v5;
	v1 =	vmul.f32 v1, v7  }
0x5d: {  	v2 =	vadd.f32 v3, v2  }
0x5e: {  	v3 =	vmul.f32 $1.280000000e+02, v6;
	v1 =	vadd.f32 v1, v4;
	v4 =	vmul.f32 v5, v7;
	_ =	sdelay $0x1  }
0x5f: {  	v5 =	vtrunc.f32 v2;
	v3 =	vadd.f32 v4, v3;
	v4 =	vtrunc.f32 v1  }
0x60: {  	v5 =	vcvt.f32.s32 v5;
	v4 =	vcvt.f32.s32 v4  }
0x61: {  	v6 =	vtrunc.f32 v3  }
0x62: {  	v6 =	vcvt.f32.s32 v6;
	v5 =	vshll.u32 v5, $0xE;
	v4 =	vshll.u32 v4, $0x7  }
0x63: {  	v4 =	vadd.s32 v4, v5  }
0x64: {  	v5 =	vmin.f32 v1, v3;
	v1 =	vmax.f32 v1, v3;
	v3 =	vadd.s32 v6, v4  }
0x65: {  	v4 =	vmin.f32 v2, v5;
	v1 =	vmax.f32 v2, v1;
	vm8 =	vgt.s32 v3, $0x0  }
0x66: {  	vm9 =	vge.f32 v4, $0.0e+00;
	vm10 =	vlt.f32 v1, $1.280000000e+02;
	v1 =	vnsel vm8, $0x0, v3  }
0x67: {  	vm11 =	vmand vm9, vm10;
	v1 =	vmin.u32 v1, $0x1FFFFF  }
0x68: {  	[tilespmem:s4+$0xFFFFFFF0] =	vst v1;
	v1 =	vnsel vm11, $0xFFFFFFFF, v3  }
0x69: {  	[tilespmem:s7+$0xFFFFFFF0] =	vst v1;
	v1 =	vsel vm11, $0x3F800000, v0  }
0x6a: {  	[tilespmem:s8+$0xFFFFFFF0] =	vst v1  }
0x6b: {  	v1 =	vld [tilespmem:$0x7080]  }
0x6c: {  	v2 =	vld [tilespmem:$0x2580]  }
0x6d: {  	v3 =	vld [tilespmem:$0x9600]  }
0x6e: {  	v4 =	vld [tilespmem:$0x0]  }
0x6f: {  	v5 =	vld [tilespmem:$0xBB80]  }
0x70: {  	v6 =	vld [tilespmem:$0x4B00]  }
0x71: {  	v7 =	vld [tilespmem:s9+$0x0]  }
0x72: {  	v3 =	vsub.f32 v3, v2  }
0x73: {  	v1 =	vsub.f32 v1, v4  }
0x74: {  	v3 =	vmul.f32 $1.280000000e+02, v3  }
0x75: {  	v2 =	vmul.f32 $1.280000000e+02, v2;
	v5 =	vsub.f32 v5, v6;
	v1 =	vmul.f32 $1.280000000e+02, v1  }
0x76: {  	v4 =	vmul.f32 $1.280000000e+02, v4;
	v3 =	vmul.f32 v3, v7  }
0x77: {  	v5 =	vmul.f32 $1.280000000e+02, v5;
	v1 =	vmul.f32 v7, v1  }
0x78: {  	v2 =	vadd.f32 v3, v2  }
0x79: {  	v3 =	vmul.f32 $1.280000000e+02, v6;
	v1 =	vadd.f32 v1, v4;
	v4 =	vmul.f32 v5, v7;
	_ =	sdelay $0x1  }
0x7a: {  	v5 =	vtrunc.f32 v2;
	v3 =	vadd.f32 v4, v3;
	v4 =	vtrunc.f32 v1  }
0x7b: {  	v5 =	vcvt.f32.s32 v5;
	v4 =	vcvt.f32.s32 v4  }
0x7c: {  	v6 =	vtrunc.f32 v3  }
0x7d: {  	v6 =	vcvt.f32.s32 v6;
	v4 =	vshll.u32 v4, $0xE;
	v5 =	vshll.u32 v5, $0x7  }
0x7e: {  	v4 =	vadd.s32 v5, v4  }
0x7f: {  	v5 =	vmin.f32 v2, v3;
	v2 =	vmax.f32 v2, v3;
	v3 =	vadd.s32 v6, v4  }
0x80: {  	v4 =	vmin.f32 v1, v5;
	v1 =	vmax.f32 v1, v2;
	vm12 =	vgt.s32 v3, $0x0  }
0x81: {  	vm13 =	vge.f32 v4, $0.0e+00;
	vm14 =	vlt.f32 v1, $1.280000000e+02;
	v1 =	vnsel vm12, $0x0, v3  }
0x82: {  	vm15 =	vmand vm13, vm14;
	v1 =	vmin.u32 v1, $0x1FFFFF  }
0x83: {  	[tilespmem:s4+$0x0] =	vst v1;
	v1 =	vnsel vm15, $0xFFFFFFFF, v3  }
0x84: {  	[tilespmem:s7+$0x0] =	vst v1;
	v1 =	vsel vm15, $0x3F800000, v0  }
0x85: {  	[tilespmem:s8+$0x0] =	vst v1  }
0x86: {  	v1 =	vld [tilespmem:$0x4B00]  }
0x87: {  	v2 =	vld [tilespmem:$0x0]  }
0x88: {  	v3 =	vld [tilespmem:$0xBB80]  }
0x89: {  	v4 =	vld [tilespmem:$0x9600]  }
0x8a: {  	v5 =	vld [tilespmem:$0x2580]  }
0x8b: {  	v6 =	vld [tilespmem:$0x7080];
	_ =	sdelay $0x2  }
0x8c: {  	v7 =	vld [tilespmem:s9+$0x10]  }
0x8d: {  	v4 =	vsub.f32 v4, v5;
	v3 =	vsub.f32 v3, v1  }
0x8e: {  	v1 =	vmul.f32 $1.280000000e+02, v1;
	v6 =	vsub.f32 v6, v2  }
0x8f: {  	v4 =	vmul.f32 $1.280000000e+02, v4;
	v3 =	vmul.f32 $1.280000000e+02, v3  }
0x90: {  	v5 =	vmul.f32 $1.280000000e+02, v5;
	v6 =	vmul.f32 $1.280000000e+02, v6  }
0x91: {  	v4 =	vmul.f32 v4, v7;
	v8 =	vmul.f32 v3, v7  }
0x92: {  	v2 =	vmul.f32 $1.280000000e+02, v2;
	v6 =	vmul.f32 v7, v6  }
0x93: {  	v3 =	vadd.f32 v4, v5;
	v4 =	vadd.f32 v8, v1  }
0x94: {  	s10 =	simm.s32 $0x0;
	s11 =	simm.s32 $0x13060;
	v1 =	vadd.f32 v6, v2  }
0x95: {  	s12 =	simm.s32 $0x12C60;
	s21 =	simm.s32 $0x14020;
	s9 =	simm.s32 $0x13820;
	v2 =	vmin.f32 v3, v4;
	v6 =	vtrunc.f32 v3;
	v5 =	vtrunc.f32 v4  }
.LBB2_2:
0x96: {  	s10 =	sadd.s32 $0x4, s10;
	v3 =	vmax.f32 v3, v4;
	v4 =	vtrunc.f32 v1;
	v6 =	vcvt.f32.s32 v6;
	s8 =	sadd.s32 $0x40, s8;
	s7 =	sadd.s32 $0x40, s7  }
0x97: {  	p0 =	slt.u32 s10, $0x3C;
	v3 =	vmax.f32 v1, v3;
	v4 =	vcvt.f32.s32 v4  }
0x98: {  	vm0 =	vlt.f32 v3, $1.280000000e+02;
	v3 =	vcvt.f32.s32 v5;
	v5 =	vshll.u32 v6, $0x7  }
0x99: {  	v4 =	vshll.u32 v4, $0xE  }
0x9a: {  	v4 =	vadd.s32 v5, v4  }
0x9b: {  	v1 =	vmin.f32 v1, v2;
	v2 =	vadd.s32 v3, v4  }
0x9c: {  	vm1 =	vge.f32 v1, $0.0e+00;
	vm2 =	vgt.s32 v2, $0x0  }
0x9d: {  	vm0 =	vmand vm1, vm0;
	v1 =	vnsel vm2, $0x0, v2  }
0x9e: {  	v2 =	vnsel vm0, $0xFFFFFFFF, v2;
	v1 =	vmin.u32 v1, $0x1FFFFF  }
0x9f: {  	[tilespmem:s4+$0x10] =	vst v1;
	v1 =	vsel vm0, $0x3F800000, v0;
	s4 =	smov.u32 s11  }
0xa0: {  	[tilespmem:s9+$0x10] =	vst v2;
	s9 =	smov.u32 s7  }
0xa1: {  	[tilespmem:s21+$0x10] =	vst v1;
	s21 =	smov.u32 s8  }
0xa2: {  	v1 =	vld [tilespmem:$0x0]  }
0xa3: {  	v2 =	vld [tilespmem:$0x9600]  }
0xa4: {  	v3 =	vld [tilespmem:$0x7080]  }
0xa5: {  	v4 =	vld [tilespmem:$0x2580]  }
0xa6: {  	v5 =	vld [tilespmem:$0xBB80]  }
0xa7: {  	v6 =	vld [tilespmem:$0x4B00]  }
0xa8: {  	v7 =	vld [tilespmem:s12+$0xFFFFFFE0]  }
0xa9: {  	v3 =	vsub.f32 v3, v1  }
0xaa: {  	v2 =	vsub.f32 v2, v4  }
0xab: {  	v3 =	vmul.f32 $1.280000000e+02, v3  }
0xac: {  	v1 =	vmul.f32 $1.280000000e+02, v1;
	v2 =	vmul.f32 $1.280000000e+02, v2;
	v5 =	vsub.f32 v5, v6  }
0xad: {  	v4 =	vmul.f32 $1.280000000e+02, v4;
	v3 =	vmul.f32 v7, v3  }
0xae: {  	v5 =	vmul.f32 $1.280000000e+02, v5;
	v2 =	vmul.f32 v2, v7  }
0xaf: {  	v1 =	vadd.f32 v3, v1  }
0xb0: {  	v3 =	vmul.f32 $1.280000000e+02, v6;
	v2 =	vadd.f32 v2, v4;
	v4 =	vmul.f32 v5, v7  }
0xb1: {  	v5 =	vtrunc.f32 v1  }
0xb2: {  	v3 =	vadd.f32 v4, v3;
	v4 =	vcvt.f32.s32 v5;
	v5 =	vtrunc.f32 v2  }
0xb3: {  	v5 =	vcvt.f32.s32 v5  }
0xb4: {  	v6 =	vmin.f32 v2, v3;
	v2 =	vmax.f32 v2, v3;
	v3 =	vtrunc.f32 v3  }
0xb5: {  	v4 =	vshll.u32 v4, $0xE;
	v3 =	vcvt.f32.s32 v3;
	v5 =	vshll.u32 v5, $0x7  }
0xb6: {  	v6 =	vmin.f32 v1, v6;
	v1 =	vmax.f32 v1, v2;
	v2 =	vadd.s32 v5, v4  }
0xb7: {  	vm0 =	vge.f32 v6, $0.0e+00;
	vm1 =	vlt.f32 v1, $1.280000000e+02;
	v1 =	vadd.s32 v3, v2  }
0xb8: {  	vm0 =	vmand vm0, vm1;
	vm1 =	vgt.s32 v1, $0x0  }
0xb9: {  	v2 =	vnsel vm1, $0x0, v1  }
0xba: {  	v2 =	vmin.u32 v2, $0x1FFFFF  }
0xbb: {  	v1 =	vnsel vm0, $0xFFFFFFFF, v1;
	[tilespmem:s11+$0xFFFFFFE0] =	vst v2  }
0xbc: {  	[tilespmem:s7+$0xFFFFFFE0] =	vst v1;
	v1 =	vsel vm0, $0x3F800000, v0  }
0xbd: {  	[tilespmem:s8+$0xFFFFFFE0] =	vst v1  }
0xbe: {  	v1 =	vld [tilespmem:$0x9600]  }
0xbf: {  	v2 =	vld [tilespmem:$0x0]  }
0xc0: {  	v3 =	vld [tilespmem:$0x7080]  }
0xc1: {  	v4 =	vld [tilespmem:$0x2580]  }
0xc2: {  	v5 =	vld [tilespmem:$0xBB80]  }
0xc3: {  	v6 =	vld [tilespmem:$0x4B00]  }
0xc4: {  	v7 =	vld [tilespmem:s12+$0xFFFFFFF0]  }
0xc5: {  	v3 =	vsub.f32 v3, v2  }
0xc6: {  	v1 =	vsub.f32 v1, v4  }
0xc7: {  	v3 =	vmul.f32 $1.280000000e+02, v3  }
0xc8: {  	v2 =	vmul.f32 $1.280000000e+02, v2;
	v1 =	vmul.f32 $1.280000000e+02, v1;
	v5 =	vsub.f32 v5, v6  }
0xc9: {  	v4 =	vmul.f32 $1.280000000e+02, v4;
	v3 =	vmul.f32 v7, v3  }
0xca: {  	v5 =	vmul.f32 $1.280000000e+02, v5;
	v1 =	vmul.f32 v1, v7  }
0xcb: {  	v2 =	vadd.f32 v3, v2  }
0xcc: {  	v3 =	vmul.f32 $1.280000000e+02, v6;
	v1 =	vadd.f32 v1, v4;
	v4 =	vmul.f32 v5, v7  }
0xcd: {  	v5 =	vtrunc.f32 v2  }
0xce: {  	v3 =	vadd.f32 v4, v3;
	v4 =	vcvt.f32.s32 v5;
	v5 =	vtrunc.f32 v1  }
0xcf: {  	v5 =	vcvt.f32.s32 v5  }
0xd0: {  	v6 =	vmin.f32 v1, v3;
	v1 =	vmax.f32 v1, v3;
	v3 =	vtrunc.f32 v3  }
0xd1: {  	v4 =	vshll.u32 v4, $0xE;
	v3 =	vcvt.f32.s32 v3;
	v5 =	vshll.u32 v5, $0x7  }
0xd2: {  	v6 =	vmin.f32 v2, v6;
	v1 =	vmax.f32 v2, v1;
	v2 =	vadd.s32 v5, v4  }
0xd3: {  	vm0 =	vge.f32 v6, $0.0e+00;
	vm1 =	vlt.f32 v1, $1.280000000e+02;
	v1 =	vadd.s32 v3, v2  }
0xd4: {  	vm0 =	vmand vm0, vm1;
	vm1 =	vgt.s32 v1, $0x0  }
0xd5: {  	v2 =	vnsel vm1, $0x0, v1  }
0xd6: {  	v2 =	vmin.u32 v2, $0x1FFFFF  }
0xd7: {  	v1 =	vnsel vm0, $0xFFFFFFFF, v1;
	[tilespmem:s11+$0xFFFFFFF0] =	vst v2  }
0xd8: {  	[tilespmem:s7+$0xFFFFFFF0] =	vst v1;
	v1 =	vsel vm0, $0x3F800000, v0  }
0xd9: {  	[tilespmem:s8+$0xFFFFFFF0] =	vst v1  }
0xda: {  	v1 =	vld [tilespmem:$0x7080]  }
0xdb: {  	v2 =	vld [tilespmem:$0x2580]  }
0xdc: {  	v3 =	vld [tilespmem:$0x9600]  }
0xdd: {  	v4 =	vld [tilespmem:$0x0]  }
0xde: {  	v5 =	vld [tilespmem:$0xBB80]  }
0xdf: {  	v6 =	vld [tilespmem:$0x4B00]  }
0xe0: {  	v7 =	vld [tilespmem:s12+$0x0]  }
0xe1: {  	v3 =	vsub.f32 v3, v2  }
0xe2: {  	v1 =	vsub.f32 v1, v4  }
0xe3: {  	v3 =	vmul.f32 $1.280000000e+02, v3  }
0xe4: {  	v2 =	vmul.f32 $1.280000000e+02, v2;
	v1 =	vmul.f32 $1.280000000e+02, v1;
	v5 =	vsub.f32 v5, v6  }
0xe5: {  	v4 =	vmul.f32 $1.280000000e+02, v4;
	v3 =	vmul.f32 v3, v7  }
0xe6: {  	v5 =	vmul.f32 $1.280000000e+02, v5;
	v1 =	vmul.f32 v7, v1  }
0xe7: {  	v2 =	vadd.f32 v3, v2  }
0xe8: {  	v3 =	vmul.f32 $1.280000000e+02, v6;
	v1 =	vadd.f32 v1, v4;
	v4 =	vmul.f32 v5, v7  }
0xe9: {  	v5 =	vtrunc.f32 v2  }
0xea: {  	v3 =	vadd.f32 v4, v3;
	v4 =	vtrunc.f32 v1;
	v5 =	vcvt.f32.s32 v5  }
0xeb: {  	v4 =	vcvt.f32.s32 v4  }
0xec: {  	v6 =	vmin.f32 v2, v3;
	v2 =	vmax.f32 v2, v3;
	v3 =	vtrunc.f32 v3  }
0xed: {  	v5 =	vshll.u32 v5, $0x7;
	v3 =	vcvt.f32.s32 v3;
	v4 =	vshll.u32 v4, $0xE  }
0xee: {  	v6 =	vmin.f32 v1, v6;
	v1 =	vmax.f32 v1, v2;
	v2 =	vadd.s32 v5, v4  }
0xef: {  	v2 =	vadd.s32 v3, v2  }
0xf0: {  	vm0 =	vgt.s32 v2, $0x0  }
0xf1: {  	vm1 =	vge.f32 v6, $0.0e+00;
	vm2 =	vlt.f32 v1, $1.280000000e+02;
	v1 =	vnsel vm0, $0x0, v2  }
0xf2: {  	vm0 =	vmand vm1, vm2;
	v1 =	vmin.u32 v1, $0x1FFFFF  }
0xf3: {  	[tilespmem:s11+$0x0] =	vst v1;
	v1 =	vnsel vm0, $0xFFFFFFFF, v2  }
0xf4: {  	[tilespmem:s7+$0x0] =	vst v1;
	v1 =	vsel vm0, $0x3F800000, v0  }
0xf5: {  	[tilespmem:s8+$0x0] =	vst v1  }
0xf6: {  	v1 =	vld [tilespmem:$0x4B00]  }
0xf7: {  	v2 =	vld [tilespmem:$0x0]  }
0xf8: {  	v3 =	vld [tilespmem:$0xBB80]  }
0xf9: {  	v4 =	vld [tilespmem:$0x9600]  }
0xfa: {  	v5 =	vld [tilespmem:$0x2580]  }
0xfb: {  	v6 =	vld [tilespmem:$0x7080]  }
0xfc: {  	v7 =	vld [tilespmem:s12+$0x10];
	_ =	sdelay $0x2  }
0xfd: {  	v3 =	vsub.f32 v3, v1;
	v4 =	vsub.f32 v4, v5  }
0xfe: {  	v8 =	vmul.f32 $1.280000000e+02, v2;
	v1 =	vmul.f32 $1.280000000e+02, v1;
	v2 =	vsub.f32 v6, v2  }
0xff: {  	v3 =	vmul.f32 $1.280000000e+02, v3;
	v4 =	vmul.f32 $1.280000000e+02, v4  }
0x100: {  	v5 =	vmul.f32 $1.280000000e+02, v5;
	v2 =	vmul.f32 $1.280000000e+02, v2  }
.Ltmp0:
0x101: {  	v6 =	vmul.f32 v3, v7;
	v4 =	vmul.f32 v4, v7;
	(pc) =	sbr.rel @p0 .LBB2_2-.Ltmp0, $4  }
0x102: {  	v2 =	vmul.f32 v7, v2  }
0x103: {  	v3 =	vadd.f32 v4, v5;
	v4 =	vadd.f32 v6, v1  }
0x104: {  	v1 =	vadd.f32 v2, v8  }
0x105: {  	s11 =	sadd.s32 $0x40, s11;
	s12 =	sadd.s32 $0x40, s12;
	v2 =	vmin.f32 v3, v4;
	v6 =	vtrunc.f32 v3;
	v5 =	vtrunc.f32 v4  }
0x106: {  	v7 =	vtrunc.f32 v1  }
0x107: {  	v6 =	vcvt.f32.s32 v6;
	v7 =	vcvt.f32.s32 v7;
	_ =	sdelay $0x1  }
0x108: {  	v5 =	vcvt.f32.s32 v5;
	v6 =	vshll.u32 v6, $0x7;
	v7 =	vshll.u32 v7, $0xE  }
0x109: {  	v6 =	vadd.s32 v6, v7  }
0x10a: {  	v3 =	vmax.f32 v3, v4;
	v63 =	vadd.s32 v5, v6  }
0x10b: {  	v3 =	vmax.f32 v1, v3;
	v1 =	vmin.f32 v1, v2;
	vm0 =	vgt.s32 v63, $0x0  }
0x10c: {  	vm1 =	vlt.f32 v3, $1.280000000e+02;
	vm2 =	vge.f32 v1, $0.0e+00;
	v1 =	vnsel vm0, $0x0, v63  }
0x10d: {  	vm15 =	vmand vm2, vm1;
	v1 =	vmin.u32 v1, $0x1FFFFF  }
0x10e: {  	v2 =	vnsel vm15, $0xFFFFFFFF, v63;
	[tilespmem:s4+$0x10] =	vst v1  }
0x10f: {  	v1 =	vsel vm15, $0x3F800000, v0;
	[tilespmem:s9+$0x10] =	vst v2  }
0x110: {  	[tilespmem:s21+$0x10] =	vst v1  }
0x111: {  	[tilespmem:s28], [sflag:$0x1] =	stream.indirect.gather [hbm4b:s2+s25], $0x1, s26, s25, $0xb8;
	[tilespmem:$0x15000] =	vst v63  }
0x112: {  	s23 =	simm.s32 $0x0;
	s24 =	rddreg [dreg:$0xc]  }
0x113: {  	[hbm4b:s24+s23] =	stream.linear.scatter [tilespmem:s29], [sflag:$0x3], $0x400, $0x38;
	[tilespmem:$0x15000] =	vst v63  }
.LBB2_4:
0x114: {  	s21 =	sshllo.u32 s23, $0x1  }
0x115: {  	s24 =	sshll.u32 s21, $0x4  }
0x116: {  	v1 =	vld [tilespmem:s24+$0x0]  }
0x117: {  	v2 =	vld [tilespmem:s24+$0x9600]  }
0x118: {  	v3 =	vld [tilespmem:s24+$0x7080]  }
0x119: {  	v4 =	vld [tilespmem:s24+$0x2580]  }
0x11a: {  	v5 =	vld [tilespmem:s24+$0xBB80]  }
0x11b: {  	s9 =	simm.s32 $0x12C20;
	v6 =	vld [tilespmem:s24+$0x4B00]  }
0x11c: {  	v7 =	vld [tilespmem:s9+$0xFFFFFFE0]  }
0x11d: {  	v3 =	vsub.f32 v3, v1  }
0x11e: {  	v2 =	vsub.f32 v2, v4  }
0x11f: {  	v3 =	vmul.f32 $1.280000000e+02, v3  }
0x120: {  	v1 =	vmul.f32 $1.280000000e+02, v1;
	v5 =	vsub.f32 v5, v6;
	v2 =	vmul.f32 $1.280000000e+02, v2  }
0x121: {  	v4 =	vmul.f32 $1.280000000e+02, v4;
	v3 =	vmul.f32 v7, v3  }
0x122: {  	v5 =	vmul.f32 $1.280000000e+02, v5;
	v2 =	vmul.f32 v2, v7  }
0x123: {  	v1 =	vadd.f32 v3, v1  }
0x124: {  	v3 =	vmul.f32 $1.280000000e+02, v6;
	v2 =	vadd.f32 v2, v4;
	v4 =	vmul.f32 v5, v7;
	_ =	sdelay $0x1  }
0x125: {  	v5 =	vtrunc.f32 v1;
	v3 =	vadd.f32 v4, v3;
	v4 =	vtrunc.f32 v2  }
0x126: {  	v5 =	vcvt.f32.s32 v5;
	v4 =	vcvt.f32.s32 v4  }
0x127: {  	v6 =	vtrunc.f32 v3  }
0x128: {  	v6 =	vcvt.f32.s32 v6;
	v5 =	vshll.u32 v5, $0xE;
	v4 =	vshll.u32 v4, $0x7  }
0x129: {  	v4 =	vadd.s32 v4, v5  }
0x12a: {  	v5 =	vmin.f32 v2, v3;
	v2 =	vmax.f32 v2, v3;
	v3 =	vadd.s32 v6, v4  }
0x12b: {  	v4 =	vmin.f32 v1, v5;
	v1 =	vmax.f32 v1, v2;
	vm0 =	vgt.s32 v3, $0x0  }
0x12c: {  	vm1 =	vge.f32 v4, $0.0e+00;
	vm2 =	vlt.f32 v1, $1.280000000e+02;
	v1 =	vnsel vm0, $0x0, v3  }
0x12d: {  	s4 =	simm.s32 $0x13420;
	vm7 =	vmand vm1, vm2;
	v1 =	vmin.u32 v1, $0x1FFFFF  }
0x12e: {  	s7 =	simm.s32 $0x13C20;
	[tilespmem:s4+$0xFFFFFFE0] =	vst v1;
	v1 =	vnsel vm7, $0xFFFFFFFF, v3  }
0x12f: {  	s8 =	simm.s32 $0x14420;
	[tilespmem:s7+$0xFFFFFFE0] =	vst v1;
	v1 =	vsel vm7, $0x3F800000, v0  }
0x130: {  	[tilespmem:s8+$0xFFFFFFE0] =	vst v1  }
0x131: {  	v1 =	vld [tilespmem:s24+$0x9600]  }
0x132: {  	v2 =	vld [tilespmem:s24+$0x0]  }
0x133: {  	v3 =	vld [tilespmem:s24+$0x7080]  }
0x134: {  	v4 =	vld [tilespmem:s24+$0x2580]  }
0x135: {  	v5 =	vld [tilespmem:s24+$0xBB80]  }
0x136: {  	v6 =	vld [tilespmem:s24+$0x4B00]  }
0x137: {  	v7 =	vld [tilespmem:s9+$0xFFFFFFF0]  }
0x138: {  	v3 =	vsub.f32 v3, v2  }
0x139: {  	v1 =	vsub.f32 v1, v4  }
0x13a: {  	v3 =	vmul.f32 $1.280000000e+02, v3  }
0x13b: {  	v2 =	vmul.f32 $1.280000000e+02, v2;
	v5 =	vsub.f32 v5, v6;
	v1 =	vmul.f32 $1.280000000e+02, v1  }
0x13c: {  	v4 =	vmul.f32 $1.280000000e+02, v4;
	v3 =	vmul.f32 v7, v3  }
0x13d: {  	v5 =	vmul.f32 $1.280000000e+02, v5;
	v1 =	vmul.f32 v1, v7  }
0x13e: {  	v2 =	vadd.f32 v3, v2  }
0x13f: {  	v3 =	vmul.f32 $1.280000000e+02, v6;
	v1 =	vadd.f32 v1, v4;
	v4 =	vmul.f32 v5, v7;
	_ =	sdelay $0x1  }
0x140: {  	v5 =	vtrunc.f32 v2;
	v3 =	vadd.f32 v4, v3;
	v4 =	vtrunc.f32 v1  }
0x141: {  	v5 =	vcvt.f32.s32 v5;
	v4 =	vcvt.f32.s32 v4  }
0x142: {  	v6 =	vtrunc.f32 v3  }
0x143: {  	v6 =	vcvt.f32.s32 v6;
	v5 =	vshll.u32 v5, $0xE;
	v4 =	vshll.u32 v4, $0x7  }
0x144: {  	v4 =	vadd.s32 v4, v5  }
0x145: {  	v5 =	vmin.f32 v1, v3;
	v1 =	vmax.f32 v1, v3;
	v3 =	vadd.s32 v6, v4  }
0x146: {  	v4 =	vmin.f32 v2, v5;
	v1 =	vmax.f32 v2, v1;
	vm8 =	vgt.s32 v3, $0x0  }
0x147: {  	vm9 =	vge.f32 v4, $0.0e+00;
	vm10 =	vlt.f32 v1, $1.280000000e+02;
	v1 =	vnsel vm8, $0x0, v3  }
0x148: {  	vm11 =	vmand vm9, vm10;
	v1 =	vmin.u32 v1, $0x1FFFFF  }
0x149: {  	[tilespmem:s4+$0xFFFFFFF0] =	vst v1;
	v1 =	vnsel vm11, $0xFFFFFFFF, v3  }
0x14a: {  	[tilespmem:s7+$0xFFFFFFF0] =	vst v1;
	v1 =	vsel vm11, $0x3F800000, v0  }
0x14b: {  	[tilespmem:s8+$0xFFFFFFF0] =	vst v1  }
0x14c: {  	v1 =	vld [tilespmem:s24+$0x7080]  }
0x14d: {  	v2 =	vld [tilespmem:s24+$0x2580]  }
0x14e: {  	v3 =	vld [tilespmem:s24+$0x9600]  }
0x14f: {  	v4 =	vld [tilespmem:s24+$0x0]  }
0x150: {  	v5 =	vld [tilespmem:s24+$0xBB80]  }
0x151: {  	v6 =	vld [tilespmem:s24+$0x4B00]  }
0x152: {  	v7 =	vld [tilespmem:s9+$0x0]  }
0x153: {  	v3 =	vsub.f32 v3, v2  }
0x154: {  	v1 =	vsub.f32 v1, v4  }
0x155: {  	v3 =	vmul.f32 $1.280000000e+02, v3  }
0x156: {  	v2 =	vmul.f32 $1.280000000e+02, v2;
	v5 =	vsub.f32 v5, v6;
	v1 =	vmul.f32 $1.280000000e+02, v1  }
0x157: {  	v4 =	vmul.f32 $1.280000000e+02, v4;
	v3 =	vmul.f32 v3, v7  }
0x158: {  	v5 =	vmul.f32 $1.280000000e+02, v5;
	v1 =	vmul.f32 v7, v1  }
0x159: {  	v2 =	vadd.f32 v3, v2  }
0x15a: {  	v3 =	vmul.f32 $1.280000000e+02, v6;
	v1 =	vadd.f32 v1, v4;
	v4 =	vmul.f32 v5, v7;
	_ =	sdelay $0x1  }
0x15b: {  	v5 =	vtrunc.f32 v2;
	v3 =	vadd.f32 v4, v3;
	v4 =	vtrunc.f32 v1  }
0x15c: {  	v5 =	vcvt.f32.s32 v5;
	v4 =	vcvt.f32.s32 v4  }
0x15d: {  	v6 =	vtrunc.f32 v3  }
0x15e: {  	v6 =	vcvt.f32.s32 v6;
	v4 =	vshll.u32 v4, $0xE;
	v5 =	vshll.u32 v5, $0x7  }
0x15f: {  	v4 =	vadd.s32 v5, v4  }
0x160: {  	v5 =	vmin.f32 v2, v3;
	v2 =	vmax.f32 v2, v3;
	v3 =	vadd.s32 v6, v4  }
0x161: {  	v4 =	vmin.f32 v1, v5;
	v1 =	vmax.f32 v1, v2;
	vm12 =	vgt.s32 v3, $0x0  }
0x162: {  	vm13 =	vge.f32 v4, $0.0e+00;
	vm14 =	vlt.f32 v1, $1.280000000e+02;
	v1 =	vnsel vm12, $0x0, v3  }
0x163: {  	vm15 =	vmand vm13, vm14;
	v1 =	vmin.u32 v1, $0x1FFFFF  }
0x164: {  	[tilespmem:s4+$0x0] =	vst v1;
	v1 =	vnsel vm15, $0xFFFFFFFF, v3  }
0x165: {  	[tilespmem:s7+$0x0] =	vst v1;
	v1 =	vsel vm15, $0x3F800000, v0  }
0x166: {  	[tilespmem:s8+$0x0] =	vst v1  }
0x167: {  	v1 =	vld [tilespmem:s24+$0x4B00]  }
0x168: {  	v2 =	vld [tilespmem:s24+$0x0]  }
0x169: {  	v3 =	vld [tilespmem:s24+$0xBB80]  }
0x16a: {  	v4 =	vld [tilespmem:s24+$0x9600]  }
0x16b: {  	v5 =	vld [tilespmem:s24+$0x2580]  }
0x16c: {  	v6 =	vld [tilespmem:s24+$0x7080];
	_ =	sdelay $0x2  }
0x16d: {  	v7 =	vld [tilespmem:s9+$0x10]  }
0x16e: {  	v4 =	vsub.f32 v4, v5;
	v3 =	vsub.f32 v3, v1  }
0x16f: {  	v1 =	vmul.f32 $1.280000000e+02, v1;
	v6 =	vsub.f32 v6, v2  }
0x170: {  	v4 =	vmul.f32 $1.280000000e+02, v4;
	v3 =	vmul.f32 $1.280000000e+02, v3  }
0x171: {  	v5 =	vmul.f32 $1.280000000e+02, v5;
	v6 =	vmul.f32 $1.280000000e+02, v6  }
0x172: {  	v4 =	vmul.f32 v4, v7;
	v8 =	vmul.f32 v3, v7  }
0x173: {  	v2 =	vmul.f32 $1.280000000e+02, v2;
	v6 =	vmul.f32 v7, v6  }
0x174: {  	v3 =	vadd.f32 v4, v5;
	v4 =	vadd.f32 v8, v1  }
0x175: {  	s12 =	simm.s32 $0x0;
	s13 =	simm.s32 $0x13460;
	s14 =	simm.s32 $0x12C60;
	v1 =	vadd.f32 v6, v2  }
0x176: {  	s10 =	simm.s32 $0x13C20;
	s11 =	simm.s32 $0x14420;
	s9 =	sshll.u32 s23, $0x1;
	v2 =	vmin.f32 v3, v4;
	v6 =	vtrunc.f32 v3;
	v5 =	vtrunc.f32 v4  }
.LBB2_5:
0x177: {  	s12 =	sadd.s32 $0x4, s12;
	v3 =	vmax.f32 v3, v4;
	v4 =	vtrunc.f32 v1;
	v6 =	vcvt.f32.s32 v6;
	s8 =	sadd.s32 $0x40, s8;
	s7 =	sadd.s32 $0x40, s7  }
0x178: {  	p0 =	slt.u32 s12, $0x3C;
	v3 =	vmax.f32 v1, v3;
	v4 =	vcvt.f32.s32 v4  }
0x179: {  	vm0 =	vlt.f32 v3, $1.280000000e+02;
	v3 =	vcvt.f32.s32 v5;
	v5 =	vshll.u32 v6, $0x7  }
0x17a: {  	v4 =	vshll.u32 v4, $0xE  }
0x17b: {  	v4 =	vadd.s32 v5, v4  }
0x17c: {  	v1 =	vmin.f32 v1, v2;
	v2 =	vadd.s32 v3, v4  }
0x17d: {  	vm1 =	vge.f32 v1, $0.0e+00;
	vm2 =	vgt.s32 v2, $0x0  }
0x17e: {  	vm0 =	vmand vm1, vm0;
	v1 =	vnsel vm2, $0x0, v2  }
0x17f: {  	v2 =	vnsel vm0, $0xFFFFFFFF, v2;
	v1 =	vmin.u32 v1, $0x1FFFFF  }
0x180: {  	[tilespmem:s4+$0x10] =	vst v1;
	v1 =	vsel vm0, $0x3F800000, v0;
	s4 =	smov.u32 s13  }
0x181: {  	[tilespmem:s10+$0x10] =	vst v2;
	s10 =	smov.u32 s7  }
0x182: {  	[tilespmem:s11+$0x10] =	vst v1;
	s11 =	smov.u32 s8  }
0x183: {  	v1 =	vld [tilespmem:s24+$0x0]  }
0x184: {  	v2 =	vld [tilespmem:s24+$0x9600]  }
0x185: {  	v3 =	vld [tilespmem:s24+$0x7080]  }
0x186: {  	v4 =	vld [tilespmem:s24+$0x2580]  }
0x187: {  	v5 =	vld [tilespmem:s24+$0xBB80]  }
0x188: {  	v6 =	vld [tilespmem:s24+$0x4B00]  }
0x189: {  	v7 =	vld [tilespmem:s14+$0xFFFFFFE0]  }
0x18a: {  	v3 =	vsub.f32 v3, v1  }
0x18b: {  	v2 =	vsub.f32 v2, v4  }
0x18c: {  	v3 =	vmul.f32 $1.280000000e+02, v3  }
0x18d: {  	v1 =	vmul.f32 $1.280000000e+02, v1;
	v2 =	vmul.f32 $1.280000000e+02, v2;
	v5 =	vsub.f32 v5, v6  }
0x18e: {  	v4 =	vmul.f32 $1.280000000e+02, v4;
	v3 =	vmul.f32 v7, v3  }
0x18f: {  	v5 =	vmul.f32 $1.280000000e+02, v5;
	v2 =	vmul.f32 v2, v7  }
0x190: {  	v1 =	vadd.f32 v3, v1  }
0x191: {  	v3 =	vmul.f32 $1.280000000e+02, v6;
	v2 =	vadd.f32 v2, v4;
	v4 =	vmul.f32 v5, v7  }
0x192: {  	v5 =	vtrunc.f32 v1  }
0x193: {  	v3 =	vadd.f32 v4, v3;
	v4 =	vcvt.f32.s32 v5;
	v5 =	vtrunc.f32 v2  }
0x194: {  	v5 =	vcvt.f32.s32 v5  }
0x195: {  	v6 =	vmin.f32 v2, v3;
	v2 =	vmax.f32 v2, v3;
	v3 =	vtrunc.f32 v3  }
0x196: {  	v4 =	vshll.u32 v4, $0xE;
	v3 =	vcvt.f32.s32 v3;
	v5 =	vshll.u32 v5, $0x7  }
0x197: {  	v6 =	vmin.f32 v1, v6;
	v1 =	vmax.f32 v1, v2;
	v2 =	vadd.s32 v5, v4  }
0x198: {  	vm0 =	vge.f32 v6, $0.0e+00;
	vm1 =	vlt.f32 v1, $1.280000000e+02;
	v1 =	vadd.s32 v3, v2  }
0x199: {  	vm0 =	vmand vm0, vm1;
	vm1 =	vgt.s32 v1, $0x0  }
0x19a: {  	v2 =	vnsel vm1, $0x0, v1  }
0x19b: {  	v2 =	vmin.u32 v2, $0x1FFFFF  }
0x19c: {  	v1 =	vnsel vm0, $0xFFFFFFFF, v1;
	[tilespmem:s13+$0xFFFFFFE0] =	vst v2  }
0x19d: {  	[tilespmem:s7+$0xFFFFFFE0] =	vst v1;
	v1 =	vsel vm0, $0x3F800000, v0  }
0x19e: {  	[tilespmem:s8+$0xFFFFFFE0] =	vst v1  }
0x19f: {  	v1 =	vld [tilespmem:s24+$0x9600]  }
0x1a0: {  	v2 =	vld [tilespmem:s24+$0x0]  }
0x1a1: {  	v3 =	vld [tilespmem:s24+$0x7080]  }
0x1a2: {  	v4 =	vld [tilespmem:s24+$0x2580]  }
0x1a3: {  	v5 =	vld [tilespmem:s24+$0xBB80]  }
0x1a4: {  	v6 =	vld [tilespmem:s24+$0x4B00]  }
0x1a5: {  	v7 =	vld [tilespmem:s14+$0xFFFFFFF0]  }
0x1a6: {  	v3 =	vsub.f32 v3, v2  }
0x1a7: {  	v1 =	vsub.f32 v1, v4  }
0x1a8: {  	v3 =	vmul.f32 $1.280000000e+02, v3  }
0x1a9: {  	v2 =	vmul.f32 $1.280000000e+02, v2;
	v1 =	vmul.f32 $1.280000000e+02, v1;
	v5 =	vsub.f32 v5, v6  }
0x1aa: {  	v4 =	vmul.f32 $1.280000000e+02, v4;
	v3 =	vmul.f32 v7, v3  }
0x1ab: {  	v5 =	vmul.f32 $1.280000000e+02, v5;
	v1 =	vmul.f32 v1, v7  }
0x1ac: {  	v2 =	vadd.f32 v3, v2  }
0x1ad: {  	v3 =	vmul.f32 $1.280000000e+02, v6;
	v1 =	vadd.f32 v1, v4;
	v4 =	vmul.f32 v5, v7  }
0x1ae: {  	v5 =	vtrunc.f32 v2  }
0x1af: {  	v3 =	vadd.f32 v4, v3;
	v4 =	vcvt.f32.s32 v5;
	v5 =	vtrunc.f32 v1  }
0x1b0: {  	v5 =	vcvt.f32.s32 v5  }
0x1b1: {  	v6 =	vmin.f32 v1, v3;
	v1 =	vmax.f32 v1, v3;
	v3 =	vtrunc.f32 v3  }
0x1b2: {  	v4 =	vshll.u32 v4, $0xE;
	v3 =	vcvt.f32.s32 v3;
	v5 =	vshll.u32 v5, $0x7  }
0x1b3: {  	v6 =	vmin.f32 v2, v6;
	v1 =	vmax.f32 v2, v1;
	v2 =	vadd.s32 v5, v4  }
0x1b4: {  	vm0 =	vge.f32 v6, $0.0e+00;
	vm1 =	vlt.f32 v1, $1.280000000e+02;
	v1 =	vadd.s32 v3, v2  }
0x1b5: {  	vm0 =	vmand vm0, vm1;
	vm1 =	vgt.s32 v1, $0x0  }
0x1b6: {  	v2 =	vnsel vm1, $0x0, v1  }
0x1b7: {  	v2 =	vmin.u32 v2, $0x1FFFFF  }
0x1b8: {  	v1 =	vnsel vm0, $0xFFFFFFFF, v1;
	[tilespmem:s13+$0xFFFFFFF0] =	vst v2  }
0x1b9: {  	[tilespmem:s7+$0xFFFFFFF0] =	vst v1;
	v1 =	vsel vm0, $0x3F800000, v0  }
0x1ba: {  	[tilespmem:s8+$0xFFFFFFF0] =	vst v1  }
0x1bb: {  	v1 =	vld [tilespmem:s24+$0x7080]  }
0x1bc: {  	v2 =	vld [tilespmem:s24+$0x2580]  }
0x1bd: {  	v3 =	vld [tilespmem:s24+$0x9600]  }
0x1be: {  	v4 =	vld [tilespmem:s24+$0x0]  }
0x1bf: {  	v5 =	vld [tilespmem:s24+$0xBB80]  }
0x1c0: {  	v6 =	vld [tilespmem:s24+$0x4B00]  }
0x1c1: {  	v7 =	vld [tilespmem:s14+$0x0]  }
0x1c2: {  	v3 =	vsub.f32 v3, v2  }
0x1c3: {  	v1 =	vsub.f32 v1, v4  }
0x1c4: {  	v3 =	vmul.f32 $1.280000000e+02, v3  }
0x1c5: {  	v2 =	vmul.f32 $1.280000000e+02, v2;
	v1 =	vmul.f32 $1.280000000e+02, v1;
	v5 =	vsub.f32 v5, v6  }
0x1c6: {  	v4 =	vmul.f32 $1.280000000e+02, v4;
	v3 =	vmul.f32 v3, v7  }
0x1c7: {  	v5 =	vmul.f32 $1.280000000e+02, v5;
	v1 =	vmul.f32 v7, v1  }
0x1c8: {  	v2 =	vadd.f32 v3, v2  }
0x1c9: {  	v3 =	vmul.f32 $1.280000000e+02, v6;
	v1 =	vadd.f32 v1, v4;
	v4 =	vmul.f32 v5, v7  }
0x1ca: {  	v5 =	vtrunc.f32 v2  }
0x1cb: {  	v3 =	vadd.f32 v4, v3;
	v4 =	vtrunc.f32 v1;
	v5 =	vcvt.f32.s32 v5  }
0x1cc: {  	v4 =	vcvt.f32.s32 v4  }
0x1cd: {  	v6 =	vmin.f32 v2, v3;
	v2 =	vmax.f32 v2, v3;
	v3 =	vtrunc.f32 v3  }
0x1ce: {  	v5 =	vshll.u32 v5, $0x7;
	v3 =	vcvt.f32.s32 v3;
	v4 =	vshll.u32 v4, $0xE  }
0x1cf: {  	v6 =	vmin.f32 v1, v6;
	v1 =	vmax.f32 v1, v2;
	v2 =	vadd.s32 v5, v4  }
0x1d0: {  	v2 =	vadd.s32 v3, v2  }
0x1d1: {  	vm0 =	vgt.s32 v2, $0x0  }
0x1d2: {  	vm1 =	vge.f32 v6, $0.0e+00;
	vm2 =	vlt.f32 v1, $1.280000000e+02;
	v1 =	vnsel vm0, $0x0, v2  }
0x1d3: {  	vm0 =	vmand vm1, vm2;
	v1 =	vmin.u32 v1, $0x1FFFFF  }
0x1d4: {  	[tilespmem:s13+$0x0] =	vst v1;
	v1 =	vnsel vm0, $0xFFFFFFFF, v2  }
0x1d5: {  	[tilespmem:s7+$0x0] =	vst v1;
	v1 =	vsel vm0, $0x3F800000, v0  }
0x1d6: {  	[tilespmem:s8+$0x0] =	vst v1  }
0x1d7: {  	v1 =	vld [tilespmem:s24+$0x4B00]  }
0x1d8: {  	v2 =	vld [tilespmem:s24+$0x0]  }
0x1d9: {  	v3 =	vld [tilespmem:s24+$0xBB80]  }
0x1da: {  	v4 =	vld [tilespmem:s24+$0x9600]  }
0x1db: {  	v5 =	vld [tilespmem:s24+$0x2580]  }
0x1dc: {  	v6 =	vld [tilespmem:s24+$0x7080]  }
0x1dd: {  	v7 =	vld [tilespmem:s14+$0x10];
	_ =	sdelay $0x2  }
0x1de: {  	v3 =	vsub.f32 v3, v1;
	v4 =	vsub.f32 v4, v5  }
0x1df: {  	v8 =	vmul.f32 $1.280000000e+02, v2;
	v1 =	vmul.f32 $1.280000000e+02, v1;
	v2 =	vsub.f32 v6, v2  }
0x1e0: {  	v3 =	vmul.f32 $1.280000000e+02, v3;
	v4 =	vmul.f32 $1.280000000e+02, v4  }
0x1e1: {  	v5 =	vmul.f32 $1.280000000e+02, v5;
	v2 =	vmul.f32 $1.280000000e+02, v2  }
.Ltmp1:
0x1e2: {  	v6 =	vmul.f32 v3, v7;
	v4 =	vmul.f32 v4, v7;
	(pc) =	sbr.rel @p0 .LBB2_5-.Ltmp1, $4  }
0x1e3: {  	v2 =	vmul.f32 v7, v2  }
0x1e4: {  	v3 =	vadd.f32 v4, v5;
	v4 =	vadd.f32 v6, v1  }
0x1e5: {  	v1 =	vadd.f32 v2, v8  }
0x1e6: {  	s13 =	sadd.s32 $0x40, s13;
	s14 =	sadd.s32 $0x40, s14;
	v2 =	vmin.f32 v3, v4;
	v6 =	vtrunc.f32 v3;
	v5 =	vtrunc.f32 v4  }
0x1e7: {  	v7 =	vtrunc.f32 v1  }
0x1e8: {  	v6 =	vcvt.f32.s32 v6;
	v7 =	vcvt.f32.s32 v7;
	_ =	sdelay $0x1  }
0x1e9: {  	v5 =	vcvt.f32.s32 v5;
	v6 =	vshll.u32 v6, $0x7;
	v7 =	vshll.u32 v7, $0xE  }
0x1ea: {  	v6 =	vadd.s32 v6, v7  }
0x1eb: {  	v3 =	vmax.f32 v3, v4;
	v4 =	vadd.s32 v5, v6  }
0x1ec: {  	v3 =	vmax.f32 v1, v3;
	v1 =	vmin.f32 v1, v2;
	vm0 =	vgt.s32 v4, $0x0  }
0x1ed: {  	vm1 =	vlt.f32 v3, $1.280000000e+02;
	vm2 =	vge.f32 v1, $0.0e+00;
	v1 =	vnsel vm0, $0x0, v4  }
0x1ee: {  	vm15 =	vmand vm2, vm1;
	v1 =	vmin.u32 v1, $0x1FFFFF  }
0x1ef: {  	s21 =	sshll.u32 s21, $0xA;
	v2 =	vnsel vm15, $0xFFFFFFFF, v4;
	[tilespmem:s4+$0x10] =	vst v1  }
0x1f0: {  	v1 =	vsel vm15, $0x3F800000, v0;
	s4 =	sadd.s32 s6, s21;
	[tilespmem:s10+$0x10] =	vst v2  }
0x1f1: {  	s4 =	sshrl.u32 s4, $0x3;
	[tilespmem:s11+$0x10] =	vst v1  }
0x1f2: {  	[tilespmem:s31], [sflag:$0x2] =	stream.indirect.gather [hbm4b:s2+s25], $0x1, s30, s25, $0xb8;
	[tilespmem:$0x15000] =	vst v63  }
0x1f3: {  	s4 =	sadd.s32 s5, s4  }
0x1f4: {  	[hbm4b:s4+s3] =	stream.linear.scatter [tilespmem:s0], [sflag:$0x4], $0x400, $0x38;
	[tilespmem:$0x15000] =	vst v63  }
0x1f5: {  	_ =	swait.ge [sflag:s1], $0x400  }
0x1f6: {  	[sflag:s1] =	ssyncset.done $0x0  }
0x1f7: {  	[sflag:s1] =	ssyncadd.s32 $0xFFFFFC00  }
0x1f8: {  	_ =	swait.ge [sflag:s18], $0x400  }
0x1f9: {  	[sflag:s18] =	ssyncset.done $0x0  }
0x1fa: {  	s7 =	simm.s32 $0x14820;
	[sflag:s18] =	ssyncadd.s32 $0xFFFFFC00  }
0x1fb: {  	s4 =	simm.s32 $0x14020;
	v5 =	vld [tilespmem:s7+$0xFFFFFFE0]  }
0x1fc: {  	v8 =	vld [tilespmem:s4+$0xFFFFFFE0]  }
0x1fd: {  	v3 =	vld [tilespmem:s7+$0xFFFFFFF0]  }
0x1fe: {  	v6 =	vld [tilespmem:s4+$0xFFFFFFF0]  }
0x1ff: {  	v2 =	vld [tilespmem:s7+$0x0]  }
0x200: {  	v4 =	vld [tilespmem:s4+$0x0]  }
0x201: {  	v1 =	vld [tilespmem:s7+$0x10];
	v8 =	vmul.f32 v8, v5  }
0x202: {  	s8 =	simm.s32 $0x14860;
	v7 =	vimm.f32 $0.0e+00;
	s7 =	simm.s32 $0x0;
	v5 =	vld [tilespmem:s4+$0x10]  }
.LBB2_7:
0x203: {  	v9 =	vld [tilespmem:s8+$0xFFFFFFE0];
	v7 =	vadd.f32 v8, v7;
	v6 =	vmul.f32 v6, v3;
	s4 =	sadd.s32 $0x40, s4  }
0x204: {  	s7 =	sadd.s32 $0x4, s7;
	v8 =	vld [tilespmem:s4+$0xFFFFFFE0]  }
0x205: {  	p0 =	slt.u32 s7, $0x3C;
	v3 =	vld [tilespmem:s8+$0xFFFFFFF0];
	v7 =	vadd.f32 v6, v7;
	v4 =	vmul.f32 v4, v2  }
.Ltmp2:
0x206: {  	v6 =	vld [tilespmem:s4+$0xFFFFFFF0];
	(pc) =	sbr.rel @p0 .LBB2_7-.Ltmp2, $4  }
0x207: {  	v2 =	vld [tilespmem:s8+$0x0];
	v7 =	vadd.f32 v4, v7;
	v5 =	vmul.f32 v5, v1  }
0x208: {  	v4 =	vld [tilespmem:s4+$0x0]  }
0x209: {  	v8 =	vmul.f32 v8, v9;
	v1 =	vld [tilespmem:s8+$0x10];
	v7 =	vadd.f32 v5, v7  }
0x20a: {  	s8 =	sadd.s32 $0x40, s8;
	v5 =	vld [tilespmem:s4+$0x10]  }
0x20b: {  	v7 =	vadd.f32 v8, v7;
	v3 =	vmul.f32 v6, v3;
	_ =	sdelay $0x1  }
0x20c: {  	s4 =	sshll.u32 s23, $0x5;
	v3 =	vadd.f32 v3, v7;
	v2 =	vmul.f32 v4, v2  }
0x20d: {  	v63 =	vld [tilespmem:s4+$0xE100]  }
0x20e: {  	v2 =	vadd.f32 v2, v3;
	v1 =	vmul.f32 v5, v1;
	_ =	sdelay $0x1  }
0x20f: {  	v1 =	vadd.f32 v1, v2;
	_ =	sdelay $0x1  }
0x210: {  	v1 =	vmul.f32 v63, v1;
	_ =	sdelay $0x1  }
0x211: {  	v1 =	vadd.f32 $9.999999930e-09, v1;
	_ =	sdelay $0x1  }
0x212: {  	(erf) = vrcp.f32 v1;
	_ =	sdelay $0x6  }
0x213: {  	p0 =	seq.s32 s23, $0x12B  }
.Ltmp3:
0x214: {  	_ = 	snop;
	(pc) =	sbr.rel @p0 .LBB2_12-.Ltmp3, $3  }
0x215: {  	v1 =	vpop (erf)  }
0x216: {  	v1 =	vmul.f32 v1, v63;
	_ =	sdelay $0x1  }
0x217: {  	[tilespmem:s4+$0x10680] =	vst v1  }
0x218: {  	s21 =	sadd.s32 $0x2, s9  }
0x219: {  	s4 =	sshll.u32 s21, $0x4  }
0x21a: {  	v1 =	vld [tilespmem:s4+$0x0]  }
0x21b: {  	v2 =	vld [tilespmem:s4+$0x9600]  }
0x21c: {  	v3 =	vld [tilespmem:s4+$0x7080]  }
0x21d: {  	v4 =	vld [tilespmem:s4+$0x2580]  }
0x21e: {  	v5 =	vld [tilespmem:s4+$0xBB80]  }
0x21f: {  	s10 =	simm.s32 $0x12C20;
	v6 =	vld [tilespmem:s4+$0x4B00]  }
0x220: {  	v7 =	vld [tilespmem:s10+$0xFFFFFFE0]  }
0x221: {  	v3 =	vsub.f32 v3, v1  }
0x222: {  	v2 =	vsub.f32 v2, v4  }
0x223: {  	v3 =	vmul.f32 $1.280000000e+02, v3  }
0x224: {  	v1 =	vmul.f32 $1.280000000e+02, v1;
	v5 =	vsub.f32 v5, v6;
	v2 =	vmul.f32 $1.280000000e+02, v2  }
0x225: {  	v4 =	vmul.f32 $1.280000000e+02, v4;
	v3 =	vmul.f32 v7, v3  }
0x226: {  	v5 =	vmul.f32 $1.280000000e+02, v5;
	v2 =	vmul.f32 v2, v7  }
0x227: {  	v1 =	vadd.f32 v3, v1  }
0x228: {  	v3 =	vmul.f32 $1.280000000e+02, v6;
	v2 =	vadd.f32 v2, v4;
	v4 =	vmul.f32 v5, v7;
	_ =	sdelay $0x1  }
0x229: {  	v5 =	vtrunc.f32 v1;
	v3 =	vadd.f32 v4, v3;
	v4 =	vtrunc.f32 v2  }
0x22a: {  	v5 =	vcvt.f32.s32 v5;
	v4 =	vcvt.f32.s32 v4  }
0x22b: {  	v6 =	vtrunc.f32 v3  }
0x22c: {  	v6 =	vcvt.f32.s32 v6;
	v5 =	vshll.u32 v5, $0xE;
	v4 =	vshll.u32 v4, $0x7  }
0x22d: {  	v4 =	vadd.s32 v4, v5  }
0x22e: {  	v5 =	vmin.f32 v2, v3;
	v2 =	vmax.f32 v2, v3;
	v3 =	vadd.s32 v6, v4  }
0x22f: {  	v4 =	vmin.f32 v1, v5;
	v1 =	vmax.f32 v1, v2;
	vm0 =	vgt.s32 v3, $0x0  }
0x230: {  	vm1 =	vge.f32 v4, $0.0e+00;
	vm2 =	vlt.f32 v1, $1.280000000e+02;
	v1 =	vnsel vm0, $0x0, v3  }
0x231: {  	s7 =	simm.s32 $0x13020;
	vm7 =	vmand vm1, vm2;
	v1 =	vmin.u32 v1, $0x1FFFFF  }
0x232: {  	s8 =	simm.s32 $0x13820;
	[tilespmem:s7+$0xFFFFFFE0] =	vst v1;
	v1 =	vnsel vm7, $0xFFFFFFFF, v3  }
0x233: {  	s9 =	simm.s32 $0x14020;
	[tilespmem:s8+$0xFFFFFFE0] =	vst v1;
	v1 =	vsel vm7, $0x3F800000, v0  }
0x234: {  	[tilespmem:s9+$0xFFFFFFE0] =	vst v1  }
0x235: {  	v1 =	vld [tilespmem:s4+$0x9600]  }
0x236: {  	v2 =	vld [tilespmem:s4+$0x0]  }
0x237: {  	v3 =	vld [tilespmem:s4+$0x7080]  }
0x238: {  	v4 =	vld [tilespmem:s4+$0x2580]  }
0x239: {  	v5 =	vld [tilespmem:s4+$0xBB80]  }
0x23a: {  	v6 =	vld [tilespmem:s4+$0x4B00]  }
0x23b: {  	v7 =	vld [tilespmem:s10+$0xFFFFFFF0]  }
0x23c: {  	v3 =	vsub.f32 v3, v2  }
0x23d: {  	v1 =	vsub.f32 v1, v4  }
0x23e: {  	v3 =	vmul.f32 $1.280000000e+02, v3  }
0x23f: {  	v2 =	vmul.f32 $1.280000000e+02, v2;
	v5 =	vsub.f32 v5, v6;
	v1 =	vmul.f32 $1.280000000e+02, v1  }
0x240: {  	v4 =	vmul.f32 $1.280000000e+02, v4;
	v3 =	vmul.f32 v7, v3  }
0x241: {  	v5 =	vmul.f32 $1.280000000e+02, v5;
	v1 =	vmul.f32 v1, v7  }
0x242: {  	v2 =	vadd.f32 v3, v2  }
0x243: {  	v3 =	vmul.f32 $1.280000000e+02, v6;
	v1 =	vadd.f32 v1, v4;
	v4 =	vmul.f32 v5, v7;
	_ =	sdelay $0x1  }
0x244: {  	v5 =	vtrunc.f32 v2;
	v3 =	vadd.f32 v4, v3;
	v4 =	vtrunc.f32 v1  }
0x245: {  	v5 =	vcvt.f32.s32 v5;
	v4 =	vcvt.f32.s32 v4  }
0x246: {  	v6 =	vtrunc.f32 v3  }
0x247: {  	v6 =	vcvt.f32.s32 v6;
	v5 =	vshll.u32 v5, $0xE;
	v4 =	vshll.u32 v4, $0x7  }
0x248: {  	v4 =	vadd.s32 v4, v5  }
0x249: {  	v5 =	vmin.f32 v1, v3;
	v1 =	vmax.f32 v1, v3;
	v3 =	vadd.s32 v6, v4  }
0x24a: {  	v4 =	vmin.f32 v2, v5;
	v1 =	vmax.f32 v2, v1;
	vm8 =	vgt.s32 v3, $0x0  }
0x24b: {  	vm9 =	vge.f32 v4, $0.0e+00;
	vm10 =	vlt.f32 v1, $1.280000000e+02;
	v1 =	vnsel vm8, $0x0, v3  }
0x24c: {  	vm11 =	vmand vm9, vm10;
	v1 =	vmin.u32 v1, $0x1FFFFF  }
0x24d: {  	[tilespmem:s7+$0xFFFFFFF0] =	vst v1;
	v1 =	vnsel vm11, $0xFFFFFFFF, v3  }
0x24e: {  	[tilespmem:s8+$0xFFFFFFF0] =	vst v1;
	v1 =	vsel vm11, $0x3F800000, v0  }
0x24f: {  	[tilespmem:s9+$0xFFFFFFF0] =	vst v1  }
0x250: {  	v1 =	vld [tilespmem:s4+$0x7080]  }
0x251: {  	v2 =	vld [tilespmem:s4+$0x2580]  }
0x252: {  	v3 =	vld [tilespmem:s4+$0x9600]  }
0x253: {  	v4 =	vld [tilespmem:s4+$0x0]  }
0x254: {  	v5 =	vld [tilespmem:s4+$0xBB80]  }
0x255: {  	v6 =	vld [tilespmem:s4+$0x4B00]  }
0x256: {  	v7 =	vld [tilespmem:s10+$0x0]  }
0x257: {  	v3 =	vsub.f32 v3, v2  }
0x258: {  	v1 =	vsub.f32 v1, v4  }
0x259: {  	v3 =	vmul.f32 $1.280000000e+02, v3  }
0x25a: {  	v2 =	vmul.f32 $1.280000000e+02, v2;
	v5 =	vsub.f32 v5, v6;
	v1 =	vmul.f32 $1.280000000e+02, v1  }
0x25b: {  	v4 =	vmul.f32 $1.280000000e+02, v4;
	v3 =	vmul.f32 v3, v7  }
0x25c: {  	v5 =	vmul.f32 $1.280000000e+02, v5;
	v1 =	vmul.f32 v7, v1  }
0x25d: {  	v2 =	vadd.f32 v3, v2  }
0x25e: {  	v3 =	vmul.f32 $1.280000000e+02, v6;
	v1 =	vadd.f32 v1, v4;
	v4 =	vmul.f32 v5, v7;
	_ =	sdelay $0x1  }
0x25f: {  	v5 =	vtrunc.f32 v2;
	v3 =	vadd.f32 v4, v3;
	v4 =	vtrunc.f32 v1  }
0x260: {  	v5 =	vcvt.f32.s32 v5;
	v4 =	vcvt.f32.s32 v4  }
0x261: {  	v6 =	vtrunc.f32 v3  }
0x262: {  	v6 =	vcvt.f32.s32 v6;
	v4 =	vshll.u32 v4, $0xE;
	v5 =	vshll.u32 v5, $0x7  }
0x263: {  	v4 =	vadd.s32 v5, v4  }
0x264: {  	v5 =	vmin.f32 v2, v3;
	v2 =	vmax.f32 v2, v3;
	v3 =	vadd.s32 v6, v4  }
0x265: {  	v4 =	vmin.f32 v1, v5;
	v1 =	vmax.f32 v1, v2;
	vm12 =	vgt.s32 v3, $0x0  }
0x266: {  	vm13 =	vge.f32 v4, $0.0e+00;
	vm14 =	vlt.f32 v1, $1.280000000e+02;
	v1 =	vnsel vm12, $0x0, v3  }
0x267: {  	vm15 =	vmand vm13, vm14;
	v1 =	vmin.u32 v1, $0x1FFFFF  }
0x268: {  	[tilespmem:s7+$0x0] =	vst v1;
	v1 =	vnsel vm15, $0xFFFFFFFF, v3  }
0x269: {  	[tilespmem:s8+$0x0] =	vst v1;
	v1 =	vsel vm15, $0x3F800000, v0  }
0x26a: {  	[tilespmem:s9+$0x0] =	vst v1  }
0x26b: {  	v1 =	vld [tilespmem:s4+$0x4B00]  }
0x26c: {  	v2 =	vld [tilespmem:s4+$0x0]  }
0x26d: {  	v3 =	vld [tilespmem:s4+$0xBB80]  }
0x26e: {  	v4 =	vld [tilespmem:s4+$0x9600]  }
0x26f: {  	v5 =	vld [tilespmem:s4+$0x2580]  }
0x270: {  	v6 =	vld [tilespmem:s4+$0x7080];
	_ =	sdelay $0x2  }
0x271: {  	v7 =	vld [tilespmem:s10+$0x10]  }
0x272: {  	v4 =	vsub.f32 v4, v5;
	v3 =	vsub.f32 v3, v1  }
0x273: {  	v1 =	vmul.f32 $1.280000000e+02, v1;
	v6 =	vsub.f32 v6, v2  }
0x274: {  	v4 =	vmul.f32 $1.280000000e+02, v4;
	v3 =	vmul.f32 $1.280000000e+02, v3  }
0x275: {  	v5 =	vmul.f32 $1.280000000e+02, v5;
	v6 =	vmul.f32 $1.280000000e+02, v6  }
0x276: {  	v4 =	vmul.f32 v4, v7;
	v8 =	vmul.f32 v3, v7  }
0x277: {  	v2 =	vmul.f32 $1.280000000e+02, v2;
	v6 =	vmul.f32 v7, v6  }
0x278: {  	v3 =	vadd.f32 v4, v5;
	v4 =	vadd.f32 v8, v1  }
0x279: {  	s12 =	simm.s32 $0x0;
	s13 =	simm.s32 $0x13060;
	v1 =	vadd.f32 v6, v2  }
0x27a: {  	s14 =	simm.s32 $0x12C60;
	s11 =	simm.s32 $0x14020;
	s10 =	simm.s32 $0x13820;
	v2 =	vmin.f32 v3, v4;
	v6 =	vtrunc.f32 v3;
	v5 =	vtrunc.f32 v4  }
.LBB2_10:
0x27b: {  	s12 =	sadd.s32 $0x4, s12;
	v3 =	vmax.f32 v3, v4;
	v4 =	vtrunc.f32 v1;
	v6 =	vcvt.f32.s32 v6;
	s9 =	sadd.s32 $0x40, s9;
	s8 =	sadd.s32 $0x40, s8  }
0x27c: {  	p0 =	slt.u32 s12, $0x3C;
	v3 =	vmax.f32 v1, v3;
	v4 =	vcvt.f32.s32 v4  }
0x27d: {  	vm0 =	vlt.f32 v3, $1.280000000e+02;
	v3 =	vcvt.f32.s32 v5;
	v5 =	vshll.u32 v6, $0x7  }
0x27e: {  	v4 =	vshll.u32 v4, $0xE  }
0x27f: {  	v4 =	vadd.s32 v5, v4  }
0x280: {  	v1 =	vmin.f32 v1, v2;
	v2 =	vadd.s32 v3, v4  }
0x281: {  	vm1 =	vge.f32 v1, $0.0e+00;
	vm2 =	vgt.s32 v2, $0x0  }
0x282: {  	vm0 =	vmand vm1, vm0;
	v1 =	vnsel vm2, $0x0, v2  }
0x283: {  	v2 =	vnsel vm0, $0xFFFFFFFF, v2;
	v1 =	vmin.u32 v1, $0x1FFFFF  }
0x284: {  	[tilespmem:s7+$0x10] =	vst v1;
	v1 =	vsel vm0, $0x3F800000, v0;
	s7 =	smov.u32 s13  }
0x285: {  	[tilespmem:s10+$0x10] =	vst v2;
	s10 =	smov.u32 s8  }
0x286: {  	[tilespmem:s11+$0x10] =	vst v1;
	s11 =	smov.u32 s9  }
0x287: {  	v1 =	vld [tilespmem:s4+$0x0]  }
0x288: {  	v2 =	vld [tilespmem:s4+$0x9600]  }
0x289: {  	v3 =	vld [tilespmem:s4+$0x7080]  }
0x28a: {  	v4 =	vld [tilespmem:s4+$0x2580]  }
0x28b: {  	v5 =	vld [tilespmem:s4+$0xBB80]  }
0x28c: {  	v6 =	vld [tilespmem:s4+$0x4B00]  }
0x28d: {  	v7 =	vld [tilespmem:s14+$0xFFFFFFE0]  }
0x28e: {  	v3 =	vsub.f32 v3, v1  }
0x28f: {  	v2 =	vsub.f32 v2, v4  }
0x290: {  	v3 =	vmul.f32 $1.280000000e+02, v3  }
0x291: {  	v1 =	vmul.f32 $1.280000000e+02, v1;
	v2 =	vmul.f32 $1.280000000e+02, v2;
	v5 =	vsub.f32 v5, v6  }
0x292: {  	v4 =	vmul.f32 $1.280000000e+02, v4;
	v3 =	vmul.f32 v7, v3  }
0x293: {  	v5 =	vmul.f32 $1.280000000e+02, v5;
	v2 =	vmul.f32 v2, v7  }
0x294: {  	v1 =	vadd.f32 v3, v1  }
0x295: {  	v3 =	vmul.f32 $1.280000000e+02, v6;
	v2 =	vadd.f32 v2, v4;
	v4 =	vmul.f32 v5, v7  }
0x296: {  	v5 =	vtrunc.f32 v1  }
0x297: {  	v3 =	vadd.f32 v4, v3;
	v4 =	vcvt.f32.s32 v5;
	v5 =	vtrunc.f32 v2  }
0x298: {  	v5 =	vcvt.f32.s32 v5  }
0x299: {  	v6 =	vmin.f32 v2, v3;
	v2 =	vmax.f32 v2, v3;
	v3 =	vtrunc.f32 v3  }
0x29a: {  	v4 =	vshll.u32 v4, $0xE;
	v3 =	vcvt.f32.s32 v3;
	v5 =	vshll.u32 v5, $0x7  }
0x29b: {  	v6 =	vmin.f32 v1, v6;
	v1 =	vmax.f32 v1, v2;
	v2 =	vadd.s32 v5, v4  }
0x29c: {  	vm0 =	vge.f32 v6, $0.0e+00;
	vm1 =	vlt.f32 v1, $1.280000000e+02;
	v1 =	vadd.s32 v3, v2  }
0x29d: {  	vm0 =	vmand vm0, vm1;
	vm1 =	vgt.s32 v1, $0x0  }
0x29e: {  	v2 =	vnsel vm1, $0x0, v1  }
0x29f: {  	v2 =	vmin.u32 v2, $0x1FFFFF  }
0x2a0: {  	v1 =	vnsel vm0, $0xFFFFFFFF, v1;
	[tilespmem:s13+$0xFFFFFFE0] =	vst v2  }
0x2a1: {  	[tilespmem:s8+$0xFFFFFFE0] =	vst v1;
	v1 =	vsel vm0, $0x3F800000, v0  }
0x2a2: {  	[tilespmem:s9+$0xFFFFFFE0] =	vst v1  }
0x2a3: {  	v1 =	vld [tilespmem:s4+$0x9600]  }
0x2a4: {  	v2 =	vld [tilespmem:s4+$0x0]  }
0x2a5: {  	v3 =	vld [tilespmem:s4+$0x7080]  }
0x2a6: {  	v4 =	vld [tilespmem:s4+$0x2580]  }
0x2a7: {  	v5 =	vld [tilespmem:s4+$0xBB80]  }
0x2a8: {  	v6 =	vld [tilespmem:s4+$0x4B00]  }
0x2a9: {  	v7 =	vld [tilespmem:s14+$0xFFFFFFF0]  }
0x2aa: {  	v3 =	vsub.f32 v3, v2  }
0x2ab: {  	v1 =	vsub.f32 v1, v4  }
0x2ac: {  	v3 =	vmul.f32 $1.280000000e+02, v3  }
0x2ad: {  	v2 =	vmul.f32 $1.280000000e+02, v2;
	v1 =	vmul.f32 $1.280000000e+02, v1;
	v5 =	vsub.f32 v5, v6  }
0x2ae: {  	v4 =	vmul.f32 $1.280000000e+02, v4;
	v3 =	vmul.f32 v7, v3  }
0x2af: {  	v5 =	vmul.f32 $1.280000000e+02, v5;
	v1 =	vmul.f32 v1, v7  }
0x2b0: {  	v2 =	vadd.f32 v3, v2  }
0x2b1: {  	v3 =	vmul.f32 $1.280000000e+02, v6;
	v1 =	vadd.f32 v1, v4;
	v4 =	vmul.f32 v5, v7  }
0x2b2: {  	v5 =	vtrunc.f32 v2  }
0x2b3: {  	v3 =	vadd.f32 v4, v3;
	v4 =	vcvt.f32.s32 v5;
	v5 =	vtrunc.f32 v1  }
0x2b4: {  	v5 =	vcvt.f32.s32 v5  }
0x2b5: {  	v6 =	vmin.f32 v1, v3;
	v1 =	vmax.f32 v1, v3;
	v3 =	vtrunc.f32 v3  }
0x2b6: {  	v4 =	vshll.u32 v4, $0xE;
	v3 =	vcvt.f32.s32 v3;
	v5 =	vshll.u32 v5, $0x7  }
0x2b7: {  	v6 =	vmin.f32 v2, v6;
	v1 =	vmax.f32 v2, v1;
	v2 =	vadd.s32 v5, v4  }
0x2b8: {  	vm0 =	vge.f32 v6, $0.0e+00;
	vm1 =	vlt.f32 v1, $1.280000000e+02;
	v1 =	vadd.s32 v3, v2  }
0x2b9: {  	vm0 =	vmand vm0, vm1;
	vm1 =	vgt.s32 v1, $0x0  }
0x2ba: {  	v2 =	vnsel vm1, $0x0, v1  }
0x2bb: {  	v2 =	vmin.u32 v2, $0x1FFFFF  }
0x2bc: {  	v1 =	vnsel vm0, $0xFFFFFFFF, v1;
	[tilespmem:s13+$0xFFFFFFF0] =	vst v2  }
0x2bd: {  	[tilespmem:s8+$0xFFFFFFF0] =	vst v1;
	v1 =	vsel vm0, $0x3F800000, v0  }
0x2be: {  	[tilespmem:s9+$0xFFFFFFF0] =	vst v1  }
0x2bf: {  	v1 =	vld [tilespmem:s4+$0x7080]  }
0x2c0: {  	v2 =	vld [tilespmem:s4+$0x2580]  }
0x2c1: {  	v3 =	vld [tilespmem:s4+$0x9600]  }
0x2c2: {  	v4 =	vld [tilespmem:s4+$0x0]  }
0x2c3: {  	v5 =	vld [tilespmem:s4+$0xBB80]  }
0x2c4: {  	v6 =	vld [tilespmem:s4+$0x4B00]  }
0x2c5: {  	v7 =	vld [tilespmem:s14+$0x0]  }
0x2c6: {  	v3 =	vsub.f32 v3, v2  }
0x2c7: {  	v1 =	vsub.f32 v1, v4  }
0x2c8: {  	v3 =	vmul.f32 $1.280000000e+02, v3  }
0x2c9: {  	v2 =	vmul.f32 $1.280000000e+02, v2;
	v1 =	vmul.f32 $1.280000000e+02, v1;
	v5 =	vsub.f32 v5, v6  }
0x2ca: {  	v4 =	vmul.f32 $1.280000000e+02, v4;
	v3 =	vmul.f32 v3, v7  }
0x2cb: {  	v5 =	vmul.f32 $1.280000000e+02, v5;
	v1 =	vmul.f32 v7, v1  }
0x2cc: {  	v2 =	vadd.f32 v3, v2  }
0x2cd: {  	v3 =	vmul.f32 $1.280000000e+02, v6;
	v1 =	vadd.f32 v1, v4;
	v4 =	vmul.f32 v5, v7  }
0x2ce: {  	v5 =	vtrunc.f32 v2  }
0x2cf: {  	v3 =	vadd.f32 v4, v3;
	v4 =	vtrunc.f32 v1;
	v5 =	vcvt.f32.s32 v5  }
0x2d0: {  	v4 =	vcvt.f32.s32 v4  }
0x2d1: {  	v6 =	vmin.f32 v2, v3;
	v2 =	vmax.f32 v2, v3;
	v3 =	vtrunc.f32 v3  }
0x2d2: {  	v5 =	vshll.u32 v5, $0x7;
	v3 =	vcvt.f32.s32 v3;
	v4 =	vshll.u32 v4, $0xE  }
0x2d3: {  	v6 =	vmin.f32 v1, v6;
	v1 =	vmax.f32 v1, v2;
	v2 =	vadd.s32 v5, v4  }
0x2d4: {  	v2 =	vadd.s32 v3, v2  }
0x2d5: {  	vm0 =	vgt.s32 v2, $0x0  }
0x2d6: {  	vm1 =	vge.f32 v6, $0.0e+00;
	vm2 =	vlt.f32 v1, $1.280000000e+02;
	v1 =	vnsel vm0, $0x0, v2  }
0x2d7: {  	vm0 =	vmand vm1, vm2;
	v1 =	vmin.u32 v1, $0x1FFFFF  }
0x2d8: {  	[tilespmem:s13+$0x0] =	vst v1;
	v1 =	vnsel vm0, $0xFFFFFFFF, v2  }
0x2d9: {  	[tilespmem:s8+$0x0] =	vst v1;
	v1 =	vsel vm0, $0x3F800000, v0  }
0x2da: {  	[tilespmem:s9+$0x0] =	vst v1  }
0x2db: {  	v1 =	vld [tilespmem:s4+$0x4B00]  }
0x2dc: {  	v2 =	vld [tilespmem:s4+$0x0]  }
0x2dd: {  	v3 =	vld [tilespmem:s4+$0xBB80]  }
0x2de: {  	v4 =	vld [tilespmem:s4+$0x9600]  }
0x2df: {  	v5 =	vld [tilespmem:s4+$0x2580]  }
0x2e0: {  	v6 =	vld [tilespmem:s4+$0x7080]  }
0x2e1: {  	v7 =	vld [tilespmem:s14+$0x10];
	_ =	sdelay $0x2  }
0x2e2: {  	v3 =	vsub.f32 v3, v1;
	v4 =	vsub.f32 v4, v5  }
0x2e3: {  	v8 =	vmul.f32 $1.280000000e+02, v2;
	v1 =	vmul.f32 $1.280000000e+02, v1;
	v2 =	vsub.f32 v6, v2  }
0x2e4: {  	v3 =	vmul.f32 $1.280000000e+02, v3;
	v4 =	vmul.f32 $1.280000000e+02, v4  }
0x2e5: {  	v5 =	vmul.f32 $1.280000000e+02, v5;
	v2 =	vmul.f32 $1.280000000e+02, v2  }
.Ltmp4:
0x2e6: {  	v6 =	vmul.f32 v3, v7;
	v4 =	vmul.f32 v4, v7;
	(pc) =	sbr.rel @p0 .LBB2_10-.Ltmp4, $4  }
0x2e7: {  	v2 =	vmul.f32 v7, v2  }
0x2e8: {  	v3 =	vadd.f32 v4, v5;
	v4 =	vadd.f32 v6, v1  }
0x2e9: {  	v1 =	vadd.f32 v2, v8  }
0x2ea: {  	s13 =	sadd.s32 $0x40, s13;
	s14 =	sadd.s32 $0x40, s14;
	v2 =	vmin.f32 v3, v4;
	v6 =	vtrunc.f32 v3;
	v5 =	vtrunc.f32 v4  }
0x2eb: {  	v7 =	vtrunc.f32 v1  }
0x2ec: {  	v6 =	vcvt.f32.s32 v6;
	v7 =	vcvt.f32.s32 v7;
	_ =	sdelay $0x1  }
0x2ed: {  	v5 =	vcvt.f32.s32 v5;
	v6 =	vshll.u32 v6, $0x7;
	v7 =	vshll.u32 v7, $0xE  }
0x2ee: {  	v6 =	vadd.s32 v6, v7  }
0x2ef: {  	v3 =	vmax.f32 v3, v4;
	v63 =	vadd.s32 v5, v6  }
0x2f0: {  	v3 =	vmax.f32 v1, v3;
	v1 =	vmin.f32 v1, v2;
	vm0 =	vgt.s32 v63, $0x0  }
0x2f1: {  	vm1 =	vlt.f32 v3, $1.280000000e+02;
	vm2 =	vge.f32 v1, $0.0e+00;
	v1 =	vnsel vm0, $0x0, v63  }
0x2f2: {  	vm15 =	vmand vm2, vm1;
	v1 =	vmin.u32 v1, $0x1FFFFF  }
0x2f3: {  	s4 =	sshll.u32 s21, $0xA;
	v2 =	vnsel vm15, $0xFFFFFFFF, v63;
	[tilespmem:s7+$0x10] =	vst v1  }
0x2f4: {  	s4 =	sadd.s32 s6, s4;
	v1 =	vsel vm15, $0x3F800000, v0;
	[tilespmem:s10+$0x10] =	vst v2  }
0x2f5: {  	s4 =	sshrl.u32 s4, $0x3;
	[tilespmem:s11+$0x10] =	vst v1  }
0x2f6: {  	[tilespmem:s28], [sflag:$0x1] =	stream.indirect.gather [hbm4b:s2+s25], $0x1, s26, s25, $0xb8;
	[tilespmem:$0x15000] =	vst v63  }
0x2f7: {  	s4 =	sadd.s32 s5, s4  }
0x2f8: {  	[hbm4b:s4+s3] =	stream.linear.scatter [tilespmem:s29], [sflag:$0x3], $0x400, $0x38;
	[tilespmem:$0x15000] =	vst v63  }
.LBB2_12:
0x2f9: {  	_ =	swait.ge [sflag:s19], $0x400  }
0x2fa: {  	[sflag:s19] =	ssyncset.done $0x0  }
0x2fb: {  	[sflag:s19] =	ssyncadd.s32 $0xFFFFFC00  }
0x2fc: {  	_ =	swait.ge [sflag:s20], $0x400  }
0x2fd: {  	[sflag:s20] =	ssyncset.done $0x0  }
0x2fe: {  	s7 =	simm.s32 $0x14C20;
	[sflag:s20] =	ssyncadd.s32 $0xFFFFFC00  }
0x2ff: {  	s4 =	simm.s32 $0x14420;
	v5 =	vld [tilespmem:s7+$0xFFFFFFE0]  }
0x300: {  	v8 =	vld [tilespmem:s4+$0xFFFFFFE0]  }
0x301: {  	v3 =	vld [tilespmem:s7+$0xFFFFFFF0]  }
0x302: {  	v6 =	vld [tilespmem:s4+$0xFFFFFFF0]  }
0x303: {  	v1 =	vld [tilespmem:s7+$0x0]  }
0x304: {  	v4 =	vld [tilespmem:s4+$0x0]  }
0x305: {  	v2 =	vld [tilespmem:s7+$0x10];
	v8 =	vmul.f32 v8, v5  }
0x306: {  	v7 =	vimm.f32 $0.0e+00;
	s8 =	simm.s32 $0x14C60;
	s7 =	simm.s32 $0x0;
	v5 =	vld [tilespmem:s4+$0x10]  }
.LBB2_13:
0x307: {  	v9 =	vld [tilespmem:s8+$0xFFFFFFE0];
	v7 =	vadd.f32 v8, v7;
	v6 =	vmul.f32 v6, v3;
	s4 =	sadd.s32 $0x40, s4  }
0x308: {  	s7 =	sadd.s32 $0x4, s7;
	v8 =	vld [tilespmem:s4+$0xFFFFFFE0]  }
0x309: {  	p0 =	slt.u32 s7, $0x3C;
	v3 =	vld [tilespmem:s8+$0xFFFFFFF0];
	v7 =	vadd.f32 v6, v7;
	v4 =	vmul.f32 v4, v1  }
.Ltmp5:
0x30a: {  	v6 =	vld [tilespmem:s4+$0xFFFFFFF0];
	(pc) =	sbr.rel @p0 .LBB2_13-.Ltmp5, $4  }
0x30b: {  	v1 =	vld [tilespmem:s8+$0x0];
	v7 =	vadd.f32 v4, v7;
	v5 =	vmul.f32 v5, v2  }
0x30c: {  	v4 =	vld [tilespmem:s4+$0x0]  }
0x30d: {  	v8 =	vmul.f32 v8, v9;
	v2 =	vld [tilespmem:s8+$0x10];
	v7 =	vadd.f32 v5, v7  }
0x30e: {  	s8 =	sadd.s32 $0x40, s8;
	v5 =	vld [tilespmem:s4+$0x10]  }
0x30f: {  	v7 =	vadd.f32 v8, v7;
	v3 =	vmul.f32 v6, v3;
	_ =	sdelay $0x1  }
0x310: {  	v3 =	vadd.f32 v3, v7;
	v1 =	vmul.f32 v4, v1  }
0x311: {  	v63 =	vld [tilespmem:s24+$0xE100]  }
0x312: {  	v1 =	vadd.f32 v1, v3;
	v2 =	vmul.f32 v5, v2;
	_ =	sdelay $0x1  }
0x313: {  	v1 =	vadd.f32 v2, v1;
	_ =	sdelay $0x1  }
0x314: {  	v1 =	vmul.f32 v63, v1;
	_ =	sdelay $0x1  }
0x315: {  	v1 =	vadd.f32 $9.999999930e-09, v1;
	_ =	sdelay $0x1  }
0x316: {  	(erf) = vrcp.f32 v1;
	_ =	sdelay $0x5  }
0x317: {  	s23 =	sadd.s32 $0x1, s23  }
0x318: {  	p0 =	sne.s32 s23, $0x12C  }
.Ltmp6:
0x319: {  	_ = 	snop;
	(pc) =	sbr.rel @p0 .LBB2_4-.Ltmp6, $3  }
0x31a: {  	v1 =	vpop (erf)  }
0x31b: {  	v1 =	vmul.f32 v1, v63;
	_ =	sdelay $0x1  }
0x31c: {  	[tilespmem:s24+$0x10680] =	vst v1  }
0x31d: {  	s22 =	sadd.s32 $0x1, s22  }
0x31e: {  	p0 =	sne.s32 s22, s16  }
.Ltmp7:
0x31f: {  	s4 =	simm.s32 $0x10680;
	(pc) =	sbr.rel @p0 .LBB2_1-.Ltmp7, $4  }
0x320: {  	[hbm4b:s15+s3] =	stream.linear.scatter [tilespmem:s4], [sflag:$0x5], $0x2580, $0x38;
	[tilespmem:$0x15000] =	vst v63  }
0x321: {  	_ =	swait.ge [sflag:s17], $0x2580  }
0x322: {  	[sflag:s17] =	ssyncset.done $0x0  }
0x323: {  	[sflag:s17] =	ssyncadd.s32 $0xFFFFDA80  }
0x324: {  	_ =	sfence.sel $0x180000  }
0x325: {  	[bflag:$0x0] =	sbarrier.arrive $0xFFFF  }
0x326: {  	_ =	strace $0x90000047  }
0x327: {  	s0 =	stileid.u32;
	[bflag:$0x2] =	sbarrier.arrive $0xFFFF  }
0x328: {  	p0 =	sne.s32 s0, $0x0;
	s0 =	rddreg [dreg:$0x3]  }
0x329: {  	s0 =	sadd.s32 @!p0 $0x100000, s0  }
0x32a: {  	[sflag:s0] =	ssyncadd.tile.s32 @!p0 $0x1;
	_ =	shalt  }
.Lfunc_end2:
_tile_overlayer_lowered:
.L_overlay_start_2:
0x32b: {  	(tag) =	ssettag $0x2  }
0x32c: {  	s0 =	rddreg [dreg:$0x0];
	s2 =	stileid.u32  }
0x32d: {  	s1 =	rddreg [dreg:$0x1];
	p0 =	sne.s32 s2, $0x0  }
0x32e: {  	s3 =	rddreg [dreg:$0x2];
	[bflag:$0x3] =	sbarrier.arrive $0xFFFF;
	s2 =	simm.s32 @!p0 $0x1C05  }
0x32f: {  	[timem:s3], [sflag:s2] =	dma.local @!p0 [hbm:s0], s1  }
0x330: {  	s0 =	simm.s32 @!p0 $0x5  }
0x331: {  	_ =	swait.ge @!p0 [sflag:s0], s1  }
0x332: {  	s1 =	ssub.s32 @!p0 $0x0, s1;
	[sflag:s0] =	ssyncset.done @!p0 $0x0  }
0x333: {  	[sflag:s0] =	ssyncadd.s32 @!p0 s1  }
0x334: {  	[bflag:$0x3] =	sbarrier.arrive $0xFFFF  }
0x335: {  	_ =	shalt  }

// kernel: kernel.9.cloned.1.call-start
scs
__scs_entry_jumppad:
0x0: {  	(pc) =	sbr.rel $0x88, $3  }
0x1: {  	(tag) =	ssettag $0x0;
	lr =	simm.s32 $0x1  }
0x2: {  	[smem:$0x3F9C] =	sst lr;
	_ =	strace $0xD0000000  }
0x3: {  	_ = 	snop  }
0x4: {  	_ = 	snop  }
0x5: {  	_ = 	snop  }
0x6: {  	_ = 	snop  }
0x7: {  	_ = 	snop  }
__scs_overlays_trampoline_lowered:
0x8: {  	[smem:$0x3FAB] =	sst s0  }
0x9: {  	[smem:$0x3FAC] =	sst s1  }
0xa: {  	[smem:$0x3FAD] =	sst s2  }
0xb: {  	[smem:$0x3FAE] =	sst s3  }
0xc: {  	[smem:$0x3FAF] =	sst s4  }
0xd: {  	[smem:$0x3FB0] =	sst s5  }
0xe: {  	[smem:$0x3FB1] =	sst s6  }
0xf: {  	[smem:$0x3FB2] =	sst s7  }
0x10: {  	[smem:$0x3FB3] =	sst s8  }
0x11: {  	[smem:$0x3FB4] =	sst s9;
	s0 =	simm.s32 @!p0 $0x0  }
0x12: {  	s1 =	sld [smem:$0x3F9A];
	s0 =	simm.s32 @p0 $0x1  }
0x13: {  	[smem:$0x3FB5] =	sst s0;
	s0 =	simm.s32 @!p1 $0x0  }
0x14: {  	s2 =	sld [smem:$0x3F99];
	s0 =	simm.s32 @p1 $0x1  }
0x15: {  	[smem:$0x3FB6] =	sst s0;
	s0 =	simm.s32 @!p2 $0x0  }
0x16: {  	s3 =	sld [smem:$0x3FDB];
	s0 =	simm.s32 @p2 $0x1  }
0x17: {  	s4 =	simm.s32 $0x1BF5;
	[smem:$0x3FB8] =	sst s0  }
0x18: {  	s0 =	sld [smem:$0x3F9B];
	_ =	swait.ge [sflag:s4], $0x0  }
0x19: {  	s7 =	sld [smem:$0x3F9C]  }
0x1a: {  	s8 =	sadd.s32 $0xFFFFE003, lr  }
0x1b: {  	s9 =	sadd.s32 $0xFFFFFEF7, lr;
	s5 =	simm.s32 $0xFFFFFFFF;
	p2 =	slt.u32 s8, $0xFFFFF086  }
0x1c: {  	p1 =	slt.u32 s9, $0xF7A;
	s5 =	simm.s32 @!p2 $0x0  }
0x1d: {  	s5 =	simm.s32 @p1 $0x1;
	p0 =	seq.s32 s7, s2  }
0x1e: {  	s7 =	smul.u32 @!p0 $0xF7A, s2;
	p2 =	seq.s32 @!p0 s5, $0x0  }
0x1f: {  	s9 =	smul.u32 $0xF7A, s1;
	s8 =	simm.s32 @!p0 $0x1BF5;
	p2 =	por !p2, p0  }
0x20: {  	[sflag:s8] =	ssyncset.s32 @!p0 $0xFFFFF086;
	s6 =	sadd.s32 @!p0 s3, s7;
	s7 =	simm.s32 @!p0 $0x108  }
0x21: {  	s3 =	sadd.s32 s3, s9;
	s6 =	sadd.s32 @!p0 $0x88, s6;
	s7 =	simm.s32 @p2 $0x1082  }
0x22: {  	[simem:s7], [sflag:s8] =	dma.local @!p0 [hbm:s6], $0xF7A  }
0x23: {  	s9 =	sor.u32 $0xD0000000, s2;
	s6 =	simm.s32 $0x108;
	_ =	swait.ge @!p0 [sflag:s8], $0x0  }
0x24: {  	s3 =	sadd.s32 $0x88, s3;
	s6 =	simm.s32 @!p1 $0x1082;
	[sflag:s4] =	ssyncset.s32 $0xFFFFF086  }
0x25: {  	[simem:s6], [sflag:s4] =	dma.local [hbm:s3], $0xF7A  }
0x26: {  	[smem:$0x3F9C] =	sst s1;
	(tag) =	ssettag s2;
	_ =	strace s9  }
0x27: {  	s1 =	sld [smem:$0x3FAC]  }
0x28: {  	s2 =	sld [smem:$0x3FAD]  }
0x29: {  	s4 =	sld [smem:$0x3FAF]  }
0x2a: {  	p0 =	seq.s32 s5, $0x0;
	s5 =	sld [smem:$0x3FB0]  }
0x2b: {  	s6 =	sld [smem:$0x3FB1]  }
0x2c: {  	s7 =	sld [smem:$0x3FB2]  }
0x2d: {  	s3 =	simm.s32 $0x108;
	s8 =	sld [smem:$0x3FB3]  }
0x2e: {  	s3 =	simm.s32 @!p0 $0x1082;
	s9 =	sld [smem:$0x3FB4]  }
0x2f: {  	lr =	sadd.s32 s0, s3;
	s0 =	sld [smem:$0x3FAB]  }
0x30: {  	s3 =	sld [smem:$0x3FAE]  }
0x31: {  	[smem:$0x3FB7] =	sst s10  }
0x32: {  	s10 =	sld [smem:$0x3FB5];
	_ =	sdelay $0x3  }
0x33: {  	p0 =	seq.s32 s10, $0x1;
	s10 =	sld [smem:$0x3FB7];
	_ =	sdelay $0x3  }
0x34: {  	[smem:$0x3FB7] =	sst s10  }
0x35: {  	s10 =	sld [smem:$0x3FB6];
	_ =	sdelay $0x3  }
0x36: {  	p1 =	seq.s32 s10, $0x1;
	s10 =	sld [smem:$0x3FB7];
	_ =	sdelay $0x3  }
0x37: {  	[smem:$0x3FB7] =	sst s10  }
0x38: {  	s10 =	sld [smem:$0x3FB8]  }
0x39: {  	_ = 	snop;
	(pc) =	sbr.ind lr, $3  }
0x3a: {  	_ = 	snop  }
0x3b: {  	_ = 	snop  }
0x3c: {  	p2 =	seq.s32 s10, $0x1;
	s10 =	sld [smem:$0x3FB7]  }
0x3d: {  	_ =	shalt  }
0x3e: {  	_ =	shalt  }
0x3f: {  	_ =	shalt  }
0x40: {  	_ =	shalt  }
0x41: {  	_ =	shalt  }
0x42: {  	_ =	shalt  }
0x43: {  	_ =	shalt  }
0x44: {  	_ =	shalt  }
0x45: {  	_ =	shalt  }
0x46: {  	_ =	shalt  }
0x47: {  	_ =	shalt  }
0x48: {  	_ =	shalt  }
0x49: {  	_ =	shalt  }
0x4a: {  	_ =	shalt  }
0x4b: {  	_ =	shalt  }
0x4c: {  	_ =	shalt  }
0x4d: {  	_ =	shalt  }
0x4e: {  	_ =	shalt  }
0x4f: {  	_ =	shalt  }
0x50: {  	_ =	shalt  }
0x51: {  	_ =	shalt  }
0x52: {  	_ =	shalt  }
0x53: {  	_ =	shalt  }
0x54: {  	_ =	shalt  }
0x55: {  	_ =	shalt  }
0x56: {  	_ =	shalt  }
0x57: {  	_ =	shalt  }
0x58: {  	_ =	shalt  }
0x59: {  	_ =	shalt  }
0x5a: {  	_ =	shalt  }
0x5b: {  	_ =	shalt  }
0x5c: {  	_ =	shalt  }
0x5d: {  	_ =	shalt  }
0x5e: {  	_ =	shalt  }
0x5f: {  	_ =	shalt  }
0x60: {  	_ =	shalt  }
0x61: {  	_ =	shalt  }
0x62: {  	_ =	shalt  }
0x63: {  	_ =	shalt  }
0x64: {  	_ =	shalt  }
0x65: {  	_ =	shalt  }
0x66: {  	_ =	shalt  }
0x67: {  	_ =	shalt  }
0x68: {  	_ =	shalt  }
0x69: {  	_ =	shalt  }
0x6a: {  	_ =	shalt  }
0x6b: {  	_ =	shalt  }
0x6c: {  	_ =	shalt  }
0x6d: {  	_ =	shalt  }
0x6e: {  	_ =	shalt  }
0x6f: {  	_ =	shalt  }
0x70: {  	_ =	shalt  }
0x71: {  	_ =	shalt  }
0x72: {  	_ =	shalt  }
0x73: {  	_ =	shalt  }
0x74: {  	_ =	shalt  }
0x75: {  	_ =	shalt  }
0x76: {  	_ =	shalt  }
0x77: {  	_ =	shalt  }
0x78: {  	_ =	shalt  }
0x79: {  	_ =	shalt  }
0x7a: {  	_ =	shalt  }
0x7b: {  	_ =	shalt  }
0x7c: {  	_ =	shalt  }
0x7d: {  	_ =	shalt  }
0x7e: {  	_ =	shalt  }
0x7f: {  	_ =	shalt  }
0x80: {  	_ =	shalt  }
0x81: {  	_ =	shalt  }
0x82: {  	_ =	shalt  }
0x83: {  	_ =	shalt  }
0x84: {  	_ =	shalt  }
0x85: {  	_ =	shalt  }
0x86: {  	_ =	shalt  }
0x87: {  	_ =	shalt  }
.Lfunc_end0:
.L_simem_size_0:
called_computation.1_lowered:
.L_overlay_start_0:
0x88: {  	s2 =	sld [smem:$0x3FD9]  }
0x89: {  	s3 =	sld [smem:$0x3FFE];
	_ =	sdelay $0x1  }
0x8a: {  	s1 =	srdreg.scid  }
0x8b: {  	s0 =	sand.u32 $0x1, s1  }
0x8c: {  	s16 =	sshll.u32 s0, $0xA;
	s2 =	sadd.s32 s3, s2  }
0x8d: {  	s2 =	sadd.s32 s2, s16  }
0x8e: {  	[smem:$0x3FC3] =	sst s2  }
0x8f: {  	_ = 	snop  }
0x90: {  	(tm) =	ssettm $0x1  }
0x91: {  	s17 =	sld [smem:$0x3FFB];
	_ =	sdelay $0x3  }
0x92: {  	_ =	strace s17  }
0x93: {  	s2 =	sld [smem:$0x3FFC];
	_ =	sdelay $0x3  }
0x94: {  	_ =	strace s2  }
0x95: {  	s2 =	sld [smem:$0x3FFD];
	_ =	sdelay $0x3  }
0x96: {  	_ =	strace s2  }
0x97: {  	_ =	strace $0x8FFFFFFF  }
0x98: {  	s18 =	sld [smem:$0x3FDB];
	_ =	sdelay $0x1  }
0x99: {  	s19 =	simm.s32 $_scs_section_size  }
0x9a: {  	s4 =	simm.s32 $_size__tile_overlayer_lowered;
	s5 =	simm.s32 $_tile_overlayer_lowered  }
0x9b: {  	s22 =	simm.s32 $0x1BFF;
	s21 =	sshll.u32 s5, $0x1;
	s2 =	sadd.s32 s19, s18  }
0x9c: {  	s6 =	simm.s32 $0x0;
	s20 =	sshll.u32 s4, $0x1;
	s4 =	sadd.s32 s21, s2  }
0x9d: {  	[timem:s6], [sflag:s22] =	dma.local [hbm:s4], s20  }
0x9e: {  	_ =	swait.ge [sflag:s22], s20  }
0x9f: {  	s3 =	ssub.s32 $0x0, s20;
	[sflag:s22] =	ssyncset.done $0x0  }
0xa0: {  	[sflag:s22] =	ssyncadd.s32 s3;
	_ =	sdelay $0x1  }
0xa1: {  	s23 =	simm.s32 $0x1B8B  }
0xa2: {  	_ =	swait.ge [sflag:s23], $0x1  }
0xa3: {  	[sflag:s23] =	ssyncset.done $0x0  }
0xa4: {  	s25 =	simm.s32 $0x1B8E;
	s24 =	sld [smem:$0x3FFE];
	[sflag:s23] =	ssyncadd.s32 $0xFFFFFFFF  }
0xa5: {  	s26 =	simm.s32 $execute0_lowered;
	[smem:$0x3FD2] =	sst s25  }
0xa6: {  	s4 =	sshll.u32 s26, $0x1;
	_ =	strace $0x80000049;
	[dreg:$0x1] =	wrdreg $0xFFFFFFFF  }
0xa7: {  	s28 =	simm.s32 $_size_execute0_lowered;
	s2 =	sadd.s32 s2, s4;
	[dreg:$0x0] =	wrdreg $0x0  }
0xa8: {  	s4 =	sshll.u32 s28, $0x1;
	[dreg:$0x2] =	wrdreg s2  }
0xa9: {  	[dreg:$0x3] =	wrdreg s4  }
0xaa: {  	[dreg:$0x4] =	wrdreg $0xC0  }
0xab: {  	_ =	task [dreg:s6], $0x5FFFF  }
0xac: {  	[dreg:$0x1] =	wrdreg $0xFFFFFFFF  }
0xad: {  	[dreg:$0x0] =	wrdreg $0x60  }
0xae: {  	[dreg:$0x2] =	wrdreg s24  }
0xaf: {  	[dreg:$0x3] =	wrdreg $0x0  }
0xb0: {  	[dreg:$0x4] =	wrdreg $0x9  }
0xb1: {  	_ =	task.clear_ibuf [dreg:s6], $0x5FFFF;
	_ =	strace $0x90000049  }
0xb2: {  	s29 =	simm.s32 $0x9;
	_ =	strace $0x8000004B  }
0xb3: {  	_ =	swait.ge [sflag:s29], $0x1  }
0xb4: {  	[sflag:s29] =	ssyncadd.s32 $0xFFFFFFFF  }
0xb5: {  	_ =	strace $0x9000004B  }
0xb6: {  	_ =	sfence  }
0xb7: {  	s30 =	sld [smem:$0x0];
	_ =	sdelay $0x2  }
0xb8: {  	s31 =	sshll.u32 s1, $0xD;
	s1 =	sshrl.u32 s1, $0x2  }
0xb9: {  	s3 =	sand.u32 $0x4000, s31;
	s1 =	sadd.s32 s1, s30  }
0xba: {  	s0 =	sor.u32 s3, s0;
	s1 =	sshll.u32 s1, $0x11  }
0xbb: {  	s0 =	sor.u32 s1, s0  }
0xbc: {  	s0 =	sadd.s32 $0x8F2B, s0  }
0xbd: {  	[sflag:s0] =	ssyncadd.remote.s32 $0x1  }
0xbe: {  	_ =	sfence.sel $0xFFFF  }
0xbf: {  	[dreg:$0x0] =	wrdreg $0xFFFFFFFF;
	(pc) =	sbr.abs _section_cstart, $3  }
0xc0: {  	[dreg:$0x1] =	wrdreg $0xFFFFFFFF  }
0xc1: {  	_ =	task.clear_ibuf [dreg:s6], $0x2FFFF;
	_ =	strace $0x9FFFFFFF  }
0xc2: {  	(tm) =	ssettm $0x7FFFFFFF  }
0xc3: {  	_ =	shalt  }
tec
execute0_lowered:
.L_overlay_start_1:
0x0: {  	(tag) =	ssettag $0x1  }
0x1: {  	s0 =	rddreg [dreg:$0x0]  }
0x2: {  	s1 =	rddreg [dreg:$0x1];
	s3 =	simm.s32 $0x0;
	s2 =	srdreg.scid  }
0x3: {  	s10 =	stileid.u32;
	s28 =	simm.s32 $0x1A180;
	s29 =	simm.s32 $0x3  }
0x4: {  	s30 =	simm.s32 $0x400;
	s31 =	simm.s32 $0x1A300;
	[smem:$0x7FF] =	sst s3  }
0x5: {  	s2 =	sand.u32 $0x1, s2;
	s4 =	sadd.s32 $0x3AE00, s0;
	s17 =	smul.u32 $0x4B00, s10  }
0x6: {  	s6 =	sshll.u32 s10, $0x10;
	s5 =	sadd.s32 $0x44400, s0;
	s20 =	smul.u32 $0x25800, s10  }
0x7: {  	_ =	strace $0x8000004A;
	s7 =	sshll.u32 s2, $0x14;
	s2 =	ssub.s32 $0x2, s2  }
0x8: {  	s8 =	sor.u32 s6, s7;
	s9 =	sshrl.u32 s2, $0x1;
	s6 =	sadd.s32 s6, s1  }
0x9: {  	s23 =	sadd.s32 $0x140, s17;
	s24 =	sshrl.u32 s17, $0x3;
	s14 =	sadd.s32 $0x2000, s6  }
0xa: {  	v0 =	vmov s7;
	s7 =	simm.s32 $0x2;
	s15 =	sadd.s32 $0x4000, s6;
	[dreg:$0x3] =	wrdreg s14  }
0xb: {  	s8 =	sshrl.u32 s8, $0x3;
	s16 =	sadd.s32 $0x6000, s6;
	[dreg:$0x4] =	wrdreg s15  }
0xc: {  	s2 =	ssub.s32 s2, s9;
	s18 =	sadd.s32 $0x8000, s6;
	[dreg:$0x5] =	wrdreg s16  }
0xd: {  	s19 =	sadd.s32 $0xA000, s6;
	s21 =	sadd.s32 $0xC000, s6;
	[dreg:$0x6] =	wrdreg s18  }
0xe: {  	s22 =	sadd.s32 $0xE000, s6;
	s9 =	sadd.s32 s5, s20;
	[dreg:$0x7] =	wrdreg s19  }
0xf: {  	s11 =	sshll.u32 s23, $0x3;
	s26 =	sshrl.u32 s23, $0x3;
	[dreg:$0x8] =	wrdreg s21  }
0x10: {  	s23 =	simm.s32 $0x5;
	s0 =	sadd.s32 s8, s0;
	[dreg:$0x9] =	wrdreg s22  }
0x11: {  	[dreg:$0xa] =	wrdreg s9;
	s9 =	sadd.s32 s4, s24;
	s25 =	sadd.s32 s5, s11  }
0x12: {  	s18 =	sadd.s32 $0x280, s17;
	s19 =	sadd.s32 $0x3C0, s17;
	s21 =	smax.u32 s2, $0x1  }
.Ltmp0:
0x13: {  	s22 =	simm.s32 $0x1B300;
	s24 =	simm.s32 $0x1A700;
	(pc) =	sbr.rel .LBB2_1-.Ltmp0, $4  }
0x14: {  	s2 =	simm.s32 $0x1;
	s8 =	simm.s32 $0x4;
	[dreg:$0xb] =	wrdreg s9  }
0x15: {  	[dreg:$0xc] =	wrdreg s25;
	s9 =	sadd.s32 s4, s26;
	s0 =	sadd.s32 $0x29C400, s0  }
0x16: {  	s26 =	simm.s32 $0x15000;
	s25 =	simm.s32 $0x1AF00;
	[dreg:$0xd] =	wrdreg s9  }
0x17: {  	v1 =	vimm.f32 $0.0e+00;
	[dreg:$0xe] =	wrdreg s0;
	s0 =	simm.s32 $0x1AB00;
	s9 =	simm.s32 $0x0  }
.LBB2_26:
0x18: {  	s10 =	stileid.u32;
	[bflag:$0x0] =	sbarrier.arrive $0xFFFF;
	s9 =	sadd.s32 $0x1, s9  }
0x19: {  	s11 =	sshrl.u32 s6, $0x3;
	s10 =	sshll.u32 s10, $0x6;
	p0 =	sne.s32 s9, s21  }
.Ltmp1:
0x1a: {  	s12 =	rddreg [dreg:$0xe];
	s10 =	sor.u32 $0x1C05, s10;
	(pc) =	sbr.rel @!p0 .LBB2_27-.Ltmp1, $4  }
0x1b: {  	[hbm:s12], [sflag:s10] =	dma.local [spmem:s11], $0x2000  }
0x1c: {  	_ =	swait.ge [sflag:s23], $0x2000  }
0x1d: {  	[sflag:s23] =	ssyncset.done $0x0  }
0x1e: {  	[sflag:s23] =	ssyncadd.s32 $0xFFFFE000  }
.LBB2_1:
0x1f: {  	s10 =	simm.s32 $0x40;
	s11 =	simm.s32 $0x0  }
.LBB2_2:
0x20: {  	p0 =	sne.s32 s10, $0x7FC0;
	[tilespmem:s11+$0x1B300] =	vst v1;
	s11 =	smov.u32 s10;
	s10 =	sadd.s32 $0x40, s10  }
.Ltmp2:
0x21: {  	(pc) =	sbr.rel @p0 .LBB2_2-.Ltmp2, $2  }
0x22: {  	_ =	sdelay $0x2  }
0x23: {  	s11 =	sshra.s32 s11, $0x2  }
0x24: {  	[tilespmem:s11+$0x1B300] =	vst v1  }
0x25: {  	[spmem:s6] =	stream.linear.scatter [tilespmem:s22], [sflag:$0x5], $0x2000, $0x38;
	[tilespmem:$0x1D300] =	vst v63  }
0x26: {  	_ =	swait.ge [sflag:s23], $0x2000  }
0x27: {  	[sflag:s23] =	ssyncset.done $0x0  }
0x28: {  	s10 =	rddreg [dreg:$0x3];
	[sflag:s23] =	ssyncadd.s32 $0xFFFFE000  }
0x29: {  	[spmem:s10] =	stream.linear.scatter [tilespmem:s22], [sflag:$0x5], $0x2000, $0x38;
	[tilespmem:$0x1D300] =	vst v63  }
0x2a: {  	_ =	swait.ge [sflag:s23], $0x2000  }
0x2b: {  	[sflag:s23] =	ssyncset.done $0x0  }
0x2c: {  	s16 =	rddreg [dreg:$0x4];
	[sflag:s23] =	ssyncadd.s32 $0xFFFFE000  }
0x2d: {  	[spmem:s16] =	stream.linear.scatter [tilespmem:s22], [sflag:$0x5], $0x2000, $0x38;
	[tilespmem:$0x1D300] =	vst v63  }
0x2e: {  	_ =	swait.ge [sflag:s23], $0x2000  }
0x2f: {  	[sflag:s23] =	ssyncset.done $0x0  }
0x30: {  	s17 =	rddreg [dreg:$0x5];
	[sflag:s23] =	ssyncadd.s32 $0xFFFFE000  }
0x31: {  	[spmem:s17] =	stream.linear.scatter [tilespmem:s22], [sflag:$0x5], $0x2000, $0x38;
	[tilespmem:$0x1D300] =	vst v63  }
0x32: {  	_ =	swait.ge [sflag:s23], $0x2000  }
0x33: {  	[sflag:s23] =	ssyncset.done $0x0  }
0x34: {  	s20 =	rddreg [dreg:$0x6];
	[sflag:s23] =	ssyncadd.s32 $0xFFFFE000  }
0x35: {  	[spmem:s20] =	stream.linear.scatter [tilespmem:s22], [sflag:$0x5], $0x2000, $0x38;
	[tilespmem:$0x1D300] =	vst v63  }
0x36: {  	_ =	swait.ge [sflag:s23], $0x2000  }
0x37: {  	[sflag:s23] =	ssyncset.done $0x0  }
0x38: {  	s11 =	rddreg [dreg:$0x7];
	[sflag:s23] =	ssyncadd.s32 $0xFFFFE000  }
0x39: {  	[spmem:s11] =	stream.linear.scatter [tilespmem:s22], [sflag:$0x5], $0x2000, $0x38;
	[tilespmem:$0x1D300] =	vst v63  }
0x3a: {  	_ =	swait.ge [sflag:s23], $0x2000  }
0x3b: {  	[sflag:s23] =	ssyncset.done $0x0  }
0x3c: {  	s12 =	rddreg [dreg:$0x8];
	[sflag:s23] =	ssyncadd.s32 $0xFFFFE000  }
0x3d: {  	[spmem:s12] =	stream.linear.scatter [tilespmem:s22], [sflag:$0x5], $0x2000, $0x38;
	[tilespmem:$0x1D300] =	vst v63  }
0x3e: {  	_ =	swait.ge [sflag:s23], $0x2000  }
0x3f: {  	[sflag:s23] =	ssyncset.done $0x0  }
0x40: {  	s13 =	rddreg [dreg:$0x9];
	[sflag:s23] =	ssyncadd.s32 $0xFFFFE000  }
0x41: {  	[spmem:s13] =	stream.linear.scatter [tilespmem:s22], [sflag:$0x5], $0x2000, $0x38;
	[tilespmem:$0x1D300] =	vst v63  }
0x42: {  	_ =	swait.ge [sflag:s23], $0x2000  }
0x43: {  	[sflag:s23] =	ssyncset.done $0x0  }
0x44: {  	[sflag:s23] =	ssyncadd.s32 $0xFFFFE000  }
0x45: {  	[bflag:$0x0] =	sbarrier.arrive $0xFFFF  }
0x46: {  	s10 =	simm.s32 $0x0;
	s12 =	simm.s32 $0x10000;
	s14 =	rddreg [dreg:$0xa]  }
0x47: {  	[tilespmem:s12], [sflag:$0x3] =	stream.linear.gather [hbm4b:s14+s10], $0x5000, $0x38;
	[tilespmem:$0x1D300] =	vst v63  }
0x48: {  	s16 =	simm.s32 $0x1A000;
	s15 =	rddreg [dreg:$0xb]  }
0x49: {  	[tilespmem:s16], [sflag:$0x3] =	stream.linear.gather [hbm4b:s15+s10], $0x140, $0x38;
	[tilespmem:$0x1D300] =	vst v63  }
0x4a: {  	s17 =	rddreg [dreg:$0xc]  }
0x4b: {  	[tilespmem:s26], [sflag:$0x4] =	stream.linear.gather [hbm4b:s17+s10], $0x5000, $0x38;
	[tilespmem:$0x1D300] =	vst v63  }
0x4c: {  	s20 =	rddreg [dreg:$0xd]  }
0x4d: {  	[tilespmem:s28], [sflag:$0x4] =	stream.linear.gather [hbm4b:s20+s10], $0x140, $0x38;
	[tilespmem:$0x1D300] =	vst v63  }
.LBB2_4:
0x4e: {  	_ =	swait.ge [sflag:s29], $0x5000  }
0x4f: {  	[sflag:s29] =	ssyncset.done $0x0  }
0x50: {  	[sflag:s29] =	ssyncadd.s32 $0xFFFFB000  }
0x51: {  	_ =	swait.ge [sflag:s29], $0x140  }
0x52: {  	[sflag:s29] =	ssyncset.done $0x0  }
0x53: {  	s11 =	simm.s32 $0x10040;
	[sflag:s29] =	ssyncadd.s32 $0xFFFFFEC0  }
0x54: {  	v3 =	vld [tilespmem:s11+$0xFFFFFFC0];
	_ =	sdelay $0x3  }
0x55: {  	v2 =	vld [tilespmem:$0x1A000]  }
0x56: {  	v3 =	vsub.s32 v3, v0  }
0x57: {  	vm0 =	vlt.u32 v3, $0x100000  }
0x58: {  	s12 =	simm.s32 $0x1A340;
	v3 =	vnsel vm0, $0xFFFFFFFF, v3  }
0x59: {  	s13 =	simm.s32 $0x1AB40;
	[tilespmem:s12+$0xFFFFFFC0] =	vst v3  }
0x5a: {  	[tilespmem:s13+$0xFFFFFFC0] =	vst v2  }
0x5b: {  	v3 =	vld [tilespmem:s11+$0xFFFFFFD0];
	_ =	sdelay $0x4  }
0x5c: {  	v3 =	vsub.s32 v3, v0  }
0x5d: {  	vm9 =	vlt.u32 v3, $0x100000  }
0x5e: {  	v3 =	vnsel vm9, $0xFFFFFFFF, v3  }
0x5f: {  	[tilespmem:s12+$0xFFFFFFD0] =	vst v3  }
0x60: {  	[tilespmem:s13+$0xFFFFFFD0] =	vst v2  }
0x61: {  	v3 =	vld [tilespmem:s11+$0xFFFFFFE0];
	_ =	sdelay $0x4  }
0x62: {  	v3 =	vsub.s32 v3, v0  }
0x63: {  	vm10 =	vlt.u32 v3, $0x100000  }
0x64: {  	v3 =	vnsel vm10, $0xFFFFFFFF, v3  }
0x65: {  	[tilespmem:s12+$0xFFFFFFE0] =	vst v3  }
0x66: {  	[tilespmem:s13+$0xFFFFFFE0] =	vst v2  }
0x67: {  	v3 =	vld [tilespmem:s11+$0xFFFFFFF0];
	_ =	sdelay $0x4  }
0x68: {  	v3 =	vsub.s32 v3, v0  }
0x69: {  	vm11 =	vlt.u32 v3, $0x100000  }
0x6a: {  	v3 =	vnsel vm11, $0xFFFFFFFF, v3  }
0x6b: {  	[tilespmem:s12+$0xFFFFFFF0] =	vst v3  }
0x6c: {  	[tilespmem:s13+$0xFFFFFFF0] =	vst v2  }
0x6d: {  	v3 =	vld [tilespmem:s11+$0x0];
	_ =	sdelay $0x4  }
0x6e: {  	v3 =	vsub.s32 v3, v0  }
0x6f: {  	vm12 =	vlt.u32 v3, $0x100000  }
0x70: {  	v3 =	vnsel vm12, $0xFFFFFFFF, v3  }
0x71: {  	[tilespmem:s12+$0x0] =	vst v3  }
0x72: {  	[tilespmem:s13+$0x0] =	vst v2  }
0x73: {  	v3 =	vld [tilespmem:s11+$0x10];
	_ =	sdelay $0x4  }
0x74: {  	v3 =	vsub.s32 v3, v0  }
0x75: {  	vm13 =	vlt.u32 v3, $0x100000  }
0x76: {  	v3 =	vnsel vm13, $0xFFFFFFFF, v3  }
0x77: {  	[tilespmem:s12+$0x10] =	vst v3  }
0x78: {  	[tilespmem:s13+$0x10] =	vst v2  }
0x79: {  	v3 =	vld [tilespmem:s11+$0x20];
	_ =	sdelay $0x4  }
0x7a: {  	v3 =	vsub.s32 v3, v0  }
0x7b: {  	vm14 =	vlt.u32 v3, $0x100000  }
0x7c: {  	v3 =	vnsel vm14, $0xFFFFFFFF, v3  }
0x7d: {  	[tilespmem:s12+$0x20] =	vst v3  }
0x7e: {  	[tilespmem:s13+$0x20] =	vst v2  }
0x7f: {  	v3 =	vld [tilespmem:s11+$0x30];
	_ =	sdelay $0x4  }
0x80: {  	v3 =	vsub.s32 v3, v0  }
0x81: {  	vm15 =	vlt.u32 v3, $0x100000  }
0x82: {  	v3 =	vnsel vm15, $0xFFFFFFFF, v3  }
0x83: {  	s14 =	simm.s32 $0x0;
	s15 =	simm.s32 $0x1ABC0;
	[tilespmem:s12+$0x30] =	vst v3  }
.LBB2_5:
0x84: {  	s14 =	sadd.s32 $0x8, s14;
	[tilespmem:s13+$0x30] =	vst v2;
	s11 =	sadd.s32 $0x80, s11;
	s12 =	sadd.s32 $0x80, s12  }
0x85: {  	s13 =	smov.u32 s15;
	v3 =	vld [tilespmem:s11+$0xFFFFFFC0];
	p0 =	slt.u32 s14, $0x38;
	_ =	sdelay $0x4  }
0x86: {  	v3 =	vsub.s32 v3, v0  }
0x87: {  	vm0 =	vlt.u32 v3, $0x100000  }
0x88: {  	v3 =	vnsel vm0, $0xFFFFFFFF, v3  }
0x89: {  	[tilespmem:s12+$0xFFFFFFC0] =	vst v3  }
0x8a: {  	[tilespmem:s15+$0xFFFFFFC0] =	vst v2  }
0x8b: {  	v3 =	vld [tilespmem:s11+$0xFFFFFFD0];
	_ =	sdelay $0x4  }
0x8c: {  	v3 =	vsub.s32 v3, v0  }
0x8d: {  	vm0 =	vlt.u32 v3, $0x100000  }
0x8e: {  	v3 =	vnsel vm0, $0xFFFFFFFF, v3  }
0x8f: {  	[tilespmem:s12+$0xFFFFFFD0] =	vst v3  }
0x90: {  	[tilespmem:s15+$0xFFFFFFD0] =	vst v2  }
0x91: {  	v3 =	vld [tilespmem:s11+$0xFFFFFFE0];
	_ =	sdelay $0x4  }
0x92: {  	v3 =	vsub.s32 v3, v0  }
0x93: {  	vm0 =	vlt.u32 v3, $0x100000  }
0x94: {  	v3 =	vnsel vm0, $0xFFFFFFFF, v3  }
0x95: {  	[tilespmem:s12+$0xFFFFFFE0] =	vst v3  }
0x96: {  	[tilespmem:s15+$0xFFFFFFE0] =	vst v2  }
0x97: {  	v3 =	vld [tilespmem:s11+$0xFFFFFFF0];
	_ =	sdelay $0x4  }
0x98: {  	v3 =	vsub.s32 v3, v0  }
0x99: {  	vm0 =	vlt.u32 v3, $0x100000  }
0x9a: {  	v3 =	vnsel vm0, $0xFFFFFFFF, v3  }
0x9b: {  	[tilespmem:s12+$0xFFFFFFF0] =	vst v3  }
0x9c: {  	[tilespmem:s15+$0xFFFFFFF0] =	vst v2  }
0x9d: {  	v3 =	vld [tilespmem:s11+$0x0];
	_ =	sdelay $0x4  }
0x9e: {  	v3 =	vsub.s32 v3, v0  }
0x9f: {  	vm0 =	vlt.u32 v3, $0x100000  }
0xa0: {  	v3 =	vnsel vm0, $0xFFFFFFFF, v3  }
0xa1: {  	[tilespmem:s12+$0x0] =	vst v3  }
0xa2: {  	[tilespmem:s15+$0x0] =	vst v2  }
0xa3: {  	v3 =	vld [tilespmem:s11+$0x10];
	_ =	sdelay $0x4  }
0xa4: {  	v3 =	vsub.s32 v3, v0  }
0xa5: {  	vm0 =	vlt.u32 v3, $0x100000  }
0xa6: {  	v3 =	vnsel vm0, $0xFFFFFFFF, v3  }
0xa7: {  	[tilespmem:s12+$0x10] =	vst v3  }
0xa8: {  	[tilespmem:s15+$0x10] =	vst v2  }
0xa9: {  	v3 =	vld [tilespmem:s11+$0x20];
	_ =	sdelay $0x4  }
0xaa: {  	v3 =	vsub.s32 v3, v0  }
0xab: {  	vm0 =	vlt.u32 v3, $0x100000  }
0xac: {  	v3 =	vnsel vm0, $0xFFFFFFFF, v3  }
0xad: {  	[tilespmem:s12+$0x20] =	vst v3  }
0xae: {  	[tilespmem:s15+$0x20] =	vst v2  }
0xaf: {  	v3 =	vld [tilespmem:s11+$0x30];
	_ =	sdelay $0x3  }
.Ltmp3:
0xb0: {  	(pc) =	sbr.rel @p0 .LBB2_5-.Ltmp3, $4  }
0xb1: {  	v3 =	vsub.s32 v3, v0  }
0xb2: {  	vm0 =	vlt.u32 v3, $0x100000  }
0xb3: {  	v3 =	vnsel vm0, $0xFFFFFFFF, v3  }
0xb4: {  	s15 =	sadd.s32 $0x80, s15;
	[tilespmem:s12+$0x30] =	vst v3  }
.Ltmp4:
0xb5: {  	(pc) =	sbr.rel .LBB2_7-.Ltmp4, $4  }
0xb6: {  	_ = 	snop  }
0xb7: {  	[tilespmem:s13+$0x30] =	vst v2;
	(ifvalue) =	ssetifvalue $0xFFFFFFFF  }
0xb8: {  	[spmem:s1] =	stream.indirect.scatter.add.f32 [tilespmem:s0], [sflag:$0x1], $0x1, s31, s30, $0x40b8;
	[tilespmem:$0x1D300] =	vst v63  }
0xb9: {  	s11 =	simm.s32 $0x0;
	s20 =	simm.s32 $0x10470;
	s13 =	simm.s32 $0x10870  }
.LBB2_12:
0xba: {  	[tilespmem:s14+$0x30] =	vst v2;
	(ifvalue) =	ssetifvalue $0xFFFFFFFF  }
0xbb: {  	[spmem:s1] =	stream.indirect.scatter.add.f32 [tilespmem:s0], [sflag:$0x1], $0x1, s31, s30, $0x40b8;
	[tilespmem:$0x1D300] =	vst v63  }
.LBB2_13:
0xbc: {  	s11 =	sadd.s32 $0x1, s11  }
0xbd: {  	p0 =	sne.s32 s11, $0xA  }
.Ltmp5:
0xbe: {  	_ = 	snop;
	(pc) =	sbr.rel @!p0 .LBB2_14-.Ltmp5, $4  }
0xbf: {  	_ = 	snop  }
0xc0: {  	_ =	swait.ge [sflag:s7], $0x400  }
0xc1: {  	[sflag:s7] =	ssyncset.done $0x0  }
0xc2: {  	s20 =	sadd.s32 $0x800, s20;
	s13 =	sadd.s32 $0x800, s13;
	[sflag:s7] =	ssyncadd.s32 $0xFFFFFC00  }
.LBB2_7:
0xc3: {  	v3 =	vld [tilespmem:s20+$0xFFFFFF90]  }
0xc4: {  	s12 =	sshll.u32 s11, $0x5  }
0xc5: {  	s12 =	sor.u32 $0x10, s12  }
0xc6: {  	s12 =	sand.u32 $0x3FFFFFF0, s12  }
0xc7: {  	v2 =	vld [tilespmem:s12+$0x1A000]  }
0xc8: {  	v3 =	vsub.s32 v3, v0  }
0xc9: {  	vm0 =	vlt.u32 v3, $0x100000  }
0xca: {  	s17 =	simm.s32 $0x1A740;
	v3 =	vnsel vm0, $0xFFFFFFFF, v3  }
0xcb: {  	s14 =	simm.s32 $0x1AF40;
	[tilespmem:s17+$0xFFFFFFC0] =	vst v3  }
0xcc: {  	[tilespmem:s14+$0xFFFFFFC0] =	vst v2  }
0xcd: {  	v3 =	vld [tilespmem:s20+$0xFFFFFFA0];
	_ =	sdelay $0x4  }
0xce: {  	v3 =	vsub.s32 v3, v0  }
0xcf: {  	vm9 =	vlt.u32 v3, $0x100000  }
0xd0: {  	v3 =	vnsel vm9, $0xFFFFFFFF, v3  }
0xd1: {  	[tilespmem:s17+$0xFFFFFFD0] =	vst v3  }
0xd2: {  	[tilespmem:s14+$0xFFFFFFD0] =	vst v2  }
0xd3: {  	v3 =	vld [tilespmem:s20+$0xFFFFFFB0];
	_ =	sdelay $0x4  }
0xd4: {  	v3 =	vsub.s32 v3, v0  }
0xd5: {  	vm10 =	vlt.u32 v3, $0x100000  }
0xd6: {  	v3 =	vnsel vm10, $0xFFFFFFFF, v3  }
0xd7: {  	[tilespmem:s17+$0xFFFFFFE0] =	vst v3  }
0xd8: {  	[tilespmem:s14+$0xFFFFFFE0] =	vst v2  }
0xd9: {  	v3 =	vld [tilespmem:s20+$0xFFFFFFC0];
	_ =	sdelay $0x4  }
0xda: {  	v3 =	vsub.s32 v3, v0  }
0xdb: {  	vm11 =	vlt.u32 v3, $0x100000  }
0xdc: {  	v3 =	vnsel vm11, $0xFFFFFFFF, v3  }
0xdd: {  	[tilespmem:s17+$0xFFFFFFF0] =	vst v3  }
0xde: {  	[tilespmem:s14+$0xFFFFFFF0] =	vst v2  }
0xdf: {  	v3 =	vld [tilespmem:s20+$0xFFFFFFD0];
	_ =	sdelay $0x4  }
0xe0: {  	v3 =	vsub.s32 v3, v0  }
0xe1: {  	vm12 =	vlt.u32 v3, $0x100000  }
0xe2: {  	v3 =	vnsel vm12, $0xFFFFFFFF, v3  }
0xe3: {  	[tilespmem:s17+$0x0] =	vst v3  }
0xe4: {  	[tilespmem:s14+$0x0] =	vst v2  }
0xe5: {  	v3 =	vld [tilespmem:s20+$0xFFFFFFE0];
	_ =	sdelay $0x4  }
0xe6: {  	v3 =	vsub.s32 v3, v0  }
0xe7: {  	vm13 =	vlt.u32 v3, $0x100000  }
0xe8: {  	v3 =	vnsel vm13, $0xFFFFFFFF, v3  }
0xe9: {  	[tilespmem:s17+$0x10] =	vst v3  }
0xea: {  	[tilespmem:s14+$0x10] =	vst v2  }
0xeb: {  	v3 =	vld [tilespmem:s20+$0xFFFFFFF0];
	_ =	sdelay $0x4  }
0xec: {  	v3 =	vsub.s32 v3, v0  }
0xed: {  	vm14 =	vlt.u32 v3, $0x100000  }
0xee: {  	v3 =	vnsel vm14, $0xFFFFFFFF, v3  }
0xef: {  	[tilespmem:s17+$0x20] =	vst v3  }
0xf0: {  	[tilespmem:s14+$0x20] =	vst v2  }
0xf1: {  	v3 =	vld [tilespmem:s20+$0x0];
	_ =	sdelay $0x4  }
0xf2: {  	v3 =	vsub.s32 v3, v0  }
0xf3: {  	vm15 =	vlt.u32 v3, $0x100000  }
0xf4: {  	s15 =	sshll.u32 s11, $0x1;
	v3 =	vnsel vm15, $0xFFFFFFFF, v3  }
0xf5: {  	s16 =	simm.s32 $0x0;
	s12 =	smov.u32 s20;
	[tilespmem:s17+$0x30] =	vst v3;
	s17 =	simm.s32 $0x1A7C0  }
.LBB2_8:
0xf6: {  	s16 =	sadd.s32 $0x8, s16;
	[tilespmem:s14+$0x30] =	vst v2;
	s12 =	sadd.s32 $0x80, s12;
	s14 =	sadd.s32 $0x80, s14  }
0xf7: {  	v3 =	vld [tilespmem:s12+$0xFFFFFF90];
	p0 =	slt.u32 s16, $0x38;
	_ =	sdelay $0x4  }
0xf8: {  	v3 =	vsub.s32 v3, v0  }
0xf9: {  	vm0 =	vlt.u32 v3, $0x100000  }
0xfa: {  	v3 =	vnsel vm0, $0xFFFFFFFF, v3  }
0xfb: {  	[tilespmem:s17+$0xFFFFFFC0] =	vst v3  }
0xfc: {  	[tilespmem:s14+$0xFFFFFFC0] =	vst v2  }
0xfd: {  	v3 =	vld [tilespmem:s12+$0xFFFFFFA0];
	_ =	sdelay $0x4  }
0xfe: {  	v3 =	vsub.s32 v3, v0  }
0xff: {  	vm0 =	vlt.u32 v3, $0x100000  }
0x100: {  	v3 =	vnsel vm0, $0xFFFFFFFF, v3  }
0x101: {  	[tilespmem:s17+$0xFFFFFFD0] =	vst v3  }
0x102: {  	[tilespmem:s14+$0xFFFFFFD0] =	vst v2  }
0x103: {  	v3 =	vld [tilespmem:s12+$0xFFFFFFB0];
	_ =	sdelay $0x4  }
0x104: {  	v3 =	vsub.s32 v3, v0  }
0x105: {  	vm0 =	vlt.u32 v3, $0x100000  }
0x106: {  	v3 =	vnsel vm0, $0xFFFFFFFF, v3  }
0x107: {  	[tilespmem:s17+$0xFFFFFFE0] =	vst v3  }
0x108: {  	[tilespmem:s14+$0xFFFFFFE0] =	vst v2  }
0x109: {  	v3 =	vld [tilespmem:s12+$0xFFFFFFC0];
	_ =	sdelay $0x4  }
0x10a: {  	v3 =	vsub.s32 v3, v0  }
0x10b: {  	vm0 =	vlt.u32 v3, $0x100000  }
0x10c: {  	v3 =	vnsel vm0, $0xFFFFFFFF, v3  }
0x10d: {  	[tilespmem:s17+$0xFFFFFFF0] =	vst v3  }
0x10e: {  	[tilespmem:s14+$0xFFFFFFF0] =	vst v2  }
0x10f: {  	v3 =	vld [tilespmem:s12+$0xFFFFFFD0];
	_ =	sdelay $0x4  }
0x110: {  	v3 =	vsub.s32 v3, v0  }
0x111: {  	vm0 =	vlt.u32 v3, $0x100000  }
0x112: {  	v3 =	vnsel vm0, $0xFFFFFFFF, v3  }
0x113: {  	[tilespmem:s17+$0x0] =	vst v3  }
0x114: {  	[tilespmem:s14+$0x0] =	vst v2  }
0x115: {  	v3 =	vld [tilespmem:s12+$0xFFFFFFE0];
	_ =	sdelay $0x4  }
0x116: {  	v3 =	vsub.s32 v3, v0  }
0x117: {  	vm0 =	vlt.u32 v3, $0x100000  }
0x118: {  	v3 =	vnsel vm0, $0xFFFFFFFF, v3  }
0x119: {  	[tilespmem:s17+$0x10] =	vst v3  }
0x11a: {  	[tilespmem:s14+$0x10] =	vst v2  }
0x11b: {  	v3 =	vld [tilespmem:s12+$0xFFFFFFF0];
	_ =	sdelay $0x4  }
0x11c: {  	v3 =	vsub.s32 v3, v0  }
0x11d: {  	vm0 =	vlt.u32 v3, $0x100000  }
0x11e: {  	v3 =	vnsel vm0, $0xFFFFFFFF, v3  }
0x11f: {  	[tilespmem:s17+$0x20] =	vst v3  }
0x120: {  	[tilespmem:s14+$0x20] =	vst v2  }
0x121: {  	v3 =	vld [tilespmem:s12+$0x0];
	_ =	sdelay $0x3  }
.Ltmp6:
0x122: {  	(pc) =	sbr.rel @p0 .LBB2_8-.Ltmp6, $4  }
0x123: {  	v3 =	vsub.s32 v3, v0  }
0x124: {  	vm0 =	vlt.u32 v3, $0x100000  }
0x125: {  	v3 =	vnsel vm0, $0xFFFFFFFF, v3  }
0x126: {  	[tilespmem:s17+$0x30] =	vst v3;
	s17 =	sadd.s32 $0x80, s17  }
0x127: {  	p0 =	seq.s32 s11, $0x9  }
.Ltmp7:
0x128: {  	[tilespmem:s14+$0x30] =	vst v2;
	(ifvalue) =	ssetifvalue $0xFFFFFFFF;
	(pc) =	sbr.rel @p0 .LBB2_13-.Ltmp7, $4  }
0x129: {  	[spmem:s1] =	stream.indirect.scatter.add.f32 [tilespmem:s25], [sflag:$0x2], $0x1, s24, s30, $0x40b8;
	[tilespmem:$0x1D300] =	vst v63  }
0x12a: {  	_ =	swait.ge [sflag:s2], $0x400  }
0x12b: {  	[sflag:s2] =	ssyncset.done $0x0  }
0x12c: {  	[sflag:s2] =	ssyncadd.s32 $0xFFFFFC00  }
0x12d: {  	v3 =	vld [tilespmem:s13+$0xFFFFFF90]  }
0x12e: {  	s12 =	sshll.u32 s15, $0x4  }
0x12f: {  	s12 =	sadd.s32 $0x20, s12  }
0x130: {  	s12 =	sand.u32 $0x3FFFFFF0, s12  }
0x131: {  	v2 =	vld [tilespmem:s12+$0x1A000]  }
0x132: {  	v3 =	vsub.s32 v3, v0  }
0x133: {  	vm0 =	vlt.u32 v3, $0x100000  }
0x134: {  	s17 =	simm.s32 $0x1A340;
	v3 =	vnsel vm0, $0xFFFFFFFF, v3  }
0x135: {  	s14 =	simm.s32 $0x1AB40;
	[tilespmem:s17+$0xFFFFFFC0] =	vst v3  }
0x136: {  	[tilespmem:s14+$0xFFFFFFC0] =	vst v2  }
0x137: {  	v3 =	vld [tilespmem:s13+$0xFFFFFFA0];
	_ =	sdelay $0x4  }
0x138: {  	v3 =	vsub.s32 v3, v0  }
0x139: {  	vm9 =	vlt.u32 v3, $0x100000  }
0x13a: {  	v3 =	vnsel vm9, $0xFFFFFFFF, v3  }
0x13b: {  	[tilespmem:s17+$0xFFFFFFD0] =	vst v3  }
0x13c: {  	[tilespmem:s14+$0xFFFFFFD0] =	vst v2  }
0x13d: {  	v3 =	vld [tilespmem:s13+$0xFFFFFFB0];
	_ =	sdelay $0x4  }
0x13e: {  	v3 =	vsub.s32 v3, v0  }
0x13f: {  	vm10 =	vlt.u32 v3, $0x100000  }
0x140: {  	v3 =	vnsel vm10, $0xFFFFFFFF, v3  }
0x141: {  	[tilespmem:s17+$0xFFFFFFE0] =	vst v3  }
0x142: {  	[tilespmem:s14+$0xFFFFFFE0] =	vst v2  }
0x143: {  	v3 =	vld [tilespmem:s13+$0xFFFFFFC0];
	_ =	sdelay $0x4  }
0x144: {  	v3 =	vsub.s32 v3, v0  }
0x145: {  	vm11 =	vlt.u32 v3, $0x100000  }
0x146: {  	v3 =	vnsel vm11, $0xFFFFFFFF, v3  }
0x147: {  	[tilespmem:s17+$0xFFFFFFF0] =	vst v3  }
0x148: {  	[tilespmem:s14+$0xFFFFFFF0] =	vst v2  }
0x149: {  	v3 =	vld [tilespmem:s13+$0xFFFFFFD0];
	_ =	sdelay $0x4  }
0x14a: {  	v3 =	vsub.s32 v3, v0  }
0x14b: {  	vm12 =	vlt.u32 v3, $0x100000  }
0x14c: {  	v3 =	vnsel vm12, $0xFFFFFFFF, v3  }
0x14d: {  	[tilespmem:s17+$0x0] =	vst v3  }
0x14e: {  	[tilespmem:s14+$0x0] =	vst v2  }
0x14f: {  	v3 =	vld [tilespmem:s13+$0xFFFFFFE0];
	_ =	sdelay $0x4  }
0x150: {  	v3 =	vsub.s32 v3, v0  }
0x151: {  	vm13 =	vlt.u32 v3, $0x100000  }
0x152: {  	v3 =	vnsel vm13, $0xFFFFFFFF, v3  }
0x153: {  	[tilespmem:s17+$0x10] =	vst v3  }
0x154: {  	[tilespmem:s14+$0x10] =	vst v2  }
0x155: {  	v3 =	vld [tilespmem:s13+$0xFFFFFFF0];
	_ =	sdelay $0x4  }
0x156: {  	v3 =	vsub.s32 v3, v0  }
0x157: {  	vm14 =	vlt.u32 v3, $0x100000  }
0x158: {  	v3 =	vnsel vm14, $0xFFFFFFFF, v3  }
0x159: {  	[tilespmem:s17+$0x20] =	vst v3  }
0x15a: {  	[tilespmem:s14+$0x20] =	vst v2  }
0x15b: {  	v3 =	vld [tilespmem:s13+$0x0];
	_ =	sdelay $0x4  }
0x15c: {  	v3 =	vsub.s32 v3, v0  }
0x15d: {  	vm15 =	vlt.u32 v3, $0x100000  }
0x15e: {  	v3 =	vnsel vm15, $0xFFFFFFFF, v3  }
0x15f: {  	s15 =	simm.s32 $0x0;
	s16 =	simm.s32 $0x1A3C0;
	s12 =	smov.u32 s13;
	[tilespmem:s17+$0x30] =	vst v3  }
.LBB2_11:
0x160: {  	s15 =	sadd.s32 $0x8, s15;
	[tilespmem:s14+$0x30] =	vst v2;
	s12 =	sadd.s32 $0x80, s12;
	s14 =	sadd.s32 $0x80, s14  }
0x161: {  	v3 =	vld [tilespmem:s12+$0xFFFFFF90];
	p0 =	slt.u32 s15, $0x38;
	_ =	sdelay $0x4  }
0x162: {  	v3 =	vsub.s32 v3, v0  }
0x163: {  	vm0 =	vlt.u32 v3, $0x100000  }
0x164: {  	v3 =	vnsel vm0, $0xFFFFFFFF, v3  }
0x165: {  	[tilespmem:s16+$0xFFFFFFC0] =	vst v3  }
0x166: {  	[tilespmem:s14+$0xFFFFFFC0] =	vst v2  }
0x167: {  	v3 =	vld [tilespmem:s12+$0xFFFFFFA0];
	_ =	sdelay $0x4  }
0x168: {  	v3 =	vsub.s32 v3, v0  }
0x169: {  	vm0 =	vlt.u32 v3, $0x100000  }
0x16a: {  	v3 =	vnsel vm0, $0xFFFFFFFF, v3  }
0x16b: {  	[tilespmem:s16+$0xFFFFFFD0] =	vst v3  }
0x16c: {  	[tilespmem:s14+$0xFFFFFFD0] =	vst v2  }
0x16d: {  	v3 =	vld [tilespmem:s12+$0xFFFFFFB0];
	_ =	sdelay $0x4  }
0x16e: {  	v3 =	vsub.s32 v3, v0  }
0x16f: {  	vm0 =	vlt.u32 v3, $0x100000  }
0x170: {  	v3 =	vnsel vm0, $0xFFFFFFFF, v3  }
0x171: {  	[tilespmem:s16+$0xFFFFFFE0] =	vst v3  }
0x172: {  	[tilespmem:s14+$0xFFFFFFE0] =	vst v2  }
0x173: {  	v3 =	vld [tilespmem:s12+$0xFFFFFFC0];
	_ =	sdelay $0x4  }
0x174: {  	v3 =	vsub.s32 v3, v0  }
0x175: {  	vm0 =	vlt.u32 v3, $0x100000  }
0x176: {  	v3 =	vnsel vm0, $0xFFFFFFFF, v3  }
0x177: {  	[tilespmem:s16+$0xFFFFFFF0] =	vst v3  }
0x178: {  	[tilespmem:s14+$0xFFFFFFF0] =	vst v2  }
0x179: {  	v3 =	vld [tilespmem:s12+$0xFFFFFFD0];
	_ =	sdelay $0x4  }
0x17a: {  	v3 =	vsub.s32 v3, v0  }
0x17b: {  	vm0 =	vlt.u32 v3, $0x100000  }
0x17c: {  	v3 =	vnsel vm0, $0xFFFFFFFF, v3  }
0x17d: {  	[tilespmem:s16+$0x0] =	vst v3  }
0x17e: {  	[tilespmem:s14+$0x0] =	vst v2  }
0x17f: {  	v3 =	vld [tilespmem:s12+$0xFFFFFFE0];
	_ =	sdelay $0x4  }
0x180: {  	v3 =	vsub.s32 v3, v0  }
0x181: {  	vm0 =	vlt.u32 v3, $0x100000  }
0x182: {  	v3 =	vnsel vm0, $0xFFFFFFFF, v3  }
0x183: {  	[tilespmem:s16+$0x10] =	vst v3  }
0x184: {  	[tilespmem:s14+$0x10] =	vst v2  }
0x185: {  	v3 =	vld [tilespmem:s12+$0xFFFFFFF0];
	_ =	sdelay $0x4  }
0x186: {  	v3 =	vsub.s32 v3, v0  }
0x187: {  	vm0 =	vlt.u32 v3, $0x100000  }
0x188: {  	v3 =	vnsel vm0, $0xFFFFFFFF, v3  }
0x189: {  	[tilespmem:s16+$0x20] =	vst v3  }
0x18a: {  	[tilespmem:s14+$0x20] =	vst v2  }
0x18b: {  	v3 =	vld [tilespmem:s12+$0x0];
	_ =	sdelay $0x3  }
.Ltmp8:
0x18c: {  	(pc) =	sbr.rel @p0 .LBB2_11-.Ltmp8, $4  }
0x18d: {  	v3 =	vsub.s32 v3, v0  }
0x18e: {  	vm0 =	vlt.u32 v3, $0x100000  }
0x18f: {  	v3 =	vnsel vm0, $0xFFFFFFFF, v3  }
0x190: {  	[tilespmem:s16+$0x30] =	vst v3;
	s16 =	sadd.s32 $0x80, s16  }
.Ltmp9:
0x191: {  	_ = 	snop;
	(pc) =	sbr.rel .LBB2_12-.Ltmp9, $1  }
0x192: {  	_ =	sdelay $0x3  }
.LBB2_14:
0x193: {  	p0 =	seq.s32 s10, $0x1D  }
0x194: {  	s11 =	smul.u32 @!p0 $0x280, s10;
	_ =	sdelay $0x1  }
0x195: {  	s11 =	sadd.s32 @!p0 s11, s18  }
0x196: {  	s13 =	simm.s32 @!p0 $0x0;
	s12 =	sshll.u32 @!p0 s11, $0x3  }
0x197: {  	s14 =	simm.s32 @!p0 $0x10000;
	s11 =	sshrl.u32 @!p0 s11, $0x3;
	s12 =	sadd.s32 @!p0 s5, s12  }
0x198: {  	[tilespmem:s14], [sflag:$0x3] =	stream.linear.gather @!p0 [hbm4b:s12+s13], $0x5000, $0x38;
	[tilespmem:$0x1D300] =	vst v63  }
0x199: {  	s11 =	sadd.s32 @!p0 s4, s11;
	s12 =	simm.s32 @!p0 $0x1A000  }
0x19a: {  	[tilespmem:s12], [sflag:$0x3] =	stream.linear.gather @!p0 [hbm4b:s11+s13], $0x140, $0x38;
	[tilespmem:$0x1D300] =	vst v63  }
0x19b: {  	_ =	swait.ge [sflag:s8], $0x5000  }
0x19c: {  	[sflag:s8] =	ssyncset.done $0x0  }
0x19d: {  	[sflag:s8] =	ssyncadd.s32 $0xFFFFB000  }
0x19e: {  	_ =	swait.ge [sflag:s8], $0x140  }
0x19f: {  	[sflag:s8] =	ssyncset.done $0x0  }
0x1a0: {  	s11 =	simm.s32 $0x15040;
	[sflag:s8] =	ssyncadd.s32 $0xFFFFFEC0  }
0x1a1: {  	v3 =	vld [tilespmem:s11+$0xFFFFFFC0];
	_ =	sdelay $0x3  }
0x1a2: {  	v2 =	vld [tilespmem:$0x1A180]  }
0x1a3: {  	v3 =	vsub.s32 v3, v0  }
0x1a4: {  	vm0 =	vlt.u32 v3, $0x100000  }
0x1a5: {  	s12 =	simm.s32 $0x1A340;
	v3 =	vnsel vm0, $0xFFFFFFFF, v3  }
0x1a6: {  	s13 =	simm.s32 $0x1AB40;
	[tilespmem:s12+$0xFFFFFFC0] =	vst v3  }
0x1a7: {  	[tilespmem:s13+$0xFFFFFFC0] =	vst v2  }
0x1a8: {  	v3 =	vld [tilespmem:s11+$0xFFFFFFD0];
	_ =	sdelay $0x4  }
0x1a9: {  	v3 =	vsub.s32 v3, v0  }
0x1aa: {  	vm9 =	vlt.u32 v3, $0x100000  }
0x1ab: {  	v3 =	vnsel vm9, $0xFFFFFFFF, v3  }
0x1ac: {  	[tilespmem:s12+$0xFFFFFFD0] =	vst v3  }
0x1ad: {  	[tilespmem:s13+$0xFFFFFFD0] =	vst v2  }
0x1ae: {  	v3 =	vld [tilespmem:s11+$0xFFFFFFE0];
	_ =	sdelay $0x4  }
0x1af: {  	v3 =	vsub.s32 v3, v0  }
0x1b0: {  	vm10 =	vlt.u32 v3, $0x100000  }
0x1b1: {  	v3 =	vnsel vm10, $0xFFFFFFFF, v3  }
0x1b2: {  	[tilespmem:s12+$0xFFFFFFE0] =	vst v3  }
0x1b3: {  	[tilespmem:s13+$0xFFFFFFE0] =	vst v2  }
0x1b4: {  	v3 =	vld [tilespmem:s11+$0xFFFFFFF0];
	_ =	sdelay $0x4  }
0x1b5: {  	v3 =	vsub.s32 v3, v0  }
0x1b6: {  	vm11 =	vlt.u32 v3, $0x100000  }
0x1b7: {  	v3 =	vnsel vm11, $0xFFFFFFFF, v3  }
0x1b8: {  	[tilespmem:s12+$0xFFFFFFF0] =	vst v3  }
0x1b9: {  	[tilespmem:s13+$0xFFFFFFF0] =	vst v2  }
0x1ba: {  	v3 =	vld [tilespmem:s11+$0x0];
	_ =	sdelay $0x4  }
0x1bb: {  	v3 =	vsub.s32 v3, v0  }
0x1bc: {  	vm12 =	vlt.u32 v3, $0x100000  }
0x1bd: {  	v3 =	vnsel vm12, $0xFFFFFFFF, v3  }
0x1be: {  	[tilespmem:s12+$0x0] =	vst v3  }
0x1bf: {  	[tilespmem:s13+$0x0] =	vst v2  }
0x1c0: {  	v3 =	vld [tilespmem:s11+$0x10];
	_ =	sdelay $0x4  }
0x1c1: {  	v3 =	vsub.s32 v3, v0  }
0x1c2: {  	vm13 =	vlt.u32 v3, $0x100000  }
0x1c3: {  	v3 =	vnsel vm13, $0xFFFFFFFF, v3  }
0x1c4: {  	[tilespmem:s12+$0x10] =	vst v3  }
0x1c5: {  	[tilespmem:s13+$0x10] =	vst v2  }
0x1c6: {  	v3 =	vld [tilespmem:s11+$0x20];
	_ =	sdelay $0x4  }
0x1c7: {  	v3 =	vsub.s32 v3, v0  }
0x1c8: {  	vm14 =	vlt.u32 v3, $0x100000  }
0x1c9: {  	v3 =	vnsel vm14, $0xFFFFFFFF, v3  }
0x1ca: {  	[tilespmem:s12+$0x20] =	vst v3  }
0x1cb: {  	[tilespmem:s13+$0x20] =	vst v2  }
0x1cc: {  	v3 =	vld [tilespmem:s11+$0x30];
	_ =	sdelay $0x4  }
0x1cd: {  	v3 =	vsub.s32 v3, v0  }
0x1ce: {  	vm15 =	vlt.u32 v3, $0x100000  }
0x1cf: {  	v3 =	vnsel vm15, $0xFFFFFFFF, v3  }
0x1d0: {  	s15 =	simm.s32 $0x1ABC0;
	s14 =	simm.s32 $0x0;
	[tilespmem:s12+$0x30] =	vst v3  }
.LBB2_15:
0x1d1: {  	s14 =	sadd.s32 $0x8, s14;
	[tilespmem:s13+$0x30] =	vst v2;
	s11 =	sadd.s32 $0x80, s11;
	s12 =	sadd.s32 $0x80, s12  }
0x1d2: {  	s13 =	smov.u32 s15;
	v3 =	vld [tilespmem:s11+$0xFFFFFFC0];
	p1 =	slt.u32 s14, $0x38;
	_ =	sdelay $0x4  }
0x1d3: {  	v3 =	vsub.s32 v3, v0  }
0x1d4: {  	vm0 =	vlt.u32 v3, $0x100000  }
0x1d5: {  	v3 =	vnsel vm0, $0xFFFFFFFF, v3  }
0x1d6: {  	[tilespmem:s12+$0xFFFFFFC0] =	vst v3  }
0x1d7: {  	[tilespmem:s15+$0xFFFFFFC0] =	vst v2  }
0x1d8: {  	v3 =	vld [tilespmem:s11+$0xFFFFFFD0];
	_ =	sdelay $0x4  }
0x1d9: {  	v3 =	vsub.s32 v3, v0  }
0x1da: {  	vm0 =	vlt.u32 v3, $0x100000  }
0x1db: {  	v3 =	vnsel vm0, $0xFFFFFFFF, v3  }
0x1dc: {  	[tilespmem:s12+$0xFFFFFFD0] =	vst v3  }
0x1dd: {  	[tilespmem:s15+$0xFFFFFFD0] =	vst v2  }
0x1de: {  	v3 =	vld [tilespmem:s11+$0xFFFFFFE0];
	_ =	sdelay $0x4  }
0x1df: {  	v3 =	vsub.s32 v3, v0  }
0x1e0: {  	vm0 =	vlt.u32 v3, $0x100000  }
0x1e1: {  	v3 =	vnsel vm0, $0xFFFFFFFF, v3  }
0x1e2: {  	[tilespmem:s12+$0xFFFFFFE0] =	vst v3  }
0x1e3: {  	[tilespmem:s15+$0xFFFFFFE0] =	vst v2  }
0x1e4: {  	v3 =	vld [tilespmem:s11+$0xFFFFFFF0];
	_ =	sdelay $0x4  }
0x1e5: {  	v3 =	vsub.s32 v3, v0  }
0x1e6: {  	vm0 =	vlt.u32 v3, $0x100000  }
0x1e7: {  	v3 =	vnsel vm0, $0xFFFFFFFF, v3  }
0x1e8: {  	[tilespmem:s12+$0xFFFFFFF0] =	vst v3  }
0x1e9: {  	[tilespmem:s15+$0xFFFFFFF0] =	vst v2  }
0x1ea: {  	v3 =	vld [tilespmem:s11+$0x0];
	_ =	sdelay $0x4  }
0x1eb: {  	v3 =	vsub.s32 v3, v0  }
0x1ec: {  	vm0 =	vlt.u32 v3, $0x100000  }
0x1ed: {  	v3 =	vnsel vm0, $0xFFFFFFFF, v3  }
0x1ee: {  	[tilespmem:s12+$0x0] =	vst v3  }
0x1ef: {  	[tilespmem:s15+$0x0] =	vst v2  }
0x1f0: {  	v3 =	vld [tilespmem:s11+$0x10];
	_ =	sdelay $0x4  }
0x1f1: {  	v3 =	vsub.s32 v3, v0  }
0x1f2: {  	vm0 =	vlt.u32 v3, $0x100000  }
0x1f3: {  	v3 =	vnsel vm0, $0xFFFFFFFF, v3  }
0x1f4: {  	[tilespmem:s12+$0x10] =	vst v3  }
0x1f5: {  	[tilespmem:s15+$0x10] =	vst v2  }
0x1f6: {  	v3 =	vld [tilespmem:s11+$0x20];
	_ =	sdelay $0x4  }
0x1f7: {  	v3 =	vsub.s32 v3, v0  }
0x1f8: {  	vm0 =	vlt.u32 v3, $0x100000  }
0x1f9: {  	v3 =	vnsel vm0, $0xFFFFFFFF, v3  }
0x1fa: {  	[tilespmem:s12+$0x20] =	vst v3  }
0x1fb: {  	[tilespmem:s15+$0x20] =	vst v2  }
0x1fc: {  	v3 =	vld [tilespmem:s11+$0x30];
	_ =	sdelay $0x3  }
.Ltmp10:
0x1fd: {  	(pc) =	sbr.rel @p1 .LBB2_15-.Ltmp10, $4  }
0x1fe: {  	v3 =	vsub.s32 v3, v0  }
0x1ff: {  	vm0 =	vlt.u32 v3, $0x100000  }
0x200: {  	v3 =	vnsel vm0, $0xFFFFFFFF, v3  }
0x201: {  	s15 =	sadd.s32 $0x80, s15;
	[tilespmem:s12+$0x30] =	vst v3  }
.Ltmp11:
0x202: {  	(pc) =	sbr.rel .LBB2_17-.Ltmp11, $4  }
0x203: {  	_ = 	snop  }
0x204: {  	[tilespmem:s13+$0x30] =	vst v2;
	(ifvalue) =	ssetifvalue $0xFFFFFFFF  }
0x205: {  	[spmem:s1] =	stream.indirect.scatter.add.f32 [tilespmem:s0], [sflag:$0x1], $0x1, s31, s30, $0x40b8;
	[tilespmem:$0x1D300] =	vst v63  }
0x206: {  	s11 =	simm.s32 $0x0;
	s12 =	simm.s32 $0x15470;
	s13 =	simm.s32 $0x15870  }
.LBB2_22:
0x207: {  	[tilespmem:s14+$0x30] =	vst v2;
	(ifvalue) =	ssetifvalue $0xFFFFFFFF  }
0x208: {  	[spmem:s1] =	stream.indirect.scatter.add.f32 [tilespmem:s0], [sflag:$0x1], $0x1, s31, s30, $0x40b8;
	[tilespmem:$0x1D300] =	vst v63  }
.LBB2_23:
0x209: {  	s11 =	sadd.s32 $0x1, s11  }
0x20a: {  	p1 =	sne.s32 s11, $0xA  }
.Ltmp12:
0x20b: {  	_ = 	snop;
	(pc) =	sbr.rel @!p1 .LBB2_24-.Ltmp12, $4  }
0x20c: {  	_ = 	snop  }
0x20d: {  	_ =	swait.ge [sflag:s7], $0x400  }
0x20e: {  	[sflag:s7] =	ssyncset.done $0x0  }
0x20f: {  	s12 =	sadd.s32 $0x800, s12;
	s13 =	sadd.s32 $0x800, s13;
	[sflag:s7] =	ssyncadd.s32 $0xFFFFFC00  }
.LBB2_17:
0x210: {  	v3 =	vld [tilespmem:s12+$0xFFFFFF90]  }
0x211: {  	s14 =	sshll.u32 s11, $0x5  }
0x212: {  	s14 =	sor.u32 $0x10, s14  }
0x213: {  	s14 =	sand.u32 $0x3FFFFFF0, s14  }
0x214: {  	v2 =	vld [tilespmem:s14+$0x1A180]  }
0x215: {  	v3 =	vsub.s32 v3, v0  }
0x216: {  	vm0 =	vlt.u32 v3, $0x100000  }
0x217: {  	s17 =	simm.s32 $0x1A740;
	v3 =	vnsel vm0, $0xFFFFFFFF, v3  }
0x218: {  	s14 =	simm.s32 $0x1AF40;
	[tilespmem:s17+$0xFFFFFFC0] =	vst v3  }
0x219: {  	[tilespmem:s14+$0xFFFFFFC0] =	vst v2  }
0x21a: {  	v3 =	vld [tilespmem:s12+$0xFFFFFFA0];
	_ =	sdelay $0x4  }
0x21b: {  	v3 =	vsub.s32 v3, v0  }
0x21c: {  	vm9 =	vlt.u32 v3, $0x100000  }
0x21d: {  	v3 =	vnsel vm9, $0xFFFFFFFF, v3  }
0x21e: {  	[tilespmem:s17+$0xFFFFFFD0] =	vst v3  }
0x21f: {  	[tilespmem:s14+$0xFFFFFFD0] =	vst v2  }
0x220: {  	v3 =	vld [tilespmem:s12+$0xFFFFFFB0];
	_ =	sdelay $0x4  }
0x221: {  	v3 =	vsub.s32 v3, v0  }
0x222: {  	vm10 =	vlt.u32 v3, $0x100000  }
0x223: {  	v3 =	vnsel vm10, $0xFFFFFFFF, v3  }
0x224: {  	[tilespmem:s17+$0xFFFFFFE0] =	vst v3  }
0x225: {  	[tilespmem:s14+$0xFFFFFFE0] =	vst v2  }
0x226: {  	v3 =	vld [tilespmem:s12+$0xFFFFFFC0];
	_ =	sdelay $0x4  }
0x227: {  	v3 =	vsub.s32 v3, v0  }
0x228: {  	vm11 =	vlt.u32 v3, $0x100000  }
0x229: {  	v3 =	vnsel vm11, $0xFFFFFFFF, v3  }
0x22a: {  	[tilespmem:s17+$0xFFFFFFF0] =	vst v3  }
0x22b: {  	[tilespmem:s14+$0xFFFFFFF0] =	vst v2  }
0x22c: {  	v3 =	vld [tilespmem:s12+$0xFFFFFFD0];
	_ =	sdelay $0x4  }
0x22d: {  	v3 =	vsub.s32 v3, v0  }
0x22e: {  	vm12 =	vlt.u32 v3, $0x100000  }
0x22f: {  	v3 =	vnsel vm12, $0xFFFFFFFF, v3  }
0x230: {  	[tilespmem:s17+$0x0] =	vst v3  }
0x231: {  	[tilespmem:s14+$0x0] =	vst v2  }
0x232: {  	v3 =	vld [tilespmem:s12+$0xFFFFFFE0];
	_ =	sdelay $0x4  }
0x233: {  	v3 =	vsub.s32 v3, v0  }
0x234: {  	vm13 =	vlt.u32 v3, $0x100000  }
0x235: {  	v3 =	vnsel vm13, $0xFFFFFFFF, v3  }
0x236: {  	[tilespmem:s17+$0x10] =	vst v3  }
0x237: {  	[tilespmem:s14+$0x10] =	vst v2  }
0x238: {  	v3 =	vld [tilespmem:s12+$0xFFFFFFF0];
	_ =	sdelay $0x4  }
0x239: {  	v3 =	vsub.s32 v3, v0  }
0x23a: {  	vm14 =	vlt.u32 v3, $0x100000  }
0x23b: {  	v3 =	vnsel vm14, $0xFFFFFFFF, v3  }
0x23c: {  	[tilespmem:s17+$0x20] =	vst v3  }
0x23d: {  	[tilespmem:s14+$0x20] =	vst v2  }
0x23e: {  	v3 =	vld [tilespmem:s12+$0x0];
	_ =	sdelay $0x4  }
0x23f: {  	v3 =	vsub.s32 v3, v0  }
0x240: {  	vm15 =	vlt.u32 v3, $0x100000  }
0x241: {  	s15 =	sshll.u32 s11, $0x1;
	v3 =	vnsel vm15, $0xFFFFFFFF, v3  }
0x242: {  	s16 =	simm.s32 $0x0;
	s20 =	smov.u32 s12;
	[tilespmem:s17+$0x30] =	vst v3;
	s17 =	simm.s32 $0x1A7C0  }
.LBB2_18:
0x243: {  	s16 =	sadd.s32 $0x8, s16;
	[tilespmem:s14+$0x30] =	vst v2;
	s20 =	sadd.s32 $0x80, s20;
	s14 =	sadd.s32 $0x80, s14  }
0x244: {  	v3 =	vld [tilespmem:s20+$0xFFFFFF90];
	p1 =	slt.u32 s16, $0x38;
	_ =	sdelay $0x4  }
0x245: {  	v3 =	vsub.s32 v3, v0  }
0x246: {  	vm0 =	vlt.u32 v3, $0x100000  }
0x247: {  	v3 =	vnsel vm0, $0xFFFFFFFF, v3  }
0x248: {  	[tilespmem:s17+$0xFFFFFFC0] =	vst v3  }
0x249: {  	[tilespmem:s14+$0xFFFFFFC0] =	vst v2  }
0x24a: {  	v3 =	vld [tilespmem:s20+$0xFFFFFFA0];
	_ =	sdelay $0x4  }
0x24b: {  	v3 =	vsub.s32 v3, v0  }
0x24c: {  	vm0 =	vlt.u32 v3, $0x100000  }
0x24d: {  	v3 =	vnsel vm0, $0xFFFFFFFF, v3  }
0x24e: {  	[tilespmem:s17+$0xFFFFFFD0] =	vst v3  }
0x24f: {  	[tilespmem:s14+$0xFFFFFFD0] =	vst v2  }
0x250: {  	v3 =	vld [tilespmem:s20+$0xFFFFFFB0];
	_ =	sdelay $0x4  }
0x251: {  	v3 =	vsub.s32 v3, v0  }
0x252: {  	vm0 =	vlt.u32 v3, $0x100000  }
0x253: {  	v3 =	vnsel vm0, $0xFFFFFFFF, v3  }
0x254: {  	[tilespmem:s17+$0xFFFFFFE0] =	vst v3  }
0x255: {  	[tilespmem:s14+$0xFFFFFFE0] =	vst v2  }
0x256: {  	v3 =	vld [tilespmem:s20+$0xFFFFFFC0];
	_ =	sdelay $0x4  }
0x257: {  	v3 =	vsub.s32 v3, v0  }
0x258: {  	vm0 =	vlt.u32 v3, $0x100000  }
0x259: {  	v3 =	vnsel vm0, $0xFFFFFFFF, v3  }
0x25a: {  	[tilespmem:s17+$0xFFFFFFF0] =	vst v3  }
0x25b: {  	[tilespmem:s14+$0xFFFFFFF0] =	vst v2  }
0x25c: {  	v3 =	vld [tilespmem:s20+$0xFFFFFFD0];
	_ =	sdelay $0x4  }
0x25d: {  	v3 =	vsub.s32 v3, v0  }
0x25e: {  	vm0 =	vlt.u32 v3, $0x100000  }
0x25f: {  	v3 =	vnsel vm0, $0xFFFFFFFF, v3  }
0x260: {  	[tilespmem:s17+$0x0] =	vst v3  }
0x261: {  	[tilespmem:s14+$0x0] =	vst v2  }
0x262: {  	v3 =	vld [tilespmem:s20+$0xFFFFFFE0];
	_ =	sdelay $0x4  }
0x263: {  	v3 =	vsub.s32 v3, v0  }
0x264: {  	vm0 =	vlt.u32 v3, $0x100000  }
0x265: {  	v3 =	vnsel vm0, $0xFFFFFFFF, v3  }
0x266: {  	[tilespmem:s17+$0x10] =	vst v3  }
0x267: {  	[tilespmem:s14+$0x10] =	vst v2  }
0x268: {  	v3 =	vld [tilespmem:s20+$0xFFFFFFF0];
	_ =	sdelay $0x4  }
0x269: {  	v3 =	vsub.s32 v3, v0  }
0x26a: {  	vm0 =	vlt.u32 v3, $0x100000  }
0x26b: {  	v3 =	vnsel vm0, $0xFFFFFFFF, v3  }
0x26c: {  	[tilespmem:s17+$0x20] =	vst v3  }
0x26d: {  	[tilespmem:s14+$0x20] =	vst v2  }
0x26e: {  	v3 =	vld [tilespmem:s20+$0x0];
	_ =	sdelay $0x3  }
.Ltmp13:
0x26f: {  	(pc) =	sbr.rel @p1 .LBB2_18-.Ltmp13, $4  }
0x270: {  	v3 =	vsub.s32 v3, v0  }
0x271: {  	vm0 =	vlt.u32 v3, $0x100000  }
0x272: {  	v3 =	vnsel vm0, $0xFFFFFFFF, v3  }
0x273: {  	[tilespmem:s17+$0x30] =	vst v3;
	s17 =	sadd.s32 $0x80, s17  }
0x274: {  	p1 =	seq.s32 s11, $0x9  }
.Ltmp14:
0x275: {  	[tilespmem:s14+$0x30] =	vst v2;
	(ifvalue) =	ssetifvalue $0xFFFFFFFF;
	(pc) =	sbr.rel @p1 .LBB2_23-.Ltmp14, $4  }
0x276: {  	[spmem:s1] =	stream.indirect.scatter.add.f32 [tilespmem:s25], [sflag:$0x2], $0x1, s24, s30, $0x40b8;
	[tilespmem:$0x1D300] =	vst v63  }
0x277: {  	_ =	swait.ge [sflag:s2], $0x400  }
0x278: {  	[sflag:s2] =	ssyncset.done $0x0  }
0x279: {  	[sflag:s2] =	ssyncadd.s32 $0xFFFFFC00  }
0x27a: {  	v3 =	vld [tilespmem:s13+$0xFFFFFF90]  }
0x27b: {  	s14 =	sshll.u32 s15, $0x4  }
0x27c: {  	s14 =	sadd.s32 $0x20, s14  }
0x27d: {  	s14 =	sand.u32 $0x3FFFFFF0, s14  }
0x27e: {  	v2 =	vld [tilespmem:s14+$0x1A180]  }
0x27f: {  	v3 =	vsub.s32 v3, v0  }
0x280: {  	vm0 =	vlt.u32 v3, $0x100000  }
0x281: {  	s16 =	simm.s32 $0x1A340;
	v3 =	vnsel vm0, $0xFFFFFFFF, v3  }
0x282: {  	s14 =	simm.s32 $0x1AB40;
	[tilespmem:s16+$0xFFFFFFC0] =	vst v3  }
0x283: {  	[tilespmem:s14+$0xFFFFFFC0] =	vst v2  }
0x284: {  	v3 =	vld [tilespmem:s13+$0xFFFFFFA0];
	_ =	sdelay $0x4  }
0x285: {  	v3 =	vsub.s32 v3, v0  }
0x286: {  	vm9 =	vlt.u32 v3, $0x100000  }
0x287: {  	v3 =	vnsel vm9, $0xFFFFFFFF, v3  }
0x288: {  	[tilespmem:s16+$0xFFFFFFD0] =	vst v3  }
0x289: {  	[tilespmem:s14+$0xFFFFFFD0] =	vst v2  }
0x28a: {  	v3 =	vld [tilespmem:s13+$0xFFFFFFB0];
	_ =	sdelay $0x4  }
0x28b: {  	v3 =	vsub.s32 v3, v0  }
0x28c: {  	vm10 =	vlt.u32 v3, $0x100000  }
0x28d: {  	v3 =	vnsel vm10, $0xFFFFFFFF, v3  }
0x28e: {  	[tilespmem:s16+$0xFFFFFFE0] =	vst v3  }
0x28f: {  	[tilespmem:s14+$0xFFFFFFE0] =	vst v2  }
0x290: {  	v3 =	vld [tilespmem:s13+$0xFFFFFFC0];
	_ =	sdelay $0x4  }
0x291: {  	v3 =	vsub.s32 v3, v0  }
0x292: {  	vm11 =	vlt.u32 v3, $0x100000  }
0x293: {  	v3 =	vnsel vm11, $0xFFFFFFFF, v3  }
0x294: {  	[tilespmem:s16+$0xFFFFFFF0] =	vst v3  }
0x295: {  	[tilespmem:s14+$0xFFFFFFF0] =	vst v2  }
0x296: {  	v3 =	vld [tilespmem:s13+$0xFFFFFFD0];
	_ =	sdelay $0x4  }
0x297: {  	v3 =	vsub.s32 v3, v0  }
0x298: {  	vm12 =	vlt.u32 v3, $0x100000  }
0x299: {  	v3 =	vnsel vm12, $0xFFFFFFFF, v3  }
0x29a: {  	[tilespmem:s16+$0x0] =	vst v3  }
0x29b: {  	[tilespmem:s14+$0x0] =	vst v2  }
0x29c: {  	v3 =	vld [tilespmem:s13+$0xFFFFFFE0];
	_ =	sdelay $0x4  }
0x29d: {  	v3 =	vsub.s32 v3, v0  }
0x29e: {  	vm13 =	vlt.u32 v3, $0x100000  }
0x29f: {  	v3 =	vnsel vm13, $0xFFFFFFFF, v3  }
0x2a0: {  	[tilespmem:s16+$0x10] =	vst v3  }
0x2a1: {  	[tilespmem:s14+$0x10] =	vst v2  }
0x2a2: {  	v3 =	vld [tilespmem:s13+$0xFFFFFFF0];
	_ =	sdelay $0x4  }
0x2a3: {  	v3 =	vsub.s32 v3, v0  }
0x2a4: {  	vm14 =	vlt.u32 v3, $0x100000  }
0x2a5: {  	v3 =	vnsel vm14, $0xFFFFFFFF, v3  }
0x2a6: {  	[tilespmem:s16+$0x20] =	vst v3  }
0x2a7: {  	[tilespmem:s14+$0x20] =	vst v2  }
0x2a8: {  	v3 =	vld [tilespmem:s13+$0x0];
	_ =	sdelay $0x4  }
0x2a9: {  	v3 =	vsub.s32 v3, v0  }
0x2aa: {  	vm15 =	vlt.u32 v3, $0x100000  }
0x2ab: {  	v3 =	vnsel vm15, $0xFFFFFFFF, v3  }
0x2ac: {  	s15 =	simm.s32 $0x0;
	s17 =	smov.u32 s13;
	[tilespmem:s16+$0x30] =	vst v3;
	s16 =	simm.s32 $0x1A3C0  }
.LBB2_21:
0x2ad: {  	s15 =	sadd.s32 $0x8, s15;
	[tilespmem:s14+$0x30] =	vst v2;
	s17 =	sadd.s32 $0x80, s17;
	s14 =	sadd.s32 $0x80, s14  }
0x2ae: {  	v3 =	vld [tilespmem:s17+$0xFFFFFF90];
	p1 =	slt.u32 s15, $0x38;
	_ =	sdelay $0x4  }
0x2af: {  	v3 =	vsub.s32 v3, v0  }
0x2b0: {  	vm0 =	vlt.u32 v3, $0x100000  }
0x2b1: {  	v3 =	vnsel vm0, $0xFFFFFFFF, v3  }
0x2b2: {  	[tilespmem:s16+$0xFFFFFFC0] =	vst v3  }
0x2b3: {  	[tilespmem:s14+$0xFFFFFFC0] =	vst v2  }
0x2b4: {  	v3 =	vld [tilespmem:s17+$0xFFFFFFA0];
	_ =	sdelay $0x4  }
0x2b5: {  	v3 =	vsub.s32 v3, v0  }
0x2b6: {  	vm0 =	vlt.u32 v3, $0x100000  }
0x2b7: {  	v3 =	vnsel vm0, $0xFFFFFFFF, v3  }
0x2b8: {  	[tilespmem:s16+$0xFFFFFFD0] =	vst v3  }
0x2b9: {  	[tilespmem:s14+$0xFFFFFFD0] =	vst v2  }
0x2ba: {  	v3 =	vld [tilespmem:s17+$0xFFFFFFB0];
	_ =	sdelay $0x4  }
0x2bb: {  	v3 =	vsub.s32 v3, v0  }
0x2bc: {  	vm0 =	vlt.u32 v3, $0x100000  }
0x2bd: {  	v3 =	vnsel vm0, $0xFFFFFFFF, v3  }
0x2be: {  	[tilespmem:s16+$0xFFFFFFE0] =	vst v3  }
0x2bf: {  	[tilespmem:s14+$0xFFFFFFE0] =	vst v2  }
0x2c0: {  	v3 =	vld [tilespmem:s17+$0xFFFFFFC0];
	_ =	sdelay $0x4  }
0x2c1: {  	v3 =	vsub.s32 v3, v0  }
0x2c2: {  	vm0 =	vlt.u32 v3, $0x100000  }
0x2c3: {  	v3 =	vnsel vm0, $0xFFFFFFFF, v3  }
0x2c4: {  	[tilespmem:s16+$0xFFFFFFF0] =	vst v3  }
0x2c5: {  	[tilespmem:s14+$0xFFFFFFF0] =	vst v2  }
0x2c6: {  	v3 =	vld [tilespmem:s17+$0xFFFFFFD0];
	_ =	sdelay $0x4  }
0x2c7: {  	v3 =	vsub.s32 v3, v0  }
0x2c8: {  	vm0 =	vlt.u32 v3, $0x100000  }
0x2c9: {  	v3 =	vnsel vm0, $0xFFFFFFFF, v3  }
0x2ca: {  	[tilespmem:s16+$0x0] =	vst v3  }
0x2cb: {  	[tilespmem:s14+$0x0] =	vst v2  }
0x2cc: {  	v3 =	vld [tilespmem:s17+$0xFFFFFFE0];
	_ =	sdelay $0x4  }
0x2cd: {  	v3 =	vsub.s32 v3, v0  }
0x2ce: {  	vm0 =	vlt.u32 v3, $0x100000  }
0x2cf: {  	v3 =	vnsel vm0, $0xFFFFFFFF, v3  }
0x2d0: {  	[tilespmem:s16+$0x10] =	vst v3  }
0x2d1: {  	[tilespmem:s14+$0x10] =	vst v2  }
0x2d2: {  	v3 =	vld [tilespmem:s17+$0xFFFFFFF0];
	_ =	sdelay $0x4  }
0x2d3: {  	v3 =	vsub.s32 v3, v0  }
0x2d4: {  	vm0 =	vlt.u32 v3, $0x100000  }
0x2d5: {  	v3 =	vnsel vm0, $0xFFFFFFFF, v3  }
0x2d6: {  	[tilespmem:s16+$0x20] =	vst v3  }
0x2d7: {  	[tilespmem:s14+$0x20] =	vst v2  }
0x2d8: {  	v3 =	vld [tilespmem:s17+$0x0];
	_ =	sdelay $0x3  }
.Ltmp15:
0x2d9: {  	(pc) =	sbr.rel @p1 .LBB2_21-.Ltmp15, $4  }
0x2da: {  	v3 =	vsub.s32 v3, v0  }
0x2db: {  	vm0 =	vlt.u32 v3, $0x100000  }
0x2dc: {  	v3 =	vnsel vm0, $0xFFFFFFFF, v3  }
0x2dd: {  	[tilespmem:s16+$0x30] =	vst v3;
	s16 =	sadd.s32 $0x80, s16  }
.Ltmp16:
0x2de: {  	_ = 	snop;
	(pc) =	sbr.rel .LBB2_22-.Ltmp16, $1  }
0x2df: {  	_ =	sdelay $0x3  }
.LBB2_24:
.Ltmp17:
0x2e0: {  	(pc) =	sbr.rel @p0 .LBB2_26-.Ltmp17, $1  }
0x2e1: {  	_ =	sdelay $0x3  }
0x2e2: {  	s11 =	smul.u32 $0x280, s10;
	_ =	sdelay $0x1  }
0x2e3: {  	s11 =	sadd.s32 s11, s19  }
.Ltmp18:
0x2e4: {  	s12 =	sshll.u32 s11, $0x3;
	(pc) =	sbr.rel .LBB2_4-.Ltmp18, $4  }
0x2e5: {  	s11 =	sshrl.u32 s11, $0x3;
	s12 =	sadd.s32 s5, s12  }
0x2e6: {  	[tilespmem:s26], [sflag:$0x4] =	stream.linear.gather [hbm4b:s12+s3], $0x5000, $0x38;
	[tilespmem:$0x1D300] =	vst v63  }
0x2e7: {  	s10 =	sadd.s32 $0x1, s10;
	s11 =	sadd.s32 s4, s11  }
0x2e8: {  	[tilespmem:s28], [sflag:$0x4] =	stream.linear.gather [hbm4b:s11+s3], $0x140, $0x38;
	[tilespmem:$0x1D300] =	vst v63  }
.LBB2_27:
0x2e9: {  	_ =	sfence.sel $0x180000  }
0x2ea: {  	[bflag:$0x0] =	sbarrier.arrive $0xFFFF  }
0x2eb: {  	_ =	strace $0x9000004A  }
0x2ec: {  	s0 =	stileid.u32;
	[bflag:$0x2] =	sbarrier.arrive $0xFFFF  }
0x2ed: {  	p0 =	sne.s32 s0, $0x0;
	s0 =	rddreg [dreg:$0x2]  }
0x2ee: {  	s0 =	sadd.s32 @!p0 $0x100000, s0  }
0x2ef: {  	[sflag:s0] =	ssyncadd.tile.s32 @!p0 $0x1;
	_ =	shalt  }
.Lfunc_end2:
_tile_overlayer_lowered:
.L_overlay_start_2:
0x2f0: {  	(tag) =	ssettag $0x2  }
0x2f1: {  	s0 =	rddreg [dreg:$0x0];
	s2 =	stileid.u32  }
0x2f2: {  	s1 =	rddreg [dreg:$0x1];
	p0 =	sne.s32 s2, $0x0  }
0x2f3: {  	s3 =	rddreg [dreg:$0x2];
	[bflag:$0x3] =	sbarrier.arrive $0xFFFF;
	s2 =	simm.s32 @!p0 $0x1C05  }
0x2f4: {  	[timem:s3], [sflag:s2] =	dma.local @!p0 [hbm:s0], s1  }
0x2f5: {  	s0 =	simm.s32 @!p0 $0x5  }
0x2f6: {  	_ =	swait.ge @!p0 [sflag:s0], s1  }
0x2f7: {  	s1 =	ssub.s32 @!p0 $0x0, s1;
	[sflag:s0] =	ssyncset.done @!p0 $0x0  }
0x2f8: {  	[sflag:s0] =	ssyncadd.s32 @!p0 s1  }
0x2f9: {  	[bflag:$0x3] =	sbarrier.arrive $0xFFFF  }
0x2fa: {  	_ =	shalt  }

</sc_bundles>
